<compile_context>
chip_gen: v7x
topology: tpu7x:2x2x1
jax: 0.10.2.dev20260603
libtpu: 0.0.44.dev20260713+nightly
codegen_flags: <defaults>
</compile_context>

<pallas_src>
import functools

import jax
import jax.numpy as jnp
from jax import lax
from jax.experimental import pallas as pl
from jax.experimental.pallas import tpu as pltpu
from jax.experimental.pallas import tpu_sc as plsc

_NUM_CORES = 2
_NUM_SUBCORES = 16
_NUM_WORKERS = _NUM_CORES * _NUM_SUBCORES
_CHUNK = 128
_LANES = 16


@functools.cache
def _build_gather(num_rows: int, feat: int, hist: int):
    batch = num_rows // hist
    btiles = batch // _CHUNK
    ftiles = feat // 8
    chunks_total = num_rows // _CHUNK
    chunks_per_w = chunks_total // _NUM_WORKERS
    rows_per_w = chunks_per_w * _CHUNK

    mesh = plsc.VectorSubcoreMesh(core_axis_name="c", subcore_axis_name="s")

    @functools.partial(
        pl.kernel,
        mesh=mesh,
        out_type=jax.ShapeDtypeStruct(
            (hist, ftiles, btiles, 8, _CHUNK), jnp.float32
        ),
        scratch_types=[
            pltpu.VMEM((rows_per_w,), jnp.int32),
            pltpu.VMEM((2, _CHUNK, feat), jnp.float32),
            pltpu.VMEM((2, feat, _CHUNK), jnp.float32),
            pltpu.SemaphoreType.DMA((2,)),
            pltpu.SemaphoreType.DMA((2,)),
        ],
        compiler_params=pltpu.CompilerParams(
            use_tc_tiling_on_sc=False,
            needs_layout_passes=False,
            disable_bounds_checks=True,
        ),
    )
    def gather_kernel(idx_hbm, table_hbm, out_hbm, idx_v, rows, tbuf, gsem, ssem):
        wid = lax.axis_index("s") * _NUM_CORES + lax.axis_index("c")
        chunk0 = wid * chunks_per_w
        pltpu.sync_copy(idx_hbm.at[pl.ds(chunk0 * _CHUNK, rows_per_w)], idx_v)

        lane = lax.iota(jnp.int32, _LANES)
        fvecs = [lax.rem(lane + j, _LANES) for j in range(_LANES)]

        def fire_gather(j, s):
            pltpu.async_copy(
                table_hbm.at[idx_v.at[pl.ds(j * _CHUNK, _CHUNK)]],
                rows.at[s],
                gsem.at[s],
            )

        def drain_gather(s):
            pltpu.make_async_copy(
                table_hbm.at[pl.ds(0, _CHUNK)], rows.at[s], gsem.at[s]
            ).wait()

        def wait_stores(s):
            for ft in range(ftiles):
                pltpu.make_async_copy(
                    tbuf.at[s, pl.ds(ft * 8, 8)],
                    out_hbm.at[0, ft, 0],
                    ssem.at[s],
                ).wait()

        def transpose(s):
            def kb_body(kb, carry):
                for u in range(2):
                    bv = lane + (kb * 2 + u) * _LANES
                    for j0 in range(0, _LANES, 4):
                        vals = []
                        for j in range(j0, j0 + 4):
                            fv = fvecs[j]
                            for kf in range(feat // _LANES):
                                fvk = fv + _LANES * kf if kf else fv
                                vals.append(
                                    (fvk, plsc.load_gather(rows.at[s], [bv, fvk]))
                                )
                        for fvk, rvec in vals:
                            plsc.store_scatter(tbuf.at[s], [fvk, bv], rvec)
                return carry

            lax.fori_loop(0, _CHUNK // _LANES // 2, kb_body, 0)

        def fire_stores(j, s):
            c = chunk0 + j
            h = c // btiles
            bb = lax.rem(c, btiles)
            for ft in range(ftiles):
                pltpu.async_copy(
                    tbuf.at[s, pl.ds(ft * 8, 8)],
                    out_hbm.at[h, ft, bb],
                    ssem.at[s],
                )

        fire_gather(0, 0)
        fire_gather(1, 1)

        def body(g, carry):
            for s in (0, 1):
                j = 2 * g + s
                drain_gather(s)

                @pl.when(g >= 1)
                def _():
                    wait_stores(s)

                transpose(s)

                @pl.when(g <= chunks_per_w // 2 - 2)
                def _():
                    fire_gather(j + 2, s)

                fire_stores(j, s)
            return carry

        lax.fori_loop(0, chunks_per_w // 2, body, 0)
        wait_stores(0)
        wait_stores(1)

    return gather_kernel


def kernel(idx, embedding):
    batch, hist = idx.shape
    feat = embedding.shape[1]
    idx1 = idx.T.reshape(-1).astype(jnp.int32)
    out5 = _build_gather(batch * hist, feat, hist)(idx1, embedding)
    return out5.transpose(2, 4, 0, 1, 3).reshape(batch, hist, feat)

# --- scband reference (transcript-rebuilt; emitter-appended) ---
"""Pipeline reference for scband-embed-6279242186950 (READ-ONLY COPY).

The authoritative reference and input builder live on the scoring server;
editing this copy changes nothing except your own understanding.
"""

import jax, jax.numpy as jnp
import numpy as np

NUM_EMBEDDINGS = 1000000
FEATURES = 32
BATCH = 16384
HIST_LEN = 50


def setup_inputs(seed: int = 0) -> dict:
    key = jax.random.key(seed)
    k_idx, k_emb = jax.random.split(key)
    idx = jax.random.randint(k_idx, (BATCH, HIST_LEN), 0, NUM_EMBEDDINGS, dtype=jnp.int64 if jax.config.read('jax_enable_x64') else jnp.int32)
    embedding = jax.random.normal(k_emb, (NUM_EMBEDDINGS, FEATURES), dtype=jnp.float32) * 0.02
    return {"idx": idx, "embedding": embedding}


def reference(idx, embedding):
    # Faithful translation of Embed.__call__: pluck embeddings of given idx.
    return jnp.take(embedding, idx, axis=0)

if __name__ == "__main__":
    import jax
    _d = setup_inputs()
    print(jax.jit(kernel)(*tuple(_d.values())))

</pallas_src>

<mosaic_0001>
#map = affine_map<(d0, d1) -> (0)>
#map1 = affine_map<(d0, d1) -> (0, 0)>
#map2 = affine_map<(d0, d1) -> (0, 0, 0, 0, 0)>
module attributes {stable_mosaic.version = 14 : i64} {
  func.func @gather_kernel(%arg0: i32, %arg1: i32, %arg2: memref<819200xi32, #tpu.memory_space<hbm>>, %arg3: memref<1000000x32xf32, #tpu.memory_space<hbm>>, %arg4: memref<50x4x128x8x128xf32, #tpu.memory_space<hbm>>, %arg5: memref<25600xi32, #tpu.memory_space<vmem>>, %arg6: memref<2x128x32xf32, #tpu.memory_space<vmem>>, %arg7: memref<2x32x128xf32, #tpu.memory_space<vmem>>, %arg8: memref<2x!tpu.dma_semaphore, #tpu.memory_space<semaphore_mem>>, %arg9: memref<2x!tpu.dma_semaphore, #tpu.memory_space<semaphore_mem>>) attributes {dimension_semantics = [#tpu.dimension_semantics<core_parallel>, #tpu.dimension_semantics<subcore_parallel>], iteration_bounds = array<i64: 2, 16>, scalar_prefetch = 0 : i64, scratch_operands = 5 : i64, tpu.core_type = #tpu.core_type<sc_vector_subcore>, window_params = [{transform_indices = #map}, {transform_indices = #map1}, {transform_indices = #map2}]} {
    %mul3A = arith.constant 2 : i32
    %mul3A_0 = arith.muli %arg1, %mul3A : i32
    %add3A = arith.addi %mul3A_0, %arg0 : i32
    %mul3A_1 = arith.constant 200 : i32
    %mul3A_2 = arith.muli %add3A, %mul3A_1 : i32
    %mul3A_3 = arith.constant 128 : i32
    %mul3A_4 = arith.muli %mul3A_2, %mul3A_3 : i32
    "tpu.region"() ({
      %run_scoped3A = tpu.sem_alloc : memref<!tpu.dma_semaphore, #tpu.memory_space<semaphore_mem>>
      %dma_start3A_313 = tpu.memref_slice %arg2[%mul3A_4] : memref<819200xi32, #tpu.memory_space<hbm>> -> memref<25600xi32, #tpu.memory_space<hbm>>
      %dma_start3A_314 = tpu.memref_slice %arg2[%mul3A_4] : memref<819200xi32, #tpu.memory_space<hbm>> -> memref<25600xi32, #tpu.memory_space<hbm>>
      tpu.enqueue_dma source(%dma_start3A_314 : memref<25600xi32, #tpu.memory_space<hbm>>) target(%arg5 : memref<25600xi32, #tpu.memory_space<vmem>>) target_semaphore(%run_scoped3A : memref<!tpu.dma_semaphore, #tpu.memory_space<semaphore_mem>>)
      %dma_wait3A_315 = tpu.memref_slice %arg2[%mul3A_4] : memref<819200xi32, #tpu.memory_space<hbm>> -> memref<25600xi32, #tpu.memory_space<hbm>>
      %dma_wait3A_316 = tpu.memref_slice %arg2[%mul3A_4] : memref<819200xi32, #tpu.memory_space<hbm>> -> memref<25600xi32, #tpu.memory_space<hbm>>
      tpu.wait_dma2 semaphore(%run_scoped3A : memref<!tpu.dma_semaphore, #tpu.memory_space<semaphore_mem>>) src(%dma_wait3A_316 : memref<25600xi32, #tpu.memory_space<hbm>>) dst(%arg5 : memref<25600xi32, #tpu.memory_space<vmem>>)
      tpu.yield
    }) : () -> ()
    %iota3A = tpu.iota {dimensions = array<i32: 0>} : vector<16xi32>
    %add3A_5 = arith.constant 0 : i32
    %add3A_6 = vector.broadcast %add3A_5 : i32 to vector<16xi32>
    %add3A_7 = arith.addi %iota3A, %add3A_6 : vector<16xi32>
    %rem3A = arith.constant 16 : i32
    %rem3A_8 = vector.broadcast %rem3A : i32 to vector<16xi32>
    %rem3A_9 = arith.remsi %add3A_7, %rem3A_8 : vector<16xi32>
    %add3A_10 = arith.constant 1 : i32
    %add3A_11 = vector.broadcast %add3A_10 : i32 to vector<16xi32>
    %add3A_12 = arith.addi %iota3A, %add3A_11 : vector<16xi32>
    %rem3A_13 = arith.constant 16 : i32
    %rem3A_14 = vector.broadcast %rem3A_13 : i32 to vector<16xi32>
    %rem3A_15 = arith.remsi %add3A_12, %rem3A_14 : vector<16xi32>
    %add3A_16 = arith.constant 2 : i32
    %add3A_17 = vector.broadcast %add3A_16 : i32 to vector<16xi32>
    %add3A_18 = arith.addi %iota3A, %add3A_17 : vector<16xi32>
    %rem3A_19 = arith.constant 16 : i32
    %rem3A_20 = vector.broadcast %rem3A_19 : i32 to vector<16xi32>
    %rem3A_21 = arith.remsi %add3A_18, %rem3A_20 : vector<16xi32>
    %add3A_22 = arith.constant 3 : i32
    %add3A_23 = vector.broadcast %add3A_22 : i32 to vector<16xi32>
    %add3A_24 = arith.addi %iota3A, %add3A_23 : vector<16xi32>
    %rem3A_25 = arith.constant 16 : i32
    %rem3A_26 = vector.broadcast %rem3A_25 : i32 to vector<16xi32>
    %rem3A_27 = arith.remsi %add3A_24, %rem3A_26 : vector<16xi32>
    %add3A_28 = arith.constant 4 : i32
    %add3A_29 = vector.broadcast %add3A_28 : i32 to vector<16xi32>
    %add3A_30 = arith.addi %iota3A, %add3A_29 : vector<16xi32>
    %rem3A_31 = arith.constant 16 : i32
    %rem3A_32 = vector.broadcast %rem3A_31 : i32 to vector<16xi32>
    %rem3A_33 = arith.remsi %add3A_30, %rem3A_32 : vector<16xi32>
    %add3A_34 = arith.constant 5 : i32
    %add3A_35 = vector.broadcast %add3A_34 : i32 to vector<16xi32>
    %add3A_36 = arith.addi %iota3A, %add3A_35 : vector<16xi32>
    %rem3A_37 = arith.constant 16 : i32
    %rem3A_38 = vector.broadcast %rem3A_37 : i32 to vector<16xi32>
    %rem3A_39 = arith.remsi %add3A_36, %rem3A_38 : vector<16xi32>
    %add3A_40 = arith.constant 6 : i32
    %add3A_41 = vector.broadcast %add3A_40 : i32 to vector<16xi32>
    %add3A_42 = arith.addi %iota3A, %add3A_41 : vector<16xi32>
    %rem3A_43 = arith.constant 16 : i32
    %rem3A_44 = vector.broadcast %rem3A_43 : i32 to vector<16xi32>
    %rem3A_45 = arith.remsi %add3A_42, %rem3A_44 : vector<16xi32>
    %add3A_46 = arith.constant 7 : i32
    %add3A_47 = vector.broadcast %add3A_46 : i32 to vector<16xi32>
    %add3A_48 = arith.addi %iota3A, %add3A_47 : vector<16xi32>
    %rem3A_49 = arith.constant 16 : i32
    %rem3A_50 = vector.broadcast %rem3A_49 : i32 to vector<16xi32>
    %rem3A_51 = arith.remsi %add3A_48, %rem3A_50 : vector<16xi32>
    %add3A_52 = arith.constant 8 : i32
    %add3A_53 = vector.broadcast %add3A_52 : i32 to vector<16xi32>
    %add3A_54 = arith.addi %iota3A, %add3A_53 : vector<16xi32>
    %rem3A_55 = arith.constant 16 : i32
    %rem3A_56 = vector.broadcast %rem3A_55 : i32 to vector<16xi32>
    %rem3A_57 = arith.remsi %add3A_54, %rem3A_56 : vector<16xi32>
    %add3A_58 = arith.constant 9 : i32
    %add3A_59 = vector.broadcast %add3A_58 : i32 to vector<16xi32>
    %add3A_60 = arith.addi %iota3A, %add3A_59 : vector<16xi32>
    %rem3A_61 = arith.constant 16 : i32
    %rem3A_62 = vector.broadcast %rem3A_61 : i32 to vector<16xi32>
    %rem3A_63 = arith.remsi %add3A_60, %rem3A_62 : vector<16xi32>
    %add3A_64 = arith.constant 10 : i32
    %add3A_65 = vector.broadcast %add3A_64 : i32 to vector<16xi32>
    %add3A_66 = arith.addi %iota3A, %add3A_65 : vector<16xi32>
    %rem3A_67 = arith.constant 16 : i32
    %rem3A_68 = vector.broadcast %rem3A_67 : i32 to vector<16xi32>
    %rem3A_69 = arith.remsi %add3A_66, %rem3A_68 : vector<16xi32>
    %add3A_70 = arith.constant 11 : i32
    %add3A_71 = vector.broadcast %add3A_70 : i32 to vector<16xi32>
    %add3A_72 = arith.addi %iota3A, %add3A_71 : vector<16xi32>
    %rem3A_73 = arith.constant 16 : i32
    %rem3A_74 = vector.broadcast %rem3A_73 : i32 to vector<16xi32>
    %rem3A_75 = arith.remsi %add3A_72, %rem3A_74 : vector<16xi32>
    %add3A_76 = arith.constant 12 : i32
    %add3A_77 = vector.broadcast %add3A_76 : i32 to vector<16xi32>
    %add3A_78 = arith.addi %iota3A, %add3A_77 : vector<16xi32>
    %rem3A_79 = arith.constant 16 : i32
    %rem3A_80 = vector.broadcast %rem3A_79 : i32 to vector<16xi32>
    %rem3A_81 = arith.remsi %add3A_78, %rem3A_80 : vector<16xi32>
    %add3A_82 = arith.constant 13 : i32
    %add3A_83 = vector.broadcast %add3A_82 : i32 to vector<16xi32>
    %add3A_84 = arith.addi %iota3A, %add3A_83 : vector<16xi32>
    %rem3A_85 = arith.constant 16 : i32
    %rem3A_86 = vector.broadcast %rem3A_85 : i32 to vector<16xi32>
    %rem3A_87 = arith.remsi %add3A_84, %rem3A_86 : vector<16xi32>
    %add3A_88 = arith.constant 14 : i32
    %add3A_89 = vector.broadcast %add3A_88 : i32 to vector<16xi32>
    %add3A_90 = arith.addi %iota3A, %add3A_89 : vector<16xi32>
    %rem3A_91 = arith.constant 16 : i32
    %rem3A_92 = vector.broadcast %rem3A_91 : i32 to vector<16xi32>
    %rem3A_93 = arith.remsi %add3A_90, %rem3A_92 : vector<16xi32>
    %add3A_94 = arith.constant 15 : i32
    %add3A_95 = vector.broadcast %add3A_94 : i32 to vector<16xi32>
    %add3A_96 = arith.addi %iota3A, %add3A_95 : vector<16xi32>
    %rem3A_97 = arith.constant 16 : i32
    %rem3A_98 = vector.broadcast %rem3A_97 : i32 to vector<16xi32>
    %rem3A_99 = arith.remsi %add3A_96, %rem3A_98 : vector<16xi32>
    %dma_start3A = arith.constant 0 : i32
    %dma_start3A_100 = arith.constant 0 : i32
    %dma_start3A_101 = arith.constant 0 : i32
    %dma_start3A_102 = arith.constant 0 : i32
    %dma_start3A_103 = tpu.memref_slice %arg6[%dma_start3A, %dma_start3A_101, %dma_start3A_102] : memref<2x128x32xf32, #tpu.memory_space<vmem>> -> memref<1x128x32xf32, #tpu.memory_space<vmem>>
    %dma_start3A_104 = tpu.memref_squeeze %dma_start3A_103 : memref<1x128x32xf32, #tpu.memory_space<vmem>> -> memref<128x32xf32, #tpu.memory_space<vmem>>
    %dma_start3A_105 = arith.constant 0 : i32
    %dma_start3A_106 = tpu.memref_slice %arg5[%dma_start3A_105] : memref<25600xi32, #tpu.memory_space<vmem>> -> memref<128xi32, #tpu.memory_space<vmem>>
    %dma_start3A_107 = arith.constant 0 : i32
    %dma_start3A_108 = arith.constant 0 : i32
    %dma_start3A_109 = tpu.memref_slice %arg3[%dma_start3A_107, %dma_start3A_108] : memref<1000000x32xf32, #tpu.memory_space<hbm>> -> memref<1000000x32xf32, #tpu.memory_space<hbm>>
    %dma_start3A_110 = tpu.memref_slice %arg8[%dma_start3A_100] : memref<2x!tpu.dma_semaphore, #tpu.memory_space<semaphore_mem>> -> memref<1x!tpu.dma_semaphore, #tpu.memory_space<semaphore_mem>>
    %dma_start3A_111 = tpu.memref_squeeze %dma_start3A_110 : memref<1x!tpu.dma_semaphore, #tpu.memory_space<semaphore_mem>> -> memref<!tpu.dma_semaphore, #tpu.memory_space<semaphore_mem>>
    tpu.enqueue_indirect_dma source(%dma_start3A_109 : memref<1000000x32xf32, #tpu.memory_space<hbm>>) target(%dma_start3A_104 : memref<128x32xf32, #tpu.memory_space<vmem>>) offsets(%dma_start3A_106 : memref<128xi32, #tpu.memory_space<vmem>>) semaphore(%dma_start3A_111 : memref<!tpu.dma_semaphore, #tpu.memory_space<semaphore_mem>>)
    %dma_start3A_112 = arith.constant 1 : i32
    %dma_start3A_113 = arith.constant 1 : i32
    %dma_start3A_114 = arith.constant 0 : i32
    %dma_start3A_115 = arith.constant 0 : i32
    %dma_start3A_116 = tpu.memref_slice %arg6[%dma_start3A_112, %dma_start3A_114, %dma_start3A_115] : memref<2x128x32xf32, #tpu.memory_space<vmem>> -> memref<1x128x32xf32, #tpu.memory_space<vmem>>
    %dma_start3A_117 = tpu.memref_squeeze %dma_start3A_116 : memref<1x128x32xf32, #tpu.memory_space<vmem>> -> memref<128x32xf32, #tpu.memory_space<vmem>>
    %dma_start3A_118 = arith.constant 128 : i32
    %dma_start3A_119 = tpu.memref_slice %arg5[%dma_start3A_118] : memref<25600xi32, #tpu.memory_space<vmem>> -> memref<128xi32, #tpu.memory_space<vmem>>
    %dma_start3A_120 = arith.constant 0 : i32
    %dma_start3A_121 = arith.constant 0 : i32
    %dma_start3A_122 = tpu.memref_slice %arg3[%dma_start3A_120, %dma_start3A_121] : memref<1000000x32xf32, #tpu.memory_space<hbm>> -> memref<1000000x32xf32, #tpu.memory_space<hbm>>
    %dma_start3A_123 = tpu.memref_slice %arg8[%dma_start3A_113] : memref<2x!tpu.dma_semaphore, #tpu.memory_space<semaphore_mem>> -> memref<1x!tpu.dma_semaphore, #tpu.memory_space<semaphore_mem>>
    %dma_start3A_124 = tpu.memref_squeeze %dma_start3A_123 : memref<1x!tpu.dma_semaphore, #tpu.memory_space<semaphore_mem>> -> memref<!tpu.dma_semaphore, #tpu.memory_space<semaphore_mem>>
    tpu.enqueue_indirect_dma source(%dma_start3A_122 : memref<1000000x32xf32, #tpu.memory_space<hbm>>) target(%dma_start3A_117 : memref<128x32xf32, #tpu.memory_space<vmem>>) offsets(%dma_start3A_119 : memref<128xi32, #tpu.memory_space<vmem>>) semaphore(%dma_start3A_124 : memref<!tpu.dma_semaphore, #tpu.memory_space<semaphore_mem>>)
    %scan3A = arith.constant 0 : i32
    %scan3A_125 = arith.constant 0 : i32
    %scan3A_126 = arith.constant 100 : i32
    %scan3A_127 = arith.addi %scan3A_125, %scan3A_126 : i32
    %scan3A_128 = arith.constant 1 : i32
    scf.for %scan3A_313 = %scan3A_125 to %scan3A_127 step %scan3A_128  : i32 {
      %mul3A_314 = arith.constant 2 : i32
      %mul3A_315 = arith.muli %mul3A_314, %scan3A_313 : i32
      %add3A_316 = arith.constant 0 : i32
      %add3A_317 = arith.addi %mul3A_315, %add3A_316 : i32
      %dma_wait3A_318 = arith.constant 0 : i32
      %dma_wait3A_319 = arith.constant 0 : i32
      %dma_wait3A_320 = arith.constant 0 : i32
      %dma_wait3A_321 = arith.constant 0 : i32
      %dma_wait3A_322 = tpu.memref_slice %arg6[%dma_wait3A_318, %dma_wait3A_320, %dma_wait3A_321] : memref<2x128x32xf32, #tpu.memory_space<vmem>> -> memref<1x128x32xf32, #tpu.memory_space<vmem>>
      %dma_wait3A_323 = tpu.memref_squeeze %dma_wait3A_322 : memref<1x128x32xf32, #tpu.memory_space<vmem>> -> memref<128x32xf32, #tpu.memory_space<vmem>>
      %dma_wait3A_324 = arith.constant 0 : i32
      %dma_wait3A_325 = arith.constant 0 : i32
      %dma_wait3A_326 = tpu.memref_slice %arg3[%dma_wait3A_324, %dma_wait3A_325] : memref<1000000x32xf32, #tpu.memory_space<hbm>> -> memref<128x32xf32, #tpu.memory_space<hbm>>
      %dma_wait3A_327 = tpu.memref_slice %arg8[%dma_wait3A_319] : memref<2x!tpu.dma_semaphore, #tpu.memory_space<semaphore_mem>> -> memref<1x!tpu.dma_semaphore, #tpu.memory_space<semaphore_mem>>
      %dma_wait3A_328 = tpu.memref_squeeze %dma_wait3A_327 : memref<1x!tpu.dma_semaphore, #tpu.memory_space<semaphore_mem>> -> memref<!tpu.dma_semaphore, #tpu.memory_space<semaphore_mem>>
      %dma_wait3A_329 = arith.constant 0 : i32
      %dma_wait3A_330 = arith.constant 0 : i32
      %dma_wait3A_331 = tpu.memref_slice %arg6[%dma_wait3A_318, %dma_wait3A_329, %dma_wait3A_330] : memref<2x128x32xf32, #tpu.memory_space<vmem>> -> memref<1x128x32xf32, #tpu.memory_space<vmem>>
      %dma_wait3A_332 = tpu.memref_squeeze %dma_wait3A_331 : memref<1x128x32xf32, #tpu.memory_space<vmem>> -> memref<128x32xf32, #tpu.memory_space<vmem>>
      %dma_wait3A_333 = arith.constant 0 : i32
      %dma_wait3A_334 = arith.constant 0 : i32
      %dma_wait3A_335 = tpu.memref_slice %arg3[%dma_wait3A_333, %dma_wait3A_334] : memref<1000000x32xf32, #tpu.memory_space<hbm>> -> memref<128x32xf32, #tpu.memory_space<hbm>>
      tpu.wait_dma2 semaphore(%dma_wait3A_328 : memref<!tpu.dma_semaphore, #tpu.memory_space<semaphore_mem>>) src(%dma_wait3A_335 : memref<128x32xf32, #tpu.memory_space<hbm>>) dst(%dma_wait3A_332 : memref<128x32xf32, #tpu.memory_space<vmem>>)
      %ge3A = arith.constant 1 : i32
      %ge3A_336 = arith.cmpi sge, %scan3A_313, %ge3A : i32
      %convert_element_type3A = arith.extui %ge3A_336 : i1 to i32
      %cond3A = arith.constant 0 : i32
      %cond3A_337 = arith.cmpi ne, %convert_element_type3A, %cond3A : i32
      scf.if %cond3A_337 {
        %dma_wait3A_601 = arith.constant 0 : i32
        %dma_wait3A_602 = arith.constant 0 : i32
        %dma_wait3A_603 = arith.constant 0 : i32
        %dma_wait3A_604 = arith.constant 0 : i32
        %dma_wait3A_605 = arith.constant 0 : i32
        %dma_wait3A_606 = arith.constant 0 : i32
        %dma_wait3A_607 = arith.constant 0 : i32
        %dma_wait3A_608 = tpu.memref_slice %arg7[%dma_wait3A_601, %dma_wait3A_606, %dma_wait3A_607] : memref<2x32x128xf32, #tpu.memory_space<vmem>> -> memref<1x8x128xf32, #tpu.memory_space<vmem>>
        %dma_wait3A_609 = tpu.memref_squeeze %dma_wait3A_608 : memref<1x8x128xf32, #tpu.memory_space<vmem>> -> memref<8x128xf32, #tpu.memory_space<vmem>>
        %dma_wait3A_610 = arith.constant 0 : i32
        %dma_wait3A_611 = arith.constant 0 : i32
        %dma_wait3A_612 = tpu.memref_slice %arg4[%dma_wait3A_602, %dma_wait3A_603, %dma_wait3A_604, %dma_wait3A_610, %dma_wait3A_611] : memref<50x4x128x8x128xf32, #tpu.memory_space<hbm>> -> memref<1x1x1x8x128xf32, #tpu.memory_space<hbm>>
        %dma_wait3A_613 = tpu.memref_squeeze %dma_wait3A_612 : memref<1x1x1x8x128xf32, #tpu.memory_space<hbm>> -> memref<8x128xf32, #tpu.memory_space<hbm>>
        %dma_wait3A_614 = tpu.memref_slice %arg9[%dma_wait3A_605] : memref<2x!tpu.dma_semaphore, #tpu.memory_space<semaphore_mem>> -> memref<1x!tpu.dma_semaphore, #tpu.memory_space<semaphore_mem>>
        %dma_wait3A_615 = tpu.memref_squeeze %dma_wait3A_614 : memref<1x!tpu.dma_semaphore, #tpu.memory_space<semaphore_mem>> -> memref<!tpu.dma_semaphore, #tpu.memory_space<semaphore_mem>>
        %dma_wait3A_616 = arith.constant 0 : i32
        %dma_wait3A_617 = arith.constant 0 : i32
        %dma_wait3A_618 = tpu.memref_slice %arg4[%dma_wait3A_602, %dma_wait3A_603, %dma_wait3A_604, %dma_wait3A_616, %dma_wait3A_617] : memref<50x4x128x8x128xf32, #tpu.memory_space<hbm>> -> memref<1x1x1x8x128xf32, #tpu.memory_space<hbm>>
        %dma_wait3A_619 = tpu.memref_squeeze %dma_wait3A_618 : memref<1x1x1x8x128xf32, #tpu.memory_space<hbm>> -> memref<8x128xf32, #tpu.memory_space<hbm>>
        %dma_wait3A_620 = arith.constant 0 : i32
        %dma_wait3A_621 = arith.constant 0 : i32
        %dma_wait3A_622 = tpu.memref_slice %arg7[%dma_wait3A_601, %dma_wait3A_620, %dma_wait3A_621] : memref<2x32x128xf32, #tpu.memory_space<vmem>> -> memref<1x8x128xf32, #tpu.memory_space<vmem>>
        %dma_wait3A_623 = tpu.memref_squeeze %dma_wait3A_622 : memref<1x8x128xf32, #tpu.memory_space<vmem>> -> memref<8x128xf32, #tpu.memory_space<vmem>>
        tpu.wait_dma2 semaphore(%dma_wait3A_615 : memref<!tpu.dma_semaphore, #tpu.memory_space<semaphore_mem>>) src(%dma_wait3A_623 : memref<8x128xf32, #tpu.memory_space<vmem>>) dst(%dma_wait3A_619 : memref<8x128xf32, #tpu.memory_space<hbm>>)
        %dma_wait3A_624 = arith.constant 0 : i32
        %dma_wait3A_625 = arith.constant 0 : i32
        %dma_wait3A_626 = arith.constant 1 : i32
        %dma_wait3A_627 = arith.constant 0 : i32
        %dma_wait3A_628 = arith.constant 0 : i32
        %dma_wait3A_629 = arith.constant 8 : i32
        %dma_wait3A_630 = arith.constant 0 : i32
        %dma_wait3A_631 = tpu.memref_slice %arg7[%dma_wait3A_624, %dma_wait3A_629, %dma_wait3A_630] : memref<2x32x128xf32, #tpu.memory_space<vmem>> -> memref<1x8x128xf32, #tpu.memory_space<vmem>>
        %dma_wait3A_632 = tpu.memref_squeeze %dma_wait3A_631 : memref<1x8x128xf32, #tpu.memory_space<vmem>> -> memref<8x128xf32, #tpu.memory_space<vmem>>
        %dma_wait3A_633 = arith.constant 0 : i32
        %dma_wait3A_634 = arith.constant 0 : i32
        %dma_wait3A_635 = tpu.memref_slice %arg4[%dma_wait3A_625, %dma_wait3A_626, %dma_wait3A_627, %dma_wait3A_633, %dma_wait3A_634] : memref<50x4x128x8x128xf32, #tpu.memory_space<hbm>> -> memref<1x1x1x8x128xf32, #tpu.memory_space<hbm>>
        %dma_wait3A_636 = tpu.memref_squeeze %dma_wait3A_635 : memref<1x1x1x8x128xf32, #tpu.memory_space<hbm>> -> memref<8x128xf32, #tpu.memory_space<hbm>>
        %dma_wait3A_637 = tpu.memref_slice %arg9[%dma_wait3A_628] : memref<2x!tpu.dma_semaphore, #tpu.memory_space<semaphore_mem>> -> memref<1x!tpu.dma_semaphore, #tpu.memory_space<semaphore_mem>>
        %dma_wait3A_638 = tpu.memref_squeeze %dma_wait3A_637 : memref<1x!tpu.dma_semaphore, #tpu.memory_space<semaphore_mem>> -> memref<!tpu.dma_semaphore, #tpu.memory_space<semaphore_mem>>
        %dma_wait3A_639 = arith.constant 0 : i32
        %dma_wait3A_640 = arith.constant 0 : i32
        %dma_wait3A_641 = tpu.memref_slice %arg4[%dma_wait3A_625, %dma_wait3A_626, %dma_wait3A_627, %dma_wait3A_639, %dma_wait3A_640] : memref<50x4x128x8x128xf32, #tpu.memory_space<hbm>> -> memref<1x1x1x8x128xf32, #tpu.memory_space<hbm>>
        %dma_wait3A_642 = tpu.memref_squeeze %dma_wait3A_641 : memref<1x1x1x8x128xf32, #tpu.memory_space<hbm>> -> memref<8x128xf32, #tpu.memory_space<hbm>>
        %dma_wait3A_643 = arith.constant 8 : i32
        %dma_wait3A_644 = arith.constant 0 : i32
        %dma_wait3A_645 = tpu.memref_slice %arg7[%dma_wait3A_624, %dma_wait3A_643, %dma_wait3A_644] : memref<2x32x128xf32, #tpu.memory_space<vmem>> -> memref<1x8x128xf32, #tpu.memory_space<vmem>>
        %dma_wait3A_646 = tpu.memref_squeeze %dma_wait3A_645 : memref<1x8x128xf32, #tpu.memory_space<vmem>> -> memref<8x128xf32, #tpu.memory_space<vmem>>
        tpu.wait_dma2 semaphore(%dma_wait3A_638 : memref<!tpu.dma_semaphore, #tpu.memory_space<semaphore_mem>>) src(%dma_wait3A_646 : memref<8x128xf32, #tpu.memory_space<vmem>>) dst(%dma_wait3A_642 : memref<8x128xf32, #tpu.memory_space<hbm>>)
        %dma_wait3A_647 = arith.constant 0 : i32
        %dma_wait3A_648 = arith.constant 0 : i32
        %dma_wait3A_649 = arith.constant 2 : i32
        %dma_wait3A_650 = arith.constant 0 : i32
        %dma_wait3A_651 = arith.constant 0 : i32
        %dma_wait3A_652 = arith.constant 16 : i32
        %dma_wait3A_653 = arith.constant 0 : i32
        %dma_wait3A_654 = tpu.memref_slice %arg7[%dma_wait3A_647, %dma_wait3A_652, %dma_wait3A_653] : memref<2x32x128xf32, #tpu.memory_space<vmem>> -> memref<1x8x128xf32, #tpu.memory_space<vmem>>
        %dma_wait3A_655 = tpu.memref_squeeze %dma_wait3A_654 : memref<1x8x128xf32, #tpu.memory_space<vmem>> -> memref<8x128xf32, #tpu.memory_space<vmem>>
        %dma_wait3A_656 = arith.constant 0 : i32
        %dma_wait3A_657 = arith.constant 0 : i32
        %dma_wait3A_658 = tpu.memref_slice %arg4[%dma_wait3A_648, %dma_wait3A_649, %dma_wait3A_650, %dma_wait3A_656, %dma_wait3A_657] : memref<50x4x128x8x128xf32, #tpu.memory_space<hbm>> -> memref<1x1x1x8x128xf32, #tpu.memory_space<hbm>>
        %dma_wait3A_659 = tpu.memref_squeeze %dma_wait3A_658 : memref<1x1x1x8x128xf32, #tpu.memory_space<hbm>> -> memref<8x128xf32, #tpu.memory_space<hbm>>
        %dma_wait3A_660 = tpu.memref_slice %arg9[%dma_wait3A_651] : memref<2x!tpu.dma_semaphore, #tpu.memory_space<semaphore_mem>> -> memref<1x!tpu.dma_semaphore, #tpu.memory_space<semaphore_mem>>
        %dma_wait3A_661 = tpu.memref_squeeze %dma_wait3A_660 : memref<1x!tpu.dma_semaphore, #tpu.memory_space<semaphore_mem>> -> memref<!tpu.dma_semaphore, #tpu.memory_space<semaphore_mem>>
        %dma_wait3A_662 = arith.constant 0 : i32
        %dma_wait3A_663 = arith.constant 0 : i32
        %dma_wait3A_664 = tpu.memref_slice %arg4[%dma_wait3A_648, %dma_wait3A_649, %dma_wait3A_650, %dma_wait3A_662, %dma_wait3A_663] : memref<50x4x128x8x128xf32, #tpu.memory_space<hbm>> -> memref<1x1x1x8x128xf32, #tpu.memory_space<hbm>>
        %dma_wait3A_665 = tpu.memref_squeeze %dma_wait3A_664 : memref<1x1x1x8x128xf32, #tpu.memory_space<hbm>> -> memref<8x128xf32, #tpu.memory_space<hbm>>
        %dma_wait3A_666 = arith.constant 16 : i32
        %dma_wait3A_667 = arith.constant 0 : i32
        %dma_wait3A_668 = tpu.memref_slice %arg7[%dma_wait3A_647, %dma_wait3A_666, %dma_wait3A_667] : memref<2x32x128xf32, #tpu.memory_space<vmem>> -> memref<1x8x128xf32, #tpu.memory_space<vmem>>
        %dma_wait3A_669 = tpu.memref_squeeze %dma_wait3A_668 : memref<1x8x128xf32, #tpu.memory_space<vmem>> -> memref<8x128xf32, #tpu.memory_space<vmem>>
        tpu.wait_dma2 semaphore(%dma_wait3A_661 : memref<!tpu.dma_semaphore, #tpu.memory_space<semaphore_mem>>) src(%dma_wait3A_669 : memref<8x128xf32, #tpu.memory_space<vmem>>) dst(%dma_wait3A_665 : memref<8x128xf32, #tpu.memory_space<hbm>>)
        %dma_wait3A_670 = arith.constant 0 : i32
        %dma_wait3A_671 = arith.constant 0 : i32
        %dma_wait3A_672 = arith.constant 3 : i32
        %dma_wait3A_673 = arith.constant 0 : i32
        %dma_wait3A_674 = arith.constant 0 : i32
        %dma_wait3A_675 = arith.constant 24 : i32
        %dma_wait3A_676 = arith.constant 0 : i32
        %dma_wait3A_677 = tpu.memref_slice %arg7[%dma_wait3A_670, %dma_wait3A_675, %dma_wait3A_676] : memref<2x32x128xf32, #tpu.memory_space<vmem>> -> memref<1x8x128xf32, #tpu.memory_space<vmem>>
        %dma_wait3A_678 = tpu.memref_squeeze %dma_wait3A_677 : memref<1x8x128xf32, #tpu.memory_space<vmem>> -> memref<8x128xf32, #tpu.memory_space<vmem>>
        %dma_wait3A_679 = arith.constant 0 : i32
        %dma_wait3A_680 = arith.constant 0 : i32
        %dma_wait3A_681 = tpu.memref_slice %arg4[%dma_wait3A_671, %dma_wait3A_672, %dma_wait3A_673, %dma_wait3A_679, %dma_wait3A_680] : memref<50x4x128x8x128xf32, #tpu.memory_space<hbm>> -> memref<1x1x1x8x128xf32, #tpu.memory_space<hbm>>
        %dma_wait3A_682 = tpu.memref_squeeze %dma_wait3A_681 : memref<1x1x1x8x128xf32, #tpu.memory_space<hbm>> -> memref<8x128xf32, #tpu.memory_space<hbm>>
        %dma_wait3A_683 = tpu.memref_slice %arg9[%dma_wait3A_674] : memref<2x!tpu.dma_semaphore, #tpu.memory_space<semaphore_mem>> -> memref<1x!tpu.dma_semaphore, #tpu.memory_space<semaphore_mem>>
        %dma_wait3A_684 = tpu.memref_squeeze %dma_wait3A_683 : memref<1x!tpu.dma_semaphore, #tpu.memory_space<semaphore_mem>> -> memref<!tpu.dma_semaphore, #tpu.memory_space<semaphore_mem>>
        %dma_wait3A_685 = arith.constant 0 : i32
        %dma_wait3A_686 = arith.constant 0 : i32
        %dma_wait3A_687 = tpu.memref_slice %arg4[%dma_wait3A_671, %dma_wait3A_672, %dma_wait3A_673, %dma_wait3A_685, %dma_wait3A_686] : memref<50x4x128x8x128xf32, #tpu.memory_space<hbm>> -> memref<1x1x1x8x128xf32, #tpu.memory_space<hbm>>
        %dma_wait3A_688 = tpu.memref_squeeze %dma_wait3A_687 : memref<1x1x1x8x128xf32, #tpu.memory_space<hbm>> -> memref<8x128xf32, #tpu.memory_space<hbm>>
        %dma_wait3A_689 = arith.constant 24 : i32
        %dma_wait3A_690 = arith.constant 0 : i32
        %dma_wait3A_691 = tpu.memref_slice %arg7[%dma_wait3A_670, %dma_wait3A_689, %dma_wait3A_690] : memref<2x32x128xf32, #tpu.memory_space<vmem>> -> memref<1x8x128xf32, #tpu.memory_space<vmem>>
        %dma_wait3A_692 = tpu.memref_squeeze %dma_wait3A_691 : memref<1x8x128xf32, #tpu.memory_space<vmem>> -> memref<8x128xf32, #tpu.memory_space<vmem>>
        tpu.wait_dma2 semaphore(%dma_wait3A_684 : memref<!tpu.dma_semaphore, #tpu.memory_space<semaphore_mem>>) src(%dma_wait3A_692 : memref<8x128xf32, #tpu.memory_space<vmem>>) dst(%dma_wait3A_688 : memref<8x128xf32, #tpu.memory_space<hbm>>)
      } else {
      }
      %scan3A_338 = arith.constant 0 : i32
      %scan3A_339 = arith.constant 0 : i32
      %scan3A_340 = arith.constant 4 : i32
      %scan3A_341 = arith.addi %scan3A_339, %scan3A_340 : i32
      %scan3A_342 = arith.constant 1 : i32
      scf.for %scan3A_601 = %scan3A_339 to %scan3A_341 step %scan3A_342  : i32 {
        %mul3A_602 = arith.constant 2 : i32
        %mul3A_603 = arith.muli %scan3A_601, %mul3A_602 : i32
        %add3A_604 = arith.constant 0 : i32
        %add3A_605 = arith.addi %mul3A_603, %add3A_604 : i32
        %mul3A_606 = arith.constant 16 : i32
        %mul3A_607 = arith.muli %add3A_605, %mul3A_606 : i32
        %add3A_608 = vector.broadcast %mul3A_607 : i32 to vector<16xi32>
        %add3A_609 = arith.addi %iota3A, %add3A_608 : vector<16xi32>
        %gather3A = arith.constant 0 : i32
        %gather3A_610 = arith.constant 0 : i32
        %gather3A_611 = arith.constant 0 : i32
        %gather3A_612 = tpu.memref_slice %arg6[%gather3A, %gather3A_610, %gather3A_611] : memref<2x128x32xf32, #tpu.memory_space<vmem>> -> memref<1x128x32xf32, #tpu.memory_space<vmem>>
        %gather3A_613 = tpu.memref_squeeze %gather3A_612 : memref<1x128x32xf32, #tpu.memory_space<vmem>> -> memref<128x32xf32, #tpu.memory_space<vmem>>
        %gather3A_614 = tpu.vector_load_idx %gather3A_613[%add3A_609, %rem3A_9] : memref<128x32xf32, #tpu.memory_space<vmem>>[vector<16xi32>, vector<16xi32>], vector<16xf32>,
        %add3A_615 = arith.constant 16 : i32
        %add3A_616 = vector.broadcast %add3A_615 : i32 to vector<16xi32>
        %add3A_617 = arith.addi %rem3A_9, %add3A_616 : vector<16xi32>
        %gather3A_618 = arith.constant 0 : i32
        %gather3A_619 = arith.constant 0 : i32
        %gather3A_620 = arith.constant 0 : i32
        %gather3A_621 = tpu.memref_slice %arg6[%gather3A_618, %gather3A_619, %gather3A_620] : memref<2x128x32xf32, #tpu.memory_space<vmem>> -> memref<1x128x32xf32, #tpu.memory_space<vmem>>
        %gather3A_622 = tpu.memref_squeeze %gather3A_621 : memref<1x128x32xf32, #tpu.memory_space<vmem>> -> memref<128x32xf32, #tpu.memory_space<vmem>>
        %gather3A_623 = tpu.vector_load_idx %gather3A_622[%add3A_609, %add3A_617] : memref<128x32xf32, #tpu.memory_space<vmem>>[vector<16xi32>, vector<16xi32>], vector<16xf32>,
        %gather3A_624 = arith.constant 0 : i32
        %gather3A_625 = arith.constant 0 : i32
        %gather3A_626 = arith.constant 0 : i32
        %gather3A_627 = tpu.memref_slice %arg6[%gather3A_624, %gather3A_625, %gather3A_626] : memref<2x128x32xf32, #tpu.memory_space<vmem>> -> memref<1x128x32xf32, #tpu.memory_space<vmem>>
        %gather3A_628 = tpu.memref_squeeze %gather3A_627 : memref<1x128x32xf32, #tpu.memory_space<vmem>> -> memref<128x32xf32, #tpu.memory_space<vmem>>
        %gather3A_629 = tpu.vector_load_idx %gather3A_628[%add3A_609, %rem3A_15] : memref<128x32xf32, #tpu.memory_space<vmem>>[vector<16xi32>, vector<16xi32>], vector<16xf32>,
        %add3A_630 = arith.constant 16 : i32
        %add3A_631 = vector.broadcast %add3A_630 : i32 to vector<16xi32>
        %add3A_632 = arith.addi %rem3A_15, %add3A_631 : vector<16xi32>
        %gather3A_633 = arith.constant 0 : i32
        %gather3A_634 = arith.constant 0 : i32
        %gather3A_635 = arith.constant 0 : i32
        %gather3A_636 = tpu.memref_slice %arg6[%gather3A_633, %gather3A_634, %gather3A_635] : memref<2x128x32xf32, #tpu.memory_space<vmem>> -> memref<1x128x32xf32, #tpu.memory_space<vmem>>
        %gather3A_637 = tpu.memref_squeeze %gather3A_636 : memref<1x128x32xf32, #tpu.memory_space<vmem>> -> memref<128x32xf32, #tpu.memory_space<vmem>>
        %gather3A_638 = tpu.vector_load_idx %gather3A_637[%add3A_609, %add3A_632] : memref<128x32xf32, #tpu.memory_space<vmem>>[vector<16xi32>, vector<16xi32>], vector<16xf32>,
        %gather3A_639 = arith.constant 0 : i32
        %gather3A_640 = arith.constant 0 : i32
        %gather3A_641 = arith.constant 0 : i32
        %gather3A_642 = tpu.memref_slice %arg6[%gather3A_639, %gather3A_640, %gather3A_641] : memref<2x128x32xf32, #tpu.memory_space<vmem>> -> memref<1x128x32xf32, #tpu.memory_space<vmem>>
        %gather3A_643 = tpu.memref_squeeze %gather3A_642 : memref<1x128x32xf32, #tpu.memory_space<vmem>> -> memref<128x32xf32, #tpu.memory_space<vmem>>
        %gather3A_644 = tpu.vector_load_idx %gather3A_643[%add3A_609, %rem3A_21] : memref<128x32xf32, #tpu.memory_space<vmem>>[vector<16xi32>, vector<16xi32>], vector<16xf32>,
        %add3A_645 = arith.constant 16 : i32
        %add3A_646 = vector.broadcast %add3A_645 : i32 to vector<16xi32>
        %add3A_647 = arith.addi %rem3A_21, %add3A_646 : vector<16xi32>
        %gather3A_648 = arith.constant 0 : i32
        %gather3A_649 = arith.constant 0 : i32
        %gather3A_650 = arith.constant 0 : i32
        %gather3A_651 = tpu.memref_slice %arg6[%gather3A_648, %gather3A_649, %gather3A_650] : memref<2x128x32xf32, #tpu.memory_space<vmem>> -> memref<1x128x32xf32, #tpu.memory_space<vmem>>
        %gather3A_652 = tpu.memref_squeeze %gather3A_651 : memref<1x128x32xf32, #tpu.memory_space<vmem>> -> memref<128x32xf32, #tpu.memory_space<vmem>>
        %gather3A_653 = tpu.vector_load_idx %gather3A_652[%add3A_609, %add3A_647] : memref<128x32xf32, #tpu.memory_space<vmem>>[vector<16xi32>, vector<16xi32>], vector<16xf32>,
        %gather3A_654 = arith.constant 0 : i32
        %gather3A_655 = arith.constant 0 : i32
        %gather3A_656 = arith.constant 0 : i32
        %gather3A_657 = tpu.memref_slice %arg6[%gather3A_654, %gather3A_655, %gather3A_656] : memref<2x128x32xf32, #tpu.memory_space<vmem>> -> memref<1x128x32xf32, #tpu.memory_space<vmem>>
        %gather3A_658 = tpu.memref_squeeze %gather3A_657 : memref<1x128x32xf32, #tpu.memory_space<vmem>> -> memref<128x32xf32, #tpu.memory_space<vmem>>
        %gather3A_659 = tpu.vector_load_idx %gather3A_658[%add3A_609, %rem3A_27] : memref<128x32xf32, #tpu.memory_space<vmem>>[vector<16xi32>, vector<16xi32>], vector<16xf32>,
        %add3A_660 = arith.constant 16 : i32
        %add3A_661 = vector.broadcast %add3A_660 : i32 to vector<16xi32>
        %add3A_662 = arith.addi %rem3A_27, %add3A_661 : vector<16xi32>
        %gather3A_663 = arith.constant 0 : i32
        %gather3A_664 = arith.constant 0 : i32
        %gather3A_665 = arith.constant 0 : i32
        %gather3A_666 = tpu.memref_slice %arg6[%gather3A_663, %gather3A_664, %gather3A_665] : memref<2x128x32xf32, #tpu.memory_space<vmem>> -> memref<1x128x32xf32, #tpu.memory_space<vmem>>
        %gather3A_667 = tpu.memref_squeeze %gather3A_666 : memref<1x128x32xf32, #tpu.memory_space<vmem>> -> memref<128x32xf32, #tpu.memory_space<vmem>>
        %gather3A_668 = tpu.vector_load_idx %gather3A_667[%add3A_609, %add3A_662] : memref<128x32xf32, #tpu.memory_space<vmem>>[vector<16xi32>, vector<16xi32>], vector<16xf32>,
        %scatter3A = arith.constant 0 : i32
        %scatter3A_669 = arith.constant 0 : i32
        %scatter3A_670 = arith.constant 0 : i32
        %scatter3A_671 = tpu.memref_slice %arg7[%scatter3A, %scatter3A_669, %scatter3A_670] : memref<2x32x128xf32, #tpu.memory_space<vmem>> -> memref<1x32x128xf32, #tpu.memory_space<vmem>>
        %scatter3A_672 = tpu.memref_squeeze %scatter3A_671 : memref<1x32x128xf32, #tpu.memory_space<vmem>> -> memref<32x128xf32, #tpu.memory_space<vmem>>
        tpu.vector_store_idx %scatter3A_672[%rem3A_9, %add3A_609], %gather3A_614 : memref<32x128xf32, #tpu.memory_space<vmem>>[vector<16xi32>, vector<16xi32>], vector<16xf32>,
        %scatter3A_673 = arith.constant 0 : i32
        %scatter3A_674 = arith.constant 0 : i32
        %scatter3A_675 = arith.constant 0 : i32
        %scatter3A_676 = tpu.memref_slice %arg7[%scatter3A_673, %scatter3A_674, %scatter3A_675] : memref<2x32x128xf32, #tpu.memory_space<vmem>> -> memref<1x32x128xf32, #tpu.memory_space<vmem>>
        %scatter3A_677 = tpu.memref_squeeze %scatter3A_676 : memref<1x32x128xf32, #tpu.memory_space<vmem>> -> memref<32x128xf32, #tpu.memory_space<vmem>>
        tpu.vector_store_idx %scatter3A_677[%add3A_617, %add3A_609], %gather3A_623 : memref<32x128xf32, #tpu.memory_space<vmem>>[vector<16xi32>, vector<16xi32>], vector<16xf32>,
        %scatter3A_678 = arith.constant 0 : i32
        %scatter3A_679 = arith.constant 0 : i32
        %scatter3A_680 = arith.constant 0 : i32
        %scatter3A_681 = tpu.memref_slice %arg7[%scatter3A_678, %scatter3A_679, %scatter3A_680] : memref<2x32x128xf32, #tpu.memory_space<vmem>> -> memref<1x32x128xf32, #tpu.memory_space<vmem>>
        %scatter3A_682 = tpu.memref_squeeze %scatter3A_681 : memref<1x32x128xf32, #tpu.memory_space<vmem>> -> memref<32x128xf32, #tpu.memory_space<vmem>>
        tpu.vector_store_idx %scatter3A_682[%rem3A_15, %add3A_609], %gather3A_629 : memref<32x128xf32, #tpu.memory_space<vmem>>[vector<16xi32>, vector<16xi32>], vector<16xf32>,
        %scatter3A_683 = arith.constant 0 : i32
        %scatter3A_684 = arith.constant 0 : i32
        %scatter3A_685 = arith.constant 0 : i32
        %scatter3A_686 = tpu.memref_slice %arg7[%scatter3A_683, %scatter3A_684, %scatter3A_685] : memref<2x32x128xf32, #tpu.memory_space<vmem>> -> memref<1x32x128xf32, #tpu.memory_space<vmem>>
        %scatter3A_687 = tpu.memref_squeeze %scatter3A_686 : memref<1x32x128xf32, #tpu.memory_space<vmem>> -> memref<32x128xf32, #tpu.memory_space<vmem>>
        tpu.vector_store_idx %scatter3A_687[%add3A_632, %add3A_609], %gather3A_638 : memref<32x128xf32, #tpu.memory_space<vmem>>[vector<16xi32>, vector<16xi32>], vector<16xf32>,
        %scatter3A_688 = arith.constant 0 : i32
        %scatter3A_689 = arith.constant 0 : i32
        %scatter3A_690 = arith.constant 0 : i32
        %scatter3A_691 = tpu.memref_slice %arg7[%scatter3A_688, %scatter3A_689, %scatter3A_690] : memref<2x32x128xf32, #tpu.memory_space<vmem>> -> memref<1x32x128xf32, #tpu.memory_space<vmem>>
        %scatter3A_692 = tpu.memref_squeeze %scatter3A_691 : memref<1x32x128xf32, #tpu.memory_space<vmem>> -> memref<32x128xf32, #tpu.memory_space<vmem>>
        tpu.vector_store_idx %scatter3A_692[%rem3A_21, %add3A_609], %gather3A_644 : memref<32x128xf32, #tpu.memory_space<vmem>>[vector<16xi32>, vector<16xi32>], vector<16xf32>,
        %scatter3A_693 = arith.constant 0 : i32
        %scatter3A_694 = arith.constant 0 : i32
        %scatter3A_695 = arith.constant 0 : i32
        %scatter3A_696 = tpu.memref_slice %arg7[%scatter3A_693, %scatter3A_694, %scatter3A_695] : memref<2x32x128xf32, #tpu.memory_space<vmem>> -> memref<1x32x128xf32, #tpu.memory_space<vmem>>
        %scatter3A_697 = tpu.memref_squeeze %scatter3A_696 : memref<1x32x128xf32, #tpu.memory_space<vmem>> -> memref<32x128xf32, #tpu.memory_space<vmem>>
        tpu.vector_store_idx %scatter3A_697[%add3A_647, %add3A_609], %gather3A_653 : memref<32x128xf32, #tpu.memory_space<vmem>>[vector<16xi32>, vector<16xi32>], vector<16xf32>,
        %scatter3A_698 = arith.constant 0 : i32
        %scatter3A_699 = arith.constant 0 : i32
        %scatter3A_700 = arith.constant 0 : i32
        %scatter3A_701 = tpu.memref_slice %arg7[%scatter3A_698, %scatter3A_699, %scatter3A_700] : memref<2x32x128xf32, #tpu.memory_space<vmem>> -> memref<1x32x128xf32, #tpu.memory_space<vmem>>
        %scatter3A_702 = tpu.memref_squeeze %scatter3A_701 : memref<1x32x128xf32, #tpu.memory_space<vmem>> -> memref<32x128xf32, #tpu.memory_space<vmem>>
        tpu.vector_store_idx %scatter3A_702[%rem3A_27, %add3A_609], %gather3A_659 : memref<32x128xf32, #tpu.memory_space<vmem>>[vector<16xi32>, vector<16xi32>], vector<16xf32>,
        %scatter3A_703 = arith.constant 0 : i32
        %scatter3A_704 = arith.constant 0 : i32
        %scatter3A_705 = arith.constant 0 : i32
        %scatter3A_706 = tpu.memref_slice %arg7[%scatter3A_703, %scatter3A_704, %scatter3A_705] : memref<2x32x128xf32, #tpu.memory_space<vmem>> -> memref<1x32x128xf32, #tpu.memory_space<vmem>>
        %scatter3A_707 = tpu.memref_squeeze %scatter3A_706 : memref<1x32x128xf32, #tpu.memory_space<vmem>> -> memref<32x128xf32, #tpu.memory_space<vmem>>
        tpu.vector_store_idx %scatter3A_707[%add3A_662, %add3A_609], %gather3A_668 : memref<32x128xf32, #tpu.memory_space<vmem>>[vector<16xi32>, vector<16xi32>], vector<16xf32>,
        %gather3A_708 = arith.constant 0 : i32
        %gather3A_709 = arith.constant 0 : i32
        %gather3A_710 = arith.constant 0 : i32
        %gather3A_711 = tpu.memref_slice %arg6[%gather3A_708, %gather3A_709, %gather3A_710] : memref<2x128x32xf32, #tpu.memory_space<vmem>> -> memref<1x128x32xf32, #tpu.memory_space<vmem>>
        %gather3A_712 = tpu.memref_squeeze %gather3A_711 : memref<1x128x32xf32, #tpu.memory_space<vmem>> -> memref<128x32xf32, #tpu.memory_space<vmem>>
        %gather3A_713 = tpu.vector_load_idx %gather3A_712[%add3A_609, %rem3A_33] : memref<128x32xf32, #tpu.memory_space<vmem>>[vector<16xi32>, vector<16xi32>], vector<16xf32>,
        %add3A_714 = arith.constant 16 : i32
        %add3A_715 = vector.broadcast %add3A_714 : i32 to vector<16xi32>
        %add3A_716 = arith.addi %rem3A_33, %add3A_715 : vector<16xi32>
        %gather3A_717 = arith.constant 0 : i32
        %gather3A_718 = arith.constant 0 : i32
        %gather3A_719 = arith.constant 0 : i32
        %gather3A_720 = tpu.memref_slice %arg6[%gather3A_717, %gather3A_718, %gather3A_719] : memref<2x128x32xf32, #tpu.memory_space<vmem>> -> memref<1x128x32xf32, #tpu.memory_space<vmem>>
        %gather3A_721 = tpu.memref_squeeze %gather3A_720 : memref<1x128x32xf32, #tpu.memory_space<vmem>> -> memref<128x32xf32, #tpu.memory_space<vmem>>
        %gather3A_722 = tpu.vector_load_idx %gather3A_721[%add3A_609, %add3A_716] : memref<128x32xf32, #tpu.memory_space<vmem>>[vector<16xi32>, vector<16xi32>], vector<16xf32>,
        %gather3A_723 = arith.constant 0 : i32
        %gather3A_724 = arith.constant 0 : i32
        %gather3A_725 = arith.constant 0 : i32
        %gather3A_726 = tpu.memref_slice %arg6[%gather3A_723, %gather3A_724, %gather3A_725] : memref<2x128x32xf32, #tpu.memory_space<vmem>> -> memref<1x128x32xf32, #tpu.memory_space<vmem>>
        %gather3A_727 = tpu.memref_squeeze %gather3A_726 : memref<1x128x32xf32, #tpu.memory_space<vmem>> -> memref<128x32xf32, #tpu.memory_space<vmem>>
        %gather3A_728 = tpu.vector_load_idx %gather3A_727[%add3A_609, %rem3A_39] : memref<128x32xf32, #tpu.memory_space<vmem>>[vector<16xi32>, vector<16xi32>], vector<16xf32>,
        %add3A_729 = arith.constant 16 : i32
        %add3A_730 = vector.broadcast %add3A_729 : i32 to vector<16xi32>
        %add3A_731 = arith.addi %rem3A_39, %add3A_730 : vector<16xi32>
        %gather3A_732 = arith.constant 0 : i32
        %gather3A_733 = arith.constant 0 : i32
        %gather3A_734 = arith.constant 0 : i32
        %gather3A_735 = tpu.memref_slice %arg6[%gather3A_732, %gather3A_733, %gather3A_734] : memref<2x128x32xf32, #tpu.memory_space<vmem>> -> memref<1x128x32xf32, #tpu.memory_space<vmem>>
        %gather3A_736 = tpu.memref_squeeze %gather3A_735 : memref<1x128x32xf32, #tpu.memory_space<vmem>> -> memref<128x32xf32, #tpu.memory_space<vmem>>
        %gather3A_737 = tpu.vector_load_idx %gather3A_736[%add3A_609, %add3A_731] : memref<128x32xf32, #tpu.memory_space<vmem>>[vector<16xi32>, vector<16xi32>], vector<16xf32>,
        %gather3A_738 = arith.constant 0 : i32
        %gather3A_739 = arith.constant 0 : i32
        %gather3A_740 = arith.constant 0 : i32
        %gather3A_741 = tpu.memref_slice %arg6[%gather3A_738, %gather3A_739, %gather3A_740] : memref<2x128x32xf32, #tpu.memory_space<vmem>> -> memref<1x128x32xf32, #tpu.memory_space<vmem>>
        %gather3A_742 = tpu.memref_squeeze %gather3A_741 : memref<1x128x32xf32, #tpu.memory_space<vmem>> -> memref<128x32xf32, #tpu.memory_space<vmem>>
        %gather3A_743 = tpu.vector_load_idx %gather3A_742[%add3A_609, %rem3A_45] : memref<128x32xf32, #tpu.memory_space<vmem>>[vector<16xi32>, vector<16xi32>], vector<16xf32>,
        %add3A_744 = arith.constant 16 : i32
        %add3A_745 = vector.broadcast %add3A_744 : i32 to vector<16xi32>
        %add3A_746 = arith.addi %rem3A_45, %add3A_745 : vector<16xi32>
        %gather3A_747 = arith.constant 0 : i32
        %gather3A_748 = arith.constant 0 : i32
        %gather3A_749 = arith.constant 0 : i32
        %gather3A_750 = tpu.memref_slice %arg6[%gather3A_747, %gather3A_748, %gather3A_749] : memref<2x128x32xf32, #tpu.memory_space<vmem>> -> memref<1x128x32xf32, #tpu.memory_space<vmem>>
        %gather3A_751 = tpu.memref_squeeze %gather3A_750 : memref<1x128x32xf32, #tpu.memory_space<vmem>> -> memref<128x32xf32, #tpu.memory_space<vmem>>
        %gather3A_752 = tpu.vector_load_idx %gather3A_751[%add3A_609, %add3A_746] : memref<128x32xf32, #tpu.memory_space<vmem>>[vector<16xi32>, vector<16xi32>], vector<16xf32>,
        %gather3A_753 = arith.constant 0 : i32
        %gather3A_754 = arith.constant 0 : i32
        %gather3A_755 = arith.constant 0 : i32
        %gather3A_756 = tpu.memref_slice %arg6[%gather3A_753, %gather3A_754, %gather3A_755] : memref<2x128x32xf32, #tpu.memory_space<vmem>> -> memref<1x128x32xf32, #tpu.memory_space<vmem>>
        %gather3A_757 = tpu.memref_squeeze %gather3A_756 : memref<1x128x32xf32, #tpu.memory_space<vmem>> -> memref<128x32xf32, #tpu.memory_space<vmem>>
        %gather3A_758 = tpu.vector_load_idx %gather3A_757[%add3A_609, %rem3A_51] : memref<128x32xf32, #tpu.memory_space<vmem>>[vector<16xi32>, vector<16xi32>], vector<16xf32>,
        %add3A_759 = arith.constant 16 : i32
        %add3A_760 = vector.broadcast %add3A_759 : i32 to vector<16xi32>
        %add3A_761 = arith.addi %rem3A_51, %add3A_760 : vector<16xi32>
        %gather3A_762 = arith.constant 0 : i32
        %gather3A_763 = arith.constant 0 : i32
        %gather3A_764 = arith.constant 0 : i32
        %gather3A_765 = tpu.memref_slice %arg6[%gather3A_762, %gather3A_763, %gather3A_764] : memref<2x128x32xf32, #tpu.memory_space<vmem>> -> memref<1x128x32xf32, #tpu.memory_space<vmem>>
        %gather3A_766 = tpu.memref_squeeze %gather3A_765 : memref<1x128x32xf32, #tpu.memory_space<vmem>> -> memref<128x32xf32, #tpu.memory_space<vmem>>
        %gather3A_767 = tpu.vector_load_idx %gather3A_766[%add3A_609, %add3A_761] : memref<128x32xf32, #tpu.memory_space<vmem>>[vector<16xi32>, vector<16xi32>], vector<16xf32>,
        %scatter3A_768 = arith.constant 0 : i32
        %scatter3A_769 = arith.constant 0 : i32
        %scatter3A_770 = arith.constant 0 : i32
        %scatter3A_771 = tpu.memref_slice %arg7[%scatter3A_768, %scatter3A_769, %scatter3A_770] : memref<2x32x128xf32, #tpu.memory_space<vmem>> -> memref<1x32x128xf32, #tpu.memory_space<vmem>>
        %scatter3A_772 = tpu.memref_squeeze %scatter3A_771 : memref<1x32x128xf32, #tpu.memory_space<vmem>> -> memref<32x128xf32, #tpu.memory_space<vmem>>
        tpu.vector_store_idx %scatter3A_772[%rem3A_33, %add3A_609], %gather3A_713 : memref<32x128xf32, #tpu.memory_space<vmem>>[vector<16xi32>, vector<16xi32>], vector<16xf32>,
        %scatter3A_773 = arith.constant 0 : i32
        %scatter3A_774 = arith.constant 0 : i32
        %scatter3A_775 = arith.constant 0 : i32
        %scatter3A_776 = tpu.memref_slice %arg7[%scatter3A_773, %scatter3A_774, %scatter3A_775] : memref<2x32x128xf32, #tpu.memory_space<vmem>> -> memref<1x32x128xf32, #tpu.memory_space<vmem>>
        %scatter3A_777 = tpu.memref_squeeze %scatter3A_776 : memref<1x32x128xf32, #tpu.memory_space<vmem>> -> memref<32x128xf32, #tpu.memory_space<vmem>>
        tpu.vector_store_idx %scatter3A_777[%add3A_716, %add3A_609], %gather3A_722 : memref<32x128xf32, #tpu.memory_space<vmem>>[vector<16xi32>, vector<16xi32>], vector<16xf32>,
        %scatter3A_778 = arith.constant 0 : i32
        %scatter3A_779 = arith.constant 0 : i32
        %scatter3A_780 = arith.constant 0 : i32
        %scatter3A_781 = tpu.memref_slice %arg7[%scatter3A_778, %scatter3A_779, %scatter3A_780] : memref<2x32x128xf32, #tpu.memory_space<vmem>> -> memref<1x32x128xf32, #tpu.memory_space<vmem>>
        %scatter3A_782 = tpu.memref_squeeze %scatter3A_781 : memref<1x32x128xf32, #tpu.memory_space<vmem>> -> memref<32x128xf32, #tpu.memory_space<vmem>>
        tpu.vector_store_idx %scatter3A_782[%rem3A_39, %add3A_609], %gather3A_728 : memref<32x128xf32, #tpu.memory_space<vmem>>[vector<16xi32>, vector<16xi32>], vector<16xf32>,
        %scatter3A_783 = arith.constant 0 : i32
        %scatter3A_784 = arith.constant 0 : i32
        %scatter3A_785 = arith.constant 0 : i32
        %scatter3A_786 = tpu.memref_slice %arg7[%scatter3A_783, %scatter3A_784, %scatter3A_785] : memref<2x32x128xf32, #tpu.memory_space<vmem>> -> memref<1x32x128xf32, #tpu.memory_space<vmem>>
        %scatter3A_787 = tpu.memref_squeeze %scatter3A_786 : memref<1x32x128xf32, #tpu.memory_space<vmem>> -> memref<32x128xf32, #tpu.memory_space<vmem>>
        tpu.vector_store_idx %scatter3A_787[%add3A_731, %add3A_609], %gather3A_737 : memref<32x128xf32, #tpu.memory_space<vmem>>[vector<16xi32>, vector<16xi32>], vector<16xf32>,
        %scatter3A_788 = arith.constant 0 : i32
        %scatter3A_789 = arith.constant 0 : i32
        %scatter3A_790 = arith.constant 0 : i32
        %scatter3A_791 = tpu.memref_slice %arg7[%scatter3A_788, %scatter3A_789, %scatter3A_790] : memref<2x32x128xf32, #tpu.memory_space<vmem>> -> memref<1x32x128xf32, #tpu.memory_space<vmem>>
        %scatter3A_792 = tpu.memref_squeeze %scatter3A_791 : memref<1x32x128xf32, #tpu.memory_space<vmem>> -> memref<32x128xf32, #tpu.memory_space<vmem>>
        tpu.vector_store_idx %scatter3A_792[%rem3A_45, %add3A_609], %gather3A_743 : memref<32x128xf32, #tpu.memory_space<vmem>>[vector<16xi32>, vector<16xi32>], vector<16xf32>,
        %scatter3A_793 = arith.constant 0 : i32
        %scatter3A_794 = arith.constant 0 : i32
        %scatter3A_795 = arith.constant 0 : i32
        %scatter3A_796 = tpu.memref_slice %arg7[%scatter3A_793, %scatter3A_794, %scatter3A_795] : memref<2x32x128xf32, #tpu.memory_space<vmem>> -> memref<1x32x128xf32, #tpu.memory_space<vmem>>
        %scatter3A_797 = tpu.memref_squeeze %scatter3A_796 : memref<1x32x128xf32, #tpu.memory_space<vmem>> -> memref<32x128xf32, #tpu.memory_space<vmem>>
        tpu.vector_store_idx %scatter3A_797[%add3A_746, %add3A_609], %gather3A_752 : memref<32x128xf32, #tpu.memory_space<vmem>>[vector<16xi32>, vector<16xi32>], vector<16xf32>,
        %scatter3A_798 = arith.constant 0 : i32
        %scatter3A_799 = arith.constant 0 : i32
        %scatter3A_800 = arith.constant 0 : i32
        %scatter3A_801 = tpu.memref_slice %arg7[%scatter3A_798, %scatter3A_799, %scatter3A_800] : memref<2x32x128xf32, #tpu.memory_space<vmem>> -> memref<1x32x128xf32, #tpu.memory_space<vmem>>
        %scatter3A_802 = tpu.memref_squeeze %scatter3A_801 : memref<1x32x128xf32, #tpu.memory_space<vmem>> -> memref<32x128xf32, #tpu.memory_space<vmem>>
        tpu.vector_store_idx %scatter3A_802[%rem3A_51, %add3A_609], %gather3A_758 : memref<32x128xf32, #tpu.memory_space<vmem>>[vector<16xi32>, vector<16xi32>], vector<16xf32>,
        %scatter3A_803 = arith.constant 0 : i32
        %scatter3A_804 = arith.constant 0 : i32
        %scatter3A_805 = arith.constant 0 : i32
        %scatter3A_806 = tpu.memref_slice %arg7[%scatter3A_803, %scatter3A_804, %scatter3A_805] : memref<2x32x128xf32, #tpu.memory_space<vmem>> -> memref<1x32x128xf32, #tpu.memory_space<vmem>>
        %scatter3A_807 = tpu.memref_squeeze %scatter3A_806 : memref<1x32x128xf32, #tpu.memory_space<vmem>> -> memref<32x128xf32, #tpu.memory_space<vmem>>
        tpu.vector_store_idx %scatter3A_807[%add3A_761, %add3A_609], %gather3A_767 : memref<32x128xf32, #tpu.memory_space<vmem>>[vector<16xi32>, vector<16xi32>], vector<16xf32>,
        %gather3A_808 = arith.constant 0 : i32
        %gather3A_809 = arith.constant 0 : i32
        %gather3A_810 = arith.constant 0 : i32
        %gather3A_811 = tpu.memref_slice %arg6[%gather3A_808, %gather3A_809, %gather3A_810] : memref<2x128x32xf32, #tpu.memory_space<vmem>> -> memref<1x128x32xf32, #tpu.memory_space<vmem>>
        %gather3A_812 = tpu.memref_squeeze %gather3A_811 : memref<1x128x32xf32, #tpu.memory_space<vmem>> -> memref<128x32xf32, #tpu.memory_space<vmem>>
        %gather3A_813 = tpu.vector_load_idx %gather3A_812[%add3A_609, %rem3A_57] : memref<128x32xf32, #tpu.memory_space<vmem>>[vector<16xi32>, vector<16xi32>], vector<16xf32>,
        %add3A_814 = arith.constant 16 : i32
        %add3A_815 = vector.broadcast %add3A_814 : i32 to vector<16xi32>
        %add3A_816 = arith.addi %rem3A_57, %add3A_815 : vector<16xi32>
        %gather3A_817 = arith.constant 0 : i32
        %gather3A_818 = arith.constant 0 : i32
        %gather3A_819 = arith.constant 0 : i32
        %gather3A_820 = tpu.memref_slice %arg6[%gather3A_817, %gather3A_818, %gather3A_819] : memref<2x128x32xf32, #tpu.memory_space<vmem>> -> memref<1x128x32xf32, #tpu.memory_space<vmem>>
        %gather3A_821 = tpu.memref_squeeze %gather3A_820 : memref<1x128x32xf32, #tpu.memory_space<vmem>> -> memref<128x32xf32, #tpu.memory_space<vmem>>
        %gather3A_822 = tpu.vector_load_idx %gather3A_821[%add3A_609, %add3A_816] : memref<128x32xf32, #tpu.memory_space<vmem>>[vector<16xi32>, vector<16xi32>], vector<16xf32>,
        %gather3A_823 = arith.constant 0 : i32
        %gather3A_824 = arith.constant 0 : i32
        %gather3A_825 = arith.constant 0 : i32
        %gather3A_826 = tpu.memref_slice %arg6[%gather3A_823, %gather3A_824, %gather3A_825] : memref<2x128x32xf32, #tpu.memory_space<vmem>> -> memref<1x128x32xf32, #tpu.memory_space<vmem>>
        %gather3A_827 = tpu.memref_squeeze %gather3A_826 : memref<1x128x32xf32, #tpu.memory_space<vmem>> -> memref<128x32xf32, #tpu.memory_space<vmem>>
        %gather3A_828 = tpu.vector_load_idx %gather3A_827[%add3A_609, %rem3A_63] : memref<128x32xf32, #tpu.memory_space<vmem>>[vector<16xi32>, vector<16xi32>], vector<16xf32>,
        %add3A_829 = arith.constant 16 : i32
        %add3A_830 = vector.broadcast %add3A_829 : i32 to vector<16xi32>
        %add3A_831 = arith.addi %rem3A_63, %add3A_830 : vector<16xi32>
        %gather3A_832 = arith.constant 0 : i32
        %gather3A_833 = arith.constant 0 : i32
        %gather3A_834 = arith.constant 0 : i32
        %gather3A_835 = tpu.memref_slice %arg6[%gather3A_832, %gather3A_833, %gather3A_834] : memref<2x128x32xf32, #tpu.memory_space<vmem>> -> memref<1x128x32xf32, #tpu.memory_space<vmem>>
        %gather3A_836 = tpu.memref_squeeze %gather3A_835 : memref<1x128x32xf32, #tpu.memory_space<vmem>> -> memref<128x32xf32, #tpu.memory_space<vmem>>
        %gather3A_837 = tpu.vector_load_idx %gather3A_836[%add3A_609, %add3A_831] : memref<128x32xf32, #tpu.memory_space<vmem>>[vector<16xi32>, vector<16xi32>], vector<16xf32>,
        %gather3A_838 = arith.constant 0 : i32
        %gather3A_839 = arith.constant 0 : i32
        %gather3A_840 = arith.constant 0 : i32
        %gather3A_841 = tpu.memref_slice %arg6[%gather3A_838, %gather3A_839, %gather3A_840] : memref<2x128x32xf32, #tpu.memory_space<vmem>> -> memref<1x128x32xf32, #tpu.memory_space<vmem>>
        %gather3A_842 = tpu.memref_squeeze %gather3A_841 : memref<1x128x32xf32, #tpu.memory_space<vmem>> -> memref<128x32xf32, #tpu.memory_space<vmem>>
        %gather3A_843 = tpu.vector_load_idx %gather3A_842[%add3A_609, %rem3A_69] : memref<128x32xf32, #tpu.memory_space<vmem>>[vector<16xi32>, vector<16xi32>], vector<16xf32>,
        %add3A_844 = arith.constant 16 : i32
        %add3A_845 = vector.broadcast %add3A_844 : i32 to vector<16xi32>
        %add3A_846 = arith.addi %rem3A_69, %add3A_845 : vector<16xi32>
        %gather3A_847 = arith.constant 0 : i32
        %gather3A_848 = arith.constant 0 : i32
        %gather3A_849 = arith.constant 0 : i32
        %gather3A_850 = tpu.memref_slice %arg6[%gather3A_847, %gather3A_848, %gather3A_849] : memref<2x128x32xf32, #tpu.memory_space<vmem>> -> memref<1x128x32xf32, #tpu.memory_space<vmem>>
        %gather3A_851 = tpu.memref_squeeze %gather3A_850 : memref<1x128x32xf32, #tpu.memory_space<vmem>> -> memref<128x32xf32, #tpu.memory_space<vmem>>
        %gather3A_852 = tpu.vector_load_idx %gather3A_851[%add3A_609, %add3A_846] : memref<128x32xf32, #tpu.memory_space<vmem>>[vector<16xi32>, vector<16xi32>], vector<16xf32>,
        %gather3A_853 = arith.constant 0 : i32
        %gather3A_854 = arith.constant 0 : i32
        %gather3A_855 = arith.constant 0 : i32
        %gather3A_856 = tpu.memref_slice %arg6[%gather3A_853, %gather3A_854, %gather3A_855] : memref<2x128x32xf32, #tpu.memory_space<vmem>> -> memref<1x128x32xf32, #tpu.memory_space<vmem>>
        %gather3A_857 = tpu.memref_squeeze %gather3A_856 : memref<1x128x32xf32, #tpu.memory_space<vmem>> -> memref<128x32xf32, #tpu.memory_space<vmem>>
        %gather3A_858 = tpu.vector_load_idx %gather3A_857[%add3A_609, %rem3A_75] : memref<128x32xf32, #tpu.memory_space<vmem>>[vector<16xi32>, vector<16xi32>], vector<16xf32>,
        %add3A_859 = arith.constant 16 : i32
        %add3A_860 = vector.broadcast %add3A_859 : i32 to vector<16xi32>
        %add3A_861 = arith.addi %rem3A_75, %add3A_860 : vector<16xi32>
        %gather3A_862 = arith.constant 0 : i32
        %gather3A_863 = arith.constant 0 : i32
        %gather3A_864 = arith.constant 0 : i32
        %gather3A_865 = tpu.memref_slice %arg6[%gather3A_862, %gather3A_863, %gather3A_864] : memref<2x128x32xf32, #tpu.memory_space<vmem>> -> memref<1x128x32xf32, #tpu.memory_space<vmem>>
        %gather3A_866 = tpu.memref_squeeze %gather3A_865 : memref<1x128x32xf32, #tpu.memory_space<vmem>> -> memref<128x32xf32, #tpu.memory_space<vmem>>
        %gather3A_867 = tpu.vector_load_idx %gather3A_866[%add3A_609, %add3A_861] : memref<128x32xf32, #tpu.memory_space<vmem>>[vector<16xi32>, vector<16xi32>], vector<16xf32>,
        %scatter3A_868 = arith.constant 0 : i32
        %scatter3A_869 = arith.constant 0 : i32
        %scatter3A_870 = arith.constant 0 : i32
        %scatter3A_871 = tpu.memref_slice %arg7[%scatter3A_868, %scatter3A_869, %scatter3A_870] : memref<2x32x128xf32, #tpu.memory_space<vmem>> -> memref<1x32x128xf32, #tpu.memory_space<vmem>>
        %scatter3A_872 = tpu.memref_squeeze %scatter3A_871 : memref<1x32x128xf32, #tpu.memory_space<vmem>> -> memref<32x128xf32, #tpu.memory_space<vmem>>
        tpu.vector_store_idx %scatter3A_872[%rem3A_57, %add3A_609], %gather3A_813 : memref<32x128xf32, #tpu.memory_space<vmem>>[vector<16xi32>, vector<16xi32>], vector<16xf32>,
        %scatter3A_873 = arith.constant 0 : i32
        %scatter3A_874 = arith.constant 0 : i32
        %scatter3A_875 = arith.constant 0 : i32
        %scatter3A_876 = tpu.memref_slice %arg7[%scatter3A_873, %scatter3A_874, %scatter3A_875] : memref<2x32x128xf32, #tpu.memory_space<vmem>> -> memref<1x32x128xf32, #tpu.memory_space<vmem>>
        %scatter3A_877 = tpu.memref_squeeze %scatter3A_876 : memref<1x32x128xf32, #tpu.memory_space<vmem>> -> memref<32x128xf32, #tpu.memory_space<vmem>>
        tpu.vector_store_idx %scatter3A_877[%add3A_816, %add3A_609], %gather3A_822 : memref<32x128xf32, #tpu.memory_space<vmem>>[vector<16xi32>, vector<16xi32>], vector<16xf32>,
        %scatter3A_878 = arith.constant 0 : i32
        %scatter3A_879 = arith.constant 0 : i32
        %scatter3A_880 = arith.constant 0 : i32
        %scatter3A_881 = tpu.memref_slice %arg7[%scatter3A_878, %scatter3A_879, %scatter3A_880] : memref<2x32x128xf32, #tpu.memory_space<vmem>> -> memref<1x32x128xf32, #tpu.memory_space<vmem>>
        %scatter3A_882 = tpu.memref_squeeze %scatter3A_881 : memref<1x32x128xf32, #tpu.memory_space<vmem>> -> memref<32x128xf32, #tpu.memory_space<vmem>>
        tpu.vector_store_idx %scatter3A_882[%rem3A_63, %add3A_609], %gather3A_828 : memref<32x128xf32, #tpu.memory_space<vmem>>[vector<16xi32>, vector<16xi32>], vector<16xf32>,
        %scatter3A_883 = arith.constant 0 : i32
        %scatter3A_884 = arith.constant 0 : i32
        %scatter3A_885 = arith.constant 0 : i32
        %scatter3A_886 = tpu.memref_slice %arg7[%scatter3A_883, %scatter3A_884, %scatter3A_885] : memref<2x32x128xf32, #tpu.memory_space<vmem>> -> memref<1x32x128xf32, #tpu.memory_space<vmem>>
        %scatter3A_887 = tpu.memref_squeeze %scatter3A_886 : memref<1x32x128xf32, #tpu.memory_space<vmem>> -> memref<32x128xf32, #tpu.memory_space<vmem>>
        tpu.vector_store_idx %scatter3A_887[%add3A_831, %add3A_609], %gather3A_837 : memref<32x128xf32, #tpu.memory_space<vmem>>[vector<16xi32>, vector<16xi32>], vector<16xf32>,
        %scatter3A_888 = arith.constant 0 : i32
        %scatter3A_889 = arith.constant 0 : i32
        %scatter3A_890 = arith.constant 0 : i32
        %scatter3A_891 = tpu.memref_slice %arg7[%scatter3A_888, %scatter3A_889, %scatter3A_890] : memref<2x32x128xf32, #tpu.memory_space<vmem>> -> memref<1x32x128xf32, #tpu.memory_space<vmem>>
        %scatter3A_892 = tpu.memref_squeeze %scatter3A_891 : memref<1x32x128xf32, #tpu.memory_space<vmem>> -> memref<32x128xf32, #tpu.memory_space<vmem>>
        tpu.vector_store_idx %scatter3A_892[%rem3A_69, %add3A_609], %gather3A_843 : memref<32x128xf32, #tpu.memory_space<vmem>>[vector<16xi32>, vector<16xi32>], vector<16xf32>,
        %scatter3A_893 = arith.constant 0 : i32
        %scatter3A_894 = arith.constant 0 : i32
        %scatter3A_895 = arith.constant 0 : i32
        %scatter3A_896 = tpu.memref_slice %arg7[%scatter3A_893, %scatter3A_894, %scatter3A_895] : memref<2x32x128xf32, #tpu.memory_space<vmem>> -> memref<1x32x128xf32, #tpu.memory_space<vmem>>
        %scatter3A_897 = tpu.memref_squeeze %scatter3A_896 : memref<1x32x128xf32, #tpu.memory_space<vmem>> -> memref<32x128xf32, #tpu.memory_space<vmem>>
        tpu.vector_store_idx %scatter3A_897[%add3A_846, %add3A_609], %gather3A_852 : memref<32x128xf32, #tpu.memory_space<vmem>>[vector<16xi32>, vector<16xi32>], vector<16xf32>,
        %scatter3A_898 = arith.constant 0 : i32
        %scatter3A_899 = arith.constant 0 : i32
        %scatter3A_900 = arith.constant 0 : i32
        %scatter3A_901 = tpu.memref_slice %arg7[%scatter3A_898, %scatter3A_899, %scatter3A_900] : memref<2x32x128xf32, #tpu.memory_space<vmem>> -> memref<1x32x128xf32, #tpu.memory_space<vmem>>
        %scatter3A_902 = tpu.memref_squeeze %scatter3A_901 : memref<1x32x128xf32, #tpu.memory_space<vmem>> -> memref<32x128xf32, #tpu.memory_space<vmem>>
        tpu.vector_store_idx %scatter3A_902[%rem3A_75, %add3A_609], %gather3A_858 : memref<32x128xf32, #tpu.memory_space<vmem>>[vector<16xi32>, vector<16xi32>], vector<16xf32>,
        %scatter3A_903 = arith.constant 0 : i32
        %scatter3A_904 = arith.constant 0 : i32
        %scatter3A_905 = arith.constant 0 : i32
        %scatter3A_906 = tpu.memref_slice %arg7[%scatter3A_903, %scatter3A_904, %scatter3A_905] : memref<2x32x128xf32, #tpu.memory_space<vmem>> -> memref<1x32x128xf32, #tpu.memory_space<vmem>>
        %scatter3A_907 = tpu.memref_squeeze %scatter3A_906 : memref<1x32x128xf32, #tpu.memory_space<vmem>> -> memref<32x128xf32, #tpu.memory_space<vmem>>
        tpu.vector_store_idx %scatter3A_907[%add3A_861, %add3A_609], %gather3A_867 : memref<32x128xf32, #tpu.memory_space<vmem>>[vector<16xi32>, vector<16xi32>], vector<16xf32>,
        %gather3A_908 = arith.constant 0 : i32
        %gather3A_909 = arith.constant 0 : i32
        %gather3A_910 = arith.constant 0 : i32
        %gather3A_911 = tpu.memref_slice %arg6[%gather3A_908, %gather3A_909, %gather3A_910] : memref<2x128x32xf32, #tpu.memory_space<vmem>> -> memref<1x128x32xf32, #tpu.memory_space<vmem>>
        %gather3A_912 = tpu.memref_squeeze %gather3A_911 : memref<1x128x32xf32, #tpu.memory_space<vmem>> -> memref<128x32xf32, #tpu.memory_space<vmem>>
        %gather3A_913 = tpu.vector_load_idx %gather3A_912[%add3A_609, %rem3A_81] : memref<128x32xf32, #tpu.memory_space<vmem>>[vector<16xi32>, vector<16xi32>], vector<16xf32>,
        %add3A_914 = arith.constant 16 : i32
        %add3A_915 = vector.broadcast %add3A_914 : i32 to vector<16xi32>
        %add3A_916 = arith.addi %rem3A_81, %add3A_915 : vector<16xi32>
        %gather3A_917 = arith.constant 0 : i32
        %gather3A_918 = arith.constant 0 : i32
        %gather3A_919 = arith.constant 0 : i32
        %gather3A_920 = tpu.memref_slice %arg6[%gather3A_917, %gather3A_918, %gather3A_919] : memref<2x128x32xf32, #tpu.memory_space<vmem>> -> memref<1x128x32xf32, #tpu.memory_space<vmem>>
        %gather3A_921 = tpu.memref_squeeze %gather3A_920 : memref<1x128x32xf32, #tpu.memory_space<vmem>> -> memref<128x32xf32, #tpu.memory_space<vmem>>
        %gather3A_922 = tpu.vector_load_idx %gather3A_921[%add3A_609, %add3A_916] : memref<128x32xf32, #tpu.memory_space<vmem>>[vector<16xi32>, vector<16xi32>], vector<16xf32>,
        %gather3A_923 = arith.constant 0 : i32
        %gather3A_924 = arith.constant 0 : i32
        %gather3A_925 = arith.constant 0 : i32
        %gather3A_926 = tpu.memref_slice %arg6[%gather3A_923, %gather3A_924, %gather3A_925] : memref<2x128x32xf32, #tpu.memory_space<vmem>> -> memref<1x128x32xf32, #tpu.memory_space<vmem>>
        %gather3A_927 = tpu.memref_squeeze %gather3A_926 : memref<1x128x32xf32, #tpu.memory_space<vmem>> -> memref<128x32xf32, #tpu.memory_space<vmem>>
        %gather3A_928 = tpu.vector_load_idx %gather3A_927[%add3A_609, %rem3A_87] : memref<128x32xf32, #tpu.memory_space<vmem>>[vector<16xi32>, vector<16xi32>], vector<16xf32>,
        %add3A_929 = arith.constant 16 : i32
        %add3A_930 = vector.broadcast %add3A_929 : i32 to vector<16xi32>
        %add3A_931 = arith.addi %rem3A_87, %add3A_930 : vector<16xi32>
        %gather3A_932 = arith.constant 0 : i32
        %gather3A_933 = arith.constant 0 : i32
        %gather3A_934 = arith.constant 0 : i32
        %gather3A_935 = tpu.memref_slice %arg6[%gather3A_932, %gather3A_933, %gather3A_934] : memref<2x128x32xf32, #tpu.memory_space<vmem>> -> memref<1x128x32xf32, #tpu.memory_space<vmem>>
        %gather3A_936 = tpu.memref_squeeze %gather3A_935 : memref<1x128x32xf32, #tpu.memory_space<vmem>> -> memref<128x32xf32, #tpu.memory_space<vmem>>
        %gather3A_937 = tpu.vector_load_idx %gather3A_936[%add3A_609, %add3A_931] : memref<128x32xf32, #tpu.memory_space<vmem>>[vector<16xi32>, vector<16xi32>], vector<16xf32>,
        %gather3A_938 = arith.constant 0 : i32
        %gather3A_939 = arith.constant 0 : i32
        %gather3A_940 = arith.constant 0 : i32
        %gather3A_941 = tpu.memref_slice %arg6[%gather3A_938, %gather3A_939, %gather3A_940] : memref<2x128x32xf32, #tpu.memory_space<vmem>> -> memref<1x128x32xf32, #tpu.memory_space<vmem>>
        %gather3A_942 = tpu.memref_squeeze %gather3A_941 : memref<1x128x32xf32, #tpu.memory_space<vmem>> -> memref<128x32xf32, #tpu.memory_space<vmem>>
        %gather3A_943 = tpu.vector_load_idx %gather3A_942[%add3A_609, %rem3A_93] : memref<128x32xf32, #tpu.memory_space<vmem>>[vector<16xi32>, vector<16xi32>], vector<16xf32>,
        %add3A_944 = arith.constant 16 : i32
        %add3A_945 = vector.broadcast %add3A_944 : i32 to vector<16xi32>
        %add3A_946 = arith.addi %rem3A_93, %add3A_945 : vector<16xi32>
        %gather3A_947 = arith.constant 0 : i32
        %gather3A_948 = arith.constant 0 : i32
        %gather3A_949 = arith.constant 0 : i32
        %gather3A_950 = tpu.memref_slice %arg6[%gather3A_947, %gather3A_948, %gather3A_949] : memref<2x128x32xf32, #tpu.memory_space<vmem>> -> memref<1x128x32xf32, #tpu.memory_space<vmem>>
        %gather3A_951 = tpu.memref_squeeze %gather3A_950 : memref<1x128x32xf32, #tpu.memory_space<vmem>> -> memref<128x32xf32, #tpu.memory_space<vmem>>
        %gather3A_952 = tpu.vector_load_idx %gather3A_951[%add3A_609, %add3A_946] : memref<128x32xf32, #tpu.memory_space<vmem>>[vector<16xi32>, vector<16xi32>], vector<16xf32>,
        %gather3A_953 = arith.constant 0 : i32
        %gather3A_954 = arith.constant 0 : i32
        %gather3A_955 = arith.constant 0 : i32
        %gather3A_956 = tpu.memref_slice %arg6[%gather3A_953, %gather3A_954, %gather3A_955] : memref<2x128x32xf32, #tpu.memory_space<vmem>> -> memref<1x128x32xf32, #tpu.memory_space<vmem>>
        %gather3A_957 = tpu.memref_squeeze %gather3A_956 : memref<1x128x32xf32, #tpu.memory_space<vmem>> -> memref<128x32xf32, #tpu.memory_space<vmem>>
        %gather3A_958 = tpu.vector_load_idx %gather3A_957[%add3A_609, %rem3A_99] : memref<128x32xf32, #tpu.memory_space<vmem>>[vector<16xi32>, vector<16xi32>], vector<16xf32>,
        %add3A_959 = arith.constant 16 : i32
        %add3A_960 = vector.broadcast %add3A_959 : i32 to vector<16xi32>
        %add3A_961 = arith.addi %rem3A_99, %add3A_960 : vector<16xi32>
        %gather3A_962 = arith.constant 0 : i32
        %gather3A_963 = arith.constant 0 : i32
        %gather3A_964 = arith.constant 0 : i32
        %gather3A_965 = tpu.memref_slice %arg6[%gather3A_962, %gather3A_963, %gather3A_964] : memref<2x128x32xf32, #tpu.memory_space<vmem>> -> memref<1x128x32xf32, #tpu.memory_space<vmem>>
        %gather3A_966 = tpu.memref_squeeze %gather3A_965 : memref<1x128x32xf32, #tpu.memory_space<vmem>> -> memref<128x32xf32, #tpu.memory_space<vmem>>
        %gather3A_967 = tpu.vector_load_idx %gather3A_966[%add3A_609, %add3A_961] : memref<128x32xf32, #tpu.memory_space<vmem>>[vector<16xi32>, vector<16xi32>], vector<16xf32>,
        %scatter3A_968 = arith.constant 0 : i32
        %scatter3A_969 = arith.constant 0 : i32
        %scatter3A_970 = arith.constant 0 : i32
        %scatter3A_971 = tpu.memref_slice %arg7[%scatter3A_968, %scatter3A_969, %scatter3A_970] : memref<2x32x128xf32, #tpu.memory_space<vmem>> -> memref<1x32x128xf32, #tpu.memory_space<vmem>>
        %scatter3A_972 = tpu.memref_squeeze %scatter3A_971 : memref<1x32x128xf32, #tpu.memory_space<vmem>> -> memref<32x128xf32, #tpu.memory_space<vmem>>
        tpu.vector_store_idx %scatter3A_972[%rem3A_81, %add3A_609], %gather3A_913 : memref<32x128xf32, #tpu.memory_space<vmem>>[vector<16xi32>, vector<16xi32>], vector<16xf32>,
        %scatter3A_973 = arith.constant 0 : i32
        %scatter3A_974 = arith.constant 0 : i32
        %scatter3A_975 = arith.constant 0 : i32
        %scatter3A_976 = tpu.memref_slice %arg7[%scatter3A_973, %scatter3A_974, %scatter3A_975] : memref<2x32x128xf32, #tpu.memory_space<vmem>> -> memref<1x32x128xf32, #tpu.memory_space<vmem>>
        %scatter3A_977 = tpu.memref_squeeze %scatter3A_976 : memref<1x32x128xf32, #tpu.memory_space<vmem>> -> memref<32x128xf32, #tpu.memory_space<vmem>>
        tpu.vector_store_idx %scatter3A_977[%add3A_916, %add3A_609], %gather3A_922 : memref<32x128xf32, #tpu.memory_space<vmem>>[vector<16xi32>, vector<16xi32>], vector<16xf32>,
        %scatter3A_978 = arith.constant 0 : i32
        %scatter3A_979 = arith.constant 0 : i32
        %scatter3A_980 = arith.constant 0 : i32
        %scatter3A_981 = tpu.memref_slice %arg7[%scatter3A_978, %scatter3A_979, %scatter3A_980] : memref<2x32x128xf32, #tpu.memory_space<vmem>> -> memref<1x32x128xf32, #tpu.memory_space<vmem>>
        %scatter3A_982 = tpu.memref_squeeze %scatter3A_981 : memref<1x32x128xf32, #tpu.memory_space<vmem>> -> memref<32x128xf32, #tpu.memory_space<vmem>>
        tpu.vector_store_idx %scatter3A_982[%rem3A_87, %add3A_609], %gather3A_928 : memref<32x128xf32, #tpu.memory_space<vmem>>[vector<16xi32>, vector<16xi32>], vector<16xf32>,
        %scatter3A_983 = arith.constant 0 : i32
        %scatter3A_984 = arith.constant 0 : i32
        %scatter3A_985 = arith.constant 0 : i32
        %scatter3A_986 = tpu.memref_slice %arg7[%scatter3A_983, %scatter3A_984, %scatter3A_985] : memref<2x32x128xf32, #tpu.memory_space<vmem>> -> memref<1x32x128xf32, #tpu.memory_space<vmem>>
        %scatter3A_987 = tpu.memref_squeeze %scatter3A_986 : memref<1x32x128xf32, #tpu.memory_space<vmem>> -> memref<32x128xf32, #tpu.memory_space<vmem>>
        tpu.vector_store_idx %scatter3A_987[%add3A_931, %add3A_609], %gather3A_937 : memref<32x128xf32, #tpu.memory_space<vmem>>[vector<16xi32>, vector<16xi32>], vector<16xf32>,
        %scatter3A_988 = arith.constant 0 : i32
        %scatter3A_989 = arith.constant 0 : i32
        %scatter3A_990 = arith.constant 0 : i32
        %scatter3A_991 = tpu.memref_slice %arg7[%scatter3A_988, %scatter3A_989, %scatter3A_990] : memref<2x32x128xf32, #tpu.memory_space<vmem>> -> memref<1x32x128xf32, #tpu.memory_space<vmem>>
        %scatter3A_992 = tpu.memref_squeeze %scatter3A_991 : memref<1x32x128xf32, #tpu.memory_space<vmem>> -> memref<32x128xf32, #tpu.memory_space<vmem>>
        tpu.vector_store_idx %scatter3A_992[%rem3A_93, %add3A_609], %gather3A_943 : memref<32x128xf32, #tpu.memory_space<vmem>>[vector<16xi32>, vector<16xi32>], vector<16xf32>,
        %scatter3A_993 = arith.constant 0 : i32
        %scatter3A_994 = arith.constant 0 : i32
        %scatter3A_995 = arith.constant 0 : i32
        %scatter3A_996 = tpu.memref_slice %arg7[%scatter3A_993, %scatter3A_994, %scatter3A_995] : memref<2x32x128xf32, #tpu.memory_space<vmem>> -> memref<1x32x128xf32, #tpu.memory_space<vmem>>
        %scatter3A_997 = tpu.memref_squeeze %scatter3A_996 : memref<1x32x128xf32, #tpu.memory_space<vmem>> -> memref<32x128xf32, #tpu.memory_space<vmem>>
        tpu.vector_store_idx %scatter3A_997[%add3A_946, %add3A_609], %gather3A_952 : memref<32x128xf32, #tpu.memory_space<vmem>>[vector<16xi32>, vector<16xi32>], vector<16xf32>,
        %scatter3A_998 = arith.constant 0 : i32
        %scatter3A_999 = arith.constant 0 : i32
        %scatter3A_1000 = arith.constant 0 : i32
        %scatter3A_1001 = tpu.memref_slice %arg7[%scatter3A_998, %scatter3A_999, %scatter3A_1000] : memref<2x32x128xf32, #tpu.memory_space<vmem>> -> memref<1x32x128xf32, #tpu.memory_space<vmem>>
        %scatter3A_1002 = tpu.memref_squeeze %scatter3A_1001 : memref<1x32x128xf32, #tpu.memory_space<vmem>> -> memref<32x128xf32, #tpu.memory_space<vmem>>
        tpu.vector_store_idx %scatter3A_1002[%rem3A_99, %add3A_609], %gather3A_958 : memref<32x128xf32, #tpu.memory_space<vmem>>[vector<16xi32>, vector<16xi32>], vector<16xf32>,
        %scatter3A_1003 = arith.constant 0 : i32
        %scatter3A_1004 = arith.constant 0 : i32
        %scatter3A_1005 = arith.constant 0 : i32
        %scatter3A_1006 = tpu.memref_slice %arg7[%scatter3A_1003, %scatter3A_1004, %scatter3A_1005] : memref<2x32x128xf32, #tpu.memory_space<vmem>> -> memref<1x32x128xf32, #tpu.memory_space<vmem>>
        %scatter3A_1007 = tpu.memref_squeeze %scatter3A_1006 : memref<1x32x128xf32, #tpu.memory_space<vmem>> -> memref<32x128xf32, #tpu.memory_space<vmem>>
        tpu.vector_store_idx %scatter3A_1007[%add3A_961, %add3A_609], %gather3A_967 : memref<32x128xf32, #tpu.memory_space<vmem>>[vector<16xi32>, vector<16xi32>], vector<16xf32>,
        %mul3A_1008 = arith.constant 2 : i32
        %mul3A_1009 = arith.muli %scan3A_601, %mul3A_1008 : i32
        %add3A_1010 = arith.constant 1 : i32
        %add3A_1011 = arith.addi %mul3A_1009, %add3A_1010 : i32
        %mul3A_1012 = arith.constant 16 : i32
        %mul3A_1013 = arith.muli %add3A_1011, %mul3A_1012 : i32
        %add3A_1014 = vector.broadcast %mul3A_1013 : i32 to vector<16xi32>
        %add3A_1015 = arith.addi %iota3A, %add3A_1014 : vector<16xi32>
        %gather3A_1016 = arith.constant 0 : i32
        %gather3A_1017 = arith.constant 0 : i32
        %gather3A_1018 = arith.constant 0 : i32
        %gather3A_1019 = tpu.memref_slice %arg6[%gather3A_1016, %gather3A_1017, %gather3A_1018] : memref<2x128x32xf32, #tpu.memory_space<vmem>> -> memref<1x128x32xf32, #tpu.memory_space<vmem>>
        %gather3A_1020 = tpu.memref_squeeze %gather3A_1019 : memref<1x128x32xf32, #tpu.memory_space<vmem>> -> memref<128x32xf32, #tpu.memory_space<vmem>>
        %gather3A_1021 = tpu.vector_load_idx %gather3A_1020[%add3A_1015, %rem3A_9] : memref<128x32xf32, #tpu.memory_space<vmem>>[vector<16xi32>, vector<16xi32>], vector<16xf32>,
        %add3A_1022 = arith.constant 16 : i32
        %add3A_1023 = vector.broadcast %add3A_1022 : i32 to vector<16xi32>
        %add3A_1024 = arith.addi %rem3A_9, %add3A_1023 : vector<16xi32>
        %gather3A_1025 = arith.constant 0 : i32
        %gather3A_1026 = arith.constant 0 : i32
        %gather3A_1027 = arith.constant 0 : i32
        %gather3A_1028 = tpu.memref_slice %arg6[%gather3A_1025, %gather3A_1026, %gather3A_1027] : memref<2x128x32xf32, #tpu.memory_space<vmem>> -> memref<1x128x32xf32, #tpu.memory_space<vmem>>
        %gather3A_1029 = tpu.memref_squeeze %gather3A_1028 : memref<1x128x32xf32, #tpu.memory_space<vmem>> -> memref<128x32xf32, #tpu.memory_space<vmem>>
        %gather3A_1030 = tpu.vector_load_idx %gather3A_1029[%add3A_1015, %add3A_1024] : memref<128x32xf32, #tpu.memory_space<vmem>>[vector<16xi32>, vector<16xi32>], vector<16xf32>,
        %gather3A_1031 = arith.constant 0 : i32
        %gather3A_1032 = arith.constant 0 : i32
        %gather3A_1033 = arith.constant 0 : i32
        %gather3A_1034 = tpu.memref_slice %arg6[%gather3A_1031, %gather3A_1032, %gather3A_1033] : memref<2x128x32xf32, #tpu.memory_space<vmem>> -> memref<1x128x32xf32, #tpu.memory_space<vmem>>
        %gather3A_1035 = tpu.memref_squeeze %gather3A_1034 : memref<1x128x32xf32, #tpu.memory_space<vmem>> -> memref<128x32xf32, #tpu.memory_space<vmem>>
        %gather3A_1036 = tpu.vector_load_idx %gather3A_1035[%add3A_1015, %rem3A_15] : memref<128x32xf32, #tpu.memory_space<vmem>>[vector<16xi32>, vector<16xi32>], vector<16xf32>,
        %add3A_1037 = arith.constant 16 : i32
        %add3A_1038 = vector.broadcast %add3A_1037 : i32 to vector<16xi32>
        %add3A_1039 = arith.addi %rem3A_15, %add3A_1038 : vector<16xi32>
        %gather3A_1040 = arith.constant 0 : i32
        %gather3A_1041 = arith.constant 0 : i32
        %gather3A_1042 = arith.constant 0 : i32
        %gather3A_1043 = tpu.memref_slice %arg6[%gather3A_1040, %gather3A_1041, %gather3A_1042] : memref<2x128x32xf32, #tpu.memory_space<vmem>> -> memref<1x128x32xf32, #tpu.memory_space<vmem>>
        %gather3A_1044 = tpu.memref_squeeze %gather3A_1043 : memref<1x128x32xf32, #tpu.memory_space<vmem>> -> memref<128x32xf32, #tpu.memory_space<vmem>>
        %gather3A_1045 = tpu.vector_load_idx %gather3A_1044[%add3A_1015, %add3A_1039] : memref<128x32xf32, #tpu.memory_space<vmem>>[vector<16xi32>, vector<16xi32>], vector<16xf32>,
        %gather3A_1046 = arith.constant 0 : i32
        %gather3A_1047 = arith.constant 0 : i32
        %gather3A_1048 = arith.constant 0 : i32
        %gather3A_1049 = tpu.memref_slice %arg6[%gather3A_1046, %gather3A_1047, %gather3A_1048] : memref<2x128x32xf32, #tpu.memory_space<vmem>> -> memref<1x128x32xf32, #tpu.memory_space<vmem>>
        %gather3A_1050 = tpu.memref_squeeze %gather3A_1049 : memref<1x128x32xf32, #tpu.memory_space<vmem>> -> memref<128x32xf32, #tpu.memory_space<vmem>>
        %gather3A_1051 = tpu.vector_load_idx %gather3A_1050[%add3A_1015, %rem3A_21] : memref<128x32xf32, #tpu.memory_space<vmem>>[vector<16xi32>, vector<16xi32>], vector<16xf32>,
        %add3A_1052 = arith.constant 16 : i32
        %add3A_1053 = vector.broadcast %add3A_1052 : i32 to vector<16xi32>
        %add3A_1054 = arith.addi %rem3A_21, %add3A_1053 : vector<16xi32>
        %gather3A_1055 = arith.constant 0 : i32
        %gather3A_1056 = arith.constant 0 : i32
        %gather3A_1057 = arith.constant 0 : i32
        %gather3A_1058 = tpu.memref_slice %arg6[%gather3A_1055, %gather3A_1056, %gather3A_1057] : memref<2x128x32xf32, #tpu.memory_space<vmem>> -> memref<1x128x32xf32, #tpu.memory_space<vmem>>
        %gather3A_1059 = tpu.memref_squeeze %gather3A_1058 : memref<1x128x32xf32, #tpu.memory_space<vmem>> -> memref<128x32xf32, #tpu.memory_space<vmem>>
        %gather3A_1060 = tpu.vector_load_idx %gather3A_1059[%add3A_1015, %add3A_1054] : memref<128x32xf32, #tpu.memory_space<vmem>>[vector<16xi32>, vector<16xi32>], vector<16xf32>,
        %gather3A_1061 = arith.constant 0 : i32
        %gather3A_1062 = arith.constant 0 : i32
        %gather3A_1063 = arith.constant 0 : i32
        %gather3A_1064 = tpu.memref_slice %arg6[%gather3A_1061, %gather3A_1062, %gather3A_1063] : memref<2x128x32xf32, #tpu.memory_space<vmem>> -> memref<1x128x32xf32, #tpu.memory_space<vmem>>
        %gather3A_1065 = tpu.memref_squeeze %gather3A_1064 : memref<1x128x32xf32, #tpu.memory_space<vmem>> -> memref<128x32xf32, #tpu.memory_space<vmem>>
        %gather3A_1066 = tpu.vector_load_idx %gather3A_1065[%add3A_1015, %rem3A_27] : memref<128x32xf32, #tpu.memory_space<vmem>>[vector<16xi32>, vector<16xi32>], vector<16xf32>,
        %add3A_1067 = arith.constant 16 : i32
        %add3A_1068 = vector.broadcast %add3A_1067 : i32 to vector<16xi32>
        %add3A_1069 = arith.addi %rem3A_27, %add3A_1068 : vector<16xi32>
        %gather3A_1070 = arith.constant 0 : i32
        %gather3A_1071 = arith.constant 0 : i32
        %gather3A_1072 = arith.constant 0 : i32
        %gather3A_1073 = tpu.memref_slice %arg6[%gather3A_1070, %gather3A_1071, %gather3A_1072] : memref<2x128x32xf32, #tpu.memory_space<vmem>> -> memref<1x128x32xf32, #tpu.memory_space<vmem>>
        %gather3A_1074 = tpu.memref_squeeze %gather3A_1073 : memref<1x128x32xf32, #tpu.memory_space<vmem>> -> memref<128x32xf32, #tpu.memory_space<vmem>>
        %gather3A_1075 = tpu.vector_load_idx %gather3A_1074[%add3A_1015, %add3A_1069] : memref<128x32xf32, #tpu.memory_space<vmem>>[vector<16xi32>, vector<16xi32>], vector<16xf32>,
        %scatter3A_1076 = arith.constant 0 : i32
        %scatter3A_1077 = arith.constant 0 : i32
        %scatter3A_1078 = arith.constant 0 : i32
        %scatter3A_1079 = tpu.memref_slice %arg7[%scatter3A_1076, %scatter3A_1077, %scatter3A_1078] : memref<2x32x128xf32, #tpu.memory_space<vmem>> -> memref<1x32x128xf32, #tpu.memory_space<vmem>>
        %scatter3A_1080 = tpu.memref_squeeze %scatter3A_1079 : memref<1x32x128xf32, #tpu.memory_space<vmem>> -> memref<32x128xf32, #tpu.memory_space<vmem>>
        tpu.vector_store_idx %scatter3A_1080[%rem3A_9, %add3A_1015], %gather3A_1021 : memref<32x128xf32, #tpu.memory_space<vmem>>[vector<16xi32>, vector<16xi32>], vector<16xf32>,
        %scatter3A_1081 = arith.constant 0 : i32
        %scatter3A_1082 = arith.constant 0 : i32
        %scatter3A_1083 = arith.constant 0 : i32
        %scatter3A_1084 = tpu.memref_slice %arg7[%scatter3A_1081, %scatter3A_1082, %scatter3A_1083] : memref<2x32x128xf32, #tpu.memory_space<vmem>> -> memref<1x32x128xf32, #tpu.memory_space<vmem>>
        %scatter3A_1085 = tpu.memref_squeeze %scatter3A_1084 : memref<1x32x128xf32, #tpu.memory_space<vmem>> -> memref<32x128xf32, #tpu.memory_space<vmem>>
        tpu.vector_store_idx %scatter3A_1085[%add3A_1024, %add3A_1015], %gather3A_1030 : memref<32x128xf32, #tpu.memory_space<vmem>>[vector<16xi32>, vector<16xi32>], vector<16xf32>,
        %scatter3A_1086 = arith.constant 0 : i32
        %scatter3A_1087 = arith.constant 0 : i32
        %scatter3A_1088 = arith.constant 0 : i32
        %scatter3A_1089 = tpu.memref_slice %arg7[%scatter3A_1086, %scatter3A_1087, %scatter3A_1088] : memref<2x32x128xf32, #tpu.memory_space<vmem>> -> memref<1x32x128xf32, #tpu.memory_space<vmem>>
        %scatter3A_1090 = tpu.memref_squeeze %scatter3A_1089 : memref<1x32x128xf32, #tpu.memory_space<vmem>> -> memref<32x128xf32, #tpu.memory_space<vmem>>
        tpu.vector_store_idx %scatter3A_1090[%rem3A_15, %add3A_1015], %gather3A_1036 : memref<32x128xf32, #tpu.memory_space<vmem>>[vector<16xi32>, vector<16xi32>], vector<16xf32>,
        %scatter3A_1091 = arith.constant 0 : i32
        %scatter3A_1092 = arith.constant 0 : i32
        %scatter3A_1093 = arith.constant 0 : i32
        %scatter3A_1094 = tpu.memref_slice %arg7[%scatter3A_1091, %scatter3A_1092, %scatter3A_1093] : memref<2x32x128xf32, #tpu.memory_space<vmem>> -> memref<1x32x128xf32, #tpu.memory_space<vmem>>
        %scatter3A_1095 = tpu.memref_squeeze %scatter3A_1094 : memref<1x32x128xf32, #tpu.memory_space<vmem>> -> memref<32x128xf32, #tpu.memory_space<vmem>>
        tpu.vector_store_idx %scatter3A_1095[%add3A_1039, %add3A_1015], %gather3A_1045 : memref<32x128xf32, #tpu.memory_space<vmem>>[vector<16xi32>, vector<16xi32>], vector<16xf32>,
        %scatter3A_1096 = arith.constant 0 : i32
        %scatter3A_1097 = arith.constant 0 : i32
        %scatter3A_1098 = arith.constant 0 : i32
        %scatter3A_1099 = tpu.memref_slice %arg7[%scatter3A_1096, %scatter3A_1097, %scatter3A_1098] : memref<2x32x128xf32, #tpu.memory_space<vmem>> -> memref<1x32x128xf32, #tpu.memory_space<vmem>>
        %scatter3A_1100 = tpu.memref_squeeze %scatter3A_1099 : memref<1x32x128xf32, #tpu.memory_space<vmem>> -> memref<32x128xf32, #tpu.memory_space<vmem>>
        tpu.vector_store_idx %scatter3A_1100[%rem3A_21, %add3A_1015], %gather3A_1051 : memref<32x128xf32, #tpu.memory_space<vmem>>[vector<16xi32>, vector<16xi32>], vector<16xf32>,
        %scatter3A_1101 = arith.constant 0 : i32
        %scatter3A_1102 = arith.constant 0 : i32
        %scatter3A_1103 = arith.constant 0 : i32
        %scatter3A_1104 = tpu.memref_slice %arg7[%scatter3A_1101, %scatter3A_1102, %scatter3A_1103] : memref<2x32x128xf32, #tpu.memory_space<vmem>> -> memref<1x32x128xf32, #tpu.memory_space<vmem>>
        %scatter3A_1105 = tpu.memref_squeeze %scatter3A_1104 : memref<1x32x128xf32, #tpu.memory_space<vmem>> -> memref<32x128xf32, #tpu.memory_space<vmem>>
        tpu.vector_store_idx %scatter3A_1105[%add3A_1054, %add3A_1015], %gather3A_1060 : memref<32x128xf32, #tpu.memory_space<vmem>>[vector<16xi32>, vector<16xi32>], vector<16xf32>,
        %scatter3A_1106 = arith.constant 0 : i32
        %scatter3A_1107 = arith.constant 0 : i32
        %scatter3A_1108 = arith.constant 0 : i32
        %scatter3A_1109 = tpu.memref_slice %arg7[%scatter3A_1106, %scatter3A_1107, %scatter3A_1108] : memref<2x32x128xf32, #tpu.memory_space<vmem>> -> memref<1x32x128xf32, #tpu.memory_space<vmem>>
        %scatter3A_1110 = tpu.memref_squeeze %scatter3A_1109 : memref<1x32x128xf32, #tpu.memory_space<vmem>> -> memref<32x128xf32, #tpu.memory_space<vmem>>
        tpu.vector_store_idx %scatter3A_1110[%rem3A_27, %add3A_1015], %gather3A_1066 : memref<32x128xf32, #tpu.memory_space<vmem>>[vector<16xi32>, vector<16xi32>], vector<16xf32>,
        %scatter3A_1111 = arith.constant 0 : i32
        %scatter3A_1112 = arith.constant 0 : i32
        %scatter3A_1113 = arith.constant 0 : i32
        %scatter3A_1114 = tpu.memref_slice %arg7[%scatter3A_1111, %scatter3A_1112, %scatter3A_1113] : memref<2x32x128xf32, #tpu.memory_space<vmem>> -> memref<1x32x128xf32, #tpu.memory_space<vmem>>
        %scatter3A_1115 = tpu.memref_squeeze %scatter3A_1114 : memref<1x32x128xf32, #tpu.memory_space<vmem>> -> memref<32x128xf32, #tpu.memory_space<vmem>>
        tpu.vector_store_idx %scatter3A_1115[%add3A_1069, %add3A_1015], %gather3A_1075 : memref<32x128xf32, #tpu.memory_space<vmem>>[vector<16xi32>, vector<16xi32>], vector<16xf32>,
        %gather3A_1116 = arith.constant 0 : i32
        %gather3A_1117 = arith.constant 0 : i32
        %gather3A_1118 = arith.constant 0 : i32
        %gather3A_1119 = tpu.memref_slice %arg6[%gather3A_1116, %gather3A_1117, %gather3A_1118] : memref<2x128x32xf32, #tpu.memory_space<vmem>> -> memref<1x128x32xf32, #tpu.memory_space<vmem>>
        %gather3A_1120 = tpu.memref_squeeze %gather3A_1119 : memref<1x128x32xf32, #tpu.memory_space<vmem>> -> memref<128x32xf32, #tpu.memory_space<vmem>>
        %gather3A_1121 = tpu.vector_load_idx %gather3A_1120[%add3A_1015, %rem3A_33] : memref<128x32xf32, #tpu.memory_space<vmem>>[vector<16xi32>, vector<16xi32>], vector<16xf32>,
        %add3A_1122 = arith.constant 16 : i32
        %add3A_1123 = vector.broadcast %add3A_1122 : i32 to vector<16xi32>
        %add3A_1124 = arith.addi %rem3A_33, %add3A_1123 : vector<16xi32>
        %gather3A_1125 = arith.constant 0 : i32
        %gather3A_1126 = arith.constant 0 : i32
        %gather3A_1127 = arith.constant 0 : i32
        %gather3A_1128 = tpu.memref_slice %arg6[%gather3A_1125, %gather3A_1126, %gather3A_1127] : memref<2x128x32xf32, #tpu.memory_space<vmem>> -> memref<1x128x32xf32, #tpu.memory_space<vmem>>
        %gather3A_1129 = tpu.memref_squeeze %gather3A_1128 : memref<1x128x32xf32, #tpu.memory_space<vmem>> -> memref<128x32xf32, #tpu.memory_space<vmem>>
        %gather3A_1130 = tpu.vector_load_idx %gather3A_1129[%add3A_1015, %add3A_1124] : memref<128x32xf32, #tpu.memory_space<vmem>>[vector<16xi32>, vector<16xi32>], vector<16xf32>,
        %gather3A_1131 = arith.constant 0 : i32
        %gather3A_1132 = arith.constant 0 : i32
        %gather3A_1133 = arith.constant 0 : i32
        %gather3A_1134 = tpu.memref_slice %arg6[%gather3A_1131, %gather3A_1132, %gather3A_1133] : memref<2x128x32xf32, #tpu.memory_space<vmem>> -> memref<1x128x32xf32, #tpu.memory_space<vmem>>
        %gather3A_1135 = tpu.memref_squeeze %gather3A_1134 : memref<1x128x32xf32, #tpu.memory_space<vmem>> -> memref<128x32xf32, #tpu.memory_space<vmem>>
        %gather3A_1136 = tpu.vector_load_idx %gather3A_1135[%add3A_1015, %rem3A_39] : memref<128x32xf32, #tpu.memory_space<vmem>>[vector<16xi32>, vector<16xi32>], vector<16xf32>,
        %add3A_1137 = arith.constant 16 : i32
        %add3A_1138 = vector.broadcast %add3A_1137 : i32 to vector<16xi32>
        %add3A_1139 = arith.addi %rem3A_39, %add3A_1138 : vector<16xi32>
        %gather3A_1140 = arith.constant 0 : i32
        %gather3A_1141 = arith.constant 0 : i32
        %gather3A_1142 = arith.constant 0 : i32
        %gather3A_1143 = tpu.memref_slice %arg6[%gather3A_1140, %gather3A_1141, %gather3A_1142] : memref<2x128x32xf32, #tpu.memory_space<vmem>> -> memref<1x128x32xf32, #tpu.memory_space<vmem>>
        %gather3A_1144 = tpu.memref_squeeze %gather3A_1143 : memref<1x128x32xf32, #tpu.memory_space<vmem>> -> memref<128x32xf32, #tpu.memory_space<vmem>>
        %gather3A_1145 = tpu.vector_load_idx %gather3A_1144[%add3A_1015, %add3A_1139] : memref<128x32xf32, #tpu.memory_space<vmem>>[vector<16xi32>, vector<16xi32>], vector<16xf32>,
        %gather3A_1146 = arith.constant 0 : i32
        %gather3A_1147 = arith.constant 0 : i32
        %gather3A_1148 = arith.constant 0 : i32
        %gather3A_1149 = tpu.memref_slice %arg6[%gather3A_1146, %gather3A_1147, %gather3A_1148] : memref<2x128x32xf32, #tpu.memory_space<vmem>> -> memref<1x128x32xf32, #tpu.memory_space<vmem>>
        %gather3A_1150 = tpu.memref_squeeze %gather3A_1149 : memref<1x128x32xf32, #tpu.memory_space<vmem>> -> memref<128x32xf32, #tpu.memory_space<vmem>>
        %gather3A_1151 = tpu.vector_load_idx %gather3A_1150[%add3A_1015, %rem3A_45] : memref<128x32xf32, #tpu.memory_space<vmem>>[vector<16xi32>, vector<16xi32>], vector<16xf32>,
        %add3A_1152 = arith.constant 16 : i32
        %add3A_1153 = vector.broadcast %add3A_1152 : i32 to vector<16xi32>
        %add3A_1154 = arith.addi %rem3A_45, %add3A_1153 : vector<16xi32>
        %gather3A_1155 = arith.constant 0 : i32
        %gather3A_1156 = arith.constant 0 : i32
        %gather3A_1157 = arith.constant 0 : i32
        %gather3A_1158 = tpu.memref_slice %arg6[%gather3A_1155, %gather3A_1156, %gather3A_1157] : memref<2x128x32xf32, #tpu.memory_space<vmem>> -> memref<1x128x32xf32, #tpu.memory_space<vmem>>
        %gather3A_1159 = tpu.memref_squeeze %gather3A_1158 : memref<1x128x32xf32, #tpu.memory_space<vmem>> -> memref<128x32xf32, #tpu.memory_space<vmem>>
        %gather3A_1160 = tpu.vector_load_idx %gather3A_1159[%add3A_1015, %add3A_1154] : memref<128x32xf32, #tpu.memory_space<vmem>>[vector<16xi32>, vector<16xi32>], vector<16xf32>,
        %gather3A_1161 = arith.constant 0 : i32
        %gather3A_1162 = arith.constant 0 : i32
        %gather3A_1163 = arith.constant 0 : i32
        %gather3A_1164 = tpu.memref_slice %arg6[%gather3A_1161, %gather3A_1162, %gather3A_1163] : memref<2x128x32xf32, #tpu.memory_space<vmem>> -> memref<1x128x32xf32, #tpu.memory_space<vmem>>
        %gather3A_1165 = tpu.memref_squeeze %gather3A_1164 : memref<1x128x32xf32, #tpu.memory_space<vmem>> -> memref<128x32xf32, #tpu.memory_space<vmem>>
        %gather3A_1166 = tpu.vector_load_idx %gather3A_1165[%add3A_1015, %rem3A_51] : memref<128x32xf32, #tpu.memory_space<vmem>>[vector<16xi32>, vector<16xi32>], vector<16xf32>,
        %add3A_1167 = arith.constant 16 : i32
        %add3A_1168 = vector.broadcast %add3A_1167 : i32 to vector<16xi32>
        %add3A_1169 = arith.addi %rem3A_51, %add3A_1168 : vector<16xi32>
        %gather3A_1170 = arith.constant 0 : i32
        %gather3A_1171 = arith.constant 0 : i32
        %gather3A_1172 = arith.constant 0 : i32
        %gather3A_1173 = tpu.memref_slice %arg6[%gather3A_1170, %gather3A_1171, %gather3A_1172] : memref<2x128x32xf32, #tpu.memory_space<vmem>> -> memref<1x128x32xf32, #tpu.memory_space<vmem>>
        %gather3A_1174 = tpu.memref_squeeze %gather3A_1173 : memref<1x128x32xf32, #tpu.memory_space<vmem>> -> memref<128x32xf32, #tpu.memory_space<vmem>>
        %gather3A_1175 = tpu.vector_load_idx %gather3A_1174[%add3A_1015, %add3A_1169] : memref<128x32xf32, #tpu.memory_space<vmem>>[vector<16xi32>, vector<16xi32>], vector<16xf32>,
        %scatter3A_1176 = arith.constant 0 : i32
        %scatter3A_1177 = arith.constant 0 : i32
        %scatter3A_1178 = arith.constant 0 : i32
        %scatter3A_1179 = tpu.memref_slice %arg7[%scatter3A_1176, %scatter3A_1177, %scatter3A_1178] : memref<2x32x128xf32, #tpu.memory_space<vmem>> -> memref<1x32x128xf32, #tpu.memory_space<vmem>>
        %scatter3A_1180 = tpu.memref_squeeze %scatter3A_1179 : memref<1x32x128xf32, #tpu.memory_space<vmem>> -> memref<32x128xf32, #tpu.memory_space<vmem>>
        tpu.vector_store_idx %scatter3A_1180[%rem3A_33, %add3A_1015], %gather3A_1121 : memref<32x128xf32, #tpu.memory_space<vmem>>[vector<16xi32>, vector<16xi32>], vector<16xf32>,
        %scatter3A_1181 = arith.constant 0 : i32
        %scatter3A_1182 = arith.constant 0 : i32
        %scatter3A_1183 = arith.constant 0 : i32
        %scatter3A_1184 = tpu.memref_slice %arg7[%scatter3A_1181, %scatter3A_1182, %scatter3A_1183] : memref<2x32x128xf32, #tpu.memory_space<vmem>> -> memref<1x32x128xf32, #tpu.memory_space<vmem>>
        %scatter3A_1185 = tpu.memref_squeeze %scatter3A_1184 : memref<1x32x128xf32, #tpu.memory_space<vmem>> -> memref<32x128xf32, #tpu.memory_space<vmem>>
        tpu.vector_store_idx %scatter3A_1185[%add3A_1124, %add3A_1015], %gather3A_1130 : memref<32x128xf32, #tpu.memory_space<vmem>>[vector<16xi32>, vector<16xi32>], vector<16xf32>,
        %scatter3A_1186 = arith.constant 0 : i32
        %scatter3A_1187 = arith.constant 0 : i32
        %scatter3A_1188 = arith.constant 0 : i32
        %scatter3A_1189 = tpu.memref_slice %arg7[%scatter3A_1186, %scatter3A_1187, %scatter3A_1188] : memref<2x32x128xf32, #tpu.memory_space<vmem>> -> memref<1x32x128xf32, #tpu.memory_space<vmem>>
        %scatter3A_1190 = tpu.memref_squeeze %scatter3A_1189 : memref<1x32x128xf32, #tpu.memory_space<vmem>> -> memref<32x128xf32, #tpu.memory_space<vmem>>
        tpu.vector_store_idx %scatter3A_1190[%rem3A_39, %add3A_1015], %gather3A_1136 : memref<32x128xf32, #tpu.memory_space<vmem>>[vector<16xi32>, vector<16xi32>], vector<16xf32>,
        %scatter3A_1191 = arith.constant 0 : i32
        %scatter3A_1192 = arith.constant 0 : i32
        %scatter3A_1193 = arith.constant 0 : i32
        %scatter3A_1194 = tpu.memref_slice %arg7[%scatter3A_1191, %scatter3A_1192, %scatter3A_1193] : memref<2x32x128xf32, #tpu.memory_space<vmem>> -> memref<1x32x128xf32, #tpu.memory_space<vmem>>
        %scatter3A_1195 = tpu.memref_squeeze %scatter3A_1194 : memref<1x32x128xf32, #tpu.memory_space<vmem>> -> memref<32x128xf32, #tpu.memory_space<vmem>>
        tpu.vector_store_idx %scatter3A_1195[%add3A_1139, %add3A_1015], %gather3A_1145 : memref<32x128xf32, #tpu.memory_space<vmem>>[vector<16xi32>, vector<16xi32>], vector<16xf32>,
        %scatter3A_1196 = arith.constant 0 : i32
        %scatter3A_1197 = arith.constant 0 : i32
        %scatter3A_1198 = arith.constant 0 : i32
        %scatter3A_1199 = tpu.memref_slice %arg7[%scatter3A_1196, %scatter3A_1197, %scatter3A_1198] : memref<2x32x128xf32, #tpu.memory_space<vmem>> -> memref<1x32x128xf32, #tpu.memory_space<vmem>>
        %scatter3A_1200 = tpu.memref_squeeze %scatter3A_1199 : memref<1x32x128xf32, #tpu.memory_space<vmem>> -> memref<32x128xf32, #tpu.memory_space<vmem>>
        tpu.vector_store_idx %scatter3A_1200[%rem3A_45, %add3A_1015], %gather3A_1151 : memref<32x128xf32, #tpu.memory_space<vmem>>[vector<16xi32>, vector<16xi32>], vector<16xf32>,
        %scatter3A_1201 = arith.constant 0 : i32
        %scatter3A_1202 = arith.constant 0 : i32
        %scatter3A_1203 = arith.constant 0 : i32
        %scatter3A_1204 = tpu.memref_slice %arg7[%scatter3A_1201, %scatter3A_1202, %scatter3A_1203] : memref<2x32x128xf32, #tpu.memory_space<vmem>> -> memref<1x32x128xf32, #tpu.memory_space<vmem>>
        %scatter3A_1205 = tpu.memref_squeeze %scatter3A_1204 : memref<1x32x128xf32, #tpu.memory_space<vmem>> -> memref<32x128xf32, #tpu.memory_space<vmem>>
        tpu.vector_store_idx %scatter3A_1205[%add3A_1154, %add3A_1015], %gather3A_1160 : memref<32x128xf32, #tpu.memory_space<vmem>>[vector<16xi32>, vector<16xi32>], vector<16xf32>,
        %scatter3A_1206 = arith.constant 0 : i32
        %scatter3A_1207 = arith.constant 0 : i32
        %scatter3A_1208 = arith.constant 0 : i32
        %scatter3A_1209 = tpu.memref_slice %arg7[%scatter3A_1206, %scatter3A_1207, %scatter3A_1208] : memref<2x32x128xf32, #tpu.memory_space<vmem>> -> memref<1x32x128xf32, #tpu.memory_space<vmem>>
        %scatter3A_1210 = tpu.memref_squeeze %scatter3A_1209 : memref<1x32x128xf32, #tpu.memory_space<vmem>> -> memref<32x128xf32, #tpu.memory_space<vmem>>
        tpu.vector_store_idx %scatter3A_1210[%rem3A_51, %add3A_1015], %gather3A_1166 : memref<32x128xf32, #tpu.memory_space<vmem>>[vector<16xi32>, vector<16xi32>], vector<16xf32>,
        %scatter3A_1211 = arith.constant 0 : i32
        %scatter3A_1212 = arith.constant 0 : i32
        %scatter3A_1213 = arith.constant 0 : i32
        %scatter3A_1214 = tpu.memref_slice %arg7[%scatter3A_1211, %scatter3A_1212, %scatter3A_1213] : memref<2x32x128xf32, #tpu.memory_space<vmem>> -> memref<1x32x128xf32, #tpu.memory_space<vmem>>
        %scatter3A_1215 = tpu.memref_squeeze %scatter3A_1214 : memref<1x32x128xf32, #tpu.memory_space<vmem>> -> memref<32x128xf32, #tpu.memory_space<vmem>>
        tpu.vector_store_idx %scatter3A_1215[%add3A_1169, %add3A_1015], %gather3A_1175 : memref<32x128xf32, #tpu.memory_space<vmem>>[vector<16xi32>, vector<16xi32>], vector<16xf32>,
        %gather3A_1216 = arith.constant 0 : i32
        %gather3A_1217 = arith.constant 0 : i32
        %gather3A_1218 = arith.constant 0 : i32
        %gather3A_1219 = tpu.memref_slice %arg6[%gather3A_1216, %gather3A_1217, %gather3A_1218] : memref<2x128x32xf32, #tpu.memory_space<vmem>> -> memref<1x128x32xf32, #tpu.memory_space<vmem>>
        %gather3A_1220 = tpu.memref_squeeze %gather3A_1219 : memref<1x128x32xf32, #tpu.memory_space<vmem>> -> memref<128x32xf32, #tpu.memory_space<vmem>>
        %gather3A_1221 = tpu.vector_load_idx %gather3A_1220[%add3A_1015, %rem3A_57] : memref<128x32xf32, #tpu.memory_space<vmem>>[vector<16xi32>, vector<16xi32>], vector<16xf32>,
        %add3A_1222 = arith.constant 16 : i32
        %add3A_1223 = vector.broadcast %add3A_1222 : i32 to vector<16xi32>
        %add3A_1224 = arith.addi %rem3A_57, %add3A_1223 : vector<16xi32>
        %gather3A_1225 = arith.constant 0 : i32
        %gather3A_1226 = arith.constant 0 : i32
        %gather3A_1227 = arith.constant 0 : i32
        %gather3A_1228 = tpu.memref_slice %arg6[%gather3A_1225, %gather3A_1226, %gather3A_1227] : memref<2x128x32xf32, #tpu.memory_space<vmem>> -> memref<1x128x32xf32, #tpu.memory_space<vmem>>
        %gather3A_1229 = tpu.memref_squeeze %gather3A_1228 : memref<1x128x32xf32, #tpu.memory_space<vmem>> -> memref<128x32xf32, #tpu.memory_space<vmem>>
        %gather3A_1230 = tpu.vector_load_idx %gather3A_1229[%add3A_1015, %add3A_1224] : memref<128x32xf32, #tpu.memory_space<vmem>>[vector<16xi32>, vector<16xi32>], vector<16xf32>,
        %gather3A_1231 = arith.constant 0 : i32
        %gather3A_1232 = arith.constant 0 : i32
        %gather3A_1233 = arith.constant 0 : i32
        %gather3A_1234 = tpu.memref_slice %arg6[%gather3A_1231, %gather3A_1232, %gather3A_1233] : memref<2x128x32xf32, #tpu.memory_space<vmem>> -> memref<1x128x32xf32, #tpu.memory_space<vmem>>
        %gather3A_1235 = tpu.memref_squeeze %gather3A_1234 : memref<1x128x32xf32, #tpu.memory_space<vmem>> -> memref<128x32xf32, #tpu.memory_space<vmem>>
        %gather3A_1236 = tpu.vector_load_idx %gather3A_1235[%add3A_1015, %rem3A_63] : memref<128x32xf32, #tpu.memory_space<vmem>>[vector<16xi32>, vector<16xi32>], vector<16xf32>,
        %add3A_1237 = arith.constant 16 : i32
        %add3A_1238 = vector.broadcast %add3A_1237 : i32 to vector<16xi32>
        %add3A_1239 = arith.addi %rem3A_63, %add3A_1238 : vector<16xi32>
        %gather3A_1240 = arith.constant 0 : i32
        %gather3A_1241 = arith.constant 0 : i32
        %gather3A_1242 = arith.constant 0 : i32
        %gather3A_1243 = tpu.memref_slice %arg6[%gather3A_1240, %gather3A_1241, %gather3A_1242] : memref<2x128x32xf32, #tpu.memory_space<vmem>> -> memref<1x128x32xf32, #tpu.memory_space<vmem>>
        %gather3A_1244 = tpu.memref_squeeze %gather3A_1243 : memref<1x128x32xf32, #tpu.memory_space<vmem>> -> memref<128x32xf32, #tpu.memory_space<vmem>>
        %gather3A_1245 = tpu.vector_load_idx %gather3A_1244[%add3A_1015, %add3A_1239] : memref<128x32xf32, #tpu.memory_space<vmem>>[vector<16xi32>, vector<16xi32>], vector<16xf32>,
        %gather3A_1246 = arith.constant 0 : i32
        %gather3A_1247 = arith.constant 0 : i32
        %gather3A_1248 = arith.constant 0 : i32
        %gather3A_1249 = tpu.memref_slice %arg6[%gather3A_1246, %gather3A_1247, %gather3A_1248] : memref<2x128x32xf32, #tpu.memory_space<vmem>> -> memref<1x128x32xf32, #tpu.memory_space<vmem>>
        %gather3A_1250 = tpu.memref_squeeze %gather3A_1249 : memref<1x128x32xf32, #tpu.memory_space<vmem>> -> memref<128x32xf32, #tpu.memory_space<vmem>>
        %gather3A_1251 = tpu.vector_load_idx %gather3A_1250[%add3A_1015, %rem3A_69] : memref<128x32xf32, #tpu.memory_space<vmem>>[vector<16xi32>, vector<16xi32>], vector<16xf32>,
        %add3A_1252 = arith.constant 16 : i32
        %add3A_1253 = vector.broadcast %add3A_1252 : i32 to vector<16xi32>
        %add3A_1254 = arith.addi %rem3A_69, %add3A_1253 : vector<16xi32>
        %gather3A_1255 = arith.constant 0 : i32
        %gather3A_1256 = arith.constant 0 : i32
        %gather3A_1257 = arith.constant 0 : i32
        %gather3A_1258 = tpu.memref_slice %arg6[%gather3A_1255, %gather3A_1256, %gather3A_1257] : memref<2x128x32xf32, #tpu.memory_space<vmem>> -> memref<1x128x32xf32, #tpu.memory_space<vmem>>
        %gather3A_1259 = tpu.memref_squeeze %gather3A_1258 : memref<1x128x32xf32, #tpu.memory_space<vmem>> -> memref<128x32xf32, #tpu.memory_space<vmem>>
        %gather3A_1260 = tpu.vector_load_idx %gather3A_1259[%add3A_1015, %add3A_1254] : memref<128x32xf32, #tpu.memory_space<vmem>>[vector<16xi32>, vector<16xi32>], vector<16xf32>,
        %gather3A_1261 = arith.constant 0 : i32
        %gather3A_1262 = arith.constant 0 : i32
        %gather3A_1263 = arith.constant 0 : i32
        %gather3A_1264 = tpu.memref_slice %arg6[%gather3A_1261, %gather3A_1262, %gather3A_1263] : memref<2x128x32xf32, #tpu.memory_space<vmem>> -> memref<1x128x32xf32, #tpu.memory_space<vmem>>
        %gather3A_1265 = tpu.memref_squeeze %gather3A_1264 : memref<1x128x32xf32, #tpu.memory_space<vmem>> -> memref<128x32xf32, #tpu.memory_space<vmem>>
        %gather3A_1266 = tpu.vector_load_idx %gather3A_1265[%add3A_1015, %rem3A_75] : memref<128x32xf32, #tpu.memory_space<vmem>>[vector<16xi32>, vector<16xi32>], vector<16xf32>,
        %add3A_1267 = arith.constant 16 : i32
        %add3A_1268 = vector.broadcast %add3A_1267 : i32 to vector<16xi32>
        %add3A_1269 = arith.addi %rem3A_75, %add3A_1268 : vector<16xi32>
        %gather3A_1270 = arith.constant 0 : i32
        %gather3A_1271 = arith.constant 0 : i32
        %gather3A_1272 = arith.constant 0 : i32
        %gather3A_1273 = tpu.memref_slice %arg6[%gather3A_1270, %gather3A_1271, %gather3A_1272] : memref<2x128x32xf32, #tpu.memory_space<vmem>> -> memref<1x128x32xf32, #tpu.memory_space<vmem>>
        %gather3A_1274 = tpu.memref_squeeze %gather3A_1273 : memref<1x128x32xf32, #tpu.memory_space<vmem>> -> memref<128x32xf32, #tpu.memory_space<vmem>>
        %gather3A_1275 = tpu.vector_load_idx %gather3A_1274[%add3A_1015, %add3A_1269] : memref<128x32xf32, #tpu.memory_space<vmem>>[vector<16xi32>, vector<16xi32>], vector<16xf32>,
        %scatter3A_1276 = arith.constant 0 : i32
        %scatter3A_1277 = arith.constant 0 : i32
        %scatter3A_1278 = arith.constant 0 : i32
        %scatter3A_1279 = tpu.memref_slice %arg7[%scatter3A_1276, %scatter3A_1277, %scatter3A_1278] : memref<2x32x128xf32, #tpu.memory_space<vmem>> -> memref<1x32x128xf32, #tpu.memory_space<vmem>>
        %scatter3A_1280 = tpu.memref_squeeze %scatter3A_1279 : memref<1x32x128xf32, #tpu.memory_space<vmem>> -> memref<32x128xf32, #tpu.memory_space<vmem>>
        tpu.vector_store_idx %scatter3A_1280[%rem3A_57, %add3A_1015], %gather3A_1221 : memref<32x128xf32, #tpu.memory_space<vmem>>[vector<16xi32>, vector<16xi32>], vector<16xf32>,
        %scatter3A_1281 = arith.constant 0 : i32
        %scatter3A_1282 = arith.constant 0 : i32
        %scatter3A_1283 = arith.constant 0 : i32
        %scatter3A_1284 = tpu.memref_slice %arg7[%scatter3A_1281, %scatter3A_1282, %scatter3A_1283] : memref<2x32x128xf32, #tpu.memory_space<vmem>> -> memref<1x32x128xf32, #tpu.memory_space<vmem>>
        %scatter3A_1285 = tpu.memref_squeeze %scatter3A_1284 : memref<1x32x128xf32, #tpu.memory_space<vmem>> -> memref<32x128xf32, #tpu.memory_space<vmem>>
        tpu.vector_store_idx %scatter3A_1285[%add3A_1224, %add3A_1015], %gather3A_1230 : memref<32x128xf32, #tpu.memory_space<vmem>>[vector<16xi32>, vector<16xi32>], vector<16xf32>,
        %scatter3A_1286 = arith.constant 0 : i32
        %scatter3A_1287 = arith.constant 0 : i32
        %scatter3A_1288 = arith.constant 0 : i32
        %scatter3A_1289 = tpu.memref_slice %arg7[%scatter3A_1286, %scatter3A_1287, %scatter3A_1288] : memref<2x32x128xf32, #tpu.memory_space<vmem>> -> memref<1x32x128xf32, #tpu.memory_space<vmem>>
        %scatter3A_1290 = tpu.memref_squeeze %scatter3A_1289 : memref<1x32x128xf32, #tpu.memory_space<vmem>> -> memref<32x128xf32, #tpu.memory_space<vmem>>
        tpu.vector_store_idx %scatter3A_1290[%rem3A_63, %add3A_1015], %gather3A_1236 : memref<32x128xf32, #tpu.memory_space<vmem>>[vector<16xi32>, vector<16xi32>], vector<16xf32>,
        %scatter3A_1291 = arith.constant 0 : i32
        %scatter3A_1292 = arith.constant 0 : i32
        %scatter3A_1293 = arith.constant 0 : i32
        %scatter3A_1294 = tpu.memref_slice %arg7[%scatter3A_1291, %scatter3A_1292, %scatter3A_1293] : memref<2x32x128xf32, #tpu.memory_space<vmem>> -> memref<1x32x128xf32, #tpu.memory_space<vmem>>
        %scatter3A_1295 = tpu.memref_squeeze %scatter3A_1294 : memref<1x32x128xf32, #tpu.memory_space<vmem>> -> memref<32x128xf32, #tpu.memory_space<vmem>>
        tpu.vector_store_idx %scatter3A_1295[%add3A_1239, %add3A_1015], %gather3A_1245 : memref<32x128xf32, #tpu.memory_space<vmem>>[vector<16xi32>, vector<16xi32>], vector<16xf32>,
        %scatter3A_1296 = arith.constant 0 : i32
        %scatter3A_1297 = arith.constant 0 : i32
        %scatter3A_1298 = arith.constant 0 : i32
        %scatter3A_1299 = tpu.memref_slice %arg7[%scatter3A_1296, %scatter3A_1297, %scatter3A_1298] : memref<2x32x128xf32, #tpu.memory_space<vmem>> -> memref<1x32x128xf32, #tpu.memory_space<vmem>>
        %scatter3A_1300 = tpu.memref_squeeze %scatter3A_1299 : memref<1x32x128xf32, #tpu.memory_space<vmem>> -> memref<32x128xf32, #tpu.memory_space<vmem>>
        tpu.vector_store_idx %scatter3A_1300[%rem3A_69, %add3A_1015], %gather3A_1251 : memref<32x128xf32, #tpu.memory_space<vmem>>[vector<16xi32>, vector<16xi32>], vector<16xf32>,
        %scatter3A_1301 = arith.constant 0 : i32
        %scatter3A_1302 = arith.constant 0 : i32
        %scatter3A_1303 = arith.constant 0 : i32
        %scatter3A_1304 = tpu.memref_slice %arg7[%scatter3A_1301, %scatter3A_1302, %scatter3A_1303] : memref<2x32x128xf32, #tpu.memory_space<vmem>> -> memref<1x32x128xf32, #tpu.memory_space<vmem>>
        %scatter3A_1305 = tpu.memref_squeeze %scatter3A_1304 : memref<1x32x128xf32, #tpu.memory_space<vmem>> -> memref<32x128xf32, #tpu.memory_space<vmem>>
        tpu.vector_store_idx %scatter3A_1305[%add3A_1254, %add3A_1015], %gather3A_1260 : memref<32x128xf32, #tpu.memory_space<vmem>>[vector<16xi32>, vector<16xi32>], vector<16xf32>,
        %scatter3A_1306 = arith.constant 0 : i32
        %scatter3A_1307 = arith.constant 0 : i32
        %scatter3A_1308 = arith.constant 0 : i32
        %scatter3A_1309 = tpu.memref_slice %arg7[%scatter3A_1306, %scatter3A_1307, %scatter3A_1308] : memref<2x32x128xf32, #tpu.memory_space<vmem>> -> memref<1x32x128xf32, #tpu.memory_space<vmem>>
        %scatter3A_1310 = tpu.memref_squeeze %scatter3A_1309 : memref<1x32x128xf32, #tpu.memory_space<vmem>> -> memref<32x128xf32, #tpu.memory_space<vmem>>
        tpu.vector_store_idx %scatter3A_1310[%rem3A_75, %add3A_1015], %gather3A_1266 : memref<32x128xf32, #tpu.memory_space<vmem>>[vector<16xi32>, vector<16xi32>], vector<16xf32>,
        %scatter3A_1311 = arith.constant 0 : i32
        %scatter3A_1312 = arith.constant 0 : i32
        %scatter3A_1313 = arith.constant 0 : i32
        %scatter3A_1314 = tpu.memref_slice %arg7[%scatter3A_1311, %scatter3A_1312, %scatter3A_1313] : memref<2x32x128xf32, #tpu.memory_space<vmem>> -> memref<1x32x128xf32, #tpu.memory_space<vmem>>
        %scatter3A_1315 = tpu.memref_squeeze %scatter3A_1314 : memref<1x32x128xf32, #tpu.memory_space<vmem>> -> memref<32x128xf32, #tpu.memory_space<vmem>>
        tpu.vector_store_idx %scatter3A_1315[%add3A_1269, %add3A_1015], %gather3A_1275 : memref<32x128xf32, #tpu.memory_space<vmem>>[vector<16xi32>, vector<16xi32>], vector<16xf32>,
        %gather3A_1316 = arith.constant 0 : i32
        %gather3A_1317 = arith.constant 0 : i32
        %gather3A_1318 = arith.constant 0 : i32
        %gather3A_1319 = tpu.memref_slice %arg6[%gather3A_1316, %gather3A_1317, %gather3A_1318] : memref<2x128x32xf32, #tpu.memory_space<vmem>> -> memref<1x128x32xf32, #tpu.memory_space<vmem>>
        %gather3A_1320 = tpu.memref_squeeze %gather3A_1319 : memref<1x128x32xf32, #tpu.memory_space<vmem>> -> memref<128x32xf32, #tpu.memory_space<vmem>>
        %gather3A_1321 = tpu.vector_load_idx %gather3A_1320[%add3A_1015, %rem3A_81] : memref<128x32xf32, #tpu.memory_space<vmem>>[vector<16xi32>, vector<16xi32>], vector<16xf32>,
        %add3A_1322 = arith.constant 16 : i32
        %add3A_1323 = vector.broadcast %add3A_1322 : i32 to vector<16xi32>
        %add3A_1324 = arith.addi %rem3A_81, %add3A_1323 : vector<16xi32>
        %gather3A_1325 = arith.constant 0 : i32
        %gather3A_1326 = arith.constant 0 : i32
        %gather3A_1327 = arith.constant 0 : i32
        %gather3A_1328 = tpu.memref_slice %arg6[%gather3A_1325, %gather3A_1326, %gather3A_1327] : memref<2x128x32xf32, #tpu.memory_space<vmem>> -> memref<1x128x32xf32, #tpu.memory_space<vmem>>
        %gather3A_1329 = tpu.memref_squeeze %gather3A_1328 : memref<1x128x32xf32, #tpu.memory_space<vmem>> -> memref<128x32xf32, #tpu.memory_space<vmem>>
        %gather3A_1330 = tpu.vector_load_idx %gather3A_1329[%add3A_1015, %add3A_1324] : memref<128x32xf32, #tpu.memory_space<vmem>>[vector<16xi32>, vector<16xi32>], vector<16xf32>,
        %gather3A_1331 = arith.constant 0 : i32
        %gather3A_1332 = arith.constant 0 : i32
        %gather3A_1333 = arith.constant 0 : i32
        %gather3A_1334 = tpu.memref_slice %arg6[%gather3A_1331, %gather3A_1332, %gather3A_1333] : memref<2x128x32xf32, #tpu.memory_space<vmem>> -> memref<1x128x32xf32, #tpu.memory_space<vmem>>
        %gather3A_1335 = tpu.memref_squeeze %gather3A_1334 : memref<1x128x32xf32, #tpu.memory_space<vmem>> -> memref<128x32xf32, #tpu.memory_space<vmem>>
        %gather3A_1336 = tpu.vector_load_idx %gather3A_1335[%add3A_1015, %rem3A_87] : memref<128x32xf32, #tpu.memory_space<vmem>>[vector<16xi32>, vector<16xi32>], vector<16xf32>,
        %add3A_1337 = arith.constant 16 : i32
        %add3A_1338 = vector.broadcast %add3A_1337 : i32 to vector<16xi32>
        %add3A_1339 = arith.addi %rem3A_87, %add3A_1338 : vector<16xi32>
        %gather3A_1340 = arith.constant 0 : i32
        %gather3A_1341 = arith.constant 0 : i32
        %gather3A_1342 = arith.constant 0 : i32
        %gather3A_1343 = tpu.memref_slice %arg6[%gather3A_1340, %gather3A_1341, %gather3A_1342] : memref<2x128x32xf32, #tpu.memory_space<vmem>> -> memref<1x128x32xf32, #tpu.memory_space<vmem>>
        %gather3A_1344 = tpu.memref_squeeze %gather3A_1343 : memref<1x128x32xf32, #tpu.memory_space<vmem>> -> memref<128x32xf32, #tpu.memory_space<vmem>>
        %gather3A_1345 = tpu.vector_load_idx %gather3A_1344[%add3A_1015, %add3A_1339] : memref<128x32xf32, #tpu.memory_space<vmem>>[vector<16xi32>, vector<16xi32>], vector<16xf32>,
        %gather3A_1346 = arith.constant 0 : i32
        %gather3A_1347 = arith.constant 0 : i32
        %gather3A_1348 = arith.constant 0 : i32
        %gather3A_1349 = tpu.memref_slice %arg6[%gather3A_1346, %gather3A_1347, %gather3A_1348] : memref<2x128x32xf32, #tpu.memory_space<vmem>> -> memref<1x128x32xf32, #tpu.memory_space<vmem>>
        %gather3A_1350 = tpu.memref_squeeze %gather3A_1349 : memref<1x128x32xf32, #tpu.memory_space<vmem>> -> memref<128x32xf32, #tpu.memory_space<vmem>>
        %gather3A_1351 = tpu.vector_load_idx %gather3A_1350[%add3A_1015, %rem3A_93] : memref<128x32xf32, #tpu.memory_space<vmem>>[vector<16xi32>, vector<16xi32>], vector<16xf32>,
        %add3A_1352 = arith.constant 16 : i32
        %add3A_1353 = vector.broadcast %add3A_1352 : i32 to vector<16xi32>
        %add3A_1354 = arith.addi %rem3A_93, %add3A_1353 : vector<16xi32>
        %gather3A_1355 = arith.constant 0 : i32
        %gather3A_1356 = arith.constant 0 : i32
        %gather3A_1357 = arith.constant 0 : i32
        %gather3A_1358 = tpu.memref_slice %arg6[%gather3A_1355, %gather3A_1356, %gather3A_1357] : memref<2x128x32xf32, #tpu.memory_space<vmem>> -> memref<1x128x32xf32, #tpu.memory_space<vmem>>
        %gather3A_1359 = tpu.memref_squeeze %gather3A_1358 : memref<1x128x32xf32, #tpu.memory_space<vmem>> -> memref<128x32xf32, #tpu.memory_space<vmem>>
        %gather3A_1360 = tpu.vector_load_idx %gather3A_1359[%add3A_1015, %add3A_1354] : memref<128x32xf32, #tpu.memory_space<vmem>>[vector<16xi32>, vector<16xi32>], vector<16xf32>,
        %gather3A_1361 = arith.constant 0 : i32
        %gather3A_1362 = arith.constant 0 : i32
        %gather3A_1363 = arith.constant 0 : i32
        %gather3A_1364 = tpu.memref_slice %arg6[%gather3A_1361, %gather3A_1362, %gather3A_1363] : memref<2x128x32xf32, #tpu.memory_space<vmem>> -> memref<1x128x32xf32, #tpu.memory_space<vmem>>
        %gather3A_1365 = tpu.memref_squeeze %gather3A_1364 : memref<1x128x32xf32, #tpu.memory_space<vmem>> -> memref<128x32xf32, #tpu.memory_space<vmem>>
        %gather3A_1366 = tpu.vector_load_idx %gather3A_1365[%add3A_1015, %rem3A_99] : memref<128x32xf32, #tpu.memory_space<vmem>>[vector<16xi32>, vector<16xi32>], vector<16xf32>,
        %add3A_1367 = arith.constant 16 : i32
        %add3A_1368 = vector.broadcast %add3A_1367 : i32 to vector<16xi32>
        %add3A_1369 = arith.addi %rem3A_99, %add3A_1368 : vector<16xi32>
        %gather3A_1370 = arith.constant 0 : i32
        %gather3A_1371 = arith.constant 0 : i32
        %gather3A_1372 = arith.constant 0 : i32
        %gather3A_1373 = tpu.memref_slice %arg6[%gather3A_1370, %gather3A_1371, %gather3A_1372] : memref<2x128x32xf32, #tpu.memory_space<vmem>> -> memref<1x128x32xf32, #tpu.memory_space<vmem>>
        %gather3A_1374 = tpu.memref_squeeze %gather3A_1373 : memref<1x128x32xf32, #tpu.memory_space<vmem>> -> memref<128x32xf32, #tpu.memory_space<vmem>>
        %gather3A_1375 = tpu.vector_load_idx %gather3A_1374[%add3A_1015, %add3A_1369] : memref<128x32xf32, #tpu.memory_space<vmem>>[vector<16xi32>, vector<16xi32>], vector<16xf32>,
        %scatter3A_1376 = arith.constant 0 : i32
        %scatter3A_1377 = arith.constant 0 : i32
        %scatter3A_1378 = arith.constant 0 : i32
        %scatter3A_1379 = tpu.memref_slice %arg7[%scatter3A_1376, %scatter3A_1377, %scatter3A_1378] : memref<2x32x128xf32, #tpu.memory_space<vmem>> -> memref<1x32x128xf32, #tpu.memory_space<vmem>>
        %scatter3A_1380 = tpu.memref_squeeze %scatter3A_1379 : memref<1x32x128xf32, #tpu.memory_space<vmem>> -> memref<32x128xf32, #tpu.memory_space<vmem>>
        tpu.vector_store_idx %scatter3A_1380[%rem3A_81, %add3A_1015], %gather3A_1321 : memref<32x128xf32, #tpu.memory_space<vmem>>[vector<16xi32>, vector<16xi32>], vector<16xf32>,
        %scatter3A_1381 = arith.constant 0 : i32
        %scatter3A_1382 = arith.constant 0 : i32
        %scatter3A_1383 = arith.constant 0 : i32
        %scatter3A_1384 = tpu.memref_slice %arg7[%scatter3A_1381, %scatter3A_1382, %scatter3A_1383] : memref<2x32x128xf32, #tpu.memory_space<vmem>> -> memref<1x32x128xf32, #tpu.memory_space<vmem>>
        %scatter3A_1385 = tpu.memref_squeeze %scatter3A_1384 : memref<1x32x128xf32, #tpu.memory_space<vmem>> -> memref<32x128xf32, #tpu.memory_space<vmem>>
        tpu.vector_store_idx %scatter3A_1385[%add3A_1324, %add3A_1015], %gather3A_1330 : memref<32x128xf32, #tpu.memory_space<vmem>>[vector<16xi32>, vector<16xi32>], vector<16xf32>,
        %scatter3A_1386 = arith.constant 0 : i32
        %scatter3A_1387 = arith.constant 0 : i32
        %scatter3A_1388 = arith.constant 0 : i32
        %scatter3A_1389 = tpu.memref_slice %arg7[%scatter3A_1386, %scatter3A_1387, %scatter3A_1388] : memref<2x32x128xf32, #tpu.memory_space<vmem>> -> memref<1x32x128xf32, #tpu.memory_space<vmem>>
        %scatter3A_1390 = tpu.memref_squeeze %scatter3A_1389 : memref<1x32x128xf32, #tpu.memory_space<vmem>> -> memref<32x128xf32, #tpu.memory_space<vmem>>
        tpu.vector_store_idx %scatter3A_1390[%rem3A_87, %add3A_1015], %gather3A_1336 : memref<32x128xf32, #tpu.memory_space<vmem>>[vector<16xi32>, vector<16xi32>], vector<16xf32>,
        %scatter3A_1391 = arith.constant 0 : i32
        %scatter3A_1392 = arith.constant 0 : i32
        %scatter3A_1393 = arith.constant 0 : i32
        %scatter3A_1394 = tpu.memref_slice %arg7[%scatter3A_1391, %scatter3A_1392, %scatter3A_1393] : memref<2x32x128xf32, #tpu.memory_space<vmem>> -> memref<1x32x128xf32, #tpu.memory_space<vmem>>
        %scatter3A_1395 = tpu.memref_squeeze %scatter3A_1394 : memref<1x32x128xf32, #tpu.memory_space<vmem>> -> memref<32x128xf32, #tpu.memory_space<vmem>>
        tpu.vector_store_idx %scatter3A_1395[%add3A_1339, %add3A_1015], %gather3A_1345 : memref<32x128xf32, #tpu.memory_space<vmem>>[vector<16xi32>, vector<16xi32>], vector<16xf32>,
        %scatter3A_1396 = arith.constant 0 : i32
        %scatter3A_1397 = arith.constant 0 : i32
        %scatter3A_1398 = arith.constant 0 : i32
        %scatter3A_1399 = tpu.memref_slice %arg7[%scatter3A_1396, %scatter3A_1397, %scatter3A_1398] : memref<2x32x128xf32, #tpu.memory_space<vmem>> -> memref<1x32x128xf32, #tpu.memory_space<vmem>>
        %scatter3A_1400 = tpu.memref_squeeze %scatter3A_1399 : memref<1x32x128xf32, #tpu.memory_space<vmem>> -> memref<32x128xf32, #tpu.memory_space<vmem>>
        tpu.vector_store_idx %scatter3A_1400[%rem3A_93, %add3A_1015], %gather3A_1351 : memref<32x128xf32, #tpu.memory_space<vmem>>[vector<16xi32>, vector<16xi32>], vector<16xf32>,
        %scatter3A_1401 = arith.constant 0 : i32
        %scatter3A_1402 = arith.constant 0 : i32
        %scatter3A_1403 = arith.constant 0 : i32
        %scatter3A_1404 = tpu.memref_slice %arg7[%scatter3A_1401, %scatter3A_1402, %scatter3A_1403] : memref<2x32x128xf32, #tpu.memory_space<vmem>> -> memref<1x32x128xf32, #tpu.memory_space<vmem>>
        %scatter3A_1405 = tpu.memref_squeeze %scatter3A_1404 : memref<1x32x128xf32, #tpu.memory_space<vmem>> -> memref<32x128xf32, #tpu.memory_space<vmem>>
        tpu.vector_store_idx %scatter3A_1405[%add3A_1354, %add3A_1015], %gather3A_1360 : memref<32x128xf32, #tpu.memory_space<vmem>>[vector<16xi32>, vector<16xi32>], vector<16xf32>,
        %scatter3A_1406 = arith.constant 0 : i32
        %scatter3A_1407 = arith.constant 0 : i32
        %scatter3A_1408 = arith.constant 0 : i32
        %scatter3A_1409 = tpu.memref_slice %arg7[%scatter3A_1406, %scatter3A_1407, %scatter3A_1408] : memref<2x32x128xf32, #tpu.memory_space<vmem>> -> memref<1x32x128xf32, #tpu.memory_space<vmem>>
        %scatter3A_1410 = tpu.memref_squeeze %scatter3A_1409 : memref<1x32x128xf32, #tpu.memory_space<vmem>> -> memref<32x128xf32, #tpu.memory_space<vmem>>
        tpu.vector_store_idx %scatter3A_1410[%rem3A_99, %add3A_1015], %gather3A_1366 : memref<32x128xf32, #tpu.memory_space<vmem>>[vector<16xi32>, vector<16xi32>], vector<16xf32>,
        %scatter3A_1411 = arith.constant 0 : i32
        %scatter3A_1412 = arith.constant 0 : i32
        %scatter3A_1413 = arith.constant 0 : i32
        %scatter3A_1414 = tpu.memref_slice %arg7[%scatter3A_1411, %scatter3A_1412, %scatter3A_1413] : memref<2x32x128xf32, #tpu.memory_space<vmem>> -> memref<1x32x128xf32, #tpu.memory_space<vmem>>
        %scatter3A_1415 = tpu.memref_squeeze %scatter3A_1414 : memref<1x32x128xf32, #tpu.memory_space<vmem>> -> memref<32x128xf32, #tpu.memory_space<vmem>>
        tpu.vector_store_idx %scatter3A_1415[%add3A_1369, %add3A_1015], %gather3A_1375 : memref<32x128xf32, #tpu.memory_space<vmem>>[vector<16xi32>, vector<16xi32>], vector<16xf32>,
      }
      %scan3A_343 = arith.constant 4 : i32
      %le3A = arith.constant 98 : i32
      %le3A_344 = arith.cmpi sle, %scan3A_313, %le3A : i32
      %convert_element_type3A_345 = arith.extui %le3A_344 : i1 to i32
      %cond3A_346 = arith.constant 0 : i32
      %cond3A_347 = arith.cmpi ne, %convert_element_type3A_345, %cond3A_346 : i32
      scf.if %cond3A_347 {
        %add3A_601 = arith.constant 2 : i32
        %add3A_602 = arith.addi %add3A_317, %add3A_601 : i32
        %mul3A_603 = arith.constant 128 : i32
        %mul3A_604 = arith.muli %add3A_602, %mul3A_603 : i32
        %dma_start3A_605 = arith.constant 0 : i32
        %dma_start3A_606 = arith.constant 0 : i32
        %dma_start3A_607 = arith.constant 0 : i32
        %dma_start3A_608 = arith.constant 0 : i32
        %dma_start3A_609 = tpu.memref_slice %arg6[%dma_start3A_605, %dma_start3A_607, %dma_start3A_608] : memref<2x128x32xf32, #tpu.memory_space<vmem>> -> memref<1x128x32xf32, #tpu.memory_space<vmem>>
        %dma_start3A_610 = tpu.memref_squeeze %dma_start3A_609 : memref<1x128x32xf32, #tpu.memory_space<vmem>> -> memref<128x32xf32, #tpu.memory_space<vmem>>
        %dma_start3A_611 = tpu.memref_slice %arg5[%mul3A_604] : memref<25600xi32, #tpu.memory_space<vmem>> -> memref<128xi32, #tpu.memory_space<vmem>>
        %dma_start3A_612 = arith.constant 0 : i32
        %dma_start3A_613 = arith.constant 0 : i32
        %dma_start3A_614 = tpu.memref_slice %arg3[%dma_start3A_612, %dma_start3A_613] : memref<1000000x32xf32, #tpu.memory_space<hbm>> -> memref<1000000x32xf32, #tpu.memory_space<hbm>>
        %dma_start3A_615 = tpu.memref_slice %arg8[%dma_start3A_606] : memref<2x!tpu.dma_semaphore, #tpu.memory_space<semaphore_mem>> -> memref<1x!tpu.dma_semaphore, #tpu.memory_space<semaphore_mem>>
        %dma_start3A_616 = tpu.memref_squeeze %dma_start3A_615 : memref<1x!tpu.dma_semaphore, #tpu.memory_space<semaphore_mem>> -> memref<!tpu.dma_semaphore, #tpu.memory_space<semaphore_mem>>
        tpu.enqueue_indirect_dma source(%dma_start3A_614 : memref<1000000x32xf32, #tpu.memory_space<hbm>>) target(%dma_start3A_610 : memref<128x32xf32, #tpu.memory_space<vmem>>) offsets(%dma_start3A_611 : memref<128xi32, #tpu.memory_space<vmem>>) semaphore(%dma_start3A_616 : memref<!tpu.dma_semaphore, #tpu.memory_space<semaphore_mem>>)
      } else {
      }
      %add3A_348 = arith.addi %mul3A_2, %add3A_317 : i32
      %jit3A = arith.constant 128 : i32
      %div3A = arith.divsi %add3A_348, %jit3A : i32
      %sign3A = arith.constant 0 : i32
      %sign3A_349 = arith.cmpi sgt, %add3A_348, %sign3A : i32
      %sign3A_350 = arith.extui %sign3A_349 : i1 to i32
      %sign3A_351 = arith.constant 0 : i32
      %sign3A_352 = arith.cmpi slt, %add3A_348, %sign3A_351 : i32
      %sign3A_353 = arith.extui %sign3A_352 : i1 to i32
      %sign3A_354 = arith.subi %sign3A_350, %sign3A_353 : i32
      %sign3A_355 = arith.constant 0 : i32
      %sign3A_356 = arith.cmpi sgt, %jit3A, %sign3A_355 : i32
      %sign3A_357 = arith.extui %sign3A_356 : i1 to i32
      %sign3A_358 = arith.constant 0 : i32
      %sign3A_359 = arith.cmpi slt, %jit3A, %sign3A_358 : i32
      %sign3A_360 = arith.extui %sign3A_359 : i1 to i32
      %sign3A_361 = arith.subi %sign3A_357, %sign3A_360 : i32
      %ne3A = arith.cmpi ne, %sign3A_354, %sign3A_361 : i32
      %rem3A_362 = arith.remsi %add3A_348, %jit3A : i32
      %ne3A_363 = arith.constant 0 : i32
      %ne3A_364 = arith.cmpi ne, %rem3A_362, %ne3A_363 : i32
      %and3A = arith.andi %ne3A, %ne3A_364 : i1
      %sub3A = arith.constant 1 : i32
      %sub3A_365 = arith.subi %div3A, %sub3A : i32
      %select_n3A = arith.select %and3A, %sub3A_365, %div3A : i32
      %rem3A_366 = arith.constant 128 : i32
      %rem3A_367 = arith.remsi %add3A_348, %rem3A_366 : i32
      %dma_start3A_368 = arith.constant 0 : i32
      %dma_start3A_369 = arith.constant 0 : i32
      %dma_start3A_370 = arith.constant 0 : i32
      %dma_start3A_371 = arith.constant 0 : i32
      %dma_start3A_372 = arith.constant 0 : i32
      %dma_start3A_373 = tpu.memref_slice %arg7[%dma_start3A_368, %dma_start3A_371, %dma_start3A_372] : memref<2x32x128xf32, #tpu.memory_space<vmem>> -> memref<1x8x128xf32, #tpu.memory_space<vmem>>
      %dma_start3A_374 = tpu.memref_squeeze %dma_start3A_373 : memref<1x8x128xf32, #tpu.memory_space<vmem>> -> memref<8x128xf32, #tpu.memory_space<vmem>>
      %dma_start3A_375 = arith.constant 0 : i32
      %dma_start3A_376 = arith.constant 0 : i32
      %dma_start3A_377 = tpu.memref_slice %arg4[%select_n3A, %dma_start3A_369, %rem3A_367, %dma_start3A_375, %dma_start3A_376] : memref<50x4x128x8x128xf32, #tpu.memory_space<hbm>> -> memref<1x1x1x8x128xf32, #tpu.memory_space<hbm>>
      %dma_start3A_378 = tpu.memref_squeeze %dma_start3A_377 : memref<1x1x1x8x128xf32, #tpu.memory_space<hbm>> -> memref<8x128xf32, #tpu.memory_space<hbm>>
      %dma_start3A_379 = tpu.memref_slice %arg9[%dma_start3A_370] : memref<2x!tpu.dma_semaphore, #tpu.memory_space<semaphore_mem>> -> memref<1x!tpu.dma_semaphore, #tpu.memory_space<semaphore_mem>>
      %dma_start3A_380 = tpu.memref_squeeze %dma_start3A_379 : memref<1x!tpu.dma_semaphore, #tpu.memory_space<semaphore_mem>> -> memref<!tpu.dma_semaphore, #tpu.memory_space<semaphore_mem>>
      %dma_start3A_381 = arith.constant 0 : i32
      %dma_start3A_382 = arith.constant 0 : i32
      %dma_start3A_383 = tpu.memref_slice %arg4[%select_n3A, %dma_start3A_369, %rem3A_367, %dma_start3A_381, %dma_start3A_382] : memref<50x4x128x8x128xf32, #tpu.memory_space<hbm>> -> memref<1x1x1x8x128xf32, #tpu.memory_space<hbm>>
      %dma_start3A_384 = tpu.memref_squeeze %dma_start3A_383 : memref<1x1x1x8x128xf32, #tpu.memory_space<hbm>> -> memref<8x128xf32, #tpu.memory_space<hbm>>
      %dma_start3A_385 = arith.constant 0 : i32
      %dma_start3A_386 = arith.constant 0 : i32
      %dma_start3A_387 = tpu.memref_slice %arg7[%dma_start3A_368, %dma_start3A_385, %dma_start3A_386] : memref<2x32x128xf32, #tpu.memory_space<vmem>> -> memref<1x8x128xf32, #tpu.memory_space<vmem>>
      %dma_start3A_388 = tpu.memref_squeeze %dma_start3A_387 : memref<1x8x128xf32, #tpu.memory_space<vmem>> -> memref<8x128xf32, #tpu.memory_space<vmem>>
      tpu.enqueue_dma source(%dma_start3A_388 : memref<8x128xf32, #tpu.memory_space<vmem>>) target(%dma_start3A_384 : memref<8x128xf32, #tpu.memory_space<hbm>>) target_semaphore(%dma_start3A_380 : memref<!tpu.dma_semaphore, #tpu.memory_space<semaphore_mem>>)
      %dma_start3A_389 = arith.constant 0 : i32
      %dma_start3A_390 = arith.constant 1 : i32
      %dma_start3A_391 = arith.constant 0 : i32
      %dma_start3A_392 = arith.constant 8 : i32
      %dma_start3A_393 = arith.constant 0 : i32
      %dma_start3A_394 = tpu.memref_slice %arg7[%dma_start3A_389, %dma_start3A_392, %dma_start3A_393] : memref<2x32x128xf32, #tpu.memory_space<vmem>> -> memref<1x8x128xf32, #tpu.memory_space<vmem>>
      %dma_start3A_395 = tpu.memref_squeeze %dma_start3A_394 : memref<1x8x128xf32, #tpu.memory_space<vmem>> -> memref<8x128xf32, #tpu.memory_space<vmem>>
      %dma_start3A_396 = arith.constant 0 : i32
      %dma_start3A_397 = arith.constant 0 : i32
      %dma_start3A_398 = tpu.memref_slice %arg4[%select_n3A, %dma_start3A_390, %rem3A_367, %dma_start3A_396, %dma_start3A_397] : memref<50x4x128x8x128xf32, #tpu.memory_space<hbm>> -> memref<1x1x1x8x128xf32, #tpu.memory_space<hbm>>
      %dma_start3A_399 = tpu.memref_squeeze %dma_start3A_398 : memref<1x1x1x8x128xf32, #tpu.memory_space<hbm>> -> memref<8x128xf32, #tpu.memory_space<hbm>>
      %dma_start3A_400 = tpu.memref_slice %arg9[%dma_start3A_391] : memref<2x!tpu.dma_semaphore, #tpu.memory_space<semaphore_mem>> -> memref<1x!tpu.dma_semaphore, #tpu.memory_space<semaphore_mem>>
      %dma_start3A_401 = tpu.memref_squeeze %dma_start3A_400 : memref<1x!tpu.dma_semaphore, #tpu.memory_space<semaphore_mem>> -> memref<!tpu.dma_semaphore, #tpu.memory_space<semaphore_mem>>
      %dma_start3A_402 = arith.constant 0 : i32
      %dma_start3A_403 = arith.constant 0 : i32
      %dma_start3A_404 = tpu.memref_slice %arg4[%select_n3A, %dma_start3A_390, %rem3A_367, %dma_start3A_402, %dma_start3A_403] : memref<50x4x128x8x128xf32, #tpu.memory_space<hbm>> -> memref<1x1x1x8x128xf32, #tpu.memory_space<hbm>>
      %dma_start3A_405 = tpu.memref_squeeze %dma_start3A_404 : memref<1x1x1x8x128xf32, #tpu.memory_space<hbm>> -> memref<8x128xf32, #tpu.memory_space<hbm>>
      %dma_start3A_406 = arith.constant 8 : i32
      %dma_start3A_407 = arith.constant 0 : i32
      %dma_start3A_408 = tpu.memref_slice %arg7[%dma_start3A_389, %dma_start3A_406, %dma_start3A_407] : memref<2x32x128xf32, #tpu.memory_space<vmem>> -> memref<1x8x128xf32, #tpu.memory_space<vmem>>
      %dma_start3A_409 = tpu.memref_squeeze %dma_start3A_408 : memref<1x8x128xf32, #tpu.memory_space<vmem>> -> memref<8x128xf32, #tpu.memory_space<vmem>>
      tpu.enqueue_dma source(%dma_start3A_409 : memref<8x128xf32, #tpu.memory_space<vmem>>) target(%dma_start3A_405 : memref<8x128xf32, #tpu.memory_space<hbm>>) target_semaphore(%dma_start3A_401 : memref<!tpu.dma_semaphore, #tpu.memory_space<semaphore_mem>>)
      %dma_start3A_410 = arith.constant 0 : i32
      %dma_start3A_411 = arith.constant 2 : i32
      %dma_start3A_412 = arith.constant 0 : i32
      %dma_start3A_413 = arith.constant 16 : i32
      %dma_start3A_414 = arith.constant 0 : i32
      %dma_start3A_415 = tpu.memref_slice %arg7[%dma_start3A_410, %dma_start3A_413, %dma_start3A_414] : memref<2x32x128xf32, #tpu.memory_space<vmem>> -> memref<1x8x128xf32, #tpu.memory_space<vmem>>
      %dma_start3A_416 = tpu.memref_squeeze %dma_start3A_415 : memref<1x8x128xf32, #tpu.memory_space<vmem>> -> memref<8x128xf32, #tpu.memory_space<vmem>>
      %dma_start3A_417 = arith.constant 0 : i32
      %dma_start3A_418 = arith.constant 0 : i32
      %dma_start3A_419 = tpu.memref_slice %arg4[%select_n3A, %dma_start3A_411, %rem3A_367, %dma_start3A_417, %dma_start3A_418] : memref<50x4x128x8x128xf32, #tpu.memory_space<hbm>> -> memref<1x1x1x8x128xf32, #tpu.memory_space<hbm>>
      %dma_start3A_420 = tpu.memref_squeeze %dma_start3A_419 : memref<1x1x1x8x128xf32, #tpu.memory_space<hbm>> -> memref<8x128xf32, #tpu.memory_space<hbm>>
      %dma_start3A_421 = tpu.memref_slice %arg9[%dma_start3A_412] : memref<2x!tpu.dma_semaphore, #tpu.memory_space<semaphore_mem>> -> memref<1x!tpu.dma_semaphore, #tpu.memory_space<semaphore_mem>>
      %dma_start3A_422 = tpu.memref_squeeze %dma_start3A_421 : memref<1x!tpu.dma_semaphore, #tpu.memory_space<semaphore_mem>> -> memref<!tpu.dma_semaphore, #tpu.memory_space<semaphore_mem>>
      %dma_start3A_423 = arith.constant 0 : i32
      %dma_start3A_424 = arith.constant 0 : i32
      %dma_start3A_425 = tpu.memref_slice %arg4[%select_n3A, %dma_start3A_411, %rem3A_367, %dma_start3A_423, %dma_start3A_424] : memref<50x4x128x8x128xf32, #tpu.memory_space<hbm>> -> memref<1x1x1x8x128xf32, #tpu.memory_space<hbm>>
      %dma_start3A_426 = tpu.memref_squeeze %dma_start3A_425 : memref<1x1x1x8x128xf32, #tpu.memory_space<hbm>> -> memref<8x128xf32, #tpu.memory_space<hbm>>
      %dma_start3A_427 = arith.constant 16 : i32
      %dma_start3A_428 = arith.constant 0 : i32
      %dma_start3A_429 = tpu.memref_slice %arg7[%dma_start3A_410, %dma_start3A_427, %dma_start3A_428] : memref<2x32x128xf32, #tpu.memory_space<vmem>> -> memref<1x8x128xf32, #tpu.memory_space<vmem>>
      %dma_start3A_430 = tpu.memref_squeeze %dma_start3A_429 : memref<1x8x128xf32, #tpu.memory_space<vmem>> -> memref<8x128xf32, #tpu.memory_space<vmem>>
      tpu.enqueue_dma source(%dma_start3A_430 : memref<8x128xf32, #tpu.memory_space<vmem>>) target(%dma_start3A_426 : memref<8x128xf32, #tpu.memory_space<hbm>>) target_semaphore(%dma_start3A_422 : memref<!tpu.dma_semaphore, #tpu.memory_space<semaphore_mem>>)
      %dma_start3A_431 = arith.constant 0 : i32
      %dma_start3A_432 = arith.constant 3 : i32
      %dma_start3A_433 = arith.constant 0 : i32
      %dma_start3A_434 = arith.constant 24 : i32
      %dma_start3A_435 = arith.constant 0 : i32
      %dma_start3A_436 = tpu.memref_slice %arg7[%dma_start3A_431, %dma_start3A_434, %dma_start3A_435] : memref<2x32x128xf32, #tpu.memory_space<vmem>> -> memref<1x8x128xf32, #tpu.memory_space<vmem>>
      %dma_start3A_437 = tpu.memref_squeeze %dma_start3A_436 : memref<1x8x128xf32, #tpu.memory_space<vmem>> -> memref<8x128xf32, #tpu.memory_space<vmem>>
      %dma_start3A_438 = arith.constant 0 : i32
      %dma_start3A_439 = arith.constant 0 : i32
      %dma_start3A_440 = tpu.memref_slice %arg4[%select_n3A, %dma_start3A_432, %rem3A_367, %dma_start3A_438, %dma_start3A_439] : memref<50x4x128x8x128xf32, #tpu.memory_space<hbm>> -> memref<1x1x1x8x128xf32, #tpu.memory_space<hbm>>
      %dma_start3A_441 = tpu.memref_squeeze %dma_start3A_440 : memref<1x1x1x8x128xf32, #tpu.memory_space<hbm>> -> memref<8x128xf32, #tpu.memory_space<hbm>>
      %dma_start3A_442 = tpu.memref_slice %arg9[%dma_start3A_433] : memref<2x!tpu.dma_semaphore, #tpu.memory_space<semaphore_mem>> -> memref<1x!tpu.dma_semaphore, #tpu.memory_space<semaphore_mem>>
      %dma_start3A_443 = tpu.memref_squeeze %dma_start3A_442 : memref<1x!tpu.dma_semaphore, #tpu.memory_space<semaphore_mem>> -> memref<!tpu.dma_semaphore, #tpu.memory_space<semaphore_mem>>
      %dma_start3A_444 = arith.constant 0 : i32
      %dma_start3A_445 = arith.constant 0 : i32
      %dma_start3A_446 = tpu.memref_slice %arg4[%select_n3A, %dma_start3A_432, %rem3A_367, %dma_start3A_444, %dma_start3A_445] : memref<50x4x128x8x128xf32, #tpu.memory_space<hbm>> -> memref<1x1x1x8x128xf32, #tpu.memory_space<hbm>>
      %dma_start3A_447 = tpu.memref_squeeze %dma_start3A_446 : memref<1x1x1x8x128xf32, #tpu.memory_space<hbm>> -> memref<8x128xf32, #tpu.memory_space<hbm>>
      %dma_start3A_448 = arith.constant 24 : i32
      %dma_start3A_449 = arith.constant 0 : i32
      %dma_start3A_450 = tpu.memref_slice %arg7[%dma_start3A_431, %dma_start3A_448, %dma_start3A_449] : memref<2x32x128xf32, #tpu.memory_space<vmem>> -> memref<1x8x128xf32, #tpu.memory_space<vmem>>
      %dma_start3A_451 = tpu.memref_squeeze %dma_start3A_450 : memref<1x8x128xf32, #tpu.memory_space<vmem>> -> memref<8x128xf32, #tpu.memory_space<vmem>>
      tpu.enqueue_dma source(%dma_start3A_451 : memref<8x128xf32, #tpu.memory_space<vmem>>) target(%dma_start3A_447 : memref<8x128xf32, #tpu.memory_space<hbm>>) target_semaphore(%dma_start3A_443 : memref<!tpu.dma_semaphore, #tpu.memory_space<semaphore_mem>>)
      %mul3A_452 = arith.constant 2 : i32
      %mul3A_453 = arith.muli %mul3A_452, %scan3A_313 : i32
      %add3A_454 = arith.constant 1 : i32
      %add3A_455 = arith.addi %mul3A_453, %add3A_454 : i32
      %dma_wait3A_456 = arith.constant 1 : i32
      %dma_wait3A_457 = arith.constant 1 : i32
      %dma_wait3A_458 = arith.constant 0 : i32
      %dma_wait3A_459 = arith.constant 0 : i32
      %dma_wait3A_460 = tpu.memref_slice %arg6[%dma_wait3A_456, %dma_wait3A_458, %dma_wait3A_459] : memref<2x128x32xf32, #tpu.memory_space<vmem>> -> memref<1x128x32xf32, #tpu.memory_space<vmem>>
      %dma_wait3A_461 = tpu.memref_squeeze %dma_wait3A_460 : memref<1x128x32xf32, #tpu.memory_space<vmem>> -> memref<128x32xf32, #tpu.memory_space<vmem>>
      %dma_wait3A_462 = arith.constant 0 : i32
      %dma_wait3A_463 = arith.constant 0 : i32
      %dma_wait3A_464 = tpu.memref_slice %arg3[%dma_wait3A_462, %dma_wait3A_463] : memref<1000000x32xf32, #tpu.memory_space<hbm>> -> memref<128x32xf32, #tpu.memory_space<hbm>>
      %dma_wait3A_465 = tpu.memref_slice %arg8[%dma_wait3A_457] : memref<2x!tpu.dma_semaphore, #tpu.memory_space<semaphore_mem>> -> memref<1x!tpu.dma_semaphore, #tpu.memory_space<semaphore_mem>>
      %dma_wait3A_466 = tpu.memref_squeeze %dma_wait3A_465 : memref<1x!tpu.dma_semaphore, #tpu.memory_space<semaphore_mem>> -> memref<!tpu.dma_semaphore, #tpu.memory_space<semaphore_mem>>
      %dma_wait3A_467 = arith.constant 0 : i32
      %dma_wait3A_468 = arith.constant 0 : i32
      %dma_wait3A_469 = tpu.memref_slice %arg6[%dma_wait3A_456, %dma_wait3A_467, %dma_wait3A_468] : memref<2x128x32xf32, #tpu.memory_space<vmem>> -> memref<1x128x32xf32, #tpu.memory_space<vmem>>
      %dma_wait3A_470 = tpu.memref_squeeze %dma_wait3A_469 : memref<1x128x32xf32, #tpu.memory_space<vmem>> -> memref<128x32xf32, #tpu.memory_space<vmem>>
      %dma_wait3A_471 = arith.constant 0 : i32
      %dma_wait3A_472 = arith.constant 0 : i32
      %dma_wait3A_473 = tpu.memref_slice %arg3[%dma_wait3A_471, %dma_wait3A_472] : memref<1000000x32xf32, #tpu.memory_space<hbm>> -> memref<128x32xf32, #tpu.memory_space<hbm>>
      tpu.wait_dma2 semaphore(%dma_wait3A_466 : memref<!tpu.dma_semaphore, #tpu.memory_space<semaphore_mem>>) src(%dma_wait3A_473 : memref<128x32xf32, #tpu.memory_space<hbm>>) dst(%dma_wait3A_470 : memref<128x32xf32, #tpu.memory_space<vmem>>)
      %ge3A_474 = arith.constant 1 : i32
      %ge3A_475 = arith.cmpi sge, %scan3A_313, %ge3A_474 : i32
      %convert_element_type3A_476 = arith.extui %ge3A_475 : i1 to i32
      %cond3A_477 = arith.constant 0 : i32
      %cond3A_478 = arith.cmpi ne, %convert_element_type3A_476, %cond3A_477 : i32
      scf.if %cond3A_478 {
        %dma_wait3A_601 = arith.constant 1 : i32
        %dma_wait3A_602 = arith.constant 0 : i32
        %dma_wait3A_603 = arith.constant 0 : i32
        %dma_wait3A_604 = arith.constant 0 : i32
        %dma_wait3A_605 = arith.constant 1 : i32
        %dma_wait3A_606 = arith.constant 0 : i32
        %dma_wait3A_607 = arith.constant 0 : i32
        %dma_wait3A_608 = tpu.memref_slice %arg7[%dma_wait3A_601, %dma_wait3A_606, %dma_wait3A_607] : memref<2x32x128xf32, #tpu.memory_space<vmem>> -> memref<1x8x128xf32, #tpu.memory_space<vmem>>
        %dma_wait3A_609 = tpu.memref_squeeze %dma_wait3A_608 : memref<1x8x128xf32, #tpu.memory_space<vmem>> -> memref<8x128xf32, #tpu.memory_space<vmem>>
        %dma_wait3A_610 = arith.constant 0 : i32
        %dma_wait3A_611 = arith.constant 0 : i32
        %dma_wait3A_612 = tpu.memref_slice %arg4[%dma_wait3A_602, %dma_wait3A_603, %dma_wait3A_604, %dma_wait3A_610, %dma_wait3A_611] : memref<50x4x128x8x128xf32, #tpu.memory_space<hbm>> -> memref<1x1x1x8x128xf32, #tpu.memory_space<hbm>>
        %dma_wait3A_613 = tpu.memref_squeeze %dma_wait3A_612 : memref<1x1x1x8x128xf32, #tpu.memory_space<hbm>> -> memref<8x128xf32, #tpu.memory_space<hbm>>
        %dma_wait3A_614 = tpu.memref_slice %arg9[%dma_wait3A_605] : memref<2x!tpu.dma_semaphore, #tpu.memory_space<semaphore_mem>> -> memref<1x!tpu.dma_semaphore, #tpu.memory_space<semaphore_mem>>
        %dma_wait3A_615 = tpu.memref_squeeze %dma_wait3A_614 : memref<1x!tpu.dma_semaphore, #tpu.memory_space<semaphore_mem>> -> memref<!tpu.dma_semaphore, #tpu.memory_space<semaphore_mem>>
        %dma_wait3A_616 = arith.constant 0 : i32
        %dma_wait3A_617 = arith.constant 0 : i32
        %dma_wait3A_618 = tpu.memref_slice %arg4[%dma_wait3A_602, %dma_wait3A_603, %dma_wait3A_604, %dma_wait3A_616, %dma_wait3A_617] : memref<50x4x128x8x128xf32, #tpu.memory_space<hbm>> -> memref<1x1x1x8x128xf32, #tpu.memory_space<hbm>>
        %dma_wait3A_619 = tpu.memref_squeeze %dma_wait3A_618 : memref<1x1x1x8x128xf32, #tpu.memory_space<hbm>> -> memref<8x128xf32, #tpu.memory_space<hbm>>
        %dma_wait3A_620 = arith.constant 0 : i32
        %dma_wait3A_621 = arith.constant 0 : i32
        %dma_wait3A_622 = tpu.memref_slice %arg7[%dma_wait3A_601, %dma_wait3A_620, %dma_wait3A_621] : memref<2x32x128xf32, #tpu.memory_space<vmem>> -> memref<1x8x128xf32, #tpu.memory_space<vmem>>
        %dma_wait3A_623 = tpu.memref_squeeze %dma_wait3A_622 : memref<1x8x128xf32, #tpu.memory_space<vmem>> -> memref<8x128xf32, #tpu.memory_space<vmem>>
        tpu.wait_dma2 semaphore(%dma_wait3A_615 : memref<!tpu.dma_semaphore, #tpu.memory_space<semaphore_mem>>) src(%dma_wait3A_623 : memref<8x128xf32, #tpu.memory_space<vmem>>) dst(%dma_wait3A_619 : memref<8x128xf32, #tpu.memory_space<hbm>>)
        %dma_wait3A_624 = arith.constant 1 : i32
        %dma_wait3A_625 = arith.constant 0 : i32
        %dma_wait3A_626 = arith.constant 1 : i32
        %dma_wait3A_627 = arith.constant 0 : i32
        %dma_wait3A_628 = arith.constant 1 : i32
        %dma_wait3A_629 = arith.constant 8 : i32
        %dma_wait3A_630 = arith.constant 0 : i32
        %dma_wait3A_631 = tpu.memref_slice %arg7[%dma_wait3A_624, %dma_wait3A_629, %dma_wait3A_630] : memref<2x32x128xf32, #tpu.memory_space<vmem>> -> memref<1x8x128xf32, #tpu.memory_space<vmem>>
        %dma_wait3A_632 = tpu.memref_squeeze %dma_wait3A_631 : memref<1x8x128xf32, #tpu.memory_space<vmem>> -> memref<8x128xf32, #tpu.memory_space<vmem>>
        %dma_wait3A_633 = arith.constant 0 : i32
        %dma_wait3A_634 = arith.constant 0 : i32
        %dma_wait3A_635 = tpu.memref_slice %arg4[%dma_wait3A_625, %dma_wait3A_626, %dma_wait3A_627, %dma_wait3A_633, %dma_wait3A_634] : memref<50x4x128x8x128xf32, #tpu.memory_space<hbm>> -> memref<1x1x1x8x128xf32, #tpu.memory_space<hbm>>
        %dma_wait3A_636 = tpu.memref_squeeze %dma_wait3A_635 : memref<1x1x1x8x128xf32, #tpu.memory_space<hbm>> -> memref<8x128xf32, #tpu.memory_space<hbm>>
        %dma_wait3A_637 = tpu.memref_slice %arg9[%dma_wait3A_628] : memref<2x!tpu.dma_semaphore, #tpu.memory_space<semaphore_mem>> -> memref<1x!tpu.dma_semaphore, #tpu.memory_space<semaphore_mem>>
        %dma_wait3A_638 = tpu.memref_squeeze %dma_wait3A_637 : memref<1x!tpu.dma_semaphore, #tpu.memory_space<semaphore_mem>> -> memref<!tpu.dma_semaphore, #tpu.memory_space<semaphore_mem>>
        %dma_wait3A_639 = arith.constant 0 : i32
        %dma_wait3A_640 = arith.constant 0 : i32
        %dma_wait3A_641 = tpu.memref_slice %arg4[%dma_wait3A_625, %dma_wait3A_626, %dma_wait3A_627, %dma_wait3A_639, %dma_wait3A_640] : memref<50x4x128x8x128xf32, #tpu.memory_space<hbm>> -> memref<1x1x1x8x128xf32, #tpu.memory_space<hbm>>
        %dma_wait3A_642 = tpu.memref_squeeze %dma_wait3A_641 : memref<1x1x1x8x128xf32, #tpu.memory_space<hbm>> -> memref<8x128xf32, #tpu.memory_space<hbm>>
        %dma_wait3A_643 = arith.constant 8 : i32
        %dma_wait3A_644 = arith.constant 0 : i32
        %dma_wait3A_645 = tpu.memref_slice %arg7[%dma_wait3A_624, %dma_wait3A_643, %dma_wait3A_644] : memref<2x32x128xf32, #tpu.memory_space<vmem>> -> memref<1x8x128xf32, #tpu.memory_space<vmem>>
        %dma_wait3A_646 = tpu.memref_squeeze %dma_wait3A_645 : memref<1x8x128xf32, #tpu.memory_space<vmem>> -> memref<8x128xf32, #tpu.memory_space<vmem>>
        tpu.wait_dma2 semaphore(%dma_wait3A_638 : memref<!tpu.dma_semaphore, #tpu.memory_space<semaphore_mem>>) src(%dma_wait3A_646 : memref<8x128xf32, #tpu.memory_space<vmem>>) dst(%dma_wait3A_642 : memref<8x128xf32, #tpu.memory_space<hbm>>)
        %dma_wait3A_647 = arith.constant 1 : i32
        %dma_wait3A_648 = arith.constant 0 : i32
        %dma_wait3A_649 = arith.constant 2 : i32
        %dma_wait3A_650 = arith.constant 0 : i32
        %dma_wait3A_651 = arith.constant 1 : i32
        %dma_wait3A_652 = arith.constant 16 : i32
        %dma_wait3A_653 = arith.constant 0 : i32
        %dma_wait3A_654 = tpu.memref_slice %arg7[%dma_wait3A_647, %dma_wait3A_652, %dma_wait3A_653] : memref<2x32x128xf32, #tpu.memory_space<vmem>> -> memref<1x8x128xf32, #tpu.memory_space<vmem>>
        %dma_wait3A_655 = tpu.memref_squeeze %dma_wait3A_654 : memref<1x8x128xf32, #tpu.memory_space<vmem>> -> memref<8x128xf32, #tpu.memory_space<vmem>>
        %dma_wait3A_656 = arith.constant 0 : i32
        %dma_wait3A_657 = arith.constant 0 : i32
        %dma_wait3A_658 = tpu.memref_slice %arg4[%dma_wait3A_648, %dma_wait3A_649, %dma_wait3A_650, %dma_wait3A_656, %dma_wait3A_657] : memref<50x4x128x8x128xf32, #tpu.memory_space<hbm>> -> memref<1x1x1x8x128xf32, #tpu.memory_space<hbm>>
        %dma_wait3A_659 = tpu.memref_squeeze %dma_wait3A_658 : memref<1x1x1x8x128xf32, #tpu.memory_space<hbm>> -> memref<8x128xf32, #tpu.memory_space<hbm>>
        %dma_wait3A_660 = tpu.memref_slice %arg9[%dma_wait3A_651] : memref<2x!tpu.dma_semaphore, #tpu.memory_space<semaphore_mem>> -> memref<1x!tpu.dma_semaphore, #tpu.memory_space<semaphore_mem>>
        %dma_wait3A_661 = tpu.memref_squeeze %dma_wait3A_660 : memref<1x!tpu.dma_semaphore, #tpu.memory_space<semaphore_mem>> -> memref<!tpu.dma_semaphore, #tpu.memory_space<semaphore_mem>>
        %dma_wait3A_662 = arith.constant 0 : i32
        %dma_wait3A_663 = arith.constant 0 : i32
        %dma_wait3A_664 = tpu.memref_slice %arg4[%dma_wait3A_648, %dma_wait3A_649, %dma_wait3A_650, %dma_wait3A_662, %dma_wait3A_663] : memref<50x4x128x8x128xf32, #tpu.memory_space<hbm>> -> memref<1x1x1x8x128xf32, #tpu.memory_space<hbm>>
        %dma_wait3A_665 = tpu.memref_squeeze %dma_wait3A_664 : memref<1x1x1x8x128xf32, #tpu.memory_space<hbm>> -> memref<8x128xf32, #tpu.memory_space<hbm>>
        %dma_wait3A_666 = arith.constant 16 : i32
        %dma_wait3A_667 = arith.constant 0 : i32
        %dma_wait3A_668 = tpu.memref_slice %arg7[%dma_wait3A_647, %dma_wait3A_666, %dma_wait3A_667] : memref<2x32x128xf32, #tpu.memory_space<vmem>> -> memref<1x8x128xf32, #tpu.memory_space<vmem>>
        %dma_wait3A_669 = tpu.memref_squeeze %dma_wait3A_668 : memref<1x8x128xf32, #tpu.memory_space<vmem>> -> memref<8x128xf32, #tpu.memory_space<vmem>>
        tpu.wait_dma2 semaphore(%dma_wait3A_661 : memref<!tpu.dma_semaphore, #tpu.memory_space<semaphore_mem>>) src(%dma_wait3A_669 : memref<8x128xf32, #tpu.memory_space<vmem>>) dst(%dma_wait3A_665 : memref<8x128xf32, #tpu.memory_space<hbm>>)
        %dma_wait3A_670 = arith.constant 1 : i32
        %dma_wait3A_671 = arith.constant 0 : i32
        %dma_wait3A_672 = arith.constant 3 : i32
        %dma_wait3A_673 = arith.constant 0 : i32
        %dma_wait3A_674 = arith.constant 1 : i32
        %dma_wait3A_675 = arith.constant 24 : i32
        %dma_wait3A_676 = arith.constant 0 : i32
        %dma_wait3A_677 = tpu.memref_slice %arg7[%dma_wait3A_670, %dma_wait3A_675, %dma_wait3A_676] : memref<2x32x128xf32, #tpu.memory_space<vmem>> -> memref<1x8x128xf32, #tpu.memory_space<vmem>>
        %dma_wait3A_678 = tpu.memref_squeeze %dma_wait3A_677 : memref<1x8x128xf32, #tpu.memory_space<vmem>> -> memref<8x128xf32, #tpu.memory_space<vmem>>
        %dma_wait3A_679 = arith.constant 0 : i32
        %dma_wait3A_680 = arith.constant 0 : i32
        %dma_wait3A_681 = tpu.memref_slice %arg4[%dma_wait3A_671, %dma_wait3A_672, %dma_wait3A_673, %dma_wait3A_679, %dma_wait3A_680] : memref<50x4x128x8x128xf32, #tpu.memory_space<hbm>> -> memref<1x1x1x8x128xf32, #tpu.memory_space<hbm>>
        %dma_wait3A_682 = tpu.memref_squeeze %dma_wait3A_681 : memref<1x1x1x8x128xf32, #tpu.memory_space<hbm>> -> memref<8x128xf32, #tpu.memory_space<hbm>>
        %dma_wait3A_683 = tpu.memref_slice %arg9[%dma_wait3A_674] : memref<2x!tpu.dma_semaphore, #tpu.memory_space<semaphore_mem>> -> memref<1x!tpu.dma_semaphore, #tpu.memory_space<semaphore_mem>>
        %dma_wait3A_684 = tpu.memref_squeeze %dma_wait3A_683 : memref<1x!tpu.dma_semaphore, #tpu.memory_space<semaphore_mem>> -> memref<!tpu.dma_semaphore, #tpu.memory_space<semaphore_mem>>
        %dma_wait3A_685 = arith.constant 0 : i32
        %dma_wait3A_686 = arith.constant 0 : i32
        %dma_wait3A_687 = tpu.memref_slice %arg4[%dma_wait3A_671, %dma_wait3A_672, %dma_wait3A_673, %dma_wait3A_685, %dma_wait3A_686] : memref<50x4x128x8x128xf32, #tpu.memory_space<hbm>> -> memref<1x1x1x8x128xf32, #tpu.memory_space<hbm>>
        %dma_wait3A_688 = tpu.memref_squeeze %dma_wait3A_687 : memref<1x1x1x8x128xf32, #tpu.memory_space<hbm>> -> memref<8x128xf32, #tpu.memory_space<hbm>>
        %dma_wait3A_689 = arith.constant 24 : i32
        %dma_wait3A_690 = arith.constant 0 : i32
        %dma_wait3A_691 = tpu.memref_slice %arg7[%dma_wait3A_670, %dma_wait3A_689, %dma_wait3A_690] : memref<2x32x128xf32, #tpu.memory_space<vmem>> -> memref<1x8x128xf32, #tpu.memory_space<vmem>>
        %dma_wait3A_692 = tpu.memref_squeeze %dma_wait3A_691 : memref<1x8x128xf32, #tpu.memory_space<vmem>> -> memref<8x128xf32, #tpu.memory_space<vmem>>
        tpu.wait_dma2 semaphore(%dma_wait3A_684 : memref<!tpu.dma_semaphore, #tpu.memory_space<semaphore_mem>>) src(%dma_wait3A_692 : memref<8x128xf32, #tpu.memory_space<vmem>>) dst(%dma_wait3A_688 : memref<8x128xf32, #tpu.memory_space<hbm>>)
      } else {
      }
      %scan3A_479 = arith.constant 0 : i32
      %scan3A_480 = arith.constant 0 : i32
      %scan3A_481 = arith.constant 4 : i32
      %scan3A_482 = arith.addi %scan3A_480, %scan3A_481 : i32
      %scan3A_483 = arith.constant 1 : i32
      scf.for %scan3A_601 = %scan3A_480 to %scan3A_482 step %scan3A_483  : i32 {
        %mul3A_602 = arith.constant 2 : i32
        %mul3A_603 = arith.muli %scan3A_601, %mul3A_602 : i32
        %add3A_604 = arith.constant 0 : i32
        %add3A_605 = arith.addi %mul3A_603, %add3A_604 : i32
        %mul3A_606 = arith.constant 16 : i32
        %mul3A_607 = arith.muli %add3A_605, %mul3A_606 : i32
        %add3A_608 = vector.broadcast %mul3A_607 : i32 to vector<16xi32>
        %add3A_609 = arith.addi %iota3A, %add3A_608 : vector<16xi32>
        %gather3A = arith.constant 1 : i32
        %gather3A_610 = arith.constant 0 : i32
        %gather3A_611 = arith.constant 0 : i32
        %gather3A_612 = tpu.memref_slice %arg6[%gather3A, %gather3A_610, %gather3A_611] : memref<2x128x32xf32, #tpu.memory_space<vmem>> -> memref<1x128x32xf32, #tpu.memory_space<vmem>>
        %gather3A_613 = tpu.memref_squeeze %gather3A_612 : memref<1x128x32xf32, #tpu.memory_space<vmem>> -> memref<128x32xf32, #tpu.memory_space<vmem>>
        %gather3A_614 = tpu.vector_load_idx %gather3A_613[%add3A_609, %rem3A_9] : memref<128x32xf32, #tpu.memory_space<vmem>>[vector<16xi32>, vector<16xi32>], vector<16xf32>,
        %add3A_615 = arith.constant 16 : i32
        %add3A_616 = vector.broadcast %add3A_615 : i32 to vector<16xi32>
        %add3A_617 = arith.addi %rem3A_9, %add3A_616 : vector<16xi32>
        %gather3A_618 = arith.constant 1 : i32
        %gather3A_619 = arith.constant 0 : i32
        %gather3A_620 = arith.constant 0 : i32
        %gather3A_621 = tpu.memref_slice %arg6[%gather3A_618, %gather3A_619, %gather3A_620] : memref<2x128x32xf32, #tpu.memory_space<vmem>> -> memref<1x128x32xf32, #tpu.memory_space<vmem>>
        %gather3A_622 = tpu.memref_squeeze %gather3A_621 : memref<1x128x32xf32, #tpu.memory_space<vmem>> -> memref<128x32xf32, #tpu.memory_space<vmem>>
        %gather3A_623 = tpu.vector_load_idx %gather3A_622[%add3A_609, %add3A_617] : memref<128x32xf32, #tpu.memory_space<vmem>>[vector<16xi32>, vector<16xi32>], vector<16xf32>,
        %gather3A_624 = arith.constant 1 : i32
        %gather3A_625 = arith.constant 0 : i32
        %gather3A_626 = arith.constant 0 : i32
        %gather3A_627 = tpu.memref_slice %arg6[%gather3A_624, %gather3A_625, %gather3A_626] : memref<2x128x32xf32, #tpu.memory_space<vmem>> -> memref<1x128x32xf32, #tpu.memory_space<vmem>>
        %gather3A_628 = tpu.memref_squeeze %gather3A_627 : memref<1x128x32xf32, #tpu.memory_space<vmem>> -> memref<128x32xf32, #tpu.memory_space<vmem>>
        %gather3A_629 = tpu.vector_load_idx %gather3A_628[%add3A_609, %rem3A_15] : memref<128x32xf32, #tpu.memory_space<vmem>>[vector<16xi32>, vector<16xi32>], vector<16xf32>,
        %add3A_630 = arith.constant 16 : i32
        %add3A_631 = vector.broadcast %add3A_630 : i32 to vector<16xi32>
        %add3A_632 = arith.addi %rem3A_15, %add3A_631 : vector<16xi32>
        %gather3A_633 = arith.constant 1 : i32
        %gather3A_634 = arith.constant 0 : i32
        %gather3A_635 = arith.constant 0 : i32
        %gather3A_636 = tpu.memref_slice %arg6[%gather3A_633, %gather3A_634, %gather3A_635] : memref<2x128x32xf32, #tpu.memory_space<vmem>> -> memref<1x128x32xf32, #tpu.memory_space<vmem>>
        %gather3A_637 = tpu.memref_squeeze %gather3A_636 : memref<1x128x32xf32, #tpu.memory_space<vmem>> -> memref<128x32xf32, #tpu.memory_space<vmem>>
        %gather3A_638 = tpu.vector_load_idx %gather3A_637[%add3A_609, %add3A_632] : memref<128x32xf32, #tpu.memory_space<vmem>>[vector<16xi32>, vector<16xi32>], vector<16xf32>,
        %gather3A_639 = arith.constant 1 : i32
        %gather3A_640 = arith.constant 0 : i32
        %gather3A_641 = arith.constant 0 : i32
        %gather3A_642 = tpu.memref_slice %arg6[%gather3A_639, %gather3A_640, %gather3A_641] : memref<2x128x32xf32, #tpu.memory_space<vmem>> -> memref<1x128x32xf32, #tpu.memory_space<vmem>>
        %gather3A_643 = tpu.memref_squeeze %gather3A_642 : memref<1x128x32xf32, #tpu.memory_space<vmem>> -> memref<128x32xf32, #tpu.memory_space<vmem>>
        %gather3A_644 = tpu.vector_load_idx %gather3A_643[%add3A_609, %rem3A_21] : memref<128x32xf32, #tpu.memory_space<vmem>>[vector<16xi32>, vector<16xi32>], vector<16xf32>,
        %add3A_645 = arith.constant 16 : i32
        %add3A_646 = vector.broadcast %add3A_645 : i32 to vector<16xi32>
        %add3A_647 = arith.addi %rem3A_21, %add3A_646 : vector<16xi32>
        %gather3A_648 = arith.constant 1 : i32
        %gather3A_649 = arith.constant 0 : i32
        %gather3A_650 = arith.constant 0 : i32
        %gather3A_651 = tpu.memref_slice %arg6[%gather3A_648, %gather3A_649, %gather3A_650] : memref<2x128x32xf32, #tpu.memory_space<vmem>> -> memref<1x128x32xf32, #tpu.memory_space<vmem>>
        %gather3A_652 = tpu.memref_squeeze %gather3A_651 : memref<1x128x32xf32, #tpu.memory_space<vmem>> -> memref<128x32xf32, #tpu.memory_space<vmem>>
        %gather3A_653 = tpu.vector_load_idx %gather3A_652[%add3A_609, %add3A_647] : memref<128x32xf32, #tpu.memory_space<vmem>>[vector<16xi32>, vector<16xi32>], vector<16xf32>,
        %gather3A_654 = arith.constant 1 : i32
        %gather3A_655 = arith.constant 0 : i32
        %gather3A_656 = arith.constant 0 : i32
        %gather3A_657 = tpu.memref_slice %arg6[%gather3A_654, %gather3A_655, %gather3A_656] : memref<2x128x32xf32, #tpu.memory_space<vmem>> -> memref<1x128x32xf32, #tpu.memory_space<vmem>>
        %gather3A_658 = tpu.memref_squeeze %gather3A_657 : memref<1x128x32xf32, #tpu.memory_space<vmem>> -> memref<128x32xf32, #tpu.memory_space<vmem>>
        %gather3A_659 = tpu.vector_load_idx %gather3A_658[%add3A_609, %rem3A_27] : memref<128x32xf32, #tpu.memory_space<vmem>>[vector<16xi32>, vector<16xi32>], vector<16xf32>,
        %add3A_660 = arith.constant 16 : i32
        %add3A_661 = vector.broadcast %add3A_660 : i32 to vector<16xi32>
        %add3A_662 = arith.addi %rem3A_27, %add3A_661 : vector<16xi32>
        %gather3A_663 = arith.constant 1 : i32
        %gather3A_664 = arith.constant 0 : i32
        %gather3A_665 = arith.constant 0 : i32
        %gather3A_666 = tpu.memref_slice %arg6[%gather3A_663, %gather3A_664, %gather3A_665] : memref<2x128x32xf32, #tpu.memory_space<vmem>> -> memref<1x128x32xf32, #tpu.memory_space<vmem>>
        %gather3A_667 = tpu.memref_squeeze %gather3A_666 : memref<1x128x32xf32, #tpu.memory_space<vmem>> -> memref<128x32xf32, #tpu.memory_space<vmem>>
        %gather3A_668 = tpu.vector_load_idx %gather3A_667[%add3A_609, %add3A_662] : memref<128x32xf32, #tpu.memory_space<vmem>>[vector<16xi32>, vector<16xi32>], vector<16xf32>,
        %scatter3A = arith.constant 1 : i32
        %scatter3A_669 = arith.constant 0 : i32
        %scatter3A_670 = arith.constant 0 : i32
        %scatter3A_671 = tpu.memref_slice %arg7[%scatter3A, %scatter3A_669, %scatter3A_670] : memref<2x32x128xf32, #tpu.memory_space<vmem>> -> memref<1x32x128xf32, #tpu.memory_space<vmem>>
        %scatter3A_672 = tpu.memref_squeeze %scatter3A_671 : memref<1x32x128xf32, #tpu.memory_space<vmem>> -> memref<32x128xf32, #tpu.memory_space<vmem>>
        tpu.vector_store_idx %scatter3A_672[%rem3A_9, %add3A_609], %gather3A_614 : memref<32x128xf32, #tpu.memory_space<vmem>>[vector<16xi32>, vector<16xi32>], vector<16xf32>,
        %scatter3A_673 = arith.constant 1 : i32
        %scatter3A_674 = arith.constant 0 : i32
        %scatter3A_675 = arith.constant 0 : i32
        %scatter3A_676 = tpu.memref_slice %arg7[%scatter3A_673, %scatter3A_674, %scatter3A_675] : memref<2x32x128xf32, #tpu.memory_space<vmem>> -> memref<1x32x128xf32, #tpu.memory_space<vmem>>
        %scatter3A_677 = tpu.memref_squeeze %scatter3A_676 : memref<1x32x128xf32, #tpu.memory_space<vmem>> -> memref<32x128xf32, #tpu.memory_space<vmem>>
        tpu.vector_store_idx %scatter3A_677[%add3A_617, %add3A_609], %gather3A_623 : memref<32x128xf32, #tpu.memory_space<vmem>>[vector<16xi32>, vector<16xi32>], vector<16xf32>,
        %scatter3A_678 = arith.constant 1 : i32
        %scatter3A_679 = arith.constant 0 : i32
        %scatter3A_680 = arith.constant 0 : i32
        %scatter3A_681 = tpu.memref_slice %arg7[%scatter3A_678, %scatter3A_679, %scatter3A_680] : memref<2x32x128xf32, #tpu.memory_space<vmem>> -> memref<1x32x128xf32, #tpu.memory_space<vmem>>
        %scatter3A_682 = tpu.memref_squeeze %scatter3A_681 : memref<1x32x128xf32, #tpu.memory_space<vmem>> -> memref<32x128xf32, #tpu.memory_space<vmem>>
        tpu.vector_store_idx %scatter3A_682[%rem3A_15, %add3A_609], %gather3A_629 : memref<32x128xf32, #tpu.memory_space<vmem>>[vector<16xi32>, vector<16xi32>], vector<16xf32>,
        %scatter3A_683 = arith.constant 1 : i32
        %scatter3A_684 = arith.constant 0 : i32
        %scatter3A_685 = arith.constant 0 : i32
        %scatter3A_686 = tpu.memref_slice %arg7[%scatter3A_683, %scatter3A_684, %scatter3A_685] : memref<2x32x128xf32, #tpu.memory_space<vmem>> -> memref<1x32x128xf32, #tpu.memory_space<vmem>>
        %scatter3A_687 = tpu.memref_squeeze %scatter3A_686 : memref<1x32x128xf32, #tpu.memory_space<vmem>> -> memref<32x128xf32, #tpu.memory_space<vmem>>
        tpu.vector_store_idx %scatter3A_687[%add3A_632, %add3A_609], %gather3A_638 : memref<32x128xf32, #tpu.memory_space<vmem>>[vector<16xi32>, vector<16xi32>], vector<16xf32>,
        %scatter3A_688 = arith.constant 1 : i32
        %scatter3A_689 = arith.constant 0 : i32
        %scatter3A_690 = arith.constant 0 : i32
        %scatter3A_691 = tpu.memref_slice %arg7[%scatter3A_688, %scatter3A_689, %scatter3A_690] : memref<2x32x128xf32, #tpu.memory_space<vmem>> -> memref<1x32x128xf32, #tpu.memory_space<vmem>>
        %scatter3A_692 = tpu.memref_squeeze %scatter3A_691 : memref<1x32x128xf32, #tpu.memory_space<vmem>> -> memref<32x128xf32, #tpu.memory_space<vmem>>
        tpu.vector_store_idx %scatter3A_692[%rem3A_21, %add3A_609], %gather3A_644 : memref<32x128xf32, #tpu.memory_space<vmem>>[vector<16xi32>, vector<16xi32>], vector<16xf32>,
        %scatter3A_693 = arith.constant 1 : i32
        %scatter3A_694 = arith.constant 0 : i32
        %scatter3A_695 = arith.constant 0 : i32
        %scatter3A_696 = tpu.memref_slice %arg7[%scatter3A_693, %scatter3A_694, %scatter3A_695] : memref<2x32x128xf32, #tpu.memory_space<vmem>> -> memref<1x32x128xf32, #tpu.memory_space<vmem>>
        %scatter3A_697 = tpu.memref_squeeze %scatter3A_696 : memref<1x32x128xf32, #tpu.memory_space<vmem>> -> memref<32x128xf32, #tpu.memory_space<vmem>>
        tpu.vector_store_idx %scatter3A_697[%add3A_647, %add3A_609], %gather3A_653 : memref<32x128xf32, #tpu.memory_space<vmem>>[vector<16xi32>, vector<16xi32>], vector<16xf32>,
        %scatter3A_698 = arith.constant 1 : i32
        %scatter3A_699 = arith.constant 0 : i32
        %scatter3A_700 = arith.constant 0 : i32
        %scatter3A_701 = tpu.memref_slice %arg7[%scatter3A_698, %scatter3A_699, %scatter3A_700] : memref<2x32x128xf32, #tpu.memory_space<vmem>> -> memref<1x32x128xf32, #tpu.memory_space<vmem>>
        %scatter3A_702 = tpu.memref_squeeze %scatter3A_701 : memref<1x32x128xf32, #tpu.memory_space<vmem>> -> memref<32x128xf32, #tpu.memory_space<vmem>>
        tpu.vector_store_idx %scatter3A_702[%rem3A_27, %add3A_609], %gather3A_659 : memref<32x128xf32, #tpu.memory_space<vmem>>[vector<16xi32>, vector<16xi32>], vector<16xf32>,
        %scatter3A_703 = arith.constant 1 : i32
        %scatter3A_704 = arith.constant 0 : i32
        %scatter3A_705 = arith.constant 0 : i32
        %scatter3A_706 = tpu.memref_slice %arg7[%scatter3A_703, %scatter3A_704, %scatter3A_705] : memref<2x32x128xf32, #tpu.memory_space<vmem>> -> memref<1x32x128xf32, #tpu.memory_space<vmem>>
        %scatter3A_707 = tpu.memref_squeeze %scatter3A_706 : memref<1x32x128xf32, #tpu.memory_space<vmem>> -> memref<32x128xf32, #tpu.memory_space<vmem>>
        tpu.vector_store_idx %scatter3A_707[%add3A_662, %add3A_609], %gather3A_668 : memref<32x128xf32, #tpu.memory_space<vmem>>[vector<16xi32>, vector<16xi32>], vector<16xf32>,
        %gather3A_708 = arith.constant 1 : i32
        %gather3A_709 = arith.constant 0 : i32
        %gather3A_710 = arith.constant 0 : i32
        %gather3A_711 = tpu.memref_slice %arg6[%gather3A_708, %gather3A_709, %gather3A_710] : memref<2x128x32xf32, #tpu.memory_space<vmem>> -> memref<1x128x32xf32, #tpu.memory_space<vmem>>
        %gather3A_712 = tpu.memref_squeeze %gather3A_711 : memref<1x128x32xf32, #tpu.memory_space<vmem>> -> memref<128x32xf32, #tpu.memory_space<vmem>>
        %gather3A_713 = tpu.vector_load_idx %gather3A_712[%add3A_609, %rem3A_33] : memref<128x32xf32, #tpu.memory_space<vmem>>[vector<16xi32>, vector<16xi32>], vector<16xf32>,
        %add3A_714 = arith.constant 16 : i32
        %add3A_715 = vector.broadcast %add3A_714 : i32 to vector<16xi32>
        %add3A_716 = arith.addi %rem3A_33, %add3A_715 : vector<16xi32>
        %gather3A_717 = arith.constant 1 : i32
        %gather3A_718 = arith.constant 0 : i32
        %gather3A_719 = arith.constant 0 : i32
        %gather3A_720 = tpu.memref_slice %arg6[%gather3A_717, %gather3A_718, %gather3A_719] : memref<2x128x32xf32, #tpu.memory_space<vmem>> -> memref<1x128x32xf32, #tpu.memory_space<vmem>>
        %gather3A_721 = tpu.memref_squeeze %gather3A_720 : memref<1x128x32xf32, #tpu.memory_space<vmem>> -> memref<128x32xf32, #tpu.memory_space<vmem>>
        %gather3A_722 = tpu.vector_load_idx %gather3A_721[%add3A_609, %add3A_716] : memref<128x32xf32, #tpu.memory_space<vmem>>[vector<16xi32>, vector<16xi32>], vector<16xf32>,
        %gather3A_723 = arith.constant 1 : i32
        %gather3A_724 = arith.constant 0 : i32
        %gather3A_725 = arith.constant 0 : i32
        %gather3A_726 = tpu.memref_slice %arg6[%gather3A_723, %gather3A_724, %gather3A_725] : memref<2x128x32xf32, #tpu.memory_space<vmem>> -> memref<1x128x32xf32, #tpu.memory_space<vmem>>
        %gather3A_727 = tpu.memref_squeeze %gather3A_726 : memref<1x128x32xf32, #tpu.memory_space<vmem>> -> memref<128x32xf32, #tpu.memory_space<vmem>>
        %gather3A_728 = tpu.vector_load_idx %gather3A_727[%add3A_609, %rem3A_39] : memref<128x32xf32, #tpu.memory_space<vmem>>[vector<16xi32>, vector<16xi32>], vector<16xf32>,
        %add3A_729 = arith.constant 16 : i32
        %add3A_730 = vector.broadcast %add3A_729 : i32 to vector<16xi32>
        %add3A_731 = arith.addi %rem3A_39, %add3A_730 : vector<16xi32>
        %gather3A_732 = arith.constant 1 : i32
        %gather3A_733 = arith.constant 0 : i32
        %gather3A_734 = arith.constant 0 : i32
        %gather3A_735 = tpu.memref_slice %arg6[%gather3A_732, %gather3A_733, %gather3A_734] : memref<2x128x32xf32, #tpu.memory_space<vmem>> -> memref<1x128x32xf32, #tpu.memory_space<vmem>>
        %gather3A_736 = tpu.memref_squeeze %gather3A_735 : memref<1x128x32xf32, #tpu.memory_space<vmem>> -> memref<128x32xf32, #tpu.memory_space<vmem>>
        %gather3A_737 = tpu.vector_load_idx %gather3A_736[%add3A_609, %add3A_731] : memref<128x32xf32, #tpu.memory_space<vmem>>[vector<16xi32>, vector<16xi32>], vector<16xf32>,
        %gather3A_738 = arith.constant 1 : i32
        %gather3A_739 = arith.constant 0 : i32
        %gather3A_740 = arith.constant 0 : i32
        %gather3A_741 = tpu.memref_slice %arg6[%gather3A_738, %gather3A_739, %gather3A_740] : memref<2x128x32xf32, #tpu.memory_space<vmem>> -> memref<1x128x32xf32, #tpu.memory_space<vmem>>
        %gather3A_742 = tpu.memref_squeeze %gather3A_741 : memref<1x128x32xf32, #tpu.memory_space<vmem>> -> memref<128x32xf32, #tpu.memory_space<vmem>>
        %gather3A_743 = tpu.vector_load_idx %gather3A_742[%add3A_609, %rem3A_45] : memref<128x32xf32, #tpu.memory_space<vmem>>[vector<16xi32>, vector<16xi32>], vector<16xf32>,
        %add3A_744 = arith.constant 16 : i32
        %add3A_745 = vector.broadcast %add3A_744 : i32 to vector<16xi32>
        %add3A_746 = arith.addi %rem3A_45, %add3A_745 : vector<16xi32>
        %gather3A_747 = arith.constant 1 : i32
        %gather3A_748 = arith.constant 0 : i32
        %gather3A_749 = arith.constant 0 : i32
        %gather3A_750 = tpu.memref_slice %arg6[%gather3A_747, %gather3A_748, %gather3A_749] : memref<2x128x32xf32, #tpu.memory_space<vmem>> -> memref<1x128x32xf32, #tpu.memory_space<vmem>>
        %gather3A_751 = tpu.memref_squeeze %gather3A_750 : memref<1x128x32xf32, #tpu.memory_space<vmem>> -> memref<128x32xf32, #tpu.memory_space<vmem>>
        %gather3A_752 = tpu.vector_load_idx %gather3A_751[%add3A_609, %add3A_746] : memref<128x32xf32, #tpu.memory_space<vmem>>[vector<16xi32>, vector<16xi32>], vector<16xf32>,
        %gather3A_753 = arith.constant 1 : i32
        %gather3A_754 = arith.constant 0 : i32
        %gather3A_755 = arith.constant 0 : i32
        %gather3A_756 = tpu.memref_slice %arg6[%gather3A_753, %gather3A_754, %gather3A_755] : memref<2x128x32xf32, #tpu.memory_space<vmem>> -> memref<1x128x32xf32, #tpu.memory_space<vmem>>
        %gather3A_757 = tpu.memref_squeeze %gather3A_756 : memref<1x128x32xf32, #tpu.memory_space<vmem>> -> memref<128x32xf32, #tpu.memory_space<vmem>>
        %gather3A_758 = tpu.vector_load_idx %gather3A_757[%add3A_609, %rem3A_51] : memref<128x32xf32, #tpu.memory_space<vmem>>[vector<16xi32>, vector<16xi32>], vector<16xf32>,
        %add3A_759 = arith.constant 16 : i32
        %add3A_760 = vector.broadcast %add3A_759 : i32 to vector<16xi32>
        %add3A_761 = arith.addi %rem3A_51, %add3A_760 : vector<16xi32>
        %gather3A_762 = arith.constant 1 : i32
        %gather3A_763 = arith.constant 0 : i32
        %gather3A_764 = arith.constant 0 : i32
        %gather3A_765 = tpu.memref_slice %arg6[%gather3A_762, %gather3A_763, %gather3A_764] : memref<2x128x32xf32, #tpu.memory_space<vmem>> -> memref<1x128x32xf32, #tpu.memory_space<vmem>>
        %gather3A_766 = tpu.memref_squeeze %gather3A_765 : memref<1x128x32xf32, #tpu.memory_space<vmem>> -> memref<128x32xf32, #tpu.memory_space<vmem>>
        %gather3A_767 = tpu.vector_load_idx %gather3A_766[%add3A_609, %add3A_761] : memref<128x32xf32, #tpu.memory_space<vmem>>[vector<16xi32>, vector<16xi32>], vector<16xf32>,
        %scatter3A_768 = arith.constant 1 : i32
        %scatter3A_769 = arith.constant 0 : i32
        %scatter3A_770 = arith.constant 0 : i32
        %scatter3A_771 = tpu.memref_slice %arg7[%scatter3A_768, %scatter3A_769, %scatter3A_770] : memref<2x32x128xf32, #tpu.memory_space<vmem>> -> memref<1x32x128xf32, #tpu.memory_space<vmem>>
        %scatter3A_772 = tpu.memref_squeeze %scatter3A_771 : memref<1x32x128xf32, #tpu.memory_space<vmem>> -> memref<32x128xf32, #tpu.memory_space<vmem>>
        tpu.vector_store_idx %scatter3A_772[%rem3A_33, %add3A_609], %gather3A_713 : memref<32x128xf32, #tpu.memory_space<vmem>>[vector<16xi32>, vector<16xi32>], vector<16xf32>,
        %scatter3A_773 = arith.constant 1 : i32
        %scatter3A_774 = arith.constant 0 : i32
        %scatter3A_775 = arith.constant 0 : i32
        %scatter3A_776 = tpu.memref_slice %arg7[%scatter3A_773, %scatter3A_774, %scatter3A_775] : memref<2x32x128xf32, #tpu.memory_space<vmem>> -> memref<1x32x128xf32, #tpu.memory_space<vmem>>
        %scatter3A_777 = tpu.memref_squeeze %scatter3A_776 : memref<1x32x128xf32, #tpu.memory_space<vmem>> -> memref<32x128xf32, #tpu.memory_space<vmem>>
        tpu.vector_store_idx %scatter3A_777[%add3A_716, %add3A_609], %gather3A_722 : memref<32x128xf32, #tpu.memory_space<vmem>>[vector<16xi32>, vector<16xi32>], vector<16xf32>,
        %scatter3A_778 = arith.constant 1 : i32
        %scatter3A_779 = arith.constant 0 : i32
        %scatter3A_780 = arith.constant 0 : i32
        %scatter3A_781 = tpu.memref_slice %arg7[%scatter3A_778, %scatter3A_779, %scatter3A_780] : memref<2x32x128xf32, #tpu.memory_space<vmem>> -> memref<1x32x128xf32, #tpu.memory_space<vmem>>
        %scatter3A_782 = tpu.memref_squeeze %scatter3A_781 : memref<1x32x128xf32, #tpu.memory_space<vmem>> -> memref<32x128xf32, #tpu.memory_space<vmem>>
        tpu.vector_store_idx %scatter3A_782[%rem3A_39, %add3A_609], %gather3A_728 : memref<32x128xf32, #tpu.memory_space<vmem>>[vector<16xi32>, vector<16xi32>], vector<16xf32>,
        %scatter3A_783 = arith.constant 1 : i32
        %scatter3A_784 = arith.constant 0 : i32
        %scatter3A_785 = arith.constant 0 : i32
        %scatter3A_786 = tpu.memref_slice %arg7[%scatter3A_783, %scatter3A_784, %scatter3A_785] : memref<2x32x128xf32, #tpu.memory_space<vmem>> -> memref<1x32x128xf32, #tpu.memory_space<vmem>>
        %scatter3A_787 = tpu.memref_squeeze %scatter3A_786 : memref<1x32x128xf32, #tpu.memory_space<vmem>> -> memref<32x128xf32, #tpu.memory_space<vmem>>
        tpu.vector_store_idx %scatter3A_787[%add3A_731, %add3A_609], %gather3A_737 : memref<32x128xf32, #tpu.memory_space<vmem>>[vector<16xi32>, vector<16xi32>], vector<16xf32>,
        %scatter3A_788 = arith.constant 1 : i32
        %scatter3A_789 = arith.constant 0 : i32
        %scatter3A_790 = arith.constant 0 : i32
        %scatter3A_791 = tpu.memref_slice %arg7[%scatter3A_788, %scatter3A_789, %scatter3A_790] : memref<2x32x128xf32, #tpu.memory_space<vmem>> -> memref<1x32x128xf32, #tpu.memory_space<vmem>>
        %scatter3A_792 = tpu.memref_squeeze %scatter3A_791 : memref<1x32x128xf32, #tpu.memory_space<vmem>> -> memref<32x128xf32, #tpu.memory_space<vmem>>
        tpu.vector_store_idx %scatter3A_792[%rem3A_45, %add3A_609], %gather3A_743 : memref<32x128xf32, #tpu.memory_space<vmem>>[vector<16xi32>, vector<16xi32>], vector<16xf32>,
        %scatter3A_793 = arith.constant 1 : i32
        %scatter3A_794 = arith.constant 0 : i32
        %scatter3A_795 = arith.constant 0 : i32
        %scatter3A_796 = tpu.memref_slice %arg7[%scatter3A_793, %scatter3A_794, %scatter3A_795] : memref<2x32x128xf32, #tpu.memory_space<vmem>> -> memref<1x32x128xf32, #tpu.memory_space<vmem>>
        %scatter3A_797 = tpu.memref_squeeze %scatter3A_796 : memref<1x32x128xf32, #tpu.memory_space<vmem>> -> memref<32x128xf32, #tpu.memory_space<vmem>>
        tpu.vector_store_idx %scatter3A_797[%add3A_746, %add3A_609], %gather3A_752 : memref<32x128xf32, #tpu.memory_space<vmem>>[vector<16xi32>, vector<16xi32>], vector<16xf32>,
        %scatter3A_798 = arith.constant 1 : i32
        %scatter3A_799 = arith.constant 0 : i32
        %scatter3A_800 = arith.constant 0 : i32
        %scatter3A_801 = tpu.memref_slice %arg7[%scatter3A_798, %scatter3A_799, %scatter3A_800] : memref<2x32x128xf32, #tpu.memory_space<vmem>> -> memref<1x32x128xf32, #tpu.memory_space<vmem>>
        %scatter3A_802 = tpu.memref_squeeze %scatter3A_801 : memref<1x32x128xf32, #tpu.memory_space<vmem>> -> memref<32x128xf32, #tpu.memory_space<vmem>>
        tpu.vector_store_idx %scatter3A_802[%rem3A_51, %add3A_609], %gather3A_758 : memref<32x128xf32, #tpu.memory_space<vmem>>[vector<16xi32>, vector<16xi32>], vector<16xf32>,
        %scatter3A_803 = arith.constant 1 : i32
        %scatter3A_804 = arith.constant 0 : i32
        %scatter3A_805 = arith.constant 0 : i32
        %scatter3A_806 = tpu.memref_slice %arg7[%scatter3A_803, %scatter3A_804, %scatter3A_805] : memref<2x32x128xf32, #tpu.memory_space<vmem>> -> memref<1x32x128xf32, #tpu.memory_space<vmem>>
        %scatter3A_807 = tpu.memref_squeeze %scatter3A_806 : memref<1x32x128xf32, #tpu.memory_space<vmem>> -> memref<32x128xf32, #tpu.memory_space<vmem>>
        tpu.vector_store_idx %scatter3A_807[%add3A_761, %add3A_609], %gather3A_767 : memref<32x128xf32, #tpu.memory_space<vmem>>[vector<16xi32>, vector<16xi32>], vector<16xf32>,
        %gather3A_808 = arith.constant 1 : i32
        %gather3A_809 = arith.constant 0 : i32
        %gather3A_810 = arith.constant 0 : i32
        %gather3A_811 = tpu.memref_slice %arg6[%gather3A_808, %gather3A_809, %gather3A_810] : memref<2x128x32xf32, #tpu.memory_space<vmem>> -> memref<1x128x32xf32, #tpu.memory_space<vmem>>
        %gather3A_812 = tpu.memref_squeeze %gather3A_811 : memref<1x128x32xf32, #tpu.memory_space<vmem>> -> memref<128x32xf32, #tpu.memory_space<vmem>>
        %gather3A_813 = tpu.vector_load_idx %gather3A_812[%add3A_609, %rem3A_57] : memref<128x32xf32, #tpu.memory_space<vmem>>[vector<16xi32>, vector<16xi32>], vector<16xf32>,
        %add3A_814 = arith.constant 16 : i32
        %add3A_815 = vector.broadcast %add3A_814 : i32 to vector<16xi32>
        %add3A_816 = arith.addi %rem3A_57, %add3A_815 : vector<16xi32>
        %gather3A_817 = arith.constant 1 : i32
        %gather3A_818 = arith.constant 0 : i32
        %gather3A_819 = arith.constant 0 : i32
        %gather3A_820 = tpu.memref_slice %arg6[%gather3A_817, %gather3A_818, %gather3A_819] : memref<2x128x32xf32, #tpu.memory_space<vmem>> -> memref<1x128x32xf32, #tpu.memory_space<vmem>>
        %gather3A_821 = tpu.memref_squeeze %gather3A_820 : memref<1x128x32xf32, #tpu.memory_space<vmem>> -> memref<128x32xf32, #tpu.memory_space<vmem>>
        %gather3A_822 = tpu.vector_load_idx %gather3A_821[%add3A_609, %add3A_816] : memref<128x32xf32, #tpu.memory_space<vmem>>[vector<16xi32>, vector<16xi32>], vector<16xf32>,
        %gather3A_823 = arith.constant 1 : i32
        %gather3A_824 = arith.constant 0 : i32
        %gather3A_825 = arith.constant 0 : i32
        %gather3A_826 = tpu.memref_slice %arg6[%gather3A_823, %gather3A_824, %gather3A_825] : memref<2x128x32xf32, #tpu.memory_space<vmem>> -> memref<1x128x32xf32, #tpu.memory_space<vmem>>
        %gather3A_827 = tpu.memref_squeeze %gather3A_826 : memref<1x128x32xf32, #tpu.memory_space<vmem>> -> memref<128x32xf32, #tpu.memory_space<vmem>>
        %gather3A_828 = tpu.vector_load_idx %gather3A_827[%add3A_609, %rem3A_63] : memref<128x32xf32, #tpu.memory_space<vmem>>[vector<16xi32>, vector<16xi32>], vector<16xf32>,
        %add3A_829 = arith.constant 16 : i32
        %add3A_830 = vector.broadcast %add3A_829 : i32 to vector<16xi32>
        %add3A_831 = arith.addi %rem3A_63, %add3A_830 : vector<16xi32>
        %gather3A_832 = arith.constant 1 : i32
        %gather3A_833 = arith.constant 0 : i32
        %gather3A_834 = arith.constant 0 : i32
        %gather3A_835 = tpu.memref_slice %arg6[%gather3A_832, %gather3A_833, %gather3A_834] : memref<2x128x32xf32, #tpu.memory_space<vmem>> -> memref<1x128x32xf32, #tpu.memory_space<vmem>>
        %gather3A_836 = tpu.memref_squeeze %gather3A_835 : memref<1x128x32xf32, #tpu.memory_space<vmem>> -> memref<128x32xf32, #tpu.memory_space<vmem>>
        %gather3A_837 = tpu.vector_load_idx %gather3A_836[%add3A_609, %add3A_831] : memref<128x32xf32, #tpu.memory_space<vmem>>[vector<16xi32>, vector<16xi32>], vector<16xf32>,
        %gather3A_838 = arith.constant 1 : i32
        %gather3A_839 = arith.constant 0 : i32
        %gather3A_840 = arith.constant 0 : i32
        %gather3A_841 = tpu.memref_slice %arg6[%gather3A_838, %gather3A_839, %gather3A_840] : memref<2x128x32xf32, #tpu.memory_space<vmem>> -> memref<1x128x32xf32, #tpu.memory_space<vmem>>
        %gather3A_842 = tpu.memref_squeeze %gather3A_841 : memref<1x128x32xf32, #tpu.memory_space<vmem>> -> memref<128x32xf32, #tpu.memory_space<vmem>>
        %gather3A_843 = tpu.vector_load_idx %gather3A_842[%add3A_609, %rem3A_69] : memref<128x32xf32, #tpu.memory_space<vmem>>[vector<16xi32>, vector<16xi32>], vector<16xf32>,
        %add3A_844 = arith.constant 16 : i32
        %add3A_845 = vector.broadcast %add3A_844 : i32 to vector<16xi32>
        %add3A_846 = arith.addi %rem3A_69, %add3A_845 : vector<16xi32>
        %gather3A_847 = arith.constant 1 : i32
        %gather3A_848 = arith.constant 0 : i32
        %gather3A_849 = arith.constant 0 : i32
        %gather3A_850 = tpu.memref_slice %arg6[%gather3A_847, %gather3A_848, %gather3A_849] : memref<2x128x32xf32, #tpu.memory_space<vmem>> -> memref<1x128x32xf32, #tpu.memory_space<vmem>>
        %gather3A_851 = tpu.memref_squeeze %gather3A_850 : memref<1x128x32xf32, #tpu.memory_space<vmem>> -> memref<128x32xf32, #tpu.memory_space<vmem>>
        %gather3A_852 = tpu.vector_load_idx %gather3A_851[%add3A_609, %add3A_846] : memref<128x32xf32, #tpu.memory_space<vmem>>[vector<16xi32>, vector<16xi32>], vector<16xf32>,
        %gather3A_853 = arith.constant 1 : i32
        %gather3A_854 = arith.constant 0 : i32
        %gather3A_855 = arith.constant 0 : i32
        %gather3A_856 = tpu.memref_slice %arg6[%gather3A_853, %gather3A_854, %gather3A_855] : memref<2x128x32xf32, #tpu.memory_space<vmem>> -> memref<1x128x32xf32, #tpu.memory_space<vmem>>
        %gather3A_857 = tpu.memref_squeeze %gather3A_856 : memref<1x128x32xf32, #tpu.memory_space<vmem>> -> memref<128x32xf32, #tpu.memory_space<vmem>>
        %gather3A_858 = tpu.vector_load_idx %gather3A_857[%add3A_609, %rem3A_75] : memref<128x32xf32, #tpu.memory_space<vmem>>[vector<16xi32>, vector<16xi32>], vector<16xf32>,
        %add3A_859 = arith.constant 16 : i32
        %add3A_860 = vector.broadcast %add3A_859 : i32 to vector<16xi32>
        %add3A_861 = arith.addi %rem3A_75, %add3A_860 : vector<16xi32>
        %gather3A_862 = arith.constant 1 : i32
        %gather3A_863 = arith.constant 0 : i32
        %gather3A_864 = arith.constant 0 : i32
        %gather3A_865 = tpu.memref_slice %arg6[%gather3A_862, %gather3A_863, %gather3A_864] : memref<2x128x32xf32, #tpu.memory_space<vmem>> -> memref<1x128x32xf32, #tpu.memory_space<vmem>>
        %gather3A_866 = tpu.memref_squeeze %gather3A_865 : memref<1x128x32xf32, #tpu.memory_space<vmem>> -> memref<128x32xf32, #tpu.memory_space<vmem>>
        %gather3A_867 = tpu.vector_load_idx %gather3A_866[%add3A_609, %add3A_861] : memref<128x32xf32, #tpu.memory_space<vmem>>[vector<16xi32>, vector<16xi32>], vector<16xf32>,
        %scatter3A_868 = arith.constant 1 : i32
        %scatter3A_869 = arith.constant 0 : i32
        %scatter3A_870 = arith.constant 0 : i32
        %scatter3A_871 = tpu.memref_slice %arg7[%scatter3A_868, %scatter3A_869, %scatter3A_870] : memref<2x32x128xf32, #tpu.memory_space<vmem>> -> memref<1x32x128xf32, #tpu.memory_space<vmem>>
        %scatter3A_872 = tpu.memref_squeeze %scatter3A_871 : memref<1x32x128xf32, #tpu.memory_space<vmem>> -> memref<32x128xf32, #tpu.memory_space<vmem>>
        tpu.vector_store_idx %scatter3A_872[%rem3A_57, %add3A_609], %gather3A_813 : memref<32x128xf32, #tpu.memory_space<vmem>>[vector<16xi32>, vector<16xi32>], vector<16xf32>,
        %scatter3A_873 = arith.constant 1 : i32
        %scatter3A_874 = arith.constant 0 : i32
        %scatter3A_875 = arith.constant 0 : i32
        %scatter3A_876 = tpu.memref_slice %arg7[%scatter3A_873, %scatter3A_874, %scatter3A_875] : memref<2x32x128xf32, #tpu.memory_space<vmem>> -> memref<1x32x128xf32, #tpu.memory_space<vmem>>
        %scatter3A_877 = tpu.memref_squeeze %scatter3A_876 : memref<1x32x128xf32, #tpu.memory_space<vmem>> -> memref<32x128xf32, #tpu.memory_space<vmem>>
        tpu.vector_store_idx %scatter3A_877[%add3A_816, %add3A_609], %gather3A_822 : memref<32x128xf32, #tpu.memory_space<vmem>>[vector<16xi32>, vector<16xi32>], vector<16xf32>,
        %scatter3A_878 = arith.constant 1 : i32
        %scatter3A_879 = arith.constant 0 : i32
        %scatter3A_880 = arith.constant 0 : i32
        %scatter3A_881 = tpu.memref_slice %arg7[%scatter3A_878, %scatter3A_879, %scatter3A_880] : memref<2x32x128xf32, #tpu.memory_space<vmem>> -> memref<1x32x128xf32, #tpu.memory_space<vmem>>
        %scatter3A_882 = tpu.memref_squeeze %scatter3A_881 : memref<1x32x128xf32, #tpu.memory_space<vmem>> -> memref<32x128xf32, #tpu.memory_space<vmem>>
        tpu.vector_store_idx %scatter3A_882[%rem3A_63, %add3A_609], %gather3A_828 : memref<32x128xf32, #tpu.memory_space<vmem>>[vector<16xi32>, vector<16xi32>], vector<16xf32>,
        %scatter3A_883 = arith.constant 1 : i32
        %scatter3A_884 = arith.constant 0 : i32
        %scatter3A_885 = arith.constant 0 : i32
        %scatter3A_886 = tpu.memref_slice %arg7[%scatter3A_883, %scatter3A_884, %scatter3A_885] : memref<2x32x128xf32, #tpu.memory_space<vmem>> -> memref<1x32x128xf32, #tpu.memory_space<vmem>>
        %scatter3A_887 = tpu.memref_squeeze %scatter3A_886 : memref<1x32x128xf32, #tpu.memory_space<vmem>> -> memref<32x128xf32, #tpu.memory_space<vmem>>
        tpu.vector_store_idx %scatter3A_887[%add3A_831, %add3A_609], %gather3A_837 : memref<32x128xf32, #tpu.memory_space<vmem>>[vector<16xi32>, vector<16xi32>], vector<16xf32>,
        %scatter3A_888 = arith.constant 1 : i32
        %scatter3A_889 = arith.constant 0 : i32
        %scatter3A_890 = arith.constant 0 : i32
        %scatter3A_891 = tpu.memref_slice %arg7[%scatter3A_888, %scatter3A_889, %scatter3A_890] : memref<2x32x128xf32, #tpu.memory_space<vmem>> -> memref<1x32x128xf32, #tpu.memory_space<vmem>>
        %scatter3A_892 = tpu.memref_squeeze %scatter3A_891 : memref<1x32x128xf32, #tpu.memory_space<vmem>> -> memref<32x128xf32, #tpu.memory_space<vmem>>
        tpu.vector_store_idx %scatter3A_892[%rem3A_69, %add3A_609], %gather3A_843 : memref<32x128xf32, #tpu.memory_space<vmem>>[vector<16xi32>, vector<16xi32>], vector<16xf32>,
        %scatter3A_893 = arith.constant 1 : i32
        %scatter3A_894 = arith.constant 0 : i32
        %scatter3A_895 = arith.constant 0 : i32
        %scatter3A_896 = tpu.memref_slice %arg7[%scatter3A_893, %scatter3A_894, %scatter3A_895] : memref<2x32x128xf32, #tpu.memory_space<vmem>> -> memref<1x32x128xf32, #tpu.memory_space<vmem>>
        %scatter3A_897 = tpu.memref_squeeze %scatter3A_896 : memref<1x32x128xf32, #tpu.memory_space<vmem>> -> memref<32x128xf32, #tpu.memory_space<vmem>>
        tpu.vector_store_idx %scatter3A_897[%add3A_846, %add3A_609], %gather3A_852 : memref<32x128xf32, #tpu.memory_space<vmem>>[vector<16xi32>, vector<16xi32>], vector<16xf32>,
        %scatter3A_898 = arith.constant 1 : i32
        %scatter3A_899 = arith.constant 0 : i32
        %scatter3A_900 = arith.constant 0 : i32
        %scatter3A_901 = tpu.memref_slice %arg7[%scatter3A_898, %scatter3A_899, %scatter3A_900] : memref<2x32x128xf32, #tpu.memory_space<vmem>> -> memref<1x32x128xf32, #tpu.memory_space<vmem>>
        %scatter3A_902 = tpu.memref_squeeze %scatter3A_901 : memref<1x32x128xf32, #tpu.memory_space<vmem>> -> memref<32x128xf32, #tpu.memory_space<vmem>>
        tpu.vector_store_idx %scatter3A_902[%rem3A_75, %add3A_609], %gather3A_858 : memref<32x128xf32, #tpu.memory_space<vmem>>[vector<16xi32>, vector<16xi32>], vector<16xf32>,
        %scatter3A_903 = arith.constant 1 : i32
        %scatter3A_904 = arith.constant 0 : i32
        %scatter3A_905 = arith.constant 0 : i32
        %scatter3A_906 = tpu.memref_slice %arg7[%scatter3A_903, %scatter3A_904, %scatter3A_905] : memref<2x32x128xf32, #tpu.memory_space<vmem>> -> memref<1x32x128xf32, #tpu.memory_space<vmem>>
        %scatter3A_907 = tpu.memref_squeeze %scatter3A_906 : memref<1x32x128xf32, #tpu.memory_space<vmem>> -> memref<32x128xf32, #tpu.memory_space<vmem>>
        tpu.vector_store_idx %scatter3A_907[%add3A_861, %add3A_609], %gather3A_867 : memref<32x128xf32, #tpu.memory_space<vmem>>[vector<16xi32>, vector<16xi32>], vector<16xf32>,
        %gather3A_908 = arith.constant 1 : i32
        %gather3A_909 = arith.constant 0 : i32
        %gather3A_910 = arith.constant 0 : i32
        %gather3A_911 = tpu.memref_slice %arg6[%gather3A_908, %gather3A_909, %gather3A_910] : memref<2x128x32xf32, #tpu.memory_space<vmem>> -> memref<1x128x32xf32, #tpu.memory_space<vmem>>
        %gather3A_912 = tpu.memref_squeeze %gather3A_911 : memref<1x128x32xf32, #tpu.memory_space<vmem>> -> memref<128x32xf32, #tpu.memory_space<vmem>>
        %gather3A_913 = tpu.vector_load_idx %gather3A_912[%add3A_609, %rem3A_81] : memref<128x32xf32, #tpu.memory_space<vmem>>[vector<16xi32>, vector<16xi32>], vector<16xf32>,
        %add3A_914 = arith.constant 16 : i32
        %add3A_915 = vector.broadcast %add3A_914 : i32 to vector<16xi32>
        %add3A_916 = arith.addi %rem3A_81, %add3A_915 : vector<16xi32>
        %gather3A_917 = arith.constant 1 : i32
        %gather3A_918 = arith.constant 0 : i32
        %gather3A_919 = arith.constant 0 : i32
        %gather3A_920 = tpu.memref_slice %arg6[%gather3A_917, %gather3A_918, %gather3A_919] : memref<2x128x32xf32, #tpu.memory_space<vmem>> -> memref<1x128x32xf32, #tpu.memory_space<vmem>>
        %gather3A_921 = tpu.memref_squeeze %gather3A_920 : memref<1x128x32xf32, #tpu.memory_space<vmem>> -> memref<128x32xf32, #tpu.memory_space<vmem>>
        %gather3A_922 = tpu.vector_load_idx %gather3A_921[%add3A_609, %add3A_916] : memref<128x32xf32, #tpu.memory_space<vmem>>[vector<16xi32>, vector<16xi32>], vector<16xf32>,
        %gather3A_923 = arith.constant 1 : i32
        %gather3A_924 = arith.constant 0 : i32
        %gather3A_925 = arith.constant 0 : i32
        %gather3A_926 = tpu.memref_slice %arg6[%gather3A_923, %gather3A_924, %gather3A_925] : memref<2x128x32xf32, #tpu.memory_space<vmem>> -> memref<1x128x32xf32, #tpu.memory_space<vmem>>
        %gather3A_927 = tpu.memref_squeeze %gather3A_926 : memref<1x128x32xf32, #tpu.memory_space<vmem>> -> memref<128x32xf32, #tpu.memory_space<vmem>>
        %gather3A_928 = tpu.vector_load_idx %gather3A_927[%add3A_609, %rem3A_87] : memref<128x32xf32, #tpu.memory_space<vmem>>[vector<16xi32>, vector<16xi32>], vector<16xf32>,
        %add3A_929 = arith.constant 16 : i32
        %add3A_930 = vector.broadcast %add3A_929 : i32 to vector<16xi32>
        %add3A_931 = arith.addi %rem3A_87, %add3A_930 : vector<16xi32>
        %gather3A_932 = arith.constant 1 : i32
        %gather3A_933 = arith.constant 0 : i32
        %gather3A_934 = arith.constant 0 : i32
        %gather3A_935 = tpu.memref_slice %arg6[%gather3A_932, %gather3A_933, %gather3A_934] : memref<2x128x32xf32, #tpu.memory_space<vmem>> -> memref<1x128x32xf32, #tpu.memory_space<vmem>>
        %gather3A_936 = tpu.memref_squeeze %gather3A_935 : memref<1x128x32xf32, #tpu.memory_space<vmem>> -> memref<128x32xf32, #tpu.memory_space<vmem>>
        %gather3A_937 = tpu.vector_load_idx %gather3A_936[%add3A_609, %add3A_931] : memref<128x32xf32, #tpu.memory_space<vmem>>[vector<16xi32>, vector<16xi32>], vector<16xf32>,
        %gather3A_938 = arith.constant 1 : i32
        %gather3A_939 = arith.constant 0 : i32
        %gather3A_940 = arith.constant 0 : i32
        %gather3A_941 = tpu.memref_slice %arg6[%gather3A_938, %gather3A_939, %gather3A_940] : memref<2x128x32xf32, #tpu.memory_space<vmem>> -> memref<1x128x32xf32, #tpu.memory_space<vmem>>
        %gather3A_942 = tpu.memref_squeeze %gather3A_941 : memref<1x128x32xf32, #tpu.memory_space<vmem>> -> memref<128x32xf32, #tpu.memory_space<vmem>>
        %gather3A_943 = tpu.vector_load_idx %gather3A_942[%add3A_609, %rem3A_93] : memref<128x32xf32, #tpu.memory_space<vmem>>[vector<16xi32>, vector<16xi32>], vector<16xf32>,
        %add3A_944 = arith.constant 16 : i32
        %add3A_945 = vector.broadcast %add3A_944 : i32 to vector<16xi32>
        %add3A_946 = arith.addi %rem3A_93, %add3A_945 : vector<16xi32>
        %gather3A_947 = arith.constant 1 : i32
        %gather3A_948 = arith.constant 0 : i32
        %gather3A_949 = arith.constant 0 : i32
        %gather3A_950 = tpu.memref_slice %arg6[%gather3A_947, %gather3A_948, %gather3A_949] : memref<2x128x32xf32, #tpu.memory_space<vmem>> -> memref<1x128x32xf32, #tpu.memory_space<vmem>>
        %gather3A_951 = tpu.memref_squeeze %gather3A_950 : memref<1x128x32xf32, #tpu.memory_space<vmem>> -> memref<128x32xf32, #tpu.memory_space<vmem>>
        %gather3A_952 = tpu.vector_load_idx %gather3A_951[%add3A_609, %add3A_946] : memref<128x32xf32, #tpu.memory_space<vmem>>[vector<16xi32>, vector<16xi32>], vector<16xf32>,
        %gather3A_953 = arith.constant 1 : i32
        %gather3A_954 = arith.constant 0 : i32
        %gather3A_955 = arith.constant 0 : i32
        %gather3A_956 = tpu.memref_slice %arg6[%gather3A_953, %gather3A_954, %gather3A_955] : memref<2x128x32xf32, #tpu.memory_space<vmem>> -> memref<1x128x32xf32, #tpu.memory_space<vmem>>
        %gather3A_957 = tpu.memref_squeeze %gather3A_956 : memref<1x128x32xf32, #tpu.memory_space<vmem>> -> memref<128x32xf32, #tpu.memory_space<vmem>>
        %gather3A_958 = tpu.vector_load_idx %gather3A_957[%add3A_609, %rem3A_99] : memref<128x32xf32, #tpu.memory_space<vmem>>[vector<16xi32>, vector<16xi32>], vector<16xf32>,
        %add3A_959 = arith.constant 16 : i32
        %add3A_960 = vector.broadcast %add3A_959 : i32 to vector<16xi32>
        %add3A_961 = arith.addi %rem3A_99, %add3A_960 : vector<16xi32>
        %gather3A_962 = arith.constant 1 : i32
        %gather3A_963 = arith.constant 0 : i32
        %gather3A_964 = arith.constant 0 : i32
        %gather3A_965 = tpu.memref_slice %arg6[%gather3A_962, %gather3A_963, %gather3A_964] : memref<2x128x32xf32, #tpu.memory_space<vmem>> -> memref<1x128x32xf32, #tpu.memory_space<vmem>>
        %gather3A_966 = tpu.memref_squeeze %gather3A_965 : memref<1x128x32xf32, #tpu.memory_space<vmem>> -> memref<128x32xf32, #tpu.memory_space<vmem>>
        %gather3A_967 = tpu.vector_load_idx %gather3A_966[%add3A_609, %add3A_961] : memref<128x32xf32, #tpu.memory_space<vmem>>[vector<16xi32>, vector<16xi32>], vector<16xf32>,
        %scatter3A_968 = arith.constant 1 : i32
        %scatter3A_969 = arith.constant 0 : i32
        %scatter3A_970 = arith.constant 0 : i32
        %scatter3A_971 = tpu.memref_slice %arg7[%scatter3A_968, %scatter3A_969, %scatter3A_970] : memref<2x32x128xf32, #tpu.memory_space<vmem>> -> memref<1x32x128xf32, #tpu.memory_space<vmem>>
        %scatter3A_972 = tpu.memref_squeeze %scatter3A_971 : memref<1x32x128xf32, #tpu.memory_space<vmem>> -> memref<32x128xf32, #tpu.memory_space<vmem>>
        tpu.vector_store_idx %scatter3A_972[%rem3A_81, %add3A_609], %gather3A_913 : memref<32x128xf32, #tpu.memory_space<vmem>>[vector<16xi32>, vector<16xi32>], vector<16xf32>,
        %scatter3A_973 = arith.constant 1 : i32
        %scatter3A_974 = arith.constant 0 : i32
        %scatter3A_975 = arith.constant 0 : i32
        %scatter3A_976 = tpu.memref_slice %arg7[%scatter3A_973, %scatter3A_974, %scatter3A_975] : memref<2x32x128xf32, #tpu.memory_space<vmem>> -> memref<1x32x128xf32, #tpu.memory_space<vmem>>
        %scatter3A_977 = tpu.memref_squeeze %scatter3A_976 : memref<1x32x128xf32, #tpu.memory_space<vmem>> -> memref<32x128xf32, #tpu.memory_space<vmem>>
        tpu.vector_store_idx %scatter3A_977[%add3A_916, %add3A_609], %gather3A_922 : memref<32x128xf32, #tpu.memory_space<vmem>>[vector<16xi32>, vector<16xi32>], vector<16xf32>,
        %scatter3A_978 = arith.constant 1 : i32
        %scatter3A_979 = arith.constant 0 : i32
        %scatter3A_980 = arith.constant 0 : i32
        %scatter3A_981 = tpu.memref_slice %arg7[%scatter3A_978, %scatter3A_979, %scatter3A_980] : memref<2x32x128xf32, #tpu.memory_space<vmem>> -> memref<1x32x128xf32, #tpu.memory_space<vmem>>
        %scatter3A_982 = tpu.memref_squeeze %scatter3A_981 : memref<1x32x128xf32, #tpu.memory_space<vmem>> -> memref<32x128xf32, #tpu.memory_space<vmem>>
        tpu.vector_store_idx %scatter3A_982[%rem3A_87, %add3A_609], %gather3A_928 : memref<32x128xf32, #tpu.memory_space<vmem>>[vector<16xi32>, vector<16xi32>], vector<16xf32>,
        %scatter3A_983 = arith.constant 1 : i32
        %scatter3A_984 = arith.constant 0 : i32
        %scatter3A_985 = arith.constant 0 : i32
        %scatter3A_986 = tpu.memref_slice %arg7[%scatter3A_983, %scatter3A_984, %scatter3A_985] : memref<2x32x128xf32, #tpu.memory_space<vmem>> -> memref<1x32x128xf32, #tpu.memory_space<vmem>>
        %scatter3A_987 = tpu.memref_squeeze %scatter3A_986 : memref<1x32x128xf32, #tpu.memory_space<vmem>> -> memref<32x128xf32, #tpu.memory_space<vmem>>
        tpu.vector_store_idx %scatter3A_987[%add3A_931, %add3A_609], %gather3A_937 : memref<32x128xf32, #tpu.memory_space<vmem>>[vector<16xi32>, vector<16xi32>], vector<16xf32>,
        %scatter3A_988 = arith.constant 1 : i32
        %scatter3A_989 = arith.constant 0 : i32
        %scatter3A_990 = arith.constant 0 : i32
        %scatter3A_991 = tpu.memref_slice %arg7[%scatter3A_988, %scatter3A_989, %scatter3A_990] : memref<2x32x128xf32, #tpu.memory_space<vmem>> -> memref<1x32x128xf32, #tpu.memory_space<vmem>>
        %scatter3A_992 = tpu.memref_squeeze %scatter3A_991 : memref<1x32x128xf32, #tpu.memory_space<vmem>> -> memref<32x128xf32, #tpu.memory_space<vmem>>
        tpu.vector_store_idx %scatter3A_992[%rem3A_93, %add3A_609], %gather3A_943 : memref<32x128xf32, #tpu.memory_space<vmem>>[vector<16xi32>, vector<16xi32>], vector<16xf32>,
        %scatter3A_993 = arith.constant 1 : i32
        %scatter3A_994 = arith.constant 0 : i32
        %scatter3A_995 = arith.constant 0 : i32
        %scatter3A_996 = tpu.memref_slice %arg7[%scatter3A_993, %scatter3A_994, %scatter3A_995] : memref<2x32x128xf32, #tpu.memory_space<vmem>> -> memref<1x32x128xf32, #tpu.memory_space<vmem>>
        %scatter3A_997 = tpu.memref_squeeze %scatter3A_996 : memref<1x32x128xf32, #tpu.memory_space<vmem>> -> memref<32x128xf32, #tpu.memory_space<vmem>>
        tpu.vector_store_idx %scatter3A_997[%add3A_946, %add3A_609], %gather3A_952 : memref<32x128xf32, #tpu.memory_space<vmem>>[vector<16xi32>, vector<16xi32>], vector<16xf32>,
        %scatter3A_998 = arith.constant 1 : i32
        %scatter3A_999 = arith.constant 0 : i32
        %scatter3A_1000 = arith.constant 0 : i32
        %scatter3A_1001 = tpu.memref_slice %arg7[%scatter3A_998, %scatter3A_999, %scatter3A_1000] : memref<2x32x128xf32, #tpu.memory_space<vmem>> -> memref<1x32x128xf32, #tpu.memory_space<vmem>>
        %scatter3A_1002 = tpu.memref_squeeze %scatter3A_1001 : memref<1x32x128xf32, #tpu.memory_space<vmem>> -> memref<32x128xf32, #tpu.memory_space<vmem>>
        tpu.vector_store_idx %scatter3A_1002[%rem3A_99, %add3A_609], %gather3A_958 : memref<32x128xf32, #tpu.memory_space<vmem>>[vector<16xi32>, vector<16xi32>], vector<16xf32>,
        %scatter3A_1003 = arith.constant 1 : i32
        %scatter3A_1004 = arith.constant 0 : i32
        %scatter3A_1005 = arith.constant 0 : i32
        %scatter3A_1006 = tpu.memref_slice %arg7[%scatter3A_1003, %scatter3A_1004, %scatter3A_1005] : memref<2x32x128xf32, #tpu.memory_space<vmem>> -> memref<1x32x128xf32, #tpu.memory_space<vmem>>
        %scatter3A_1007 = tpu.memref_squeeze %scatter3A_1006 : memref<1x32x128xf32, #tpu.memory_space<vmem>> -> memref<32x128xf32, #tpu.memory_space<vmem>>
        tpu.vector_store_idx %scatter3A_1007[%add3A_961, %add3A_609], %gather3A_967 : memref<32x128xf32, #tpu.memory_space<vmem>>[vector<16xi32>, vector<16xi32>], vector<16xf32>,
        %mul3A_1008 = arith.constant 2 : i32
        %mul3A_1009 = arith.muli %scan3A_601, %mul3A_1008 : i32
        %add3A_1010 = arith.constant 1 : i32
        %add3A_1011 = arith.addi %mul3A_1009, %add3A_1010 : i32
        %mul3A_1012 = arith.constant 16 : i32
        %mul3A_1013 = arith.muli %add3A_1011, %mul3A_1012 : i32
        %add3A_1014 = vector.broadcast %mul3A_1013 : i32 to vector<16xi32>
        %add3A_1015 = arith.addi %iota3A, %add3A_1014 : vector<16xi32>
        %gather3A_1016 = arith.constant 1 : i32
        %gather3A_1017 = arith.constant 0 : i32
        %gather3A_1018 = arith.constant 0 : i32
        %gather3A_1019 = tpu.memref_slice %arg6[%gather3A_1016, %gather3A_1017, %gather3A_1018] : memref<2x128x32xf32, #tpu.memory_space<vmem>> -> memref<1x128x32xf32, #tpu.memory_space<vmem>>
        %gather3A_1020 = tpu.memref_squeeze %gather3A_1019 : memref<1x128x32xf32, #tpu.memory_space<vmem>> -> memref<128x32xf32, #tpu.memory_space<vmem>>
        %gather3A_1021 = tpu.vector_load_idx %gather3A_1020[%add3A_1015, %rem3A_9] : memref<128x32xf32, #tpu.memory_space<vmem>>[vector<16xi32>, vector<16xi32>], vector<16xf32>,
        %add3A_1022 = arith.constant 16 : i32
        %add3A_1023 = vector.broadcast %add3A_1022 : i32 to vector<16xi32>
        %add3A_1024 = arith.addi %rem3A_9, %add3A_1023 : vector<16xi32>
        %gather3A_1025 = arith.constant 1 : i32
        %gather3A_1026 = arith.constant 0 : i32
        %gather3A_1027 = arith.constant 0 : i32
        %gather3A_1028 = tpu.memref_slice %arg6[%gather3A_1025, %gather3A_1026, %gather3A_1027] : memref<2x128x32xf32, #tpu.memory_space<vmem>> -> memref<1x128x32xf32, #tpu.memory_space<vmem>>
        %gather3A_1029 = tpu.memref_squeeze %gather3A_1028 : memref<1x128x32xf32, #tpu.memory_space<vmem>> -> memref<128x32xf32, #tpu.memory_space<vmem>>
        %gather3A_1030 = tpu.vector_load_idx %gather3A_1029[%add3A_1015, %add3A_1024] : memref<128x32xf32, #tpu.memory_space<vmem>>[vector<16xi32>, vector<16xi32>], vector<16xf32>,
        %gather3A_1031 = arith.constant 1 : i32
        %gather3A_1032 = arith.constant 0 : i32
        %gather3A_1033 = arith.constant 0 : i32
        %gather3A_1034 = tpu.memref_slice %arg6[%gather3A_1031, %gather3A_1032, %gather3A_1033] : memref<2x128x32xf32, #tpu.memory_space<vmem>> -> memref<1x128x32xf32, #tpu.memory_space<vmem>>
        %gather3A_1035 = tpu.memref_squeeze %gather3A_1034 : memref<1x128x32xf32, #tpu.memory_space<vmem>> -> memref<128x32xf32, #tpu.memory_space<vmem>>
        %gather3A_1036 = tpu.vector_load_idx %gather3A_1035[%add3A_1015, %rem3A_15] : memref<128x32xf32, #tpu.memory_space<vmem>>[vector<16xi32>, vector<16xi32>], vector<16xf32>,
        %add3A_1037 = arith.constant 16 : i32
        %add3A_1038 = vector.broadcast %add3A_1037 : i32 to vector<16xi32>
        %add3A_1039 = arith.addi %rem3A_15, %add3A_1038 : vector<16xi32>
        %gather3A_1040 = arith.constant 1 : i32
        %gather3A_1041 = arith.constant 0 : i32
        %gather3A_1042 = arith.constant 0 : i32
        %gather3A_1043 = tpu.memref_slice %arg6[%gather3A_1040, %gather3A_1041, %gather3A_1042] : memref<2x128x32xf32, #tpu.memory_space<vmem>> -> memref<1x128x32xf32, #tpu.memory_space<vmem>>
        %gather3A_1044 = tpu.memref_squeeze %gather3A_1043 : memref<1x128x32xf32, #tpu.memory_space<vmem>> -> memref<128x32xf32, #tpu.memory_space<vmem>>
        %gather3A_1045 = tpu.vector_load_idx %gather3A_1044[%add3A_1015, %add3A_1039] : memref<128x32xf32, #tpu.memory_space<vmem>>[vector<16xi32>, vector<16xi32>], vector<16xf32>,
        %gather3A_1046 = arith.constant 1 : i32
        %gather3A_1047 = arith.constant 0 : i32
        %gather3A_1048 = arith.constant 0 : i32
        %gather3A_1049 = tpu.memref_slice %arg6[%gather3A_1046, %gather3A_1047, %gather3A_1048] : memref<2x128x32xf32, #tpu.memory_space<vmem>> -> memref<1x128x32xf32, #tpu.memory_space<vmem>>
        %gather3A_1050 = tpu.memref_squeeze %gather3A_1049 : memref<1x128x32xf32, #tpu.memory_space<vmem>> -> memref<128x32xf32, #tpu.memory_space<vmem>>
        %gather3A_1051 = tpu.vector_load_idx %gather3A_1050[%add3A_1015, %rem3A_21] : memref<128x32xf32, #tpu.memory_space<vmem>>[vector<16xi32>, vector<16xi32>], vector<16xf32>,
        %add3A_1052 = arith.constant 16 : i32
        %add3A_1053 = vector.broadcast %add3A_1052 : i32 to vector<16xi32>
        %add3A_1054 = arith.addi %rem3A_21, %add3A_1053 : vector<16xi32>
        %gather3A_1055 = arith.constant 1 : i32
        %gather3A_1056 = arith.constant 0 : i32
        %gather3A_1057 = arith.constant 0 : i32
        %gather3A_1058 = tpu.memref_slice %arg6[%gather3A_1055, %gather3A_1056, %gather3A_1057] : memref<2x128x32xf32, #tpu.memory_space<vmem>> -> memref<1x128x32xf32, #tpu.memory_space<vmem>>
        %gather3A_1059 = tpu.memref_squeeze %gather3A_1058 : memref<1x128x32xf32, #tpu.memory_space<vmem>> -> memref<128x32xf32, #tpu.memory_space<vmem>>
        %gather3A_1060 = tpu.vector_load_idx %gather3A_1059[%add3A_1015, %add3A_1054] : memref<128x32xf32, #tpu.memory_space<vmem>>[vector<16xi32>, vector<16xi32>], vector<16xf32>,
        %gather3A_1061 = arith.constant 1 : i32
        %gather3A_1062 = arith.constant 0 : i32
        %gather3A_1063 = arith.constant 0 : i32
        %gather3A_1064 = tpu.memref_slice %arg6[%gather3A_1061, %gather3A_1062, %gather3A_1063] : memref<2x128x32xf32, #tpu.memory_space<vmem>> -> memref<1x128x32xf32, #tpu.memory_space<vmem>>
        %gather3A_1065 = tpu.memref_squeeze %gather3A_1064 : memref<1x128x32xf32, #tpu.memory_space<vmem>> -> memref<128x32xf32, #tpu.memory_space<vmem>>
        %gather3A_1066 = tpu.vector_load_idx %gather3A_1065[%add3A_1015, %rem3A_27] : memref<128x32xf32, #tpu.memory_space<vmem>>[vector<16xi32>, vector<16xi32>], vector<16xf32>,
        %add3A_1067 = arith.constant 16 : i32
        %add3A_1068 = vector.broadcast %add3A_1067 : i32 to vector<16xi32>
        %add3A_1069 = arith.addi %rem3A_27, %add3A_1068 : vector<16xi32>
        %gather3A_1070 = arith.constant 1 : i32
        %gather3A_1071 = arith.constant 0 : i32
        %gather3A_1072 = arith.constant 0 : i32
        %gather3A_1073 = tpu.memref_slice %arg6[%gather3A_1070, %gather3A_1071, %gather3A_1072] : memref<2x128x32xf32, #tpu.memory_space<vmem>> -> memref<1x128x32xf32, #tpu.memory_space<vmem>>
        %gather3A_1074 = tpu.memref_squeeze %gather3A_1073 : memref<1x128x32xf32, #tpu.memory_space<vmem>> -> memref<128x32xf32, #tpu.memory_space<vmem>>
        %gather3A_1075 = tpu.vector_load_idx %gather3A_1074[%add3A_1015, %add3A_1069] : memref<128x32xf32, #tpu.memory_space<vmem>>[vector<16xi32>, vector<16xi32>], vector<16xf32>,
        %scatter3A_1076 = arith.constant 1 : i32
        %scatter3A_1077 = arith.constant 0 : i32
        %scatter3A_1078 = arith.constant 0 : i32
        %scatter3A_1079 = tpu.memref_slice %arg7[%scatter3A_1076, %scatter3A_1077, %scatter3A_1078] : memref<2x32x128xf32, #tpu.memory_space<vmem>> -> memref<1x32x128xf32, #tpu.memory_space<vmem>>
        %scatter3A_1080 = tpu.memref_squeeze %scatter3A_1079 : memref<1x32x128xf32, #tpu.memory_space<vmem>> -> memref<32x128xf32, #tpu.memory_space<vmem>>
        tpu.vector_store_idx %scatter3A_1080[%rem3A_9, %add3A_1015], %gather3A_1021 : memref<32x128xf32, #tpu.memory_space<vmem>>[vector<16xi32>, vector<16xi32>], vector<16xf32>,
        %scatter3A_1081 = arith.constant 1 : i32
        %scatter3A_1082 = arith.constant 0 : i32
        %scatter3A_1083 = arith.constant 0 : i32
        %scatter3A_1084 = tpu.memref_slice %arg7[%scatter3A_1081, %scatter3A_1082, %scatter3A_1083] : memref<2x32x128xf32, #tpu.memory_space<vmem>> -> memref<1x32x128xf32, #tpu.memory_space<vmem>>
        %scatter3A_1085 = tpu.memref_squeeze %scatter3A_1084 : memref<1x32x128xf32, #tpu.memory_space<vmem>> -> memref<32x128xf32, #tpu.memory_space<vmem>>
        tpu.vector_store_idx %scatter3A_1085[%add3A_1024, %add3A_1015], %gather3A_1030 : memref<32x128xf32, #tpu.memory_space<vmem>>[vector<16xi32>, vector<16xi32>], vector<16xf32>,
        %scatter3A_1086 = arith.constant 1 : i32
        %scatter3A_1087 = arith.constant 0 : i32
        %scatter3A_1088 = arith.constant 0 : i32
        %scatter3A_1089 = tpu.memref_slice %arg7[%scatter3A_1086, %scatter3A_1087, %scatter3A_1088] : memref<2x32x128xf32, #tpu.memory_space<vmem>> -> memref<1x32x128xf32, #tpu.memory_space<vmem>>
        %scatter3A_1090 = tpu.memref_squeeze %scatter3A_1089 : memref<1x32x128xf32, #tpu.memory_space<vmem>> -> memref<32x128xf32, #tpu.memory_space<vmem>>
        tpu.vector_store_idx %scatter3A_1090[%rem3A_15, %add3A_1015], %gather3A_1036 : memref<32x128xf32, #tpu.memory_space<vmem>>[vector<16xi32>, vector<16xi32>], vector<16xf32>,
        %scatter3A_1091 = arith.constant 1 : i32
        %scatter3A_1092 = arith.constant 0 : i32
        %scatter3A_1093 = arith.constant 0 : i32
        %scatter3A_1094 = tpu.memref_slice %arg7[%scatter3A_1091, %scatter3A_1092, %scatter3A_1093] : memref<2x32x128xf32, #tpu.memory_space<vmem>> -> memref<1x32x128xf32, #tpu.memory_space<vmem>>
        %scatter3A_1095 = tpu.memref_squeeze %scatter3A_1094 : memref<1x32x128xf32, #tpu.memory_space<vmem>> -> memref<32x128xf32, #tpu.memory_space<vmem>>
        tpu.vector_store_idx %scatter3A_1095[%add3A_1039, %add3A_1015], %gather3A_1045 : memref<32x128xf32, #tpu.memory_space<vmem>>[vector<16xi32>, vector<16xi32>], vector<16xf32>,
        %scatter3A_1096 = arith.constant 1 : i32
        %scatter3A_1097 = arith.constant 0 : i32
        %scatter3A_1098 = arith.constant 0 : i32
        %scatter3A_1099 = tpu.memref_slice %arg7[%scatter3A_1096, %scatter3A_1097, %scatter3A_1098] : memref<2x32x128xf32, #tpu.memory_space<vmem>> -> memref<1x32x128xf32, #tpu.memory_space<vmem>>
        %scatter3A_1100 = tpu.memref_squeeze %scatter3A_1099 : memref<1x32x128xf32, #tpu.memory_space<vmem>> -> memref<32x128xf32, #tpu.memory_space<vmem>>
        tpu.vector_store_idx %scatter3A_1100[%rem3A_21, %add3A_1015], %gather3A_1051 : memref<32x128xf32, #tpu.memory_space<vmem>>[vector<16xi32>, vector<16xi32>], vector<16xf32>,
        %scatter3A_1101 = arith.constant 1 : i32
        %scatter3A_1102 = arith.constant 0 : i32
        %scatter3A_1103 = arith.constant 0 : i32
        %scatter3A_1104 = tpu.memref_slice %arg7[%scatter3A_1101, %scatter3A_1102, %scatter3A_1103] : memref<2x32x128xf32, #tpu.memory_space<vmem>> -> memref<1x32x128xf32, #tpu.memory_space<vmem>>
        %scatter3A_1105 = tpu.memref_squeeze %scatter3A_1104 : memref<1x32x128xf32, #tpu.memory_space<vmem>> -> memref<32x128xf32, #tpu.memory_space<vmem>>
        tpu.vector_store_idx %scatter3A_1105[%add3A_1054, %add3A_1015], %gather3A_1060 : memref<32x128xf32, #tpu.memory_space<vmem>>[vector<16xi32>, vector<16xi32>], vector<16xf32>,
        %scatter3A_1106 = arith.constant 1 : i32
        %scatter3A_1107 = arith.constant 0 : i32
        %scatter3A_1108 = arith.constant 0 : i32
        %scatter3A_1109 = tpu.memref_slice %arg7[%scatter3A_1106, %scatter3A_1107, %scatter3A_1108] : memref<2x32x128xf32, #tpu.memory_space<vmem>> -> memref<1x32x128xf32, #tpu.memory_space<vmem>>
        %scatter3A_1110 = tpu.memref_squeeze %scatter3A_1109 : memref<1x32x128xf32, #tpu.memory_space<vmem>> -> memref<32x128xf32, #tpu.memory_space<vmem>>
        tpu.vector_store_idx %scatter3A_1110[%rem3A_27, %add3A_1015], %gather3A_1066 : memref<32x128xf32, #tpu.memory_space<vmem>>[vector<16xi32>, vector<16xi32>], vector<16xf32>,
        %scatter3A_1111 = arith.constant 1 : i32
        %scatter3A_1112 = arith.constant 0 : i32
        %scatter3A_1113 = arith.constant 0 : i32
        %scatter3A_1114 = tpu.memref_slice %arg7[%scatter3A_1111, %scatter3A_1112, %scatter3A_1113] : memref<2x32x128xf32, #tpu.memory_space<vmem>> -> memref<1x32x128xf32, #tpu.memory_space<vmem>>
        %scatter3A_1115 = tpu.memref_squeeze %scatter3A_1114 : memref<1x32x128xf32, #tpu.memory_space<vmem>> -> memref<32x128xf32, #tpu.memory_space<vmem>>
        tpu.vector_store_idx %scatter3A_1115[%add3A_1069, %add3A_1015], %gather3A_1075 : memref<32x128xf32, #tpu.memory_space<vmem>>[vector<16xi32>, vector<16xi32>], vector<16xf32>,
        %gather3A_1116 = arith.constant 1 : i32
        %gather3A_1117 = arith.constant 0 : i32
        %gather3A_1118 = arith.constant 0 : i32
        %gather3A_1119 = tpu.memref_slice %arg6[%gather3A_1116, %gather3A_1117, %gather3A_1118] : memref<2x128x32xf32, #tpu.memory_space<vmem>> -> memref<1x128x32xf32, #tpu.memory_space<vmem>>
        %gather3A_1120 = tpu.memref_squeeze %gather3A_1119 : memref<1x128x32xf32, #tpu.memory_space<vmem>> -> memref<128x32xf32, #tpu.memory_space<vmem>>
        %gather3A_1121 = tpu.vector_load_idx %gather3A_1120[%add3A_1015, %rem3A_33] : memref<128x32xf32, #tpu.memory_space<vmem>>[vector<16xi32>, vector<16xi32>], vector<16xf32>,
        %add3A_1122 = arith.constant 16 : i32
        %add3A_1123 = vector.broadcast %add3A_1122 : i32 to vector<16xi32>
        %add3A_1124 = arith.addi %rem3A_33, %add3A_1123 : vector<16xi32>
        %gather3A_1125 = arith.constant 1 : i32
        %gather3A_1126 = arith.constant 0 : i32
        %gather3A_1127 = arith.constant 0 : i32
        %gather3A_1128 = tpu.memref_slice %arg6[%gather3A_1125, %gather3A_1126, %gather3A_1127] : memref<2x128x32xf32, #tpu.memory_space<vmem>> -> memref<1x128x32xf32, #tpu.memory_space<vmem>>
        %gather3A_1129 = tpu.memref_squeeze %gather3A_1128 : memref<1x128x32xf32, #tpu.memory_space<vmem>> -> memref<128x32xf32, #tpu.memory_space<vmem>>
        %gather3A_1130 = tpu.vector_load_idx %gather3A_1129[%add3A_1015, %add3A_1124] : memref<128x32xf32, #tpu.memory_space<vmem>>[vector<16xi32>, vector<16xi32>], vector<16xf32>,
        %gather3A_1131 = arith.constant 1 : i32
        %gather3A_1132 = arith.constant 0 : i32
        %gather3A_1133 = arith.constant 0 : i32
        %gather3A_1134 = tpu.memref_slice %arg6[%gather3A_1131, %gather3A_1132, %gather3A_1133] : memref<2x128x32xf32, #tpu.memory_space<vmem>> -> memref<1x128x32xf32, #tpu.memory_space<vmem>>
        %gather3A_1135 = tpu.memref_squeeze %gather3A_1134 : memref<1x128x32xf32, #tpu.memory_space<vmem>> -> memref<128x32xf32, #tpu.memory_space<vmem>>
        %gather3A_1136 = tpu.vector_load_idx %gather3A_1135[%add3A_1015, %rem3A_39] : memref<128x32xf32, #tpu.memory_space<vmem>>[vector<16xi32>, vector<16xi32>], vector<16xf32>,
        %add3A_1137 = arith.constant 16 : i32
        %add3A_1138 = vector.broadcast %add3A_1137 : i32 to vector<16xi32>
        %add3A_1139 = arith.addi %rem3A_39, %add3A_1138 : vector<16xi32>
        %gather3A_1140 = arith.constant 1 : i32
        %gather3A_1141 = arith.constant 0 : i32
        %gather3A_1142 = arith.constant 0 : i32
        %gather3A_1143 = tpu.memref_slice %arg6[%gather3A_1140, %gather3A_1141, %gather3A_1142] : memref<2x128x32xf32, #tpu.memory_space<vmem>> -> memref<1x128x32xf32, #tpu.memory_space<vmem>>
        %gather3A_1144 = tpu.memref_squeeze %gather3A_1143 : memref<1x128x32xf32, #tpu.memory_space<vmem>> -> memref<128x32xf32, #tpu.memory_space<vmem>>
        %gather3A_1145 = tpu.vector_load_idx %gather3A_1144[%add3A_1015, %add3A_1139] : memref<128x32xf32, #tpu.memory_space<vmem>>[vector<16xi32>, vector<16xi32>], vector<16xf32>,
        %gather3A_1146 = arith.constant 1 : i32
        %gather3A_1147 = arith.constant 0 : i32
        %gather3A_1148 = arith.constant 0 : i32
        %gather3A_1149 = tpu.memref_slice %arg6[%gather3A_1146, %gather3A_1147, %gather3A_1148] : memref<2x128x32xf32, #tpu.memory_space<vmem>> -> memref<1x128x32xf32, #tpu.memory_space<vmem>>
        %gather3A_1150 = tpu.memref_squeeze %gather3A_1149 : memref<1x128x32xf32, #tpu.memory_space<vmem>> -> memref<128x32xf32, #tpu.memory_space<vmem>>
        %gather3A_1151 = tpu.vector_load_idx %gather3A_1150[%add3A_1015, %rem3A_45] : memref<128x32xf32, #tpu.memory_space<vmem>>[vector<16xi32>, vector<16xi32>], vector<16xf32>,
        %add3A_1152 = arith.constant 16 : i32
        %add3A_1153 = vector.broadcast %add3A_1152 : i32 to vector<16xi32>
        %add3A_1154 = arith.addi %rem3A_45, %add3A_1153 : vector<16xi32>
        %gather3A_1155 = arith.constant 1 : i32
        %gather3A_1156 = arith.constant 0 : i32
        %gather3A_1157 = arith.constant 0 : i32
        %gather3A_1158 = tpu.memref_slice %arg6[%gather3A_1155, %gather3A_1156, %gather3A_1157] : memref<2x128x32xf32, #tpu.memory_space<vmem>> -> memref<1x128x32xf32, #tpu.memory_space<vmem>>
        %gather3A_1159 = tpu.memref_squeeze %gather3A_1158 : memref<1x128x32xf32, #tpu.memory_space<vmem>> -> memref<128x32xf32, #tpu.memory_space<vmem>>
        %gather3A_1160 = tpu.vector_load_idx %gather3A_1159[%add3A_1015, %add3A_1154] : memref<128x32xf32, #tpu.memory_space<vmem>>[vector<16xi32>, vector<16xi32>], vector<16xf32>,
        %gather3A_1161 = arith.constant 1 : i32
        %gather3A_1162 = arith.constant 0 : i32
        %gather3A_1163 = arith.constant 0 : i32
        %gather3A_1164 = tpu.memref_slice %arg6[%gather3A_1161, %gather3A_1162, %gather3A_1163] : memref<2x128x32xf32, #tpu.memory_space<vmem>> -> memref<1x128x32xf32, #tpu.memory_space<vmem>>
        %gather3A_1165 = tpu.memref_squeeze %gather3A_1164 : memref<1x128x32xf32, #tpu.memory_space<vmem>> -> memref<128x32xf32, #tpu.memory_space<vmem>>
        %gather3A_1166 = tpu.vector_load_idx %gather3A_1165[%add3A_1015, %rem3A_51] : memref<128x32xf32, #tpu.memory_space<vmem>>[vector<16xi32>, vector<16xi32>], vector<16xf32>,
        %add3A_1167 = arith.constant 16 : i32
        %add3A_1168 = vector.broadcast %add3A_1167 : i32 to vector<16xi32>
        %add3A_1169 = arith.addi %rem3A_51, %add3A_1168 : vector<16xi32>
        %gather3A_1170 = arith.constant 1 : i32
        %gather3A_1171 = arith.constant 0 : i32
        %gather3A_1172 = arith.constant 0 : i32
        %gather3A_1173 = tpu.memref_slice %arg6[%gather3A_1170, %gather3A_1171, %gather3A_1172] : memref<2x128x32xf32, #tpu.memory_space<vmem>> -> memref<1x128x32xf32, #tpu.memory_space<vmem>>
        %gather3A_1174 = tpu.memref_squeeze %gather3A_1173 : memref<1x128x32xf32, #tpu.memory_space<vmem>> -> memref<128x32xf32, #tpu.memory_space<vmem>>
        %gather3A_1175 = tpu.vector_load_idx %gather3A_1174[%add3A_1015, %add3A_1169] : memref<128x32xf32, #tpu.memory_space<vmem>>[vector<16xi32>, vector<16xi32>], vector<16xf32>,
        %scatter3A_1176 = arith.constant 1 : i32
        %scatter3A_1177 = arith.constant 0 : i32
        %scatter3A_1178 = arith.constant 0 : i32
        %scatter3A_1179 = tpu.memref_slice %arg7[%scatter3A_1176, %scatter3A_1177, %scatter3A_1178] : memref<2x32x128xf32, #tpu.memory_space<vmem>> -> memref<1x32x128xf32, #tpu.memory_space<vmem>>
        %scatter3A_1180 = tpu.memref_squeeze %scatter3A_1179 : memref<1x32x128xf32, #tpu.memory_space<vmem>> -> memref<32x128xf32, #tpu.memory_space<vmem>>
        tpu.vector_store_idx %scatter3A_1180[%rem3A_33, %add3A_1015], %gather3A_1121 : memref<32x128xf32, #tpu.memory_space<vmem>>[vector<16xi32>, vector<16xi32>], vector<16xf32>,
        %scatter3A_1181 = arith.constant 1 : i32
        %scatter3A_1182 = arith.constant 0 : i32
        %scatter3A_1183 = arith.constant 0 : i32
        %scatter3A_1184 = tpu.memref_slice %arg7[%scatter3A_1181, %scatter3A_1182, %scatter3A_1183] : memref<2x32x128xf32, #tpu.memory_space<vmem>> -> memref<1x32x128xf32, #tpu.memory_space<vmem>>
        %scatter3A_1185 = tpu.memref_squeeze %scatter3A_1184 : memref<1x32x128xf32, #tpu.memory_space<vmem>> -> memref<32x128xf32, #tpu.memory_space<vmem>>
        tpu.vector_store_idx %scatter3A_1185[%add3A_1124, %add3A_1015], %gather3A_1130 : memref<32x128xf32, #tpu.memory_space<vmem>>[vector<16xi32>, vector<16xi32>], vector<16xf32>,
        %scatter3A_1186 = arith.constant 1 : i32
        %scatter3A_1187 = arith.constant 0 : i32
        %scatter3A_1188 = arith.constant 0 : i32
        %scatter3A_1189 = tpu.memref_slice %arg7[%scatter3A_1186, %scatter3A_1187, %scatter3A_1188] : memref<2x32x128xf32, #tpu.memory_space<vmem>> -> memref<1x32x128xf32, #tpu.memory_space<vmem>>
        %scatter3A_1190 = tpu.memref_squeeze %scatter3A_1189 : memref<1x32x128xf32, #tpu.memory_space<vmem>> -> memref<32x128xf32, #tpu.memory_space<vmem>>
        tpu.vector_store_idx %scatter3A_1190[%rem3A_39, %add3A_1015], %gather3A_1136 : memref<32x128xf32, #tpu.memory_space<vmem>>[vector<16xi32>, vector<16xi32>], vector<16xf32>,
        %scatter3A_1191 = arith.constant 1 : i32
        %scatter3A_1192 = arith.constant 0 : i32
        %scatter3A_1193 = arith.constant 0 : i32
        %scatter3A_1194 = tpu.memref_slice %arg7[%scatter3A_1191, %scatter3A_1192, %scatter3A_1193] : memref<2x32x128xf32, #tpu.memory_space<vmem>> -> memref<1x32x128xf32, #tpu.memory_space<vmem>>
        %scatter3A_1195 = tpu.memref_squeeze %scatter3A_1194 : memref<1x32x128xf32, #tpu.memory_space<vmem>> -> memref<32x128xf32, #tpu.memory_space<vmem>>
        tpu.vector_store_idx %scatter3A_1195[%add3A_1139, %add3A_1015], %gather3A_1145 : memref<32x128xf32, #tpu.memory_space<vmem>>[vector<16xi32>, vector<16xi32>], vector<16xf32>,
        %scatter3A_1196 = arith.constant 1 : i32
        %scatter3A_1197 = arith.constant 0 : i32
        %scatter3A_1198 = arith.constant 0 : i32
        %scatter3A_1199 = tpu.memref_slice %arg7[%scatter3A_1196, %scatter3A_1197, %scatter3A_1198] : memref<2x32x128xf32, #tpu.memory_space<vmem>> -> memref<1x32x128xf32, #tpu.memory_space<vmem>>
        %scatter3A_1200 = tpu.memref_squeeze %scatter3A_1199 : memref<1x32x128xf32, #tpu.memory_space<vmem>> -> memref<32x128xf32, #tpu.memory_space<vmem>>
        tpu.vector_store_idx %scatter3A_1200[%rem3A_45, %add3A_1015], %gather3A_1151 : memref<32x128xf32, #tpu.memory_space<vmem>>[vector<16xi32>, vector<16xi32>], vector<16xf32>,
        %scatter3A_1201 = arith.constant 1 : i32
        %scatter3A_1202 = arith.constant 0 : i32
        %scatter3A_1203 = arith.constant 0 : i32
        %scatter3A_1204 = tpu.memref_slice %arg7[%scatter3A_1201, %scatter3A_1202, %scatter3A_1203] : memref<2x32x128xf32, #tpu.memory_space<vmem>> -> memref<1x32x128xf32, #tpu.memory_space<vmem>>
        %scatter3A_1205 = tpu.memref_squeeze %scatter3A_1204 : memref<1x32x128xf32, #tpu.memory_space<vmem>> -> memref<32x128xf32, #tpu.memory_space<vmem>>
        tpu.vector_store_idx %scatter3A_1205[%add3A_1154, %add3A_1015], %gather3A_1160 : memref<32x128xf32, #tpu.memory_space<vmem>>[vector<16xi32>, vector<16xi32>], vector<16xf32>,
        %scatter3A_1206 = arith.constant 1 : i32
        %scatter3A_1207 = arith.constant 0 : i32
        %scatter3A_1208 = arith.constant 0 : i32
        %scatter3A_1209 = tpu.memref_slice %arg7[%scatter3A_1206, %scatter3A_1207, %scatter3A_1208] : memref<2x32x128xf32, #tpu.memory_space<vmem>> -> memref<1x32x128xf32, #tpu.memory_space<vmem>>
        %scatter3A_1210 = tpu.memref_squeeze %scatter3A_1209 : memref<1x32x128xf32, #tpu.memory_space<vmem>> -> memref<32x128xf32, #tpu.memory_space<vmem>>
        tpu.vector_store_idx %scatter3A_1210[%rem3A_51, %add3A_1015], %gather3A_1166 : memref<32x128xf32, #tpu.memory_space<vmem>>[vector<16xi32>, vector<16xi32>], vector<16xf32>,
        %scatter3A_1211 = arith.constant 1 : i32
        %scatter3A_1212 = arith.constant 0 : i32
        %scatter3A_1213 = arith.constant 0 : i32
        %scatter3A_1214 = tpu.memref_slice %arg7[%scatter3A_1211, %scatter3A_1212, %scatter3A_1213] : memref<2x32x128xf32, #tpu.memory_space<vmem>> -> memref<1x32x128xf32, #tpu.memory_space<vmem>>
        %scatter3A_1215 = tpu.memref_squeeze %scatter3A_1214 : memref<1x32x128xf32, #tpu.memory_space<vmem>> -> memref<32x128xf32, #tpu.memory_space<vmem>>
        tpu.vector_store_idx %scatter3A_1215[%add3A_1169, %add3A_1015], %gather3A_1175 : memref<32x128xf32, #tpu.memory_space<vmem>>[vector<16xi32>, vector<16xi32>], vector<16xf32>,
        %gather3A_1216 = arith.constant 1 : i32
        %gather3A_1217 = arith.constant 0 : i32
        %gather3A_1218 = arith.constant 0 : i32
        %gather3A_1219 = tpu.memref_slice %arg6[%gather3A_1216, %gather3A_1217, %gather3A_1218] : memref<2x128x32xf32, #tpu.memory_space<vmem>> -> memref<1x128x32xf32, #tpu.memory_space<vmem>>
        %gather3A_1220 = tpu.memref_squeeze %gather3A_1219 : memref<1x128x32xf32, #tpu.memory_space<vmem>> -> memref<128x32xf32, #tpu.memory_space<vmem>>
        %gather3A_1221 = tpu.vector_load_idx %gather3A_1220[%add3A_1015, %rem3A_57] : memref<128x32xf32, #tpu.memory_space<vmem>>[vector<16xi32>, vector<16xi32>], vector<16xf32>,
        %add3A_1222 = arith.constant 16 : i32
        %add3A_1223 = vector.broadcast %add3A_1222 : i32 to vector<16xi32>
        %add3A_1224 = arith.addi %rem3A_57, %add3A_1223 : vector<16xi32>
        %gather3A_1225 = arith.constant 1 : i32
        %gather3A_1226 = arith.constant 0 : i32
        %gather3A_1227 = arith.constant 0 : i32
        %gather3A_1228 = tpu.memref_slice %arg6[%gather3A_1225, %gather3A_1226, %gather3A_1227] : memref<2x128x32xf32, #tpu.memory_space<vmem>> -> memref<1x128x32xf32, #tpu.memory_space<vmem>>
        %gather3A_1229 = tpu.memref_squeeze %gather3A_1228 : memref<1x128x32xf32, #tpu.memory_space<vmem>> -> memref<128x32xf32, #tpu.memory_space<vmem>>
        %gather3A_1230 = tpu.vector_load_idx %gather3A_1229[%add3A_1015, %add3A_1224] : memref<128x32xf32, #tpu.memory_space<vmem>>[vector<16xi32>, vector<16xi32>], vector<16xf32>,
        %gather3A_1231 = arith.constant 1 : i32
        %gather3A_1232 = arith.constant 0 : i32
        %gather3A_1233 = arith.constant 0 : i32
        %gather3A_1234 = tpu.memref_slice %arg6[%gather3A_1231, %gather3A_1232, %gather3A_1233] : memref<2x128x32xf32, #tpu.memory_space<vmem>> -> memref<1x128x32xf32, #tpu.memory_space<vmem>>
        %gather3A_1235 = tpu.memref_squeeze %gather3A_1234 : memref<1x128x32xf32, #tpu.memory_space<vmem>> -> memref<128x32xf32, #tpu.memory_space<vmem>>
        %gather3A_1236 = tpu.vector_load_idx %gather3A_1235[%add3A_1015, %rem3A_63] : memref<128x32xf32, #tpu.memory_space<vmem>>[vector<16xi32>, vector<16xi32>], vector<16xf32>,
        %add3A_1237 = arith.constant 16 : i32
        %add3A_1238 = vector.broadcast %add3A_1237 : i32 to vector<16xi32>
        %add3A_1239 = arith.addi %rem3A_63, %add3A_1238 : vector<16xi32>
        %gather3A_1240 = arith.constant 1 : i32
        %gather3A_1241 = arith.constant 0 : i32
        %gather3A_1242 = arith.constant 0 : i32
        %gather3A_1243 = tpu.memref_slice %arg6[%gather3A_1240, %gather3A_1241, %gather3A_1242] : memref<2x128x32xf32, #tpu.memory_space<vmem>> -> memref<1x128x32xf32, #tpu.memory_space<vmem>>
        %gather3A_1244 = tpu.memref_squeeze %gather3A_1243 : memref<1x128x32xf32, #tpu.memory_space<vmem>> -> memref<128x32xf32, #tpu.memory_space<vmem>>
        %gather3A_1245 = tpu.vector_load_idx %gather3A_1244[%add3A_1015, %add3A_1239] : memref<128x32xf32, #tpu.memory_space<vmem>>[vector<16xi32>, vector<16xi32>], vector<16xf32>,
        %gather3A_1246 = arith.constant 1 : i32
        %gather3A_1247 = arith.constant 0 : i32
        %gather3A_1248 = arith.constant 0 : i32
        %gather3A_1249 = tpu.memref_slice %arg6[%gather3A_1246, %gather3A_1247, %gather3A_1248] : memref<2x128x32xf32, #tpu.memory_space<vmem>> -> memref<1x128x32xf32, #tpu.memory_space<vmem>>
        %gather3A_1250 = tpu.memref_squeeze %gather3A_1249 : memref<1x128x32xf32, #tpu.memory_space<vmem>> -> memref<128x32xf32, #tpu.memory_space<vmem>>
        %gather3A_1251 = tpu.vector_load_idx %gather3A_1250[%add3A_1015, %rem3A_69] : memref<128x32xf32, #tpu.memory_space<vmem>>[vector<16xi32>, vector<16xi32>], vector<16xf32>,
        %add3A_1252 = arith.constant 16 : i32
        %add3A_1253 = vector.broadcast %add3A_1252 : i32 to vector<16xi32>
        %add3A_1254 = arith.addi %rem3A_69, %add3A_1253 : vector<16xi32>
        %gather3A_1255 = arith.constant 1 : i32
        %gather3A_1256 = arith.constant 0 : i32
        %gather3A_1257 = arith.constant 0 : i32
        %gather3A_1258 = tpu.memref_slice %arg6[%gather3A_1255, %gather3A_1256, %gather3A_1257] : memref<2x128x32xf32, #tpu.memory_space<vmem>> -> memref<1x128x32xf32, #tpu.memory_space<vmem>>
        %gather3A_1259 = tpu.memref_squeeze %gather3A_1258 : memref<1x128x32xf32, #tpu.memory_space<vmem>> -> memref<128x32xf32, #tpu.memory_space<vmem>>
        %gather3A_1260 = tpu.vector_load_idx %gather3A_1259[%add3A_1015, %add3A_1254] : memref<128x32xf32, #tpu.memory_space<vmem>>[vector<16xi32>, vector<16xi32>], vector<16xf32>,
        %gather3A_1261 = arith.constant 1 : i32
        %gather3A_1262 = arith.constant 0 : i32
        %gather3A_1263 = arith.constant 0 : i32
        %gather3A_1264 = tpu.memref_slice %arg6[%gather3A_1261, %gather3A_1262, %gather3A_1263] : memref<2x128x32xf32, #tpu.memory_space<vmem>> -> memref<1x128x32xf32, #tpu.memory_space<vmem>>
        %gather3A_1265 = tpu.memref_squeeze %gather3A_1264 : memref<1x128x32xf32, #tpu.memory_space<vmem>> -> memref<128x32xf32, #tpu.memory_space<vmem>>
        %gather3A_1266 = tpu.vector_load_idx %gather3A_1265[%add3A_1015, %rem3A_75] : memref<128x32xf32, #tpu.memory_space<vmem>>[vector<16xi32>, vector<16xi32>], vector<16xf32>,
        %add3A_1267 = arith.constant 16 : i32
        %add3A_1268 = vector.broadcast %add3A_1267 : i32 to vector<16xi32>
        %add3A_1269 = arith.addi %rem3A_75, %add3A_1268 : vector<16xi32>
        %gather3A_1270 = arith.constant 1 : i32
        %gather3A_1271 = arith.constant 0 : i32
        %gather3A_1272 = arith.constant 0 : i32
        %gather3A_1273 = tpu.memref_slice %arg6[%gather3A_1270, %gather3A_1271, %gather3A_1272] : memref<2x128x32xf32, #tpu.memory_space<vmem>> -> memref<1x128x32xf32, #tpu.memory_space<vmem>>
        %gather3A_1274 = tpu.memref_squeeze %gather3A_1273 : memref<1x128x32xf32, #tpu.memory_space<vmem>> -> memref<128x32xf32, #tpu.memory_space<vmem>>
        %gather3A_1275 = tpu.vector_load_idx %gather3A_1274[%add3A_1015, %add3A_1269] : memref<128x32xf32, #tpu.memory_space<vmem>>[vector<16xi32>, vector<16xi32>], vector<16xf32>,
        %scatter3A_1276 = arith.constant 1 : i32
        %scatter3A_1277 = arith.constant 0 : i32
        %scatter3A_1278 = arith.constant 0 : i32
        %scatter3A_1279 = tpu.memref_slice %arg7[%scatter3A_1276, %scatter3A_1277, %scatter3A_1278] : memref<2x32x128xf32, #tpu.memory_space<vmem>> -> memref<1x32x128xf32, #tpu.memory_space<vmem>>
        %scatter3A_1280 = tpu.memref_squeeze %scatter3A_1279 : memref<1x32x128xf32, #tpu.memory_space<vmem>> -> memref<32x128xf32, #tpu.memory_space<vmem>>
        tpu.vector_store_idx %scatter3A_1280[%rem3A_57, %add3A_1015], %gather3A_1221 : memref<32x128xf32, #tpu.memory_space<vmem>>[vector<16xi32>, vector<16xi32>], vector<16xf32>,
        %scatter3A_1281 = arith.constant 1 : i32
        %scatter3A_1282 = arith.constant 0 : i32
        %scatter3A_1283 = arith.constant 0 : i32
        %scatter3A_1284 = tpu.memref_slice %arg7[%scatter3A_1281, %scatter3A_1282, %scatter3A_1283] : memref<2x32x128xf32, #tpu.memory_space<vmem>> -> memref<1x32x128xf32, #tpu.memory_space<vmem>>
        %scatter3A_1285 = tpu.memref_squeeze %scatter3A_1284 : memref<1x32x128xf32, #tpu.memory_space<vmem>> -> memref<32x128xf32, #tpu.memory_space<vmem>>
        tpu.vector_store_idx %scatter3A_1285[%add3A_1224, %add3A_1015], %gather3A_1230 : memref<32x128xf32, #tpu.memory_space<vmem>>[vector<16xi32>, vector<16xi32>], vector<16xf32>,
        %scatter3A_1286 = arith.constant 1 : i32
        %scatter3A_1287 = arith.constant 0 : i32
        %scatter3A_1288 = arith.constant 0 : i32
        %scatter3A_1289 = tpu.memref_slice %arg7[%scatter3A_1286, %scatter3A_1287, %scatter3A_1288] : memref<2x32x128xf32, #tpu.memory_space<vmem>> -> memref<1x32x128xf32, #tpu.memory_space<vmem>>
        %scatter3A_1290 = tpu.memref_squeeze %scatter3A_1289 : memref<1x32x128xf32, #tpu.memory_space<vmem>> -> memref<32x128xf32, #tpu.memory_space<vmem>>
        tpu.vector_store_idx %scatter3A_1290[%rem3A_63, %add3A_1015], %gather3A_1236 : memref<32x128xf32, #tpu.memory_space<vmem>>[vector<16xi32>, vector<16xi32>], vector<16xf32>,
        %scatter3A_1291 = arith.constant 1 : i32
        %scatter3A_1292 = arith.constant 0 : i32
        %scatter3A_1293 = arith.constant 0 : i32
        %scatter3A_1294 = tpu.memref_slice %arg7[%scatter3A_1291, %scatter3A_1292, %scatter3A_1293] : memref<2x32x128xf32, #tpu.memory_space<vmem>> -> memref<1x32x128xf32, #tpu.memory_space<vmem>>
        %scatter3A_1295 = tpu.memref_squeeze %scatter3A_1294 : memref<1x32x128xf32, #tpu.memory_space<vmem>> -> memref<32x128xf32, #tpu.memory_space<vmem>>
        tpu.vector_store_idx %scatter3A_1295[%add3A_1239, %add3A_1015], %gather3A_1245 : memref<32x128xf32, #tpu.memory_space<vmem>>[vector<16xi32>, vector<16xi32>], vector<16xf32>,
        %scatter3A_1296 = arith.constant 1 : i32
        %scatter3A_1297 = arith.constant 0 : i32
        %scatter3A_1298 = arith.constant 0 : i32
        %scatter3A_1299 = tpu.memref_slice %arg7[%scatter3A_1296, %scatter3A_1297, %scatter3A_1298] : memref<2x32x128xf32, #tpu.memory_space<vmem>> -> memref<1x32x128xf32, #tpu.memory_space<vmem>>
        %scatter3A_1300 = tpu.memref_squeeze %scatter3A_1299 : memref<1x32x128xf32, #tpu.memory_space<vmem>> -> memref<32x128xf32, #tpu.memory_space<vmem>>
        tpu.vector_store_idx %scatter3A_1300[%rem3A_69, %add3A_1015], %gather3A_1251 : memref<32x128xf32, #tpu.memory_space<vmem>>[vector<16xi32>, vector<16xi32>], vector<16xf32>,
        %scatter3A_1301 = arith.constant 1 : i32
        %scatter3A_1302 = arith.constant 0 : i32
        %scatter3A_1303 = arith.constant 0 : i32
        %scatter3A_1304 = tpu.memref_slice %arg7[%scatter3A_1301, %scatter3A_1302, %scatter3A_1303] : memref<2x32x128xf32, #tpu.memory_space<vmem>> -> memref<1x32x128xf32, #tpu.memory_space<vmem>>
        %scatter3A_1305 = tpu.memref_squeeze %scatter3A_1304 : memref<1x32x128xf32, #tpu.memory_space<vmem>> -> memref<32x128xf32, #tpu.memory_space<vmem>>
        tpu.vector_store_idx %scatter3A_1305[%add3A_1254, %add3A_1015], %gather3A_1260 : memref<32x128xf32, #tpu.memory_space<vmem>>[vector<16xi32>, vector<16xi32>], vector<16xf32>,
        %scatter3A_1306 = arith.constant 1 : i32
        %scatter3A_1307 = arith.constant 0 : i32
        %scatter3A_1308 = arith.constant 0 : i32
        %scatter3A_1309 = tpu.memref_slice %arg7[%scatter3A_1306, %scatter3A_1307, %scatter3A_1308] : memref<2x32x128xf32, #tpu.memory_space<vmem>> -> memref<1x32x128xf32, #tpu.memory_space<vmem>>
        %scatter3A_1310 = tpu.memref_squeeze %scatter3A_1309 : memref<1x32x128xf32, #tpu.memory_space<vmem>> -> memref<32x128xf32, #tpu.memory_space<vmem>>
        tpu.vector_store_idx %scatter3A_1310[%rem3A_75, %add3A_1015], %gather3A_1266 : memref<32x128xf32, #tpu.memory_space<vmem>>[vector<16xi32>, vector<16xi32>], vector<16xf32>,
        %scatter3A_1311 = arith.constant 1 : i32
        %scatter3A_1312 = arith.constant 0 : i32
        %scatter3A_1313 = arith.constant 0 : i32
        %scatter3A_1314 = tpu.memref_slice %arg7[%scatter3A_1311, %scatter3A_1312, %scatter3A_1313] : memref<2x32x128xf32, #tpu.memory_space<vmem>> -> memref<1x32x128xf32, #tpu.memory_space<vmem>>
        %scatter3A_1315 = tpu.memref_squeeze %scatter3A_1314 : memref<1x32x128xf32, #tpu.memory_space<vmem>> -> memref<32x128xf32, #tpu.memory_space<vmem>>
        tpu.vector_store_idx %scatter3A_1315[%add3A_1269, %add3A_1015], %gather3A_1275 : memref<32x128xf32, #tpu.memory_space<vmem>>[vector<16xi32>, vector<16xi32>], vector<16xf32>,
        %gather3A_1316 = arith.constant 1 : i32
        %gather3A_1317 = arith.constant 0 : i32
        %gather3A_1318 = arith.constant 0 : i32
        %gather3A_1319 = tpu.memref_slice %arg6[%gather3A_1316, %gather3A_1317, %gather3A_1318] : memref<2x128x32xf32, #tpu.memory_space<vmem>> -> memref<1x128x32xf32, #tpu.memory_space<vmem>>
        %gather3A_1320 = tpu.memref_squeeze %gather3A_1319 : memref<1x128x32xf32, #tpu.memory_space<vmem>> -> memref<128x32xf32, #tpu.memory_space<vmem>>
        %gather3A_1321 = tpu.vector_load_idx %gather3A_1320[%add3A_1015, %rem3A_81] : memref<128x32xf32, #tpu.memory_space<vmem>>[vector<16xi32>, vector<16xi32>], vector<16xf32>,
        %add3A_1322 = arith.constant 16 : i32
        %add3A_1323 = vector.broadcast %add3A_1322 : i32 to vector<16xi32>
        %add3A_1324 = arith.addi %rem3A_81, %add3A_1323 : vector<16xi32>
        %gather3A_1325 = arith.constant 1 : i32
        %gather3A_1326 = arith.constant 0 : i32
        %gather3A_1327 = arith.constant 0 : i32
        %gather3A_1328 = tpu.memref_slice %arg6[%gather3A_1325, %gather3A_1326, %gather3A_1327] : memref<2x128x32xf32, #tpu.memory_space<vmem>> -> memref<1x128x32xf32, #tpu.memory_space<vmem>>
        %gather3A_1329 = tpu.memref_squeeze %gather3A_1328 : memref<1x128x32xf32, #tpu.memory_space<vmem>> -> memref<128x32xf32, #tpu.memory_space<vmem>>
        %gather3A_1330 = tpu.vector_load_idx %gather3A_1329[%add3A_1015, %add3A_1324] : memref<128x32xf32, #tpu.memory_space<vmem>>[vector<16xi32>, vector<16xi32>], vector<16xf32>,
        %gather3A_1331 = arith.constant 1 : i32
        %gather3A_1332 = arith.constant 0 : i32
        %gather3A_1333 = arith.constant 0 : i32
        %gather3A_1334 = tpu.memref_slice %arg6[%gather3A_1331, %gather3A_1332, %gather3A_1333] : memref<2x128x32xf32, #tpu.memory_space<vmem>> -> memref<1x128x32xf32, #tpu.memory_space<vmem>>
        %gather3A_1335 = tpu.memref_squeeze %gather3A_1334 : memref<1x128x32xf32, #tpu.memory_space<vmem>> -> memref<128x32xf32, #tpu.memory_space<vmem>>
        %gather3A_1336 = tpu.vector_load_idx %gather3A_1335[%add3A_1015, %rem3A_87] : memref<128x32xf32, #tpu.memory_space<vmem>>[vector<16xi32>, vector<16xi32>], vector<16xf32>,
        %add3A_1337 = arith.constant 16 : i32
        %add3A_1338 = vector.broadcast %add3A_1337 : i32 to vector<16xi32>
        %add3A_1339 = arith.addi %rem3A_87, %add3A_1338 : vector<16xi32>
        %gather3A_1340 = arith.constant 1 : i32
        %gather3A_1341 = arith.constant 0 : i32
        %gather3A_1342 = arith.constant 0 : i32
        %gather3A_1343 = tpu.memref_slice %arg6[%gather3A_1340, %gather3A_1341, %gather3A_1342] : memref<2x128x32xf32, #tpu.memory_space<vmem>> -> memref<1x128x32xf32, #tpu.memory_space<vmem>>
        %gather3A_1344 = tpu.memref_squeeze %gather3A_1343 : memref<1x128x32xf32, #tpu.memory_space<vmem>> -> memref<128x32xf32, #tpu.memory_space<vmem>>
        %gather3A_1345 = tpu.vector_load_idx %gather3A_1344[%add3A_1015, %add3A_1339] : memref<128x32xf32, #tpu.memory_space<vmem>>[vector<16xi32>, vector<16xi32>], vector<16xf32>,
        %gather3A_1346 = arith.constant 1 : i32
        %gather3A_1347 = arith.constant 0 : i32
        %gather3A_1348 = arith.constant 0 : i32
        %gather3A_1349 = tpu.memref_slice %arg6[%gather3A_1346, %gather3A_1347, %gather3A_1348] : memref<2x128x32xf32, #tpu.memory_space<vmem>> -> memref<1x128x32xf32, #tpu.memory_space<vmem>>
        %gather3A_1350 = tpu.memref_squeeze %gather3A_1349 : memref<1x128x32xf32, #tpu.memory_space<vmem>> -> memref<128x32xf32, #tpu.memory_space<vmem>>
        %gather3A_1351 = tpu.vector_load_idx %gather3A_1350[%add3A_1015, %rem3A_93] : memref<128x32xf32, #tpu.memory_space<vmem>>[vector<16xi32>, vector<16xi32>], vector<16xf32>,
        %add3A_1352 = arith.constant 16 : i32
        %add3A_1353 = vector.broadcast %add3A_1352 : i32 to vector<16xi32>
        %add3A_1354 = arith.addi %rem3A_93, %add3A_1353 : vector<16xi32>
        %gather3A_1355 = arith.constant 1 : i32
        %gather3A_1356 = arith.constant 0 : i32
        %gather3A_1357 = arith.constant 0 : i32
        %gather3A_1358 = tpu.memref_slice %arg6[%gather3A_1355, %gather3A_1356, %gather3A_1357] : memref<2x128x32xf32, #tpu.memory_space<vmem>> -> memref<1x128x32xf32, #tpu.memory_space<vmem>>
        %gather3A_1359 = tpu.memref_squeeze %gather3A_1358 : memref<1x128x32xf32, #tpu.memory_space<vmem>> -> memref<128x32xf32, #tpu.memory_space<vmem>>
        %gather3A_1360 = tpu.vector_load_idx %gather3A_1359[%add3A_1015, %add3A_1354] : memref<128x32xf32, #tpu.memory_space<vmem>>[vector<16xi32>, vector<16xi32>], vector<16xf32>,
        %gather3A_1361 = arith.constant 1 : i32
        %gather3A_1362 = arith.constant 0 : i32
        %gather3A_1363 = arith.constant 0 : i32
        %gather3A_1364 = tpu.memref_slice %arg6[%gather3A_1361, %gather3A_1362, %gather3A_1363] : memref<2x128x32xf32, #tpu.memory_space<vmem>> -> memref<1x128x32xf32, #tpu.memory_space<vmem>>
        %gather3A_1365 = tpu.memref_squeeze %gather3A_1364 : memref<1x128x32xf32, #tpu.memory_space<vmem>> -> memref<128x32xf32, #tpu.memory_space<vmem>>
        %gather3A_1366 = tpu.vector_load_idx %gather3A_1365[%add3A_1015, %rem3A_99] : memref<128x32xf32, #tpu.memory_space<vmem>>[vector<16xi32>, vector<16xi32>], vector<16xf32>,
        %add3A_1367 = arith.constant 16 : i32
        %add3A_1368 = vector.broadcast %add3A_1367 : i32 to vector<16xi32>
        %add3A_1369 = arith.addi %rem3A_99, %add3A_1368 : vector<16xi32>
        %gather3A_1370 = arith.constant 1 : i32
        %gather3A_1371 = arith.constant 0 : i32
        %gather3A_1372 = arith.constant 0 : i32
        %gather3A_1373 = tpu.memref_slice %arg6[%gather3A_1370, %gather3A_1371, %gather3A_1372] : memref<2x128x32xf32, #tpu.memory_space<vmem>> -> memref<1x128x32xf32, #tpu.memory_space<vmem>>
        %gather3A_1374 = tpu.memref_squeeze %gather3A_1373 : memref<1x128x32xf32, #tpu.memory_space<vmem>> -> memref<128x32xf32, #tpu.memory_space<vmem>>
        %gather3A_1375 = tpu.vector_load_idx %gather3A_1374[%add3A_1015, %add3A_1369] : memref<128x32xf32, #tpu.memory_space<vmem>>[vector<16xi32>, vector<16xi32>], vector<16xf32>,
        %scatter3A_1376 = arith.constant 1 : i32
        %scatter3A_1377 = arith.constant 0 : i32
        %scatter3A_1378 = arith.constant 0 : i32
        %scatter3A_1379 = tpu.memref_slice %arg7[%scatter3A_1376, %scatter3A_1377, %scatter3A_1378] : memref<2x32x128xf32, #tpu.memory_space<vmem>> -> memref<1x32x128xf32, #tpu.memory_space<vmem>>
        %scatter3A_1380 = tpu.memref_squeeze %scatter3A_1379 : memref<1x32x128xf32, #tpu.memory_space<vmem>> -> memref<32x128xf32, #tpu.memory_space<vmem>>
        tpu.vector_store_idx %scatter3A_1380[%rem3A_81, %add3A_1015], %gather3A_1321 : memref<32x128xf32, #tpu.memory_space<vmem>>[vector<16xi32>, vector<16xi32>], vector<16xf32>,
        %scatter3A_1381 = arith.constant 1 : i32
        %scatter3A_1382 = arith.constant 0 : i32
        %scatter3A_1383 = arith.constant 0 : i32
        %scatter3A_1384 = tpu.memref_slice %arg7[%scatter3A_1381, %scatter3A_1382, %scatter3A_1383] : memref<2x32x128xf32, #tpu.memory_space<vmem>> -> memref<1x32x128xf32, #tpu.memory_space<vmem>>
        %scatter3A_1385 = tpu.memref_squeeze %scatter3A_1384 : memref<1x32x128xf32, #tpu.memory_space<vmem>> -> memref<32x128xf32, #tpu.memory_space<vmem>>
        tpu.vector_store_idx %scatter3A_1385[%add3A_1324, %add3A_1015], %gather3A_1330 : memref<32x128xf32, #tpu.memory_space<vmem>>[vector<16xi32>, vector<16xi32>], vector<16xf32>,
        %scatter3A_1386 = arith.constant 1 : i32
        %scatter3A_1387 = arith.constant 0 : i32
        %scatter3A_1388 = arith.constant 0 : i32
        %scatter3A_1389 = tpu.memref_slice %arg7[%scatter3A_1386, %scatter3A_1387, %scatter3A_1388] : memref<2x32x128xf32, #tpu.memory_space<vmem>> -> memref<1x32x128xf32, #tpu.memory_space<vmem>>
        %scatter3A_1390 = tpu.memref_squeeze %scatter3A_1389 : memref<1x32x128xf32, #tpu.memory_space<vmem>> -> memref<32x128xf32, #tpu.memory_space<vmem>>
        tpu.vector_store_idx %scatter3A_1390[%rem3A_87, %add3A_1015], %gather3A_1336 : memref<32x128xf32, #tpu.memory_space<vmem>>[vector<16xi32>, vector<16xi32>], vector<16xf32>,
        %scatter3A_1391 = arith.constant 1 : i32
        %scatter3A_1392 = arith.constant 0 : i32
        %scatter3A_1393 = arith.constant 0 : i32
        %scatter3A_1394 = tpu.memref_slice %arg7[%scatter3A_1391, %scatter3A_1392, %scatter3A_1393] : memref<2x32x128xf32, #tpu.memory_space<vmem>> -> memref<1x32x128xf32, #tpu.memory_space<vmem>>
        %scatter3A_1395 = tpu.memref_squeeze %scatter3A_1394 : memref<1x32x128xf32, #tpu.memory_space<vmem>> -> memref<32x128xf32, #tpu.memory_space<vmem>>
        tpu.vector_store_idx %scatter3A_1395[%add3A_1339, %add3A_1015], %gather3A_1345 : memref<32x128xf32, #tpu.memory_space<vmem>>[vector<16xi32>, vector<16xi32>], vector<16xf32>,
        %scatter3A_1396 = arith.constant 1 : i32
        %scatter3A_1397 = arith.constant 0 : i32
        %scatter3A_1398 = arith.constant 0 : i32
        %scatter3A_1399 = tpu.memref_slice %arg7[%scatter3A_1396, %scatter3A_1397, %scatter3A_1398] : memref<2x32x128xf32, #tpu.memory_space<vmem>> -> memref<1x32x128xf32, #tpu.memory_space<vmem>>
        %scatter3A_1400 = tpu.memref_squeeze %scatter3A_1399 : memref<1x32x128xf32, #tpu.memory_space<vmem>> -> memref<32x128xf32, #tpu.memory_space<vmem>>
        tpu.vector_store_idx %scatter3A_1400[%rem3A_93, %add3A_1015], %gather3A_1351 : memref<32x128xf32, #tpu.memory_space<vmem>>[vector<16xi32>, vector<16xi32>], vector<16xf32>,
        %scatter3A_1401 = arith.constant 1 : i32
        %scatter3A_1402 = arith.constant 0 : i32
        %scatter3A_1403 = arith.constant 0 : i32
        %scatter3A_1404 = tpu.memref_slice %arg7[%scatter3A_1401, %scatter3A_1402, %scatter3A_1403] : memref<2x32x128xf32, #tpu.memory_space<vmem>> -> memref<1x32x128xf32, #tpu.memory_space<vmem>>
        %scatter3A_1405 = tpu.memref_squeeze %scatter3A_1404 : memref<1x32x128xf32, #tpu.memory_space<vmem>> -> memref<32x128xf32, #tpu.memory_space<vmem>>
        tpu.vector_store_idx %scatter3A_1405[%add3A_1354, %add3A_1015], %gather3A_1360 : memref<32x128xf32, #tpu.memory_space<vmem>>[vector<16xi32>, vector<16xi32>], vector<16xf32>,
        %scatter3A_1406 = arith.constant 1 : i32
        %scatter3A_1407 = arith.constant 0 : i32
        %scatter3A_1408 = arith.constant 0 : i32
        %scatter3A_1409 = tpu.memref_slice %arg7[%scatter3A_1406, %scatter3A_1407, %scatter3A_1408] : memref<2x32x128xf32, #tpu.memory_space<vmem>> -> memref<1x32x128xf32, #tpu.memory_space<vmem>>
        %scatter3A_1410 = tpu.memref_squeeze %scatter3A_1409 : memref<1x32x128xf32, #tpu.memory_space<vmem>> -> memref<32x128xf32, #tpu.memory_space<vmem>>
        tpu.vector_store_idx %scatter3A_1410[%rem3A_99, %add3A_1015], %gather3A_1366 : memref<32x128xf32, #tpu.memory_space<vmem>>[vector<16xi32>, vector<16xi32>], vector<16xf32>,
        %scatter3A_1411 = arith.constant 1 : i32
        %scatter3A_1412 = arith.constant 0 : i32
        %scatter3A_1413 = arith.constant 0 : i32
        %scatter3A_1414 = tpu.memref_slice %arg7[%scatter3A_1411, %scatter3A_1412, %scatter3A_1413] : memref<2x32x128xf32, #tpu.memory_space<vmem>> -> memref<1x32x128xf32, #tpu.memory_space<vmem>>
        %scatter3A_1415 = tpu.memref_squeeze %scatter3A_1414 : memref<1x32x128xf32, #tpu.memory_space<vmem>> -> memref<32x128xf32, #tpu.memory_space<vmem>>
        tpu.vector_store_idx %scatter3A_1415[%add3A_1369, %add3A_1015], %gather3A_1375 : memref<32x128xf32, #tpu.memory_space<vmem>>[vector<16xi32>, vector<16xi32>], vector<16xf32>,
      }
      %scan3A_484 = arith.constant 4 : i32
      %le3A_485 = arith.constant 98 : i32
      %le3A_486 = arith.cmpi sle, %scan3A_313, %le3A_485 : i32
      %convert_element_type3A_487 = arith.extui %le3A_486 : i1 to i32
      %cond3A_488 = arith.constant 0 : i32
      %cond3A_489 = arith.cmpi ne, %convert_element_type3A_487, %cond3A_488 : i32
      scf.if %cond3A_489 {
        %add3A_601 = arith.constant 2 : i32
        %add3A_602 = arith.addi %add3A_455, %add3A_601 : i32
        %mul3A_603 = arith.constant 128 : i32
        %mul3A_604 = arith.muli %add3A_602, %mul3A_603 : i32
        %dma_start3A_605 = arith.constant 1 : i32
        %dma_start3A_606 = arith.constant 1 : i32
        %dma_start3A_607 = arith.constant 0 : i32
        %dma_start3A_608 = arith.constant 0 : i32
        %dma_start3A_609 = tpu.memref_slice %arg6[%dma_start3A_605, %dma_start3A_607, %dma_start3A_608] : memref<2x128x32xf32, #tpu.memory_space<vmem>> -> memref<1x128x32xf32, #tpu.memory_space<vmem>>
        %dma_start3A_610 = tpu.memref_squeeze %dma_start3A_609 : memref<1x128x32xf32, #tpu.memory_space<vmem>> -> memref<128x32xf32, #tpu.memory_space<vmem>>
        %dma_start3A_611 = tpu.memref_slice %arg5[%mul3A_604] : memref<25600xi32, #tpu.memory_space<vmem>> -> memref<128xi32, #tpu.memory_space<vmem>>
        %dma_start3A_612 = arith.constant 0 : i32
        %dma_start3A_613 = arith.constant 0 : i32
        %dma_start3A_614 = tpu.memref_slice %arg3[%dma_start3A_612, %dma_start3A_613] : memref<1000000x32xf32, #tpu.memory_space<hbm>> -> memref<1000000x32xf32, #tpu.memory_space<hbm>>
        %dma_start3A_615 = tpu.memref_slice %arg8[%dma_start3A_606] : memref<2x!tpu.dma_semaphore, #tpu.memory_space<semaphore_mem>> -> memref<1x!tpu.dma_semaphore, #tpu.memory_space<semaphore_mem>>
        %dma_start3A_616 = tpu.memref_squeeze %dma_start3A_615 : memref<1x!tpu.dma_semaphore, #tpu.memory_space<semaphore_mem>> -> memref<!tpu.dma_semaphore, #tpu.memory_space<semaphore_mem>>
        tpu.enqueue_indirect_dma source(%dma_start3A_614 : memref<1000000x32xf32, #tpu.memory_space<hbm>>) target(%dma_start3A_610 : memref<128x32xf32, #tpu.memory_space<vmem>>) offsets(%dma_start3A_611 : memref<128xi32, #tpu.memory_space<vmem>>) semaphore(%dma_start3A_616 : memref<!tpu.dma_semaphore, #tpu.memory_space<semaphore_mem>>)
      } else {
      }
      %add3A_490 = arith.addi %mul3A_2, %add3A_455 : i32
      %jit3A_491 = arith.constant 128 : i32
      %div3A_492 = arith.divsi %add3A_490, %jit3A_491 : i32
      %sign3A_493 = arith.constant 0 : i32
      %sign3A_494 = arith.cmpi sgt, %add3A_490, %sign3A_493 : i32
      %sign3A_495 = arith.extui %sign3A_494 : i1 to i32
      %sign3A_496 = arith.constant 0 : i32
      %sign3A_497 = arith.cmpi slt, %add3A_490, %sign3A_496 : i32
      %sign3A_498 = arith.extui %sign3A_497 : i1 to i32
      %sign3A_499 = arith.subi %sign3A_495, %sign3A_498 : i32
      %sign3A_500 = arith.constant 0 : i32
      %sign3A_501 = arith.cmpi sgt, %jit3A_491, %sign3A_500 : i32
      %sign3A_502 = arith.extui %sign3A_501 : i1 to i32
      %sign3A_503 = arith.constant 0 : i32
      %sign3A_504 = arith.cmpi slt, %jit3A_491, %sign3A_503 : i32
      %sign3A_505 = arith.extui %sign3A_504 : i1 to i32
      %sign3A_506 = arith.subi %sign3A_502, %sign3A_505 : i32
      %ne3A_507 = arith.cmpi ne, %sign3A_499, %sign3A_506 : i32
      %rem3A_508 = arith.remsi %add3A_490, %jit3A_491 : i32
      %ne3A_509 = arith.constant 0 : i32
      %ne3A_510 = arith.cmpi ne, %rem3A_508, %ne3A_509 : i32
      %and3A_511 = arith.andi %ne3A_507, %ne3A_510 : i1
      %sub3A_512 = arith.constant 1 : i32
      %sub3A_513 = arith.subi %div3A_492, %sub3A_512 : i32
      %select_n3A_514 = arith.select %and3A_511, %sub3A_513, %div3A_492 : i32
      %rem3A_515 = arith.constant 128 : i32
      %rem3A_516 = arith.remsi %add3A_490, %rem3A_515 : i32
      %dma_start3A_517 = arith.constant 1 : i32
      %dma_start3A_518 = arith.constant 0 : i32
      %dma_start3A_519 = arith.constant 1 : i32
      %dma_start3A_520 = arith.constant 0 : i32
      %dma_start3A_521 = arith.constant 0 : i32
      %dma_start3A_522 = tpu.memref_slice %arg7[%dma_start3A_517, %dma_start3A_520, %dma_start3A_521] : memref<2x32x128xf32, #tpu.memory_space<vmem>> -> memref<1x8x128xf32, #tpu.memory_space<vmem>>
      %dma_start3A_523 = tpu.memref_squeeze %dma_start3A_522 : memref<1x8x128xf32, #tpu.memory_space<vmem>> -> memref<8x128xf32, #tpu.memory_space<vmem>>
      %dma_start3A_524 = arith.constant 0 : i32
      %dma_start3A_525 = arith.constant 0 : i32
      %dma_start3A_526 = tpu.memref_slice %arg4[%select_n3A_514, %dma_start3A_518, %rem3A_516, %dma_start3A_524, %dma_start3A_525] : memref<50x4x128x8x128xf32, #tpu.memory_space<hbm>> -> memref<1x1x1x8x128xf32, #tpu.memory_space<hbm>>
      %dma_start3A_527 = tpu.memref_squeeze %dma_start3A_526 : memref<1x1x1x8x128xf32, #tpu.memory_space<hbm>> -> memref<8x128xf32, #tpu.memory_space<hbm>>
      %dma_start3A_528 = tpu.memref_slice %arg9[%dma_start3A_519] : memref<2x!tpu.dma_semaphore, #tpu.memory_space<semaphore_mem>> -> memref<1x!tpu.dma_semaphore, #tpu.memory_space<semaphore_mem>>
      %dma_start3A_529 = tpu.memref_squeeze %dma_start3A_528 : memref<1x!tpu.dma_semaphore, #tpu.memory_space<semaphore_mem>> -> memref<!tpu.dma_semaphore, #tpu.memory_space<semaphore_mem>>
      %dma_start3A_530 = arith.constant 0 : i32
      %dma_start3A_531 = arith.constant 0 : i32
      %dma_start3A_532 = tpu.memref_slice %arg4[%select_n3A_514, %dma_start3A_518, %rem3A_516, %dma_start3A_530, %dma_start3A_531] : memref<50x4x128x8x128xf32, #tpu.memory_space<hbm>> -> memref<1x1x1x8x128xf32, #tpu.memory_space<hbm>>
      %dma_start3A_533 = tpu.memref_squeeze %dma_start3A_532 : memref<1x1x1x8x128xf32, #tpu.memory_space<hbm>> -> memref<8x128xf32, #tpu.memory_space<hbm>>
      %dma_start3A_534 = arith.constant 0 : i32
      %dma_start3A_535 = arith.constant 0 : i32
      %dma_start3A_536 = tpu.memref_slice %arg7[%dma_start3A_517, %dma_start3A_534, %dma_start3A_535] : memref<2x32x128xf32, #tpu.memory_space<vmem>> -> memref<1x8x128xf32, #tpu.memory_space<vmem>>
      %dma_start3A_537 = tpu.memref_squeeze %dma_start3A_536 : memref<1x8x128xf32, #tpu.memory_space<vmem>> -> memref<8x128xf32, #tpu.memory_space<vmem>>
      tpu.enqueue_dma source(%dma_start3A_537 : memref<8x128xf32, #tpu.memory_space<vmem>>) target(%dma_start3A_533 : memref<8x128xf32, #tpu.memory_space<hbm>>) target_semaphore(%dma_start3A_529 : memref<!tpu.dma_semaphore, #tpu.memory_space<semaphore_mem>>)
      %dma_start3A_538 = arith.constant 1 : i32
      %dma_start3A_539 = arith.constant 1 : i32
      %dma_start3A_540 = arith.constant 1 : i32
      %dma_start3A_541 = arith.constant 8 : i32
      %dma_start3A_542 = arith.constant 0 : i32
      %dma_start3A_543 = tpu.memref_slice %arg7[%dma_start3A_538, %dma_start3A_541, %dma_start3A_542] : memref<2x32x128xf32, #tpu.memory_space<vmem>> -> memref<1x8x128xf32, #tpu.memory_space<vmem>>
      %dma_start3A_544 = tpu.memref_squeeze %dma_start3A_543 : memref<1x8x128xf32, #tpu.memory_space<vmem>> -> memref<8x128xf32, #tpu.memory_space<vmem>>
      %dma_start3A_545 = arith.constant 0 : i32
      %dma_start3A_546 = arith.constant 0 : i32
      %dma_start3A_547 = tpu.memref_slice %arg4[%select_n3A_514, %dma_start3A_539, %rem3A_516, %dma_start3A_545, %dma_start3A_546] : memref<50x4x128x8x128xf32, #tpu.memory_space<hbm>> -> memref<1x1x1x8x128xf32, #tpu.memory_space<hbm>>
      %dma_start3A_548 = tpu.memref_squeeze %dma_start3A_547 : memref<1x1x1x8x128xf32, #tpu.memory_space<hbm>> -> memref<8x128xf32, #tpu.memory_space<hbm>>
      %dma_start3A_549 = tpu.memref_slice %arg9[%dma_start3A_540] : memref<2x!tpu.dma_semaphore, #tpu.memory_space<semaphore_mem>> -> memref<1x!tpu.dma_semaphore, #tpu.memory_space<semaphore_mem>>
      %dma_start3A_550 = tpu.memref_squeeze %dma_start3A_549 : memref<1x!tpu.dma_semaphore, #tpu.memory_space<semaphore_mem>> -> memref<!tpu.dma_semaphore, #tpu.memory_space<semaphore_mem>>
      %dma_start3A_551 = arith.constant 0 : i32
      %dma_start3A_552 = arith.constant 0 : i32
      %dma_start3A_553 = tpu.memref_slice %arg4[%select_n3A_514, %dma_start3A_539, %rem3A_516, %dma_start3A_551, %dma_start3A_552] : memref<50x4x128x8x128xf32, #tpu.memory_space<hbm>> -> memref<1x1x1x8x128xf32, #tpu.memory_space<hbm>>
      %dma_start3A_554 = tpu.memref_squeeze %dma_start3A_553 : memref<1x1x1x8x128xf32, #tpu.memory_space<hbm>> -> memref<8x128xf32, #tpu.memory_space<hbm>>
      %dma_start3A_555 = arith.constant 8 : i32
      %dma_start3A_556 = arith.constant 0 : i32
      %dma_start3A_557 = tpu.memref_slice %arg7[%dma_start3A_538, %dma_start3A_555, %dma_start3A_556] : memref<2x32x128xf32, #tpu.memory_space<vmem>> -> memref<1x8x128xf32, #tpu.memory_space<vmem>>
      %dma_start3A_558 = tpu.memref_squeeze %dma_start3A_557 : memref<1x8x128xf32, #tpu.memory_space<vmem>> -> memref<8x128xf32, #tpu.memory_space<vmem>>
      tpu.enqueue_dma source(%dma_start3A_558 : memref<8x128xf32, #tpu.memory_space<vmem>>) target(%dma_start3A_554 : memref<8x128xf32, #tpu.memory_space<hbm>>) target_semaphore(%dma_start3A_550 : memref<!tpu.dma_semaphore, #tpu.memory_space<semaphore_mem>>)
      %dma_start3A_559 = arith.constant 1 : i32
      %dma_start3A_560 = arith.constant 2 : i32
      %dma_start3A_561 = arith.constant 1 : i32
      %dma_start3A_562 = arith.constant 16 : i32
      %dma_start3A_563 = arith.constant 0 : i32
      %dma_start3A_564 = tpu.memref_slice %arg7[%dma_start3A_559, %dma_start3A_562, %dma_start3A_563] : memref<2x32x128xf32, #tpu.memory_space<vmem>> -> memref<1x8x128xf32, #tpu.memory_space<vmem>>
      %dma_start3A_565 = tpu.memref_squeeze %dma_start3A_564 : memref<1x8x128xf32, #tpu.memory_space<vmem>> -> memref<8x128xf32, #tpu.memory_space<vmem>>
      %dma_start3A_566 = arith.constant 0 : i32
      %dma_start3A_567 = arith.constant 0 : i32
      %dma_start3A_568 = tpu.memref_slice %arg4[%select_n3A_514, %dma_start3A_560, %rem3A_516, %dma_start3A_566, %dma_start3A_567] : memref<50x4x128x8x128xf32, #tpu.memory_space<hbm>> -> memref<1x1x1x8x128xf32, #tpu.memory_space<hbm>>
      %dma_start3A_569 = tpu.memref_squeeze %dma_start3A_568 : memref<1x1x1x8x128xf32, #tpu.memory_space<hbm>> -> memref<8x128xf32, #tpu.memory_space<hbm>>
      %dma_start3A_570 = tpu.memref_slice %arg9[%dma_start3A_561] : memref<2x!tpu.dma_semaphore, #tpu.memory_space<semaphore_mem>> -> memref<1x!tpu.dma_semaphore, #tpu.memory_space<semaphore_mem>>
      %dma_start3A_571 = tpu.memref_squeeze %dma_start3A_570 : memref<1x!tpu.dma_semaphore, #tpu.memory_space<semaphore_mem>> -> memref<!tpu.dma_semaphore, #tpu.memory_space<semaphore_mem>>
      %dma_start3A_572 = arith.constant 0 : i32
      %dma_start3A_573 = arith.constant 0 : i32
      %dma_start3A_574 = tpu.memref_slice %arg4[%select_n3A_514, %dma_start3A_560, %rem3A_516, %dma_start3A_572, %dma_start3A_573] : memref<50x4x128x8x128xf32, #tpu.memory_space<hbm>> -> memref<1x1x1x8x128xf32, #tpu.memory_space<hbm>>
      %dma_start3A_575 = tpu.memref_squeeze %dma_start3A_574 : memref<1x1x1x8x128xf32, #tpu.memory_space<hbm>> -> memref<8x128xf32, #tpu.memory_space<hbm>>
      %dma_start3A_576 = arith.constant 16 : i32
      %dma_start3A_577 = arith.constant 0 : i32
      %dma_start3A_578 = tpu.memref_slice %arg7[%dma_start3A_559, %dma_start3A_576, %dma_start3A_577] : memref<2x32x128xf32, #tpu.memory_space<vmem>> -> memref<1x8x128xf32, #tpu.memory_space<vmem>>
      %dma_start3A_579 = tpu.memref_squeeze %dma_start3A_578 : memref<1x8x128xf32, #tpu.memory_space<vmem>> -> memref<8x128xf32, #tpu.memory_space<vmem>>
      tpu.enqueue_dma source(%dma_start3A_579 : memref<8x128xf32, #tpu.memory_space<vmem>>) target(%dma_start3A_575 : memref<8x128xf32, #tpu.memory_space<hbm>>) target_semaphore(%dma_start3A_571 : memref<!tpu.dma_semaphore, #tpu.memory_space<semaphore_mem>>)
      %dma_start3A_580 = arith.constant 1 : i32
      %dma_start3A_581 = arith.constant 3 : i32
      %dma_start3A_582 = arith.constant 1 : i32
      %dma_start3A_583 = arith.constant 24 : i32
      %dma_start3A_584 = arith.constant 0 : i32
      %dma_start3A_585 = tpu.memref_slice %arg7[%dma_start3A_580, %dma_start3A_583, %dma_start3A_584] : memref<2x32x128xf32, #tpu.memory_space<vmem>> -> memref<1x8x128xf32, #tpu.memory_space<vmem>>
      %dma_start3A_586 = tpu.memref_squeeze %dma_start3A_585 : memref<1x8x128xf32, #tpu.memory_space<vmem>> -> memref<8x128xf32, #tpu.memory_space<vmem>>
      %dma_start3A_587 = arith.constant 0 : i32
      %dma_start3A_588 = arith.constant 0 : i32
      %dma_start3A_589 = tpu.memref_slice %arg4[%select_n3A_514, %dma_start3A_581, %rem3A_516, %dma_start3A_587, %dma_start3A_588] : memref<50x4x128x8x128xf32, #tpu.memory_space<hbm>> -> memref<1x1x1x8x128xf32, #tpu.memory_space<hbm>>
      %dma_start3A_590 = tpu.memref_squeeze %dma_start3A_589 : memref<1x1x1x8x128xf32, #tpu.memory_space<hbm>> -> memref<8x128xf32, #tpu.memory_space<hbm>>
      %dma_start3A_591 = tpu.memref_slice %arg9[%dma_start3A_582] : memref<2x!tpu.dma_semaphore, #tpu.memory_space<semaphore_mem>> -> memref<1x!tpu.dma_semaphore, #tpu.memory_space<semaphore_mem>>
      %dma_start3A_592 = tpu.memref_squeeze %dma_start3A_591 : memref<1x!tpu.dma_semaphore, #tpu.memory_space<semaphore_mem>> -> memref<!tpu.dma_semaphore, #tpu.memory_space<semaphore_mem>>
      %dma_start3A_593 = arith.constant 0 : i32
      %dma_start3A_594 = arith.constant 0 : i32
      %dma_start3A_595 = tpu.memref_slice %arg4[%select_n3A_514, %dma_start3A_581, %rem3A_516, %dma_start3A_593, %dma_start3A_594] : memref<50x4x128x8x128xf32, #tpu.memory_space<hbm>> -> memref<1x1x1x8x128xf32, #tpu.memory_space<hbm>>
      %dma_start3A_596 = tpu.memref_squeeze %dma_start3A_595 : memref<1x1x1x8x128xf32, #tpu.memory_space<hbm>> -> memref<8x128xf32, #tpu.memory_space<hbm>>
      %dma_start3A_597 = arith.constant 24 : i32
      %dma_start3A_598 = arith.constant 0 : i32
      %dma_start3A_599 = tpu.memref_slice %arg7[%dma_start3A_580, %dma_start3A_597, %dma_start3A_598] : memref<2x32x128xf32, #tpu.memory_space<vmem>> -> memref<1x8x128xf32, #tpu.memory_space<vmem>>
      %dma_start3A_600 = tpu.memref_squeeze %dma_start3A_599 : memref<1x8x128xf32, #tpu.memory_space<vmem>> -> memref<8x128xf32, #tpu.memory_space<vmem>>
      tpu.enqueue_dma source(%dma_start3A_600 : memref<8x128xf32, #tpu.memory_space<vmem>>) target(%dma_start3A_596 : memref<8x128xf32, #tpu.memory_space<hbm>>) target_semaphore(%dma_start3A_592 : memref<!tpu.dma_semaphore, #tpu.memory_space<semaphore_mem>>)
    }
    %scan3A_129 = arith.constant 100 : i32
    %dma_wait3A = arith.constant 0 : i32
    %dma_wait3A_130 = arith.constant 0 : i32
    %dma_wait3A_131 = arith.constant 0 : i32
    %dma_wait3A_132 = arith.constant 0 : i32
    %dma_wait3A_133 = arith.constant 0 : i32
    %dma_wait3A_134 = arith.constant 0 : i32
    %dma_wait3A_135 = arith.constant 0 : i32
    %dma_wait3A_136 = tpu.memref_slice %arg7[%dma_wait3A, %dma_wait3A_134, %dma_wait3A_135] : memref<2x32x128xf32, #tpu.memory_space<vmem>> -> memref<1x8x128xf32, #tpu.memory_space<vmem>>
    %dma_wait3A_137 = tpu.memref_squeeze %dma_wait3A_136 : memref<1x8x128xf32, #tpu.memory_space<vmem>> -> memref<8x128xf32, #tpu.memory_space<vmem>>
    %dma_wait3A_138 = arith.constant 0 : i32
    %dma_wait3A_139 = arith.constant 0 : i32
    %dma_wait3A_140 = tpu.memref_slice %arg4[%dma_wait3A_130, %dma_wait3A_131, %dma_wait3A_132, %dma_wait3A_138, %dma_wait3A_139] : memref<50x4x128x8x128xf32, #tpu.memory_space<hbm>> -> memref<1x1x1x8x128xf32, #tpu.memory_space<hbm>>
    %dma_wait3A_141 = tpu.memref_squeeze %dma_wait3A_140 : memref<1x1x1x8x128xf32, #tpu.memory_space<hbm>> -> memref<8x128xf32, #tpu.memory_space<hbm>>
    %dma_wait3A_142 = tpu.memref_slice %arg9[%dma_wait3A_133] : memref<2x!tpu.dma_semaphore, #tpu.memory_space<semaphore_mem>> -> memref<1x!tpu.dma_semaphore, #tpu.memory_space<semaphore_mem>>
    %dma_wait3A_143 = tpu.memref_squeeze %dma_wait3A_142 : memref<1x!tpu.dma_semaphore, #tpu.memory_space<semaphore_mem>> -> memref<!tpu.dma_semaphore, #tpu.memory_space<semaphore_mem>>
    %dma_wait3A_144 = arith.constant 0 : i32
    %dma_wait3A_145 = arith.constant 0 : i32
    %dma_wait3A_146 = tpu.memref_slice %arg4[%dma_wait3A_130, %dma_wait3A_131, %dma_wait3A_132, %dma_wait3A_144, %dma_wait3A_145] : memref<50x4x128x8x128xf32, #tpu.memory_space<hbm>> -> memref<1x1x1x8x128xf32, #tpu.memory_space<hbm>>
    %dma_wait3A_147 = tpu.memref_squeeze %dma_wait3A_146 : memref<1x1x1x8x128xf32, #tpu.memory_space<hbm>> -> memref<8x128xf32, #tpu.memory_space<hbm>>
    %dma_wait3A_148 = arith.constant 0 : i32
    %dma_wait3A_149 = arith.constant 0 : i32
    %dma_wait3A_150 = tpu.memref_slice %arg7[%dma_wait3A, %dma_wait3A_148, %dma_wait3A_149] : memref<2x32x128xf32, #tpu.memory_space<vmem>> -> memref<1x8x128xf32, #tpu.memory_space<vmem>>
    %dma_wait3A_151 = tpu.memref_squeeze %dma_wait3A_150 : memref<1x8x128xf32, #tpu.memory_space<vmem>> -> memref<8x128xf32, #tpu.memory_space<vmem>>
    tpu.wait_dma2 semaphore(%dma_wait3A_143 : memref<!tpu.dma_semaphore, #tpu.memory_space<semaphore_mem>>) src(%dma_wait3A_151 : memref<8x128xf32, #tpu.memory_space<vmem>>) dst(%dma_wait3A_147 : memref<8x128xf32, #tpu.memory_space<hbm>>)
    %dma_wait3A_152 = arith.constant 0 : i32
    %dma_wait3A_153 = arith.constant 0 : i32
    %dma_wait3A_154 = arith.constant 1 : i32
    %dma_wait3A_155 = arith.constant 0 : i32
    %dma_wait3A_156 = arith.constant 0 : i32
    %dma_wait3A_157 = arith.constant 8 : i32
    %dma_wait3A_158 = arith.constant 0 : i32
    %dma_wait3A_159 = tpu.memref_slice %arg7[%dma_wait3A_152, %dma_wait3A_157, %dma_wait3A_158] : memref<2x32x128xf32, #tpu.memory_space<vmem>> -> memref<1x8x128xf32, #tpu.memory_space<vmem>>
    %dma_wait3A_160 = tpu.memref_squeeze %dma_wait3A_159 : memref<1x8x128xf32, #tpu.memory_space<vmem>> -> memref<8x128xf32, #tpu.memory_space<vmem>>
    %dma_wait3A_161 = arith.constant 0 : i32
    %dma_wait3A_162 = arith.constant 0 : i32
    %dma_wait3A_163 = tpu.memref_slice %arg4[%dma_wait3A_153, %dma_wait3A_154, %dma_wait3A_155, %dma_wait3A_161, %dma_wait3A_162] : memref<50x4x128x8x128xf32, #tpu.memory_space<hbm>> -> memref<1x1x1x8x128xf32, #tpu.memory_space<hbm>>
    %dma_wait3A_164 = tpu.memref_squeeze %dma_wait3A_163 : memref<1x1x1x8x128xf32, #tpu.memory_space<hbm>> -> memref<8x128xf32, #tpu.memory_space<hbm>>
    %dma_wait3A_165 = tpu.memref_slice %arg9[%dma_wait3A_156] : memref<2x!tpu.dma_semaphore, #tpu.memory_space<semaphore_mem>> -> memref<1x!tpu.dma_semaphore, #tpu.memory_space<semaphore_mem>>
    %dma_wait3A_166 = tpu.memref_squeeze %dma_wait3A_165 : memref<1x!tpu.dma_semaphore, #tpu.memory_space<semaphore_mem>> -> memref<!tpu.dma_semaphore, #tpu.memory_space<semaphore_mem>>
    %dma_wait3A_167 = arith.constant 0 : i32
    %dma_wait3A_168 = arith.constant 0 : i32
    %dma_wait3A_169 = tpu.memref_slice %arg4[%dma_wait3A_153, %dma_wait3A_154, %dma_wait3A_155, %dma_wait3A_167, %dma_wait3A_168] : memref<50x4x128x8x128xf32, #tpu.memory_space<hbm>> -> memref<1x1x1x8x128xf32, #tpu.memory_space<hbm>>
    %dma_wait3A_170 = tpu.memref_squeeze %dma_wait3A_169 : memref<1x1x1x8x128xf32, #tpu.memory_space<hbm>> -> memref<8x128xf32, #tpu.memory_space<hbm>>
    %dma_wait3A_171 = arith.constant 8 : i32
    %dma_wait3A_172 = arith.constant 0 : i32
    %dma_wait3A_173 = tpu.memref_slice %arg7[%dma_wait3A_152, %dma_wait3A_171, %dma_wait3A_172] : memref<2x32x128xf32, #tpu.memory_space<vmem>> -> memref<1x8x128xf32, #tpu.memory_space<vmem>>
    %dma_wait3A_174 = tpu.memref_squeeze %dma_wait3A_173 : memref<1x8x128xf32, #tpu.memory_space<vmem>> -> memref<8x128xf32, #tpu.memory_space<vmem>>
    tpu.wait_dma2 semaphore(%dma_wait3A_166 : memref<!tpu.dma_semaphore, #tpu.memory_space<semaphore_mem>>) src(%dma_wait3A_174 : memref<8x128xf32, #tpu.memory_space<vmem>>) dst(%dma_wait3A_170 : memref<8x128xf32, #tpu.memory_space<hbm>>)
    %dma_wait3A_175 = arith.constant 0 : i32
    %dma_wait3A_176 = arith.constant 0 : i32
    %dma_wait3A_177 = arith.constant 2 : i32
    %dma_wait3A_178 = arith.constant 0 : i32
    %dma_wait3A_179 = arith.constant 0 : i32
    %dma_wait3A_180 = arith.constant 16 : i32
    %dma_wait3A_181 = arith.constant 0 : i32
    %dma_wait3A_182 = tpu.memref_slice %arg7[%dma_wait3A_175, %dma_wait3A_180, %dma_wait3A_181] : memref<2x32x128xf32, #tpu.memory_space<vmem>> -> memref<1x8x128xf32, #tpu.memory_space<vmem>>
    %dma_wait3A_183 = tpu.memref_squeeze %dma_wait3A_182 : memref<1x8x128xf32, #tpu.memory_space<vmem>> -> memref<8x128xf32, #tpu.memory_space<vmem>>
    %dma_wait3A_184 = arith.constant 0 : i32
    %dma_wait3A_185 = arith.constant 0 : i32
    %dma_wait3A_186 = tpu.memref_slice %arg4[%dma_wait3A_176, %dma_wait3A_177, %dma_wait3A_178, %dma_wait3A_184, %dma_wait3A_185] : memref<50x4x128x8x128xf32, #tpu.memory_space<hbm>> -> memref<1x1x1x8x128xf32, #tpu.memory_space<hbm>>
    %dma_wait3A_187 = tpu.memref_squeeze %dma_wait3A_186 : memref<1x1x1x8x128xf32, #tpu.memory_space<hbm>> -> memref<8x128xf32, #tpu.memory_space<hbm>>
    %dma_wait3A_188 = tpu.memref_slice %arg9[%dma_wait3A_179] : memref<2x!tpu.dma_semaphore, #tpu.memory_space<semaphore_mem>> -> memref<1x!tpu.dma_semaphore, #tpu.memory_space<semaphore_mem>>
    %dma_wait3A_189 = tpu.memref_squeeze %dma_wait3A_188 : memref<1x!tpu.dma_semaphore, #tpu.memory_space<semaphore_mem>> -> memref<!tpu.dma_semaphore, #tpu.memory_space<semaphore_mem>>
    %dma_wait3A_190 = arith.constant 0 : i32
    %dma_wait3A_191 = arith.constant 0 : i32
    %dma_wait3A_192 = tpu.memref_slice %arg4[%dma_wait3A_176, %dma_wait3A_177, %dma_wait3A_178, %dma_wait3A_190, %dma_wait3A_191] : memref<50x4x128x8x128xf32, #tpu.memory_space<hbm>> -> memref<1x1x1x8x128xf32, #tpu.memory_space<hbm>>
    %dma_wait3A_193 = tpu.memref_squeeze %dma_wait3A_192 : memref<1x1x1x8x128xf32, #tpu.memory_space<hbm>> -> memref<8x128xf32, #tpu.memory_space<hbm>>
    %dma_wait3A_194 = arith.constant 16 : i32
    %dma_wait3A_195 = arith.constant 0 : i32
    %dma_wait3A_196 = tpu.memref_slice %arg7[%dma_wait3A_175, %dma_wait3A_194, %dma_wait3A_195] : memref<2x32x128xf32, #tpu.memory_space<vmem>> -> memref<1x8x128xf32, #tpu.memory_space<vmem>>
    %dma_wait3A_197 = tpu.memref_squeeze %dma_wait3A_196 : memref<1x8x128xf32, #tpu.memory_space<vmem>> -> memref<8x128xf32, #tpu.memory_space<vmem>>
    tpu.wait_dma2 semaphore(%dma_wait3A_189 : memref<!tpu.dma_semaphore, #tpu.memory_space<semaphore_mem>>) src(%dma_wait3A_197 : memref<8x128xf32, #tpu.memory_space<vmem>>) dst(%dma_wait3A_193 : memref<8x128xf32, #tpu.memory_space<hbm>>)
    %dma_wait3A_198 = arith.constant 0 : i32
    %dma_wait3A_199 = arith.constant 0 : i32
    %dma_wait3A_200 = arith.constant 3 : i32
    %dma_wait3A_201 = arith.constant 0 : i32
    %dma_wait3A_202 = arith.constant 0 : i32
    %dma_wait3A_203 = arith.constant 24 : i32
    %dma_wait3A_204 = arith.constant 0 : i32
    %dma_wait3A_205 = tpu.memref_slice %arg7[%dma_wait3A_198, %dma_wait3A_203, %dma_wait3A_204] : memref<2x32x128xf32, #tpu.memory_space<vmem>> -> memref<1x8x128xf32, #tpu.memory_space<vmem>>
    %dma_wait3A_206 = tpu.memref_squeeze %dma_wait3A_205 : memref<1x8x128xf32, #tpu.memory_space<vmem>> -> memref<8x128xf32, #tpu.memory_space<vmem>>
    %dma_wait3A_207 = arith.constant 0 : i32
    %dma_wait3A_208 = arith.constant 0 : i32
    %dma_wait3A_209 = tpu.memref_slice %arg4[%dma_wait3A_199, %dma_wait3A_200, %dma_wait3A_201, %dma_wait3A_207, %dma_wait3A_208] : memref<50x4x128x8x128xf32, #tpu.memory_space<hbm>> -> memref<1x1x1x8x128xf32, #tpu.memory_space<hbm>>
    %dma_wait3A_210 = tpu.memref_squeeze %dma_wait3A_209 : memref<1x1x1x8x128xf32, #tpu.memory_space<hbm>> -> memref<8x128xf32, #tpu.memory_space<hbm>>
    %dma_wait3A_211 = tpu.memref_slice %arg9[%dma_wait3A_202] : memref<2x!tpu.dma_semaphore, #tpu.memory_space<semaphore_mem>> -> memref<1x!tpu.dma_semaphore, #tpu.memory_space<semaphore_mem>>
    %dma_wait3A_212 = tpu.memref_squeeze %dma_wait3A_211 : memref<1x!tpu.dma_semaphore, #tpu.memory_space<semaphore_mem>> -> memref<!tpu.dma_semaphore, #tpu.memory_space<semaphore_mem>>
    %dma_wait3A_213 = arith.constant 0 : i32
    %dma_wait3A_214 = arith.constant 0 : i32
    %dma_wait3A_215 = tpu.memref_slice %arg4[%dma_wait3A_199, %dma_wait3A_200, %dma_wait3A_201, %dma_wait3A_213, %dma_wait3A_214] : memref<50x4x128x8x128xf32, #tpu.memory_space<hbm>> -> memref<1x1x1x8x128xf32, #tpu.memory_space<hbm>>
    %dma_wait3A_216 = tpu.memref_squeeze %dma_wait3A_215 : memref<1x1x1x8x128xf32, #tpu.memory_space<hbm>> -> memref<8x128xf32, #tpu.memory_space<hbm>>
    %dma_wait3A_217 = arith.constant 24 : i32
    %dma_wait3A_218 = arith.constant 0 : i32
    %dma_wait3A_219 = tpu.memref_slice %arg7[%dma_wait3A_198, %dma_wait3A_217, %dma_wait3A_218] : memref<2x32x128xf32, #tpu.memory_space<vmem>> -> memref<1x8x128xf32, #tpu.memory_space<vmem>>
    %dma_wait3A_220 = tpu.memref_squeeze %dma_wait3A_219 : memref<1x8x128xf32, #tpu.memory_space<vmem>> -> memref<8x128xf32, #tpu.memory_space<vmem>>
    tpu.wait_dma2 semaphore(%dma_wait3A_212 : memref<!tpu.dma_semaphore, #tpu.memory_space<semaphore_mem>>) src(%dma_wait3A_220 : memref<8x128xf32, #tpu.memory_space<vmem>>) dst(%dma_wait3A_216 : memref<8x128xf32, #tpu.memory_space<hbm>>)
    %dma_wait3A_221 = arith.constant 1 : i32
    %dma_wait3A_222 = arith.constant 0 : i32
    %dma_wait3A_223 = arith.constant 0 : i32
    %dma_wait3A_224 = arith.constant 0 : i32
    %dma_wait3A_225 = arith.constant 1 : i32
    %dma_wait3A_226 = arith.constant 0 : i32
    %dma_wait3A_227 = arith.constant 0 : i32
    %dma_wait3A_228 = tpu.memref_slice %arg7[%dma_wait3A_221, %dma_wait3A_226, %dma_wait3A_227] : memref<2x32x128xf32, #tpu.memory_space<vmem>> -> memref<1x8x128xf32, #tpu.memory_space<vmem>>
    %dma_wait3A_229 = tpu.memref_squeeze %dma_wait3A_228 : memref<1x8x128xf32, #tpu.memory_space<vmem>> -> memref<8x128xf32, #tpu.memory_space<vmem>>
    %dma_wait3A_230 = arith.constant 0 : i32
    %dma_wait3A_231 = arith.constant 0 : i32
    %dma_wait3A_232 = tpu.memref_slice %arg4[%dma_wait3A_222, %dma_wait3A_223, %dma_wait3A_224, %dma_wait3A_230, %dma_wait3A_231] : memref<50x4x128x8x128xf32, #tpu.memory_space<hbm>> -> memref<1x1x1x8x128xf32, #tpu.memory_space<hbm>>
    %dma_wait3A_233 = tpu.memref_squeeze %dma_wait3A_232 : memref<1x1x1x8x128xf32, #tpu.memory_space<hbm>> -> memref<8x128xf32, #tpu.memory_space<hbm>>
    %dma_wait3A_234 = tpu.memref_slice %arg9[%dma_wait3A_225] : memref<2x!tpu.dma_semaphore, #tpu.memory_space<semaphore_mem>> -> memref<1x!tpu.dma_semaphore, #tpu.memory_space<semaphore_mem>>
    %dma_wait3A_235 = tpu.memref_squeeze %dma_wait3A_234 : memref<1x!tpu.dma_semaphore, #tpu.memory_space<semaphore_mem>> -> memref<!tpu.dma_semaphore, #tpu.memory_space<semaphore_mem>>
    %dma_wait3A_236 = arith.constant 0 : i32
    %dma_wait3A_237 = arith.constant 0 : i32
    %dma_wait3A_238 = tpu.memref_slice %arg4[%dma_wait3A_222, %dma_wait3A_223, %dma_wait3A_224, %dma_wait3A_236, %dma_wait3A_237] : memref<50x4x128x8x128xf32, #tpu.memory_space<hbm>> -> memref<1x1x1x8x128xf32, #tpu.memory_space<hbm>>
    %dma_wait3A_239 = tpu.memref_squeeze %dma_wait3A_238 : memref<1x1x1x8x128xf32, #tpu.memory_space<hbm>> -> memref<8x128xf32, #tpu.memory_space<hbm>>
    %dma_wait3A_240 = arith.constant 0 : i32
    %dma_wait3A_241 = arith.constant 0 : i32
    %dma_wait3A_242 = tpu.memref_slice %arg7[%dma_wait3A_221, %dma_wait3A_240, %dma_wait3A_241] : memref<2x32x128xf32, #tpu.memory_space<vmem>> -> memref<1x8x128xf32, #tpu.memory_space<vmem>>
    %dma_wait3A_243 = tpu.memref_squeeze %dma_wait3A_242 : memref<1x8x128xf32, #tpu.memory_space<vmem>> -> memref<8x128xf32, #tpu.memory_space<vmem>>
    tpu.wait_dma2 semaphore(%dma_wait3A_235 : memref<!tpu.dma_semaphore, #tpu.memory_space<semaphore_mem>>) src(%dma_wait3A_243 : memref<8x128xf32, #tpu.memory_space<vmem>>) dst(%dma_wait3A_239 : memref<8x128xf32, #tpu.memory_space<hbm>>)
    %dma_wait3A_244 = arith.constant 1 : i32
    %dma_wait3A_245 = arith.constant 0 : i32
    %dma_wait3A_246 = arith.constant 1 : i32
    %dma_wait3A_247 = arith.constant 0 : i32
    %dma_wait3A_248 = arith.constant 1 : i32
    %dma_wait3A_249 = arith.constant 8 : i32
    %dma_wait3A_250 = arith.constant 0 : i32
    %dma_wait3A_251 = tpu.memref_slice %arg7[%dma_wait3A_244, %dma_wait3A_249, %dma_wait3A_250] : memref<2x32x128xf32, #tpu.memory_space<vmem>> -> memref<1x8x128xf32, #tpu.memory_space<vmem>>
    %dma_wait3A_252 = tpu.memref_squeeze %dma_wait3A_251 : memref<1x8x128xf32, #tpu.memory_space<vmem>> -> memref<8x128xf32, #tpu.memory_space<vmem>>
    %dma_wait3A_253 = arith.constant 0 : i32
    %dma_wait3A_254 = arith.constant 0 : i32
    %dma_wait3A_255 = tpu.memref_slice %arg4[%dma_wait3A_245, %dma_wait3A_246, %dma_wait3A_247, %dma_wait3A_253, %dma_wait3A_254] : memref<50x4x128x8x128xf32, #tpu.memory_space<hbm>> -> memref<1x1x1x8x128xf32, #tpu.memory_space<hbm>>
    %dma_wait3A_256 = tpu.memref_squeeze %dma_wait3A_255 : memref<1x1x1x8x128xf32, #tpu.memory_space<hbm>> -> memref<8x128xf32, #tpu.memory_space<hbm>>
    %dma_wait3A_257 = tpu.memref_slice %arg9[%dma_wait3A_248] : memref<2x!tpu.dma_semaphore, #tpu.memory_space<semaphore_mem>> -> memref<1x!tpu.dma_semaphore, #tpu.memory_space<semaphore_mem>>
    %dma_wait3A_258 = tpu.memref_squeeze %dma_wait3A_257 : memref<1x!tpu.dma_semaphore, #tpu.memory_space<semaphore_mem>> -> memref<!tpu.dma_semaphore, #tpu.memory_space<semaphore_mem>>
    %dma_wait3A_259 = arith.constant 0 : i32
    %dma_wait3A_260 = arith.constant 0 : i32
    %dma_wait3A_261 = tpu.memref_slice %arg4[%dma_wait3A_245, %dma_wait3A_246, %dma_wait3A_247, %dma_wait3A_259, %dma_wait3A_260] : memref<50x4x128x8x128xf32, #tpu.memory_space<hbm>> -> memref<1x1x1x8x128xf32, #tpu.memory_space<hbm>>
    %dma_wait3A_262 = tpu.memref_squeeze %dma_wait3A_261 : memref<1x1x1x8x128xf32, #tpu.memory_space<hbm>> -> memref<8x128xf32, #tpu.memory_space<hbm>>
    %dma_wait3A_263 = arith.constant 8 : i32
    %dma_wait3A_264 = arith.constant 0 : i32
    %dma_wait3A_265 = tpu.memref_slice %arg7[%dma_wait3A_244, %dma_wait3A_263, %dma_wait3A_264] : memref<2x32x128xf32, #tpu.memory_space<vmem>> -> memref<1x8x128xf32, #tpu.memory_space<vmem>>
    %dma_wait3A_266 = tpu.memref_squeeze %dma_wait3A_265 : memref<1x8x128xf32, #tpu.memory_space<vmem>> -> memref<8x128xf32, #tpu.memory_space<vmem>>
    tpu.wait_dma2 semaphore(%dma_wait3A_258 : memref<!tpu.dma_semaphore, #tpu.memory_space<semaphore_mem>>) src(%dma_wait3A_266 : memref<8x128xf32, #tpu.memory_space<vmem>>) dst(%dma_wait3A_262 : memref<8x128xf32, #tpu.memory_space<hbm>>)
    %dma_wait3A_267 = arith.constant 1 : i32
    %dma_wait3A_268 = arith.constant 0 : i32
    %dma_wait3A_269 = arith.constant 2 : i32
    %dma_wait3A_270 = arith.constant 0 : i32
    %dma_wait3A_271 = arith.constant 1 : i32
    %dma_wait3A_272 = arith.constant 16 : i32
    %dma_wait3A_273 = arith.constant 0 : i32
    %dma_wait3A_274 = tpu.memref_slice %arg7[%dma_wait3A_267, %dma_wait3A_272, %dma_wait3A_273] : memref<2x32x128xf32, #tpu.memory_space<vmem>> -> memref<1x8x128xf32, #tpu.memory_space<vmem>>
    %dma_wait3A_275 = tpu.memref_squeeze %dma_wait3A_274 : memref<1x8x128xf32, #tpu.memory_space<vmem>> -> memref<8x128xf32, #tpu.memory_space<vmem>>
    %dma_wait3A_276 = arith.constant 0 : i32
    %dma_wait3A_277 = arith.constant 0 : i32
    %dma_wait3A_278 = tpu.memref_slice %arg4[%dma_wait3A_268, %dma_wait3A_269, %dma_wait3A_270, %dma_wait3A_276, %dma_wait3A_277] : memref<50x4x128x8x128xf32, #tpu.memory_space<hbm>> -> memref<1x1x1x8x128xf32, #tpu.memory_space<hbm>>
    %dma_wait3A_279 = tpu.memref_squeeze %dma_wait3A_278 : memref<1x1x1x8x128xf32, #tpu.memory_space<hbm>> -> memref<8x128xf32, #tpu.memory_space<hbm>>
    %dma_wait3A_280 = tpu.memref_slice %arg9[%dma_wait3A_271] : memref<2x!tpu.dma_semaphore, #tpu.memory_space<semaphore_mem>> -> memref<1x!tpu.dma_semaphore, #tpu.memory_space<semaphore_mem>>
    %dma_wait3A_281 = tpu.memref_squeeze %dma_wait3A_280 : memref<1x!tpu.dma_semaphore, #tpu.memory_space<semaphore_mem>> -> memref<!tpu.dma_semaphore, #tpu.memory_space<semaphore_mem>>
    %dma_wait3A_282 = arith.constant 0 : i32
    %dma_wait3A_283 = arith.constant 0 : i32
    %dma_wait3A_284 = tpu.memref_slice %arg4[%dma_wait3A_268, %dma_wait3A_269, %dma_wait3A_270, %dma_wait3A_282, %dma_wait3A_283] : memref<50x4x128x8x128xf32, #tpu.memory_space<hbm>> -> memref<1x1x1x8x128xf32, #tpu.memory_space<hbm>>
    %dma_wait3A_285 = tpu.memref_squeeze %dma_wait3A_284 : memref<1x1x1x8x128xf32, #tpu.memory_space<hbm>> -> memref<8x128xf32, #tpu.memory_space<hbm>>
    %dma_wait3A_286 = arith.constant 16 : i32
    %dma_wait3A_287 = arith.constant 0 : i32
    %dma_wait3A_288 = tpu.memref_slice %arg7[%dma_wait3A_267, %dma_wait3A_286, %dma_wait3A_287] : memref<2x32x128xf32, #tpu.memory_space<vmem>> -> memref<1x8x128xf32, #tpu.memory_space<vmem>>
    %dma_wait3A_289 = tpu.memref_squeeze %dma_wait3A_288 : memref<1x8x128xf32, #tpu.memory_space<vmem>> -> memref<8x128xf32, #tpu.memory_space<vmem>>
    tpu.wait_dma2 semaphore(%dma_wait3A_281 : memref<!tpu.dma_semaphore, #tpu.memory_space<semaphore_mem>>) src(%dma_wait3A_289 : memref<8x128xf32, #tpu.memory_space<vmem>>) dst(%dma_wait3A_285 : memref<8x128xf32, #tpu.memory_space<hbm>>)
    %dma_wait3A_290 = arith.constant 1 : i32
    %dma_wait3A_291 = arith.constant 0 : i32
    %dma_wait3A_292 = arith.constant 3 : i32
    %dma_wait3A_293 = arith.constant 0 : i32
    %dma_wait3A_294 = arith.constant 1 : i32
    %dma_wait3A_295 = arith.constant 24 : i32
    %dma_wait3A_296 = arith.constant 0 : i32
    %dma_wait3A_297 = tpu.memref_slice %arg7[%dma_wait3A_290, %dma_wait3A_295, %dma_wait3A_296] : memref<2x32x128xf32, #tpu.memory_space<vmem>> -> memref<1x8x128xf32, #tpu.memory_space<vmem>>
    %dma_wait3A_298 = tpu.memref_squeeze %dma_wait3A_297 : memref<1x8x128xf32, #tpu.memory_space<vmem>> -> memref<8x128xf32, #tpu.memory_space<vmem>>
    %dma_wait3A_299 = arith.constant 0 : i32
    %dma_wait3A_300 = arith.constant 0 : i32
    %dma_wait3A_301 = tpu.memref_slice %arg4[%dma_wait3A_291, %dma_wait3A_292, %dma_wait3A_293, %dma_wait3A_299, %dma_wait3A_300] : memref<50x4x128x8x128xf32, #tpu.memory_space<hbm>> -> memref<1x1x1x8x128xf32, #tpu.memory_space<hbm>>
    %dma_wait3A_302 = tpu.memref_squeeze %dma_wait3A_301 : memref<1x1x1x8x128xf32, #tpu.memory_space<hbm>> -> memref<8x128xf32, #tpu.memory_space<hbm>>
    %dma_wait3A_303 = tpu.memref_slice %arg9[%dma_wait3A_294] : memref<2x!tpu.dma_semaphore, #tpu.memory_space<semaphore_mem>> -> memref<1x!tpu.dma_semaphore, #tpu.memory_space<semaphore_mem>>
    %dma_wait3A_304 = tpu.memref_squeeze %dma_wait3A_303 : memref<1x!tpu.dma_semaphore, #tpu.memory_space<semaphore_mem>> -> memref<!tpu.dma_semaphore, #tpu.memory_space<semaphore_mem>>
    %dma_wait3A_305 = arith.constant 0 : i32
    %dma_wait3A_306 = arith.constant 0 : i32
    %dma_wait3A_307 = tpu.memref_slice %arg4[%dma_wait3A_291, %dma_wait3A_292, %dma_wait3A_293, %dma_wait3A_305, %dma_wait3A_306] : memref<50x4x128x8x128xf32, #tpu.memory_space<hbm>> -> memref<1x1x1x8x128xf32, #tpu.memory_space<hbm>>
    %dma_wait3A_308 = tpu.memref_squeeze %dma_wait3A_307 : memref<1x1x1x8x128xf32, #tpu.memory_space<hbm>> -> memref<8x128xf32, #tpu.memory_space<hbm>>
    %dma_wait3A_309 = arith.constant 24 : i32
    %dma_wait3A_310 = arith.constant 0 : i32
    %dma_wait3A_311 = tpu.memref_slice %arg7[%dma_wait3A_290, %dma_wait3A_309, %dma_wait3A_310] : memref<2x32x128xf32, #tpu.memory_space<vmem>> -> memref<1x8x128xf32, #tpu.memory_space<vmem>>
    %dma_wait3A_312 = tpu.memref_squeeze %dma_wait3A_311 : memref<1x8x128xf32, #tpu.memory_space<vmem>> -> memref<8x128xf32, #tpu.memory_space<vmem>>
    tpu.wait_dma2 semaphore(%dma_wait3A_304 : memref<!tpu.dma_semaphore, #tpu.memory_space<semaphore_mem>>) src(%dma_wait3A_312 : memref<8x128xf32, #tpu.memory_space<vmem>>) dst(%dma_wait3A_308 : memref<8x128xf32, #tpu.memory_space<hbm>>)
    return
  }
}

</mosaic_0001>

<sc_bundles>
// kernel: kernel.3.cloned.1.call-start
scs
__scs_entry_jumppad:
0x0: {  	(pc) =	sbr.rel $0x88, $3  }
0x1: {  	(tag) =	ssettag $0x0;
	lr =	simm.s32 $0x1  }
0x2: {  	[smem:$0x3F9F] =	sst lr;
	_ =	strace $0xD0000000  }
0x3: {  	_ = 	snop  }
0x4: {  	_ = 	snop  }
0x5: {  	_ = 	snop  }
0x6: {  	_ = 	snop  }
0x7: {  	_ = 	snop  }
__scs_overlays_trampoline_lowered:
0x8: {  	[smem:$0x3FAE] =	sst s0  }
0x9: {  	[smem:$0x3FAF] =	sst s1  }
0xa: {  	[smem:$0x3FB0] =	sst s2  }
0xb: {  	[smem:$0x3FB1] =	sst s3  }
0xc: {  	[smem:$0x3FB2] =	sst s4  }
0xd: {  	[smem:$0x3FB3] =	sst s5  }
0xe: {  	[smem:$0x3FB4] =	sst s6  }
0xf: {  	[smem:$0x3FB5] =	sst s7  }
0x10: {  	[smem:$0x3FB6] =	sst s8  }
0x11: {  	[smem:$0x3FB7] =	sst s9;
	s0 =	simm.s32 @!p0 $0x0  }
0x12: {  	s1 =	sld [smem:$0x3F9D];
	s0 =	simm.s32 @p0 $0x1  }
0x13: {  	[smem:$0x3FB8] =	sst s0;
	s0 =	simm.s32 @!p1 $0x0  }
0x14: {  	s2 =	sld [smem:$0x3F9C];
	s0 =	simm.s32 @p1 $0x1  }
0x15: {  	[smem:$0x3FB9] =	sst s0;
	s0 =	simm.s32 @!p2 $0x0  }
0x16: {  	s3 =	sld [smem:$0x3FDB];
	s0 =	simm.s32 @p2 $0x1  }
0x17: {  	s4 =	simm.s32 $0x1BF5;
	[smem:$0x3FBB] =	sst s0  }
0x18: {  	s0 =	sld [smem:$0x3F9E];
	_ =	swait.ge [sflag:s4], $0x0  }
0x19: {  	s7 =	sld [smem:$0x3F9F]  }
0x1a: {  	s8 =	sadd.s32 $0xFFFFE003, lr  }
0x1b: {  	s9 =	sadd.s32 $0xFFFFFEF7, lr;
	s5 =	simm.s32 $0xFFFFFFFF;
	p2 =	slt.u32 s8, $0xFFFFF086  }
0x1c: {  	p1 =	slt.u32 s9, $0xF7A;
	s5 =	simm.s32 @!p2 $0x0  }
0x1d: {  	s5 =	simm.s32 @p1 $0x1;
	p0 =	seq.s32 s7, s2  }
0x1e: {  	s7 =	smul.u32 @!p0 $0xF7A, s2;
	p2 =	seq.s32 @!p0 s5, $0x0  }
0x1f: {  	s9 =	smul.u32 $0xF7A, s1;
	s8 =	simm.s32 @!p0 $0x1BF5;
	p2 =	por !p2, p0  }
0x20: {  	[sflag:s8] =	ssyncset.s32 @!p0 $0xFFFFF086;
	s6 =	sadd.s32 @!p0 s3, s7;
	s7 =	simm.s32 @!p0 $0x108  }
0x21: {  	s3 =	sadd.s32 s3, s9;
	s6 =	sadd.s32 @!p0 $0x88, s6;
	s7 =	simm.s32 @p2 $0x1082  }
0x22: {  	[simem:s7], [sflag:s8] =	dma.local @!p0 [hbm:s6], $0xF7A  }
0x23: {  	s9 =	sor.u32 $0xD0000000, s2;
	s6 =	simm.s32 $0x108;
	_ =	swait.ge @!p0 [sflag:s8], $0x0  }
0x24: {  	s3 =	sadd.s32 $0x88, s3;
	s6 =	simm.s32 @!p1 $0x1082;
	[sflag:s4] =	ssyncset.s32 $0xFFFFF086  }
0x25: {  	[simem:s6], [sflag:s4] =	dma.local [hbm:s3], $0xF7A  }
0x26: {  	[smem:$0x3F9F] =	sst s1;
	(tag) =	ssettag s2;
	_ =	strace s9  }
0x27: {  	s1 =	sld [smem:$0x3FAF]  }
0x28: {  	s2 =	sld [smem:$0x3FB0]  }
0x29: {  	s4 =	sld [smem:$0x3FB2]  }
0x2a: {  	p0 =	seq.s32 s5, $0x0;
	s5 =	sld [smem:$0x3FB3]  }
0x2b: {  	s6 =	sld [smem:$0x3FB4]  }
0x2c: {  	s7 =	sld [smem:$0x3FB5]  }
0x2d: {  	s3 =	simm.s32 $0x108;
	s8 =	sld [smem:$0x3FB6]  }
0x2e: {  	s3 =	simm.s32 @!p0 $0x1082;
	s9 =	sld [smem:$0x3FB7]  }
0x2f: {  	lr =	sadd.s32 s0, s3;
	s0 =	sld [smem:$0x3FAE]  }
0x30: {  	s3 =	sld [smem:$0x3FB1]  }
0x31: {  	[smem:$0x3FBA] =	sst s10  }
0x32: {  	s10 =	sld [smem:$0x3FB8];
	_ =	sdelay $0x3  }
0x33: {  	p0 =	seq.s32 s10, $0x1;
	s10 =	sld [smem:$0x3FBA];
	_ =	sdelay $0x3  }
0x34: {  	[smem:$0x3FBA] =	sst s10  }
0x35: {  	s10 =	sld [smem:$0x3FB9];
	_ =	sdelay $0x3  }
0x36: {  	p1 =	seq.s32 s10, $0x1;
	s10 =	sld [smem:$0x3FBA];
	_ =	sdelay $0x3  }
0x37: {  	[smem:$0x3FBA] =	sst s10  }
0x38: {  	s10 =	sld [smem:$0x3FBB]  }
0x39: {  	_ = 	snop;
	(pc) =	sbr.ind lr, $3  }
0x3a: {  	_ = 	snop  }
0x3b: {  	_ = 	snop  }
0x3c: {  	p2 =	seq.s32 s10, $0x1;
	s10 =	sld [smem:$0x3FBA]  }
0x3d: {  	_ =	shalt  }
0x3e: {  	_ =	shalt  }
0x3f: {  	_ =	shalt  }
0x40: {  	_ =	shalt  }
0x41: {  	_ =	shalt  }
0x42: {  	_ =	shalt  }
0x43: {  	_ =	shalt  }
0x44: {  	_ =	shalt  }
0x45: {  	_ =	shalt  }
0x46: {  	_ =	shalt  }
0x47: {  	_ =	shalt  }
0x48: {  	_ =	shalt  }
0x49: {  	_ =	shalt  }
0x4a: {  	_ =	shalt  }
0x4b: {  	_ =	shalt  }
0x4c: {  	_ =	shalt  }
0x4d: {  	_ =	shalt  }
0x4e: {  	_ =	shalt  }
0x4f: {  	_ =	shalt  }
0x50: {  	_ =	shalt  }
0x51: {  	_ =	shalt  }
0x52: {  	_ =	shalt  }
0x53: {  	_ =	shalt  }
0x54: {  	_ =	shalt  }
0x55: {  	_ =	shalt  }
0x56: {  	_ =	shalt  }
0x57: {  	_ =	shalt  }
0x58: {  	_ =	shalt  }
0x59: {  	_ =	shalt  }
0x5a: {  	_ =	shalt  }
0x5b: {  	_ =	shalt  }
0x5c: {  	_ =	shalt  }
0x5d: {  	_ =	shalt  }
0x5e: {  	_ =	shalt  }
0x5f: {  	_ =	shalt  }
0x60: {  	_ =	shalt  }
0x61: {  	_ =	shalt  }
0x62: {  	_ =	shalt  }
0x63: {  	_ =	shalt  }
0x64: {  	_ =	shalt  }
0x65: {  	_ =	shalt  }
0x66: {  	_ =	shalt  }
0x67: {  	_ =	shalt  }
0x68: {  	_ =	shalt  }
0x69: {  	_ =	shalt  }
0x6a: {  	_ =	shalt  }
0x6b: {  	_ =	shalt  }
0x6c: {  	_ =	shalt  }
0x6d: {  	_ =	shalt  }
0x6e: {  	_ =	shalt  }
0x6f: {  	_ =	shalt  }
0x70: {  	_ =	shalt  }
0x71: {  	_ =	shalt  }
0x72: {  	_ =	shalt  }
0x73: {  	_ =	shalt  }
0x74: {  	_ =	shalt  }
0x75: {  	_ =	shalt  }
0x76: {  	_ =	shalt  }
0x77: {  	_ =	shalt  }
0x78: {  	_ =	shalt  }
0x79: {  	_ =	shalt  }
0x7a: {  	_ =	shalt  }
0x7b: {  	_ =	shalt  }
0x7c: {  	_ =	shalt  }
0x7d: {  	_ =	shalt  }
0x7e: {  	_ =	shalt  }
0x7f: {  	_ =	shalt  }
0x80: {  	_ =	shalt  }
0x81: {  	_ =	shalt  }
0x82: {  	_ =	shalt  }
0x83: {  	_ =	shalt  }
0x84: {  	_ =	shalt  }
0x85: {  	_ =	shalt  }
0x86: {  	_ =	shalt  }
0x87: {  	_ =	shalt  }
.Lfunc_end0:
.L_simem_size_0:
called_computation_lowered:
.L_overlay_start_0:
0x88: {  	s2 =	sld [smem:$0x3FD9]  }
0x89: {  	s3 =	sld [smem:$0x3FFE];
	_ =	sdelay $0x1  }
0x8a: {  	s1 =	srdreg.scid  }
0x8b: {  	s0 =	sand.u32 $0x1, s1  }
0x8c: {  	s17 =	sshll.u32 s0, $0xA;
	s2 =	sadd.s32 s3, s2  }
0x8d: {  	s2 =	sadd.s32 s2, s17  }
0x8e: {  	[smem:$0x3FC6] =	sst s2  }
0x8f: {  	_ = 	snop  }
0x90: {  	s2 =	sld [smem:$0x3FD0];
	(tm) =	ssettm $0x1  }
0x91: {  	s18 =	sld [smem:$0x3FFB];
	_ =	sdelay $0x3  }
0x92: {  	_ =	strace s18  }
0x93: {  	s3 =	sld [smem:$0x3FFC];
	_ =	sdelay $0x3  }
0x94: {  	_ =	strace s3  }
0x95: {  	s3 =	sld [smem:$0x3FFD];
	_ =	sdelay $0x3  }
0x96: {  	_ =	strace s3  }
0x97: {  	_ =	strace $0x8FFFFFFF  }
0x98: {  	s19 =	sld [smem:$0x3FDB];
	_ =	sdelay $0x1  }
0x99: {  	s4 =	simm.s32 $_scs_section_size  }
0x9a: {  	s5 =	simm.s32 $_size__tile_overlayer_lowered;
	s6 =	simm.s32 $_tile_overlayer_lowered  }
0x9b: {  	s22 =	simm.s32 $0x1BFF;
	s21 =	sshll.u32 s6, $0x1;
	s3 =	sadd.s32 s4, s19  }
0x9c: {  	s7 =	simm.s32 $0x0;
	s20 =	sshll.u32 s5, $0x1;
	s5 =	sadd.s32 s21, s3  }
0x9d: {  	[timem:s7], [sflag:s22] =	dma.local [hbm:s5], s20  }
0x9e: {  	_ =	swait.ge [sflag:s22], s20  }
0x9f: {  	s4 =	ssub.s32 $0x0, s20;
	[sflag:s22] =	ssyncset.done $0x0  }
0xa0: {  	[sflag:s22] =	ssyncadd.s32 s4;
	_ =	sdelay $0x1  }
0xa1: {  	s23 =	simm.s32 $0x1B8B  }
0xa2: {  	_ =	swait.ge [sflag:s23], $0x1  }
0xa3: {  	[sflag:s23] =	ssyncset.done $0x0  }
0xa4: {  	s25 =	simm.s32 $0x1B8E;
	s24 =	sld [smem:$0x3FFE];
	[sflag:s23] =	ssyncadd.s32 $0xFFFFFFFF  }
0xa5: {  	s26 =	simm.s32 $execute0_lowered;
	[smem:$0x3FD2] =	sst s25  }
0xa6: {  	s5 =	sshll.u32 s26, $0x1;
	_ =	strace $0x80000046;
	[dreg:$0x1] =	wrdreg $0xFFFFFFFF  }
0xa7: {  	s28 =	simm.s32 $_size_execute0_lowered;
	s3 =	sadd.s32 s3, s5;
	[dreg:$0x0] =	wrdreg $0x0  }
0xa8: {  	s5 =	sshll.u32 s28, $0x1;
	[dreg:$0x2] =	wrdreg s3  }
0xa9: {  	[dreg:$0x3] =	wrdreg s5  }
0xaa: {  	[dreg:$0x4] =	wrdreg $0xC0  }
0xab: {  	_ =	task [dreg:s7], $0x5FFFF  }
0xac: {  	[dreg:$0x1] =	wrdreg $0xFFFFFFFF  }
0xad: {  	[dreg:$0x0] =	wrdreg $0x60  }
0xae: {  	[dreg:$0x2] =	wrdreg s24  }
0xaf: {  	[dreg:$0x3] =	wrdreg s2  }
0xb0: {  	[dreg:$0x4] =	wrdreg $0x9  }
0xb1: {  	_ =	task.clear_ibuf [dreg:s7], $0x5FFFF;
	_ =	strace $0x90000046  }
0xb2: {  	s29 =	simm.s32 $0x9;
	_ =	strace $0x80000048  }
0xb3: {  	_ =	swait.ge [sflag:s29], $0x1  }
0xb4: {  	[sflag:s29] =	ssyncadd.s32 $0xFFFFFFFF  }
0xb5: {  	_ =	strace $0x90000048  }
0xb6: {  	_ =	sfence  }
0xb7: {  	s30 =	sld [smem:$0x0];
	_ =	sdelay $0x2  }
0xb8: {  	s31 =	sshll.u32 s1, $0xD;
	s1 =	sshrl.u32 s1, $0x2  }
0xb9: {  	s3 =	sand.u32 $0x4000, s31;
	s1 =	sadd.s32 s1, s30  }
0xba: {  	s0 =	sor.u32 s3, s0;
	s1 =	sshll.u32 s1, $0x11  }
0xbb: {  	s0 =	sor.u32 s1, s0  }
0xbc: {  	s0 =	sadd.s32 $0x8F2B, s0  }
0xbd: {  	[sflag:s0] =	ssyncadd.remote.s32 $0x1  }
0xbe: {  	_ =	sfence.sel $0xFFFF  }
0xbf: {  	[dreg:$0x0] =	wrdreg $0xFFFFFFFF;
	(pc) =	sbr.abs _section_cstart, $3  }
0xc0: {  	[dreg:$0x1] =	wrdreg $0xFFFFFFFF  }
0xc1: {  	_ =	task.clear_ibuf [dreg:s7], $0x2FFFF;
	_ =	strace $0x9FFFFFFF  }
0xc2: {  	(tm) =	ssettm $0x7FFFFFFF  }
0xc3: {  	_ =	shalt  }
tec
execute0_lowered:
.L_overlay_start_1:
0x0: {  	(tag) =	ssettag $0x1  }
0x1: {  	v0 =	vimm.s32 $0xFEDCBA9  }
0x2: {  	v1 =	vimm.s32 $0x87654321;
	vm0 =	vcmask $0x1F10;
	v59 =	vimm.s32 $0x1C1B1A19  }
0x3: {  	v60 =	vimm.s32 $0x10FEDCBA;
	v2 =	vimm.s32 $0x98765432;
	v3 =	vimm.s32 $0x101F1E1D  }
0x4: {  	v62 =	vimm.s32 $0x14131211;
	v5 =	vimm.s32 $0x18171615;
	v30 =	vimm.s32 $0x210FEDCB  }
0x5: {  	v31 =	vimm.s32 $0xA9876543;
	v7 =	vimm.s32 $0x1D1C1B1A;
	v33 =	vimm.s32 $0x11101F1E  }
0x6: {  	v9 =	vimm.s32 $0x15141312;
	v10 =	vimm.s32 $0x19181716;
	v48 =	vimm.s32 $0x1211101F  }
0x7: {  	vm13 =	vcmask $0x300;
	v49 =	vimm.s32 $0x787;
	vm14 =	vcmask $0x704  }
0x8: {  	vm15 =	vcmask $0xB08;
	vm12 =	vcmask $0xF0C;
	vm11 =	vcmask $0x1310  }
0x9: {  	vm10 =	vcmask $0x1714;
	vm9 =	vcmask $0x1B18;
	vm8 =	vcmask $0x1F1C  }
0xa: {  	vm7 =	vcmask $0x2320;
	vm6 =	vcmask $0x2724;
	vm5 =	vcmask $0x2B28  }
0xb: {  	vm4 =	vcmask $0x2F2C;
	vm3 =	vcmask $0x3330;
	vm2 =	vcmask $0x3734  }
0xc: {  	vm1 =	vcmask $0x3B38;
	v55 =	vimm.s32 $0xBA987654;
	v58 =	vimm.s32 $0x1F1E1D1C  }
0xd: {  	v28 =	vimm.s32 $0xA07;
	v39 =	vimm.s32 $0xA87;
	v0 =	vunpack.c.l.s4.s8 v0  }
0xe: {  	v1 =	vunpack.c.l.s4.s8 v1;
	v4 =	vunpack.c.l.s4.s8 v60;
	v2 =	vunpack.c.l.s4.s8 v2  }
0xf: {  	v61 =	vunpack.c.0.s8.s32 v3;
	v3 =	vunpack.c.0.s8.s32 v62;
	v63 =	vunpack.c.0.s8.s32 v5  }
0x10: {  	v8 =	vunpack.c.l.s4.s8 v30;
	v32 =	vunpack.c.0.s8.s32 v7;
	v34 =	vunpack.c.0.s8.s32 v33  }
0x11: {  	v35 =	vunpack.c.0.s8.s32 v9;
	v9 =	vimm.s32 $0x1E1D1C1B;
	v25 =	vunpack.c.0.s8.s32 v48  }
0x12: {  	v43 =	vunpack.c.0.s8.s32 v58;
	v60 =	vimm.s32 $0xDCBA9876;
	v62 =	vimm.s32 $0xEDCBA987  }
0x13: {  	v5 =	vimm.s32 $0x987;
	v29 =	vsel vm13, $0xA80, v28;
	v58 =	vimm.s32 $0x387  }
0x14: {  	v21 =	vunpack.c.0.s8.s32 v9;
	v9 =	vimm.s32 $0x16151413;
	v0 =	vunpack.c.0.s8.s32 v0  }
0x15: {  	v1 =	vunpack.c.0.s8.s32 v1;
	v6 =	vunpack.c.0.s8.s32 v4;
	v2 =	vunpack.c.0.s8.s32 v2  }
0x16: {  	v11 =	vunpack.c.0.s8.s32 v8;
	v8 =	vunpack.c.0.s8.s32 v10;
	v17 =	vsel vm0, v63, v3  }
0x17: {  	v18 =	vsel vm0, v34, v32;
	v26 =	vunpack.c.0.s8.s32 v9;
	v9 =	vimm.s32 $0x1A191817  }
0x18: {  	v10 =	vimm.s32 $0xF87;
	v45 =	vsel vm0, v3, v61;
	v48 =	vsel vm0, v35, v34;
	[tilespmem:$0x1FB00] =	vst v0  }
0x19: {  	v10 =	vsel vm13, $0x800, v10;
	v27 =	vunpack.c.0.s8.s32 v9;
	v0 =	vcombine.low v1, v0;
	[tilespmem:$0x1FB20] =	vst v6  }
0x1a: {  	[tilespmem:$0x1FB30] =	vst v2;
	v2 =	vcombine.low v2, v6;
	v6 =	vunpack.c.l.s4.s8 v31;
	v19 =	vsel vm0, v8, v35  }
0x1b: {  	[tilespmem:$0x1FB10] =	vst v1;
	v10 =	vsel vm14, $0x881, v10;
	v31 =	vunpack.c.l.s4.s8 v62;
	v1 =	vsel vm13, $0xA00, v5  }
0x1c: {  	v35 =	vimm.s32 $0x287;
	v62 =	vimm.s32 $0x407;
	v10 =	vsel vm15, $0x902, v10  }
0x1d: {  	v7 =	vsel vm14, $0xA81, v1;
	v1 =	vsel vm13, $0x300, v35;
	v42 =	vand.u32 $0xF, v0  }
0x1e: {  	v0 =	vunpack.c.0.s8.s32 v59;
	v13 =	vunpack.c.0.s8.s32 v6;
	v20 =	vand.u32 $0xF, v2  }
0x1f: {  	v2 =	vsel vm13, $0x0, v49;
	v10 =	vsel vm12, $0x983, v10;
	v59 =	vimm.s32 $0x43210FED  }
0x20: {  	v49 =	vsel vm0, v32, v8;
	v6 =	vimm.s32 $0x207;
	v33 =	vsel vm15, $0xB02, v7  }
0x21: {  	v2 =	vsel vm14, $0x81, v2;
	v10 =	vsel vm11, $0xA04, v10;
	v12 =	vsel vm0, v61, v0  }
0x22: {  	[tilespmem:$0x1FB40] =	vst v11;
	v47 =	vcombine.low v13, v11;
	v2 =	vsel vm15, $0x102, v2;
	v10 =	vsel vm10, $0xA85, v10  }
0x23: {  	[tilespmem:$0x1FB50] =	vst v13;
	v11 =	vimm.s32 $0x3210FEDC;
	v13 =	vunpack.c.l.s4.s8 v55;
	v46 =	vsel vm0, v0, v63  }
0x24: {  	v61 =	vimm.s32 $0x6543210F;
	v63 =	vimm.s32 $0x187;
	v55 =	vimm.s32 $0xFEDCBA98  }
0x25: {  	v2 =	vsel vm12, $0x183, v2;
	v10 =	vsel vm9, $0xB06, v10;
	v11 =	vunpack.c.l.s4.s8 v11  }
0x26: {  	v30 =	vunpack.c.l.s4.s8 v61;
	v4 =	vsel vm13, $0x200, v63;
	v61 =	vimm.s32 $0xB87  }
0x27: {  	v63 =	vimm.s32 $0xC07;
	v24 =	vand.u32 $0xF, v47;
	v2 =	vsel vm11, $0x204, v2  }
0x28: {  	v10 =	vsel vm8, $0xB87, v10;
	v13 =	vunpack.c.0.s8.s32 v13;
	v0 =	vsel vm14, $0x281, v4  }
0x29: {  	v4 =	vsel vm13, $0x400, v58;
	v58 =	vimm.s32 $0xE07;
	v2 =	vsel vm10, $0x285, v2  }
0x2a: {  	v10 =	vsel vm7, $0xC00, v10;
	v11 =	vunpack.c.0.s8.s32 v11;
	v32 =	vsel vm15, $0x302, v0  }
0x2b: {  	v0 =	vsel vm14, $0xB01, v29;
	v2 =	vsel vm9, $0x306, v2;
	v9 =	vsel vm6, $0xC81, v10  }
0x2c: {  	v10 =	vimm.s32 $0x7;
	v2 =	vsel vm8, $0x387, v2;
	v9 =	vsel vm5, $0xD02, v9  }
0x2d: {  	v2 =	vsel vm7, $0x400, v2;
	v50 =	vsel vm4, $0xD83, v9;
	v9 =	vsel vm13, $0x80, v10  }
0x2e: {  	v30 =	vunpack.c.0.s8.s32 v30;
	v2 =	vsel vm6, $0x481, v2;
	v9 =	vsel vm14, $0x101, v9  }
0x2f: {  	v10 =	vimm.s32 $0x807;
	v2 =	vsel vm5, $0x502, v2;
	v9 =	vsel vm15, $0x182, v9  }
0x30: {  	v10 =	vsel vm13, $0x880, v10;
	v2 =	vsel vm4, $0x583, v2;
	v51 =	vsel vm12, $0x203, v9  }
0x31: {  	v9 =	vsel vm14, $0x901, v10;
	v10 =	vimm.s32 $0x87;
	v2 =	vsel vm3, $0x604, v2  }
0x32: {  	v9 =	vsel vm15, $0x982, v9;
	v10 =	vsel vm13, $0x100, v10;
	v2 =	vsel vm2, $0x685, v2  }
0x33: {  	v9 =	vsel vm12, $0xA03, v9;
	v10 =	vsel vm14, $0x181, v10;
	v38 =	vsel vm1, $0x706, v2  }
0x34: {  	v2 =	vsel vm3, $0xE04, v50;
	v9 =	vsel vm11, $0xA84, v9;
	v10 =	vsel vm15, $0x202, v10  }
0x35: {  	v50 =	vsel vm14, $0x381, v1;
	v1 =	vunpack.c.l.s4.s8 v55;
	v2 =	vsel vm2, $0xE85, v2  }
0x36: {  	v9 =	vsel vm10, $0xB05, v9;
	v10 =	vsel vm12, $0x283, v10;
	v41 =	vsel vm1, $0xF06, v2  }
0x37: {  	v2 =	vsel vm11, $0x284, v51;
	v9 =	vsel vm9, $0xB86, v9;
	v10 =	vsel vm11, $0x304, v10  }
0x38: {  	v51 =	vsel vm13, $0xB00, v39;
	v1 =	vunpack.c.0.s8.s32 v1;
	v2 =	vsel vm10, $0x305, v2  }
0x39: {  	v39 =	vimm.s32 $0x507;
	v9 =	vsel vm8, $0xC07, v9;
	v2 =	vsel vm9, $0x386, v2  }
0x3a: {  	v10 =	vsel vm10, $0x385, v10;
	v9 =	vsel vm7, $0xC80, v9;
	v2 =	vsel vm8, $0x407, v2  }
0x3b: {  	v10 =	vsel vm9, $0x406, v10;
	v9 =	vsel vm6, $0xD01, v9;
	v2 =	vsel vm7, $0x480, v2  }
0x3c: {  	v10 =	vsel vm8, $0x487, v10;
	v9 =	vsel vm5, $0xD82, v9;
	v2 =	vsel vm6, $0x501, v2  }
0x3d: {  	v10 =	vsel vm7, $0x500, v10;
	v9 =	vsel vm4, $0xE03, v9;
	v2 =	vsel vm5, $0x582, v2  }
0x3e: {  	v52 =	vsel vm3, $0xE84, v9;
	v9 =	vsel vm6, $0x581, v10;
	v2 =	vsel vm4, $0x603, v2  }
0x3f: {  	v10 =	vimm.s32 $0x887;
	v9 =	vsel vm5, $0x602, v9;
	v2 =	vsel vm3, $0x684, v2  }
0x40: {  	v53 =	vsel vm4, $0x683, v9;
	v9 =	vsel vm13, $0x900, v10;
	v2 =	vsel vm2, $0x705, v2  }
0x41: {  	v10 =	vimm.s32 $0x107;
	v9 =	vsel vm14, $0x981, v9;
	v2 =	vsel vm1, $0x786, v2  }
0x42: {  	v10 =	vsel vm13, $0x180, v10;
	v9 =	vsel vm15, $0xA02, v9;
	[tilespmem:$0x1FB60] =	vst v2;
	v2 =	vsel vm2, $0xF05, v52  }
0x43: {  	v54 =	vsel vm12, $0xA83, v9;
	v9 =	vsel vm14, $0x201, v10;
	v10 =	vimm.s32 $0x907  }
0x44: {  	v52 =	vsel vm14, $0xB81, v51;
	v2 =	vsel vm1, $0xF86, v2;
	v9 =	vsel vm15, $0x282, v9  }
0x45: {  	v10 =	vsel vm13, $0x980, v10;
	v35 =	vsel vm15, $0xC02, v52;
	v52 =	vimm.s32 $0xD07  }
0x46: {  	[tilespmem:$0x1FB70] =	vst v2;
	v2 =	vsel vm3, $0x704, v53;
	v9 =	vsel vm12, $0x303, v9;
	v10 =	vsel vm14, $0xA01, v10  }
0x47: {  	v53 =	vimm.s32 $0x307;
	v2 =	vsel vm2, $0x785, v2;
	v9 =	vsel vm11, $0x384, v9  }
0x48: {  	v10 =	vsel vm15, $0xA82, v10;
	v2 =	vsel vm1, $0x6, v2;
	v9 =	vsel vm10, $0x405, v9  }
0x49: {  	v10 =	vsel vm12, $0xB03, v10;
	[tilespmem:$0x1FB80] =	vst v2;
	v2 =	vsel vm11, $0xB04, v54;
	v9 =	vsel vm9, $0x486, v9  }
0x4a: {  	v10 =	vsel vm11, $0xB84, v10;
	v54 =	vsel vm13, $0x380, v53;
	v2 =	vsel vm10, $0xB85, v2  }
0x4b: {  	v53 =	vimm.s32 $0x587;
	v10 =	vsel vm10, $0xC05, v10;
	v2 =	vsel vm9, $0xC06, v2  }
0x4c: {  	v9 =	vsel vm8, $0x507, v9;
	v10 =	vsel vm9, $0xC86, v10;
	v2 =	vsel vm8, $0xC87, v2  }
0x4d: {  	v9 =	vsel vm7, $0x580, v9;
	v10 =	vsel vm8, $0xD07, v10;
	v2 =	vsel vm7, $0xD00, v2  }
0x4e: {  	v9 =	vsel vm6, $0x601, v9;
	v10 =	vsel vm7, $0xD80, v10;
	v2 =	vsel vm6, $0xD81, v2  }
0x4f: {  	v9 =	vsel vm5, $0x682, v9;
	v10 =	vsel vm6, $0xE01, v10;
	v2 =	vsel vm5, $0xE02, v2  }
0x50: {  	v9 =	vsel vm4, $0x703, v9;
	v10 =	vsel vm5, $0xE82, v10;
	v2 =	vsel vm4, $0xE83, v2  }
0x51: {  	v56 =	vsel vm3, $0x784, v9;
	v10 =	vsel vm4, $0xF03, v10;
	v2 =	vsel vm3, $0xF04, v2  }
0x52: {  	[tilespmem:$0x1FBA0] =	vst v11;
	v9 =	vsel vm3, $0xF84, v10;
	v10 =	vcombine.low v13, v11;
	v11 =	vimm.s32 $0x543210FE  }
0x53: {  	[tilespmem:$0x1FBB0] =	vst v13;
	v13 =	vsel vm13, $0x280, v6;
	v2 =	vsel vm2, $0xF85, v2;
	v9 =	vsel vm2, $0x805, v9  }
0x54: {  	v14 =	vsel vm14, $0x301, v13;
	v13 =	vimm.s32 $0x487;
	v2 =	vsel vm1, $0x806, v2  }
0x55: {  	v57 =	vsel vm1, $0x886, v9;
	v9 =	vand.u32 $0xF, v10;
	v10 =	vimm.s32 $0xCBA98765  }
0x56: {  	v34 =	vsel vm15, $0x382, v14;
	v14 =	vimm.s32 $0xC87;
	[tilespmem:$0x1FB90] =	vst v2;
	v2 =	vsel vm2, $0x5, v56  }
0x57: {  	[tilespmem:$0x1FBE0] =	vst v9;
	v9 =	vimm.s32 $0x13121110;
	v10 =	vunpack.c.l.s4.s8 v10;
	v56 =	vimm.s32 $0x76543210  }
0x58: {  	[tilespmem:$0x1FBD0] =	vst v57;
	v57 =	vimm.s32 $0xB07;
	v2 =	vsel vm1, $0x86, v2;
	v44 =	vunpack.c.0.s8.s32 v9  }
0x59: {  	v9 =	vunpack.c.l.s4.s8 v11;
	v11 =	vunpack.c.l.s4.s8 v60;
	v3 =	vunpack.c.l.s4.s8 v56  }
0x5a: {  	v60 =	vsel vm14, $0x481, v4;
	[tilespmem:$0x1FBC0] =	vst v2;
	v2 =	vunpack.c.l.s4.s8 v59;
	v37 =	vunpack.c.0.s8.s32 v10  }
0x5b: {  	v59 =	vand.u32 $0xF, v1;
	v29 =	vsel vm15, $0x502, v60;
	v1 =	vsel vm13, $0x480, v62  }
0x5c: {  	v60 =	vimm.s32 $0xE87;
	v62 =	vimm.s32 $0xF07;
	v40 =	vunpack.c.0.s8.s32 v9  }
0x5d: {  	v47 =	vunpack.c.0.s8.s32 v11;
	v9 =	vsel vm15, $0x402, v50;
	v3 =	vunpack.c.0.s8.s32 v3  }
0x5e: {  	v6 =	vsel vm14, $0x501, v1;
	v1 =	vsel vm13, $0xD00, v14;
	v5 =	vsel vm13, $0xF80, v62  }
0x5f: {  	v36 =	vunpack.c.0.s8.s32 v2;
	v2 =	vsel vm15, $0xB82, v0;
	v0 =	vsel vm14, $0x401, v54  }
0x60: {  	v16 =	vsel vm15, $0x582, v6;
	v50 =	vsel vm14, $0xD81, v1;
	v54 =	vimm.s32 $0xD87  }
0x61: {  	v1 =	vsel vm13, $0x600, v53;
	v5 =	vsel vm14, $0x801, v5;
	v53 =	vsel vm12, $0x403, v34  }
0x62: {  	v9 =	vsel vm12, $0x483, v9;
	v23 =	vsel vm15, $0x482, v0;
	v0 =	vsel vm13, $0xB80, v57  }
0x63: {  	v55 =	vsel vm14, $0x681, v1;
	v57 =	vimm.s32 $0x607;
	v1 =	vsel vm13, $0xE80, v58  }
0x64: {  	v5 =	vsel vm15, $0x882, v5;
	[tilespmem:$0x1FC20] =	vst v40;
	v40 =	vcombine.low v47, v40;
	v2 =	vsel vm12, $0xC03, v2  }
0x65: {  	v9 =	vsel vm11, $0x504, v9;
	v0 =	vsel vm14, $0xC01, v0;
	v8 =	vsel vm15, $0x702, v55  }
0x66: {  	v1 =	vsel vm14, $0xF01, v1;
	[tilespmem:$0x1FC00] =	vst v36;
	v36 =	vcombine.low v37, v36;
	v2 =	vsel vm11, $0xC84, v2  }
0x67: {  	v9 =	vsel vm10, $0x585, v9;
	v55 =	vsel vm12, $0x503, v23;
	v23 =	vsel vm12, $0x583, v29  }
0x68: {  	v28 =	vsel vm15, $0xC82, v0;
	v0 =	vcombine.low v59, v3;
	v3 =	vsel vm13, $0xC80, v63  }
0x69: {  	v59 =	vimm.s32 $0x687;
	v1 =	vsel vm15, $0xF82, v1;
	v63 =	vimm.s32 $0x17161514  }
0x6a: {  	[tilespmem:$0x1FC30] =	vst v47;
	v47 =	vand.u32 $0xF, v40;
	v2 =	vsel vm10, $0xD05, v2;
	v9 =	vsel vm9, $0x606, v9  }
0x6b: {  	v23 =	vsel vm11, $0x604, v23;
	v7 =	vsel vm14, $0xD01, v3;
	v3 =	vsel vm13, $0x580, v39  }
0x6c: {  	[tilespmem:$0x1FC10] =	vst v37;
	v39 =	vimm.s32 $0x1B1A1918;
	v37 =	vunpack.c.0.s8.s32 v63;
	v36 =	vand.u32 $0xF, v36  }
0x6d: {  	v2 =	vsel vm9, $0xD86, v2;
	v9 =	vsel vm8, $0x687, v9;
	v23 =	vsel vm10, $0x685, v23  }
0x6e: {  	v1 =	vsel vm12, $0x803, v1;
	[tilespmem:$0x1FBF0] =	vst v0;
	v0 =	vsel vm13, $0xC00, v61;
	v22 =	vsel vm15, $0xD82, v7  }
0x6f: {  	v51 =	vsel vm14, $0x601, v3;
	v3 =	vsel vm13, $0xE00, v54;
	v61 =	vimm.s32 $0x707  }
0x70: {  	v39 =	vunpack.c.0.s8.s32 v39;
	v54 =	vsel vm12, $0xC83, v35;
	v2 =	vsel vm8, $0xE07, v2  }
0x71: {  	v9 =	vsel vm7, $0x700, v9;
	v23 =	vsel vm9, $0x706, v23;
	v1 =	vsel vm11, $0x884, v1  }
0x72: {  	v0 =	vsel vm14, $0xC81, v0;
	v14 =	vsel vm15, $0x682, v51;
	v56 =	vsel vm14, $0xE81, v3  }
0x73: {  	v3 =	vsel vm13, $0x700, v59;
	v4 =	vsel vm13, $0x780, v61;
	v51 =	vsel vm12, $0x383, v32  }
0x74: {  	v32 =	vsel vm11, $0x484, v53;
	v2 =	vsel vm7, $0xE80, v2;
	v9 =	vsel vm6, $0x781, v9  }
0x75: {  	v23 =	vsel vm8, $0x787, v23;
	v59 =	vsel vm12, $0x783, v8;
	v1 =	vsel vm10, $0x905, v1  }
0x76: {  	v53 =	vcombine.low v17, v12;
	v15 =	vsel vm15, $0xD02, v0;
	v0 =	vsel vm13, $0x500, v13  }
0x77: {  	v13 =	vsel vm15, $0xE02, v50;
	v10 =	vsel vm15, $0xF02, v56;
	v3 =	vsel vm14, $0x781, v3  }
0x78: {  	[tilespmem:$0x1FC60] =	vst v30;
	v4 =	vsel vm14, $0x1, v4;
	v50 =	vunpack.c.0.s8.s32 v31;
	v30 =	vsel vm11, $0x404, v51  }
0x79: {  	v32 =	vsel vm10, $0x505, v32;
	v2 =	vsel vm6, $0xF01, v2;
	v9 =	vsel vm5, $0x2, v9  }
0x7a: {  	v23 =	vsel vm7, $0x0, v23;
	v1 =	vsel vm9, $0x986, v1;
	v0 =	vsel vm14, $0x581, v0  }
0x7b: {  	v6 =	vsel vm15, $0x2, v3;
	v3 =	vsel vm13, $0xF00, v60;
	v4 =	vsel vm15, $0x82, v4  }
0x7c: {  	v30 =	vsel vm10, $0x485, v30;
	v32 =	vsel vm9, $0x586, v32;
	v2 =	vsel vm5, $0xF82, v2  }
0x7d: {  	v9 =	vsel vm4, $0x83, v9;
	v23 =	vsel vm6, $0x81, v23;
	v56 =	vsel vm12, $0xD83, v15  }
0x7e: {  	v15 =	vsel vm12, $0xE03, v22;
	v8 =	vsel vm12, $0xF83, v10;
	v1 =	vsel vm8, $0xA07, v1  }
0x7f: {  	v11 =	vsel vm15, $0x602, v0;
	v0 =	vsel vm13, $0xD80, v52;
	v3 =	vsel vm14, $0xF81, v3  }
0x80: {  	v52 =	vsel vm12, $0xB83, v33;
	v30 =	vsel vm9, $0x506, v30;
	v32 =	vsel vm8, $0x607, v32  }
0x81: {  	v2 =	vsel vm4, $0x803, v2;
	v9 =	vsel vm3, $0x104, v9;
	v23 =	vsel vm5, $0x102, v23  }
0x82: {  	v15 =	vsel vm11, $0xE84, v15;
	v8 =	vsel vm11, $0x804, v8;
	v60 =	vsel vm12, $0x83, v6  }
0x83: {  	v1 =	vsel vm7, $0xA80, v1;
	v62 =	vsel vm12, $0x103, v4;
	v0 =	vsel vm14, $0xE01, v0  }
0x84: {  	v3 =	vsel vm15, $0x802, v3;
	v31 =	vsel vm11, $0xC04, v52;
	v30 =	vsel vm8, $0x587, v30  }
0x85: {  	v32 =	vsel vm7, $0x680, v32;
	v2 =	vsel vm3, $0x884, v2;
	v9 =	vsel vm2, $0x185, v9  }
0x86: {  	v23 =	vsel vm4, $0x183, v23;
	v15 =	vsel vm10, $0xF05, v15;
	v8 =	vsel vm10, $0x885, v8  }
0x87: {  	v1 =	vsel vm6, $0xB01, v1;
	v7 =	vsel vm15, $0xE82, v0;
	v0 =	vsel vm13, $0x680, v57  }
0x88: {  	v31 =	vsel vm10, $0xC85, v31;
	v30 =	vsel vm7, $0x600, v30;
	v32 =	vsel vm6, $0x701, v32  }
0x89: {  	v2 =	vsel vm2, $0x905, v2;
	v23 =	vsel vm3, $0x204, v23;
	v15 =	vsel vm9, $0xF86, v15  }
0x8a: {  	v57 =	vsel vm12, $0x683, v11;
	v11 =	vsel vm12, $0x703, v14;
	v8 =	vsel vm9, $0x906, v8  }
0x8b: {  	v1 =	vsel vm5, $0xB82, v1;
	v61 =	vsel vm12, $0x883, v3;
	v3 =	vsel vm11, $0x184, v62  }
0x8c: {  	v62 =	vcombine.low v49, v48;
	v0 =	vsel vm14, $0x701, v0;
	v31 =	vsel vm9, $0xD06, v31  }
0x8d: {  	v30 =	vsel vm6, $0x681, v30;
	v32 =	vsel vm5, $0x782, v32;
	v33 =	vsel vm1, $0x986, v2  }
0x8e: {  	v2 =	vsel vm11, $0x584, v55;
	v23 =	vsel vm2, $0x285, v23;
	v15 =	vsel vm8, $0x807, v15  }
0x8f: {  	v11 =	vsel vm11, $0x784, v11;
	v58 =	vsel vm12, $0xF03, v7;
	v7 =	vsel vm11, $0x4, v59  }
0x90: {  	v8 =	vsel vm8, $0x987, v8;
	v1 =	vsel vm4, $0xC03, v1;
	v3 =	vsel vm10, $0x205, v3  }
0x91: {  	v55 =	vsel vm0, v25, v21;
	v0 =	vsel vm15, $0x782, v0;
	v31 =	vsel vm8, $0xD87, v31  }
0x92: {  	v30 =	vsel vm5, $0x702, v30;
	v32 =	vsel vm4, $0x3, v32;
	v2 =	vsel vm10, $0x605, v2  }
0x93: {  	v23 =	vsel vm1, $0x306, v23;
	v15 =	vsel vm7, $0x880, v15;
	v11 =	vsel vm10, $0x5, v11  }
0x94: {  	v7 =	vsel vm10, $0x85, v7;
	v8 =	vsel vm7, $0xA00, v8;
	v1 =	vsel vm3, $0xC84, v1  }
0x95: {  	v3 =	vsel vm9, $0x286, v3;
	v31 =	vsel vm7, $0xE00, v31;
	v30 =	vsel vm4, $0x783, v30  }
0x96: {  	v32 =	vsel vm3, $0x84, v32;
	v2 =	vsel vm9, $0x686, v2;
	v15 =	vsel vm6, $0x901, v15  }
0x97: {  	v11 =	vsel vm9, $0x86, v11;
	v7 =	vsel vm9, $0x106, v7;
	v8 =	vsel vm6, $0xA81, v8  }
0x98: {  	v0 =	vsel vm12, $0x3, v0;
	v1 =	vsel vm2, $0xD05, v1;
	v3 =	vsel vm8, $0x307, v3  }
0x99: {  	v31 =	vsel vm6, $0xE81, v31;
	v30 =	vsel vm3, $0x4, v30;
	v32 =	vsel vm2, $0x105, v32  }
0x9a: {  	v2 =	vsel vm8, $0x707, v2;
	v15 =	vsel vm5, $0x982, v15;
	v11 =	vsel vm8, $0x107, v11  }
0x9b: {  	v7 =	vsel vm8, $0x187, v7;
	v8 =	vsel vm5, $0xB02, v8;
	v0 =	vsel vm11, $0x84, v0  }
0x9c: {  	v6 =	vsel vm1, $0xD86, v1;
	v3 =	vsel vm7, $0x380, v3;
	v31 =	vsel vm5, $0xF02, v31  }
0x9d: {  	v30 =	vsel vm2, $0x85, v30;
	v32 =	vsel vm1, $0x186, v32;
	v2 =	vsel vm7, $0x780, v2  }
0x9e: {  	v15 =	vsel vm4, $0xA03, v15;
	v11 =	vsel vm7, $0x180, v11;
	v7 =	vsel vm7, $0x200, v7  }
0x9f: {  	v8 =	vsel vm4, $0xB83, v8;
	v0 =	vsel vm10, $0x105, v0;
	v3 =	vsel vm6, $0x401, v3  }
0xa0: {  	s3 =	srdreg.scid;
	[tilespmem:$0x1FC50] =	vst v47;
	v31 =	vsel vm4, $0xF83, v31;
	v34 =	vsel vm1, $0x106, v30;
	v30 =	vsel vm11, $0xD04, v54  }
0xa1: {  	s1 =	rddreg [dreg:$0x0];
	s4 =	sand.u32 $0x1, s3;
	s3 =	simm.s32 $0x0;
	[tilespmem:$0x1FC40] =	vst v36;
	v2 =	vsel vm6, $0x1, v2;
	v15 =	vsel vm3, $0xA84, v15;
	v11 =	vsel vm6, $0x201, v11  }
0xa2: {  	[smem:$0x7FF] =	sst s3;
	[tilespmem:$0x1FC70] =	vst v50;
	v7 =	vsel vm6, $0x281, v7;
	v8 =	vsel vm3, $0xC04, v8;
	v31 =	vsel vm3, $0x804, v31  }
0xa3: {  	s2 =	rddreg [dreg:$0x1];
	_ =	strace $0x80000047;
	[tilespmem:$0x1FCB0] =	vst v12;
	v0 =	vsel vm9, $0x186, v0;
	v2 =	vsel vm5, $0x82, v2;
	v31 =	vsel vm2, $0x885, v31  }
0xa4: {  	[tilespmem:$0x1FCC0] =	vst v17;
	v3 =	vsel vm5, $0x482, v3;
	v2 =	vsel vm4, $0x103, v2;
	v36 =	vsel vm1, $0x906, v31  }
0xa5: {  	[tilespmem:$0x1FCD0] =	vst v53;
	v31 =	vsel vm1, $0x206, v9;
	v9 =	vsel vm12, $0xD03, v28;
	v2 =	vsel vm3, $0x184, v2  }
0xa6: {  	[tilespmem:$0x1FCE0] =	vst v18;
	v54 =	vcombine.low v19, v18;
	v9 =	vsel vm11, $0xD84, v9;
	v2 =	vsel vm2, $0x205, v2  }
0xa7: {  	[tilespmem:$0x1FCF0] =	vst v19;
	v9 =	vsel vm10, $0xE05, v9;
	v28 =	vsel vm1, $0x286, v2;
	v2 =	vsel vm11, $0xE04, v56  }
0xa8: {  	[tilespmem:$0x1FD10] =	vst v21;
	v30 =	vsel vm10, $0xD85, v30;
	v9 =	vsel vm9, $0xE86, v9;
	v2 =	vsel vm10, $0xE85, v2  }
0xa9: {  	[tilespmem:$0x1FD20] =	vst v25;
	v15 =	vsel vm2, $0xB05, v15;
	v9 =	vsel vm8, $0xF07, v9;
	v2 =	vsel vm9, $0xF06, v2  }
0xaa: {  	[tilespmem:$0x1FD30] =	vst v26;
	v11 =	vsel vm5, $0x282, v11;
	v9 =	vsel vm7, $0xF80, v9;
	v2 =	vsel vm8, $0xF87, v2  }
0xab: {  	[tilespmem:$0x1FD40] =	vst v27;
	v7 =	vsel vm5, $0x302, v7;
	v9 =	vsel vm6, $0x801, v9;
	v2 =	vsel vm7, $0x800, v2  }
0xac: {  	[tilespmem:$0x1FD50] =	vst v43;
	v8 =	vsel vm2, $0xC85, v8;
	v9 =	vsel vm5, $0x882, v9;
	v2 =	vsel vm6, $0x881, v2  }
0xad: {  	[tilespmem:$0x1FD60] =	vst v44;
	v0 =	vsel vm8, $0x207, v0;
	v9 =	vsel vm4, $0x903, v9;
	v2 =	vsel vm5, $0x902, v2  }
0xae: {  	[tilespmem:$0x1FD70] =	vst v37;
	v3 =	vsel vm4, $0x503, v3;
	v9 =	vsel vm3, $0x984, v9;
	v2 =	vsel vm4, $0x983, v2  }
0xaf: {  	[tilespmem:$0x1FD80] =	vst v39;
	v30 =	vsel vm9, $0xE06, v30;
	v9 =	vsel vm2, $0xA05, v9;
	v2 =	vsel vm3, $0xA04, v2  }
0xb0: {  	[tilespmem:$0x1FDE0] =	vst v45;
	v15 =	vsel vm1, $0xB86, v15;
	v29 =	vsel vm1, $0xA86, v9;
	v2 =	vsel vm2, $0xA85, v2  }
0xb1: {  	[tilespmem:$0x1FDF0] =	vst v46;
	v9 =	vsel vm12, $0x603, v16;
	v16 =	vsel vm1, $0xB06, v2;
	v2 =	vsel vm11, $0x704, v57  }
0xb2: {  	[tilespmem:$0x1FE10] =	vst v48;
	v11 =	vsel vm4, $0x303, v11;
	v7 =	vsel vm4, $0x383, v7;
	v2 =	vsel vm10, $0x785, v2  }
0xb3: {  	[tilespmem:$0x1FE20] =	vst v49;
	v8 =	vsel vm1, $0xD06, v8;
	v0 =	vsel vm7, $0x280, v0;
	v2 =	vsel vm9, $0x6, v2  }
0xb4: {  	[tilespmem:$0x1FEF0] =	vst v20;
	v3 =	vsel vm3, $0x584, v3;
	v30 =	vsel vm8, $0xE87, v30;
	v2 =	vsel vm8, $0x87, v2  }
0xb5: {  	[tilespmem:$0x1FF10] =	vst v24;
	v11 =	vsel vm3, $0x384, v11;
	v7 =	vsel vm3, $0x404, v7;
	v2 =	vsel vm7, $0x100, v2  }
0xb6: {  	[tilespmem:$0x1FFD0] =	vst v42;
	v0 =	vsel vm6, $0x301, v0;
	v47 =	vsel vm2, $0x605, v3;
	v2 =	vsel vm6, $0x181, v2  }
0xb7: {  	[tilespmem:$0x1FFE0] =	vst v38;
	v30 =	vsel vm7, $0xF00, v30;
	v11 =	vsel vm2, $0x405, v11;
	v2 =	vsel vm5, $0x202, v2  }
0xb8: {  	[tilespmem:$0x1FFF0] =	vst v41;
	v7 =	vsel vm2, $0x485, v7;
	v0 =	vsel vm5, $0x382, v0;
	v2 =	vsel vm4, $0x283, v2  }
0xb9: {  	[tilespmem:$0x1FD90] =	vst v55;
	v50 =	vsel vm1, $0x686, v47;
	v30 =	vsel vm6, $0xF81, v30;
	v2 =	vsel vm3, $0x304, v2  }
0xba: {  	[tilespmem:$0x1FE30] =	vst v62;
	v35 =	vsel vm1, $0x486, v11;
	v63 =	vsel vm1, $0x506, v7;
	v2 =	vsel vm2, $0x385, v2  }
0xbb: {  	[tilespmem:$0x1FFB0] =	vst v33;
	v0 =	vsel vm4, $0x403, v0;
	v14 =	vsel vm1, $0x406, v2;
	v2 =	vsel vm11, $0xF84, v58  }
0xbc: {  	[tilespmem:$0x1FEA0] =	vst v23;
	v56 =	vsel vm0, v27, v26;
	v9 =	vsel vm11, $0x684, v9;
	v2 =	vsel vm10, $0x805, v2  }
0xbd: {  	[tilespmem:$0x1FE90] =	vst v6;
	v30 =	vsel vm5, $0x802, v30;
	v9 =	vsel vm10, $0x705, v9;
	v2 =	vsel vm9, $0x886, v2  }
0xbe: {  	[tilespmem:$0x1FF50] =	vst v32;
	v0 =	vsel vm3, $0x484, v0;
	v9 =	vsel vm9, $0x786, v9;
	v2 =	vsel vm8, $0x907, v2  }
0xbf: {  	[tilespmem:$0x1FF80] =	vst v34;
	v25 =	vcombine.low v56, v55;
	v9 =	vsel vm8, $0x7, v9;
	v2 =	vsel vm7, $0x980, v2  }
0xc0: {  	[tilespmem:$0x1FD00] =	vst v54;
	v30 =	vsel vm4, $0x883, v30;
	v9 =	vsel vm7, $0x80, v9;
	v2 =	vsel vm6, $0xA01, v2  }
0xc1: {  	[tilespmem:$0x1FE60] =	vst v15;
	v0 =	vsel vm2, $0x505, v0;
	v9 =	vsel vm6, $0x101, v9;
	v2 =	vsel vm5, $0xA82, v2  }
0xc2: {  	[tilespmem:$0x1FF00] =	vst v8;
	v30 =	vsel vm3, $0x904, v30;
	v9 =	vsel vm5, $0x182, v9;
	v2 =	vsel vm4, $0xB03, v2  }
0xc3: {  	[tilespmem:$0x1FF40] =	vst v31;
	v30 =	vsel vm2, $0x985, v30;
	v9 =	vsel vm4, $0x203, v9;
	v2 =	vsel vm3, $0xB84, v2  }
0xc4: {  	[tilespmem:$0x1FFC0] =	vst v36;
	v30 =	vsel vm1, $0xA06, v30;
	v9 =	vsel vm3, $0x284, v9;
	v2 =	vsel vm2, $0xC05, v2  }
0xc5: {  	[tilespmem:$0x1FC90] =	vst v50;
	v9 =	vsel vm2, $0x305, v9;
	v10 =	vsel vm1, $0xC86, v2;
	v2 =	vsel vm11, $0x104, v60  }
0xc6: {  	[tilespmem:$0x1FDA0] =	vst v56;
	v57 =	vsel vm0, v44, v43;
	v22 =	vsel vm1, $0x386, v9;
	v2 =	vsel vm10, $0x185, v2  }
0xc7: {  	[tilespmem:$0x1FEB0] =	vst v35;
	v9 =	vsel vm12, $0xE83, v13;
	v13 =	vsel vm12, $0x903, v5;
	v2 =	vsel vm9, $0x206, v2  }
0xc8: {  	[tilespmem:$0x1FEE0] =	vst v28;
	v58 =	vsel vm0, v39, v37;
	v9 =	vsel vm11, $0xF04, v9;
	v2 =	vsel vm8, $0x287, v2  }
0xc9: {  	[tilespmem:$0x1FF20] =	vst v63;
	v4 =	vsel vm11, $0x984, v13;
	v59 =	vcombine.low v58, v57;
	v2 =	vsel vm7, $0x300, v2  }
0xca: {  	[tilespmem:$0x1FF30] =	vst v25;
	v9 =	vsel vm10, $0xF85, v9;
	v4 =	vsel vm10, $0xA05, v4;
	v2 =	vsel vm6, $0x381, v2  }
0xcb: {  	[tilespmem:$0x1FFA0] =	vst v30;
	v9 =	vsel vm9, $0x806, v9;
	v4 =	vsel vm9, $0xA86, v4;
	v2 =	vsel vm5, $0x402, v2  }
0xcc: {  	[tilespmem:$0x1FF90] =	vst v29;
	v9 =	vsel vm8, $0x887, v9;
	v4 =	vsel vm8, $0xB07, v4;
	v2 =	vsel vm4, $0x483, v2  }
0xcd: {  	[tilespmem:$0x1FDB0] =	vst v57;
	v9 =	vsel vm7, $0x900, v9;
	v4 =	vsel vm7, $0xB80, v4;
	v2 =	vsel vm3, $0x504, v2  }
0xce: {  	[tilespmem:$0x1FF70] =	vst v16;
	v9 =	vsel vm6, $0x981, v9;
	v4 =	vsel vm6, $0xC01, v4;
	v2 =	vsel vm2, $0x585, v2  }
0xcf: {  	[tilespmem:$0x1FDC0] =	vst v58;
	v9 =	vsel vm5, $0xA02, v9;
	v1 =	vsel vm1, $0x606, v2;
	v2 =	vsel vm11, $0x904, v61  }
0xd0: {  	s0 =	stileid.u32;
	s11 =	simm.s32 $0x5;
	s13 =	simm.s32 $0x6400;
	[tilespmem:$0x1FE70] =	vst v22;
	v4 =	vsel vm5, $0xC82, v4;
	v9 =	vsel vm4, $0xA83, v9;
	v2 =	vsel vm10, $0x985, v2  }
0xd1: {  	s12 =	simm.s32 $0x80;
	s14 =	simm.s32 $0x7400;
	s16 =	simm.s32 $0x8400;
	[tilespmem:$0x1FF60] =	vst v14;
	v4 =	vsel vm4, $0xD03, v4;
	v9 =	vsel vm3, $0xB04, v9;
	v2 =	vsel vm9, $0xA06, v2  }
0xd2: {  	s15 =	simm.s32 $0x1;
	s17 =	simm.s32 $0x8800;
	s18 =	simm.s32 $0x8C00;
	[tilespmem:$0x1FDD0] =	vst v59;
	v40 =	vsel vm3, $0xD84, v4;
	v9 =	vsel vm2, $0xB85, v9;
	v2 =	vsel vm8, $0xA87, v2  }
0xd3: {  	s19 =	simm.s32 $0x9000;
	s20 =	simm.s32 $0x2;
	s21 =	simm.s32 $0x9400;
	v60 =	vsel vm1, $0x586, v0;
	v0 =	vsel vm2, $0xE05, v40;
	[tilespmem:$0x1FE40] =	vst v10;
	v2 =	vsel vm7, $0xB00, v2  }
0xd4: {  	s22 =	simm.s32 $0x9800;
	s23 =	simm.s32 $0x9C00;
	s5 =	sshll.u32 s0, $0x1;
	v9 =	vsel vm1, $0xC06, v9;
	v51 =	vsel vm1, $0xE86, v0;
	[tilespmem:$0x1FEC0] =	vst v60;
	v2 =	vsel vm6, $0xB81, v2  }
0xd5: {  	s24 =	simm.s32 $0xA000;
	s25 =	simm.s32 $0x3;
	s5 =	sor.u32 s4, s5;
	[tilespmem:$0x1FCA0] =	vst v51;
	v52 =	vmov v9;
	v9 =	vlaneseq.u32;
	v2 =	vsel vm5, $0xC02, v2  }
0xd6: {  	s26 =	simm.s32 $0x4;
	s28 =	simm.s32 $0x0;
	s6 =	smul.u32 $0xC80, s5;
	v17 =	vor.u32 $0x10, v9;
	[tilespmem:$0x1FE50] =	vst v52;
	v2 =	vsel vm4, $0xC83, v2  }
0xd7: {  	s8 =	sadd.s32 $0x8000, s2;
	s9 =	sadd.s32 $0xC000, s2;
	s7 =	ssub.s32 $0x2, s4;
	[tilespmem:$0x1FED0] =	vst v17;
	v61 =	vcombine.low v46, v45;
	v2 =	vsel vm3, $0xD04, v2  }
0xd8: {  	s4 =	sadd.s32 $0xF42A00, s1;
	s30 =	sshrl.u32 s7, $0x1;
	s6 =	sadd.s32 s6, s1;
	[tilespmem:$0x1FE80] =	vst v1;
	v2 =	vsel vm2, $0xD85, v2  }
0xd9: {  	s5 =	smul.u32 $0xC8, s5;
	s1 =	ssub.s32 s7, s30;
	s31 =	sadd.s32 $0x600, s6;
	[tilespmem:$0x1FE00] =	vst v61;
	v2 =	vsel vm1, $0xE06, v2  }
0xda: {  	s7 =	sadd.s32 $0x4000, s2;
	s10 =	smax.u32 s1, $0x1;
	[dreg:$0x3] =	wrdreg s31;
	[tilespmem:$0x1FC80] =	vst v2  }
.LBB2_1:
0xdb: {  	s0 =	rddreg [dreg:$0x3]  }
0xdc: {  	[tilespmem:s3], [sflag:$0x5] =	stream.linear.gather [hbm4b:s0+s3], $0x6400, $0x38;
	[tilespmem:$0xA400] =	vst v63  }
0xdd: {  	_ =	swait.ge [sflag:s11], $0x6400  }
0xde: {  	[sflag:s11] =	ssyncset.done $0x0  }
0xdf: {  	[sflag:s11] =	ssyncadd.s32 $0xFFFF9C00  }
0xe0: {  	[tilespmem:s13], [sflag:$0x1] =	stream.indirect.gather [hbm4b:s4+s12], $0x20, s3, s12, $0xb8;
	[tilespmem:$0xA400] =	vst v63  }
0xe1: {  	s29 =	simm.s32 $0x0  }
0xe2: {  	[tilespmem:s14], [sflag:$0x2] =	stream.indirect.gather [hbm4b:s4+s12], $0x20, s12, s12, $0xb8;
	[tilespmem:$0xA400] =	vst v63  }
.LBB2_2:
0xe3: {  	_ =	swait.ge [sflag:s15], $0x1000  }
0xe4: {  	p0 =	seq.s32 s29, $0x0;
	[sflag:s15] =	ssyncset.done $0x0  }
0xe5: {  	s1 =	simm.s32 @!p0 $0x3;
	[sflag:s15] =	ssyncadd.s32 $0xFFFFF000  }
0xe6: {  	_ =	swait.ge @!p0 [sflag:s1], $0x400  }
0xe7: {  	[sflag:s1] =	ssyncset.done @!p0 $0x0  }
0xe8: {  	[sflag:s1] =	ssyncadd.s32 @!p0 $0xFFFFFC00  }
0xe9: {  	_ =	swait.ge @!p0 [sflag:s1], $0x400  }
0xea: {  	[sflag:s1] =	ssyncset.done @!p0 $0x0  }
0xeb: {  	[sflag:s1] =	ssyncadd.s32 @!p0 $0xFFFFFC00  }
0xec: {  	_ =	swait.ge @!p0 [sflag:s1], $0x400  }
0xed: {  	[sflag:s1] =	ssyncset.done @!p0 $0x0  }
0xee: {  	[sflag:s1] =	ssyncadd.s32 @!p0 $0xFFFFFC00  }
0xef: {  	_ =	swait.ge @!p0 [sflag:s1], $0x400  }
0xf0: {  	[sflag:s1] =	ssyncset.done @!p0 $0x0  }
0xf1: {  	s30 =	sshll.u32 s29, $0x1;
	s31 =	simm.s32 $0x0;
	[sflag:s1] =	ssyncadd.s32 @!p0 $0xFFFFFC00  }
.LBB2_3:
0xf2: {  	v3 =	vld [tilespmem:$0x1FCD0]  }
0xf3: {  	v16 =	vld [tilespmem:$0x1FD00]  }
0xf4: {  	v57 =	vld [tilespmem:$0x1FB80]  }
0xf5: {  	v62 =	vld [tilespmem:$0x1FB90]  }
0xf6: {  	v54 =	vld [tilespmem:$0x1FBC0]  }
0xf7: {  	v53 =	vld [tilespmem:$0x1FBD0]  }
0xf8: {  	v55 =	vld [tilespmem:$0x1FBE0]  }
0xf9: {  	v22 =	vld [tilespmem:$0x1FDD0]  }
0xfa: {  	v58 =	vld [tilespmem:$0x1FC40]  }
0xfb: {  	v4 =	vld [tilespmem:$0x1FE00]  }
0xfc: {  	v27 =	vld [tilespmem:$0x1FC60]  }
0xfd: {  	v63 =	vld [tilespmem:$0x1FC70]  }
0xfe: {  	v1 =	vld [tilespmem:$0x1FC50]  }
0xff: {  	v12 =	vld [tilespmem:$0x1FD30]  }
0x100: {  	v39 =	vld [tilespmem:$0x1FD40]  }
0x101: {  	v28 =	vld [tilespmem:$0x1FE30]  }
0x102: {  	v56 =	vld [tilespmem:$0x1FF80]  }
0x103: {  	v60 =	vld [tilespmem:$0x1FFC0]  }
0x104: {  	v59 =	vld [tilespmem:$0x1FFB0]  }
0x105: {  	v50 =	vld [tilespmem:$0x1FFA0]  }
0x106: {  	v2 =	vor.u32 s31, v9;
	v48 =	vld [tilespmem:$0x1FEE0]  }
0x107: {  	v0 =	vlaneseq.u32;
	v49 =	vld [tilespmem:$0x1FD60];
	v9 =	vshll.u32 v2, $0x5  }
0x108: {  	v14 =	vld [tilespmem:$0x1FD70];
	v8 =	vor.u32 v0, v9  }
0x109: {  	v5 =	vld [tilespmem:$0x1FD50]  }
0x10a: {  	v0 =	vld [tilespmem:$0x1FB60];
	v10 =	vor.u32 v17, v9  }
0x10b: {  	v2 =	vand.u32 $0x68, v2;
	v6 =	vmov v42;
	v11 =	vor.u32 v42, v9;
	v42 =	vld [tilespmem:$0x1FB70]  }
0x10c: {  	v29 =	vor.u32 v20, v9;
	v33 =	vor.u32 v38, v2;
	v38 =	vld [tilespmem:$0x1FD10];
	v7 =	vcombine.low v63, v27  }
0x10d: {  	v31 =	vor.u32 v24, v9;
	v8 =	vld.idx.msk [tilespmem:v8+s13+$0x0], $0xffff  }
0x10e: {  	v13 =	vor.u32 v3, v9;
	v51 =	vand.u32 $0xF, v7;
	v7 =	vld [tilespmem:$0x1FD80]  }
0x10f: {  	v32 =	vor.u32 v25, v9;
	v10 =	vld.idx.msk [tilespmem:v10+s13+$0x0], $0xffff  }
0x110: {  	v30 =	vor.u32 v16, v9;
	v11 =	vld.idx.msk [tilespmem:v11+s13+$0x0], $0xffff  }
0x111: {  	v34 =	vor.u32 v41, v2;
	v29 =	vld.idx.msk [tilespmem:v29+s13+$0x0], $0xffff  }
0x112: {  	v35 =	vor.u32 v0, v2;
	v31 =	vld.idx.msk [tilespmem:v31+s13+$0x0], $0xffff  }
0x113: {  	v36 =	vor.u32 v42, v2;
	v13 =	vld.idx.msk [tilespmem:v13+s13+$0x0], $0xffff  }
0x114: {  	v37 =	vor.u32 v57, v2;
	v32 =	vld.idx.msk [tilespmem:v32+s13+$0x0], $0xffff  }
0x115: {  	v30 =	vld.idx.msk [tilespmem:v30+s13+$0x0], $0xffff;
	[tilespmem:v33+s16+$0x0] =	vst.idx.msk $0xffff, v8  }
0x116: {  	v61 =	vsel vm0, v14, v49;
	v49 =	vld [tilespmem:$0x1FCC0];
	[tilespmem:v34+s16+$0x0] =	vst.idx.msk $0xffff, v10  }
0x117: {  	v8 =	vor.u32 v62, v2;
	v33 =	vld [tilespmem:$0x1FB50];
	[tilespmem:v35+s16+$0x0] =	vst.idx.msk $0xffff, v11  }
0x118: {  	v10 =	vor.u32 v54, v2;
	v35 =	vld [tilespmem:$0x1FF40];
	[tilespmem:v36+s16+$0x0] =	vst.idx.msk $0xffff, v13  }
0x119: {  	v11 =	vor.u32 v53, v2;
	[tilespmem:v37+s16+$0x0] =	vst.idx.msk $0xffff, v29;
	v37 =	vld [tilespmem:$0x1FD20]  }
0x11a: {  	v52 =	vor.u32 v55, v9;
	v29 =	vsel vm0, v5, v7;
	v5 =	vld [tilespmem:$0x1FB30]  }
0x11b: {  	v36 =	vor.u32 v1, v9;
	v7 =	vld [tilespmem:$0x1FCE0]  }
0x11c: {  	v40 =	vor.u32 v28, v9;
	v41 =	vor.u32 v51, v9;
	[tilespmem:v8+s16+$0x0] =	vst.idx.msk $0xffff, v30;
	v30 =	vld [tilespmem:$0x1FF50]  }
0x11d: {  	v34 =	vor.u32 v48, v2;
	v48 =	vcombine.low v29, v61;
	v29 =	vld [tilespmem:$0x1FBF0];
	[tilespmem:v10+s16+$0x0] =	vst.idx.msk $0xffff, v31  }
0x11e: {  	v61 =	vld [tilespmem:$0x1FB20];
	[tilespmem:v11+s16+$0x0] =	vst.idx.msk $0xffff, v32  }
0x11f: {  	v13 =	vld.idx.msk [tilespmem:v52+s13+$0x0], $0xffff  }
0x120: {  	v8 =	vor.u32 v22, v9;
	v36 =	vld.idx.msk [tilespmem:v36+s13+$0x0], $0xffff;
	v44 =	vsel vm0, v12, v37;
	v12 =	vsel vm0, v38, v39  }
0x121: {  	v10 =	vor.u32 v58, v9;
	v37 =	vld.idx.msk [tilespmem:v40+s13+$0x0], $0xffff;
	v52 =	vcombine.low v12, v44  }
0x122: {  	v11 =	vor.u32 v4, v9;
	v39 =	vld.idx.msk [tilespmem:v41+s13+$0x0], $0xffff  }
0x123: {  	v38 =	vld [tilespmem:$0x1FB00];
	v43 =	vor.u32 v52, v9  }
0x124: {  	v45 =	vor.u32 v56, v2;
	v41 =	vld [tilespmem:$0x1FB10]  }
0x125: {  	v8 =	vld.idx.msk [tilespmem:v8+s13+$0x0], $0xffff  }
0x126: {  	v46 =	vor.u32 v60, v2;
	v10 =	vld.idx.msk [tilespmem:v10+s13+$0x0], $0xffff  }
0x127: {  	v47 =	vor.u32 v30, v2;
	v11 =	vld.idx.msk [tilespmem:v11+s13+$0x0], $0xffff  }
0x128: {  	v40 =	vld.idx.msk [tilespmem:v43+s13+$0x0], $0xffff  }
0x129: {  	[tilespmem:v45+s16+$0x0] =	vst.idx.msk $0xffff, v13;
	v13 =	vor.u32 v59, v2;
	v45 =	vld [tilespmem:$0x1FF90]  }
0x12a: {  	v31 =	vld [tilespmem:$0x1FCF0]  }
0x12b: {  	v32 =	vld [tilespmem:$0x1FB40];
	[tilespmem:v46+s16+$0x0] =	vst.idx.msk $0xffff, v8;
	v8 =	vor.u32 v35, v2  }
0x12c: {  	[tilespmem:v47+s16+$0x0] =	vst.idx.msk $0xffff, v10;
	v10 =	vor.u32 v50, v2;
	v47 =	vld [tilespmem:$0x1FCB0]  }
0x12d: {  	v46 =	vcombine.low v38, v41  }
0x12e: {  	v43 =	vor.u32 v45, v2;
	[tilespmem:v13+s16+$0x0] =	vst.idx.msk $0xffff, v11;
	v13 =	vcombine.low v61, v5  }
0x12f: {  	v14 =	vand.u32 $0xF, v46;
	v61 =	vld [tilespmem:$0x1FDA0]  }
0x130: {  	v11 =	vor.u32 v29, v9;
	[tilespmem:v8+s16+$0x0] =	vst.idx.msk $0xffff, v36;
	v46 =	vand.u32 $0xF, v13;
	v13 =	vcombine.low v32, v33;
	v33 =	vld [tilespmem:$0x1FEA0]  }
0x131: {  	v49 =	vcombine.low v47, v49;
	[tilespmem:v10+s16+$0x0] =	vst.idx.msk $0xffff, v37;
	v47 =	vcombine.low v7, v31;
	v31 =	vld [tilespmem:$0x1FF70]  }
0x132: {  	v8 =	vor.u32 v48, v9;
	v37 =	vld [tilespmem:$0x1FE70];
	[tilespmem:v34+s16+$0x0] =	vst.idx.msk $0xffff, v39  }
0x133: {  	v10 =	vor.u32 v14, v9;
	[tilespmem:v43+s16+$0x0] =	vst.idx.msk $0xffff, v40;
	v43 =	vld [tilespmem:$0x1FD90]  }
0x134: {  	v32 =	vld [tilespmem:$0x1FBA0]  }
0x135: {  	v34 =	vor.u32 v46, v9;
	v39 =	vld [tilespmem:$0x1FDE0]  }
0x136: {  	v17 =	vor.u32 v49, v9;
	v11 =	vld.idx.msk [tilespmem:v11+s13+$0x0], $0xffff  }
0x137: {  	v23 =	vand.u32 $0xF, v13;
	v40 =	vor.u32 v47, v9;
	v8 =	vld.idx.msk [tilespmem:v8+s13+$0x0], $0xffff  }
0x138: {  	v5 =	vor.u32 v23, v9;
	v10 =	vld.idx.msk [tilespmem:v10+s13+$0x0], $0xffff;
	v36 =	vcombine.low v43, v61  }
0x139: {  	v18 =	vor.u32 v33, v2;
	v33 =	vld [tilespmem:$0x1FE40]  }
0x13a: {  	v19 =	vld.idx.msk [tilespmem:v34+s13+$0x0], $0xffff;
	v7 =	vor.u32 v36, v9  }
0x13b: {  	v34 =	vor.u32 v31, v2;
	v17 =	vld.idx.msk [tilespmem:v17+s13+$0x0], $0xffff  }
0x13c: {  	v38 =	vor.u32 v37, v2;
	v20 =	vld.idx.msk [tilespmem:v40+s13+$0x0], $0xffff  }
0x13d: {  	v13 =	vld.idx.msk [tilespmem:v5+s13+$0x0], $0xffff  }
0x13e: {  	v61 =	vld [tilespmem:$0x1FE60]  }
0x13f: {  	v43 =	vld.idx.msk [tilespmem:v7+s13+$0x0], $0xffff;
	[tilespmem:v18+s16+$0x0] =	vst.idx.msk $0xffff, v11  }
0x140: {  	v5 =	vld [tilespmem:$0x1FF60];
	[tilespmem:v34+s16+$0x0] =	vst.idx.msk $0xffff, v8  }
0x141: {  	[tilespmem:v38+s16+$0x0] =	vst.idx.msk $0xffff, v10;
	v38 =	vld [tilespmem:$0x1FC00]  }
0x142: {  	v10 =	vld [tilespmem:$0x1FC10]  }
0x143: {  	v18 =	vld [tilespmem:$0x1FBB0]  }
0x144: {  	v40 =	vld [tilespmem:$0x1FC20]  }
0x145: {  	v7 =	vld [tilespmem:$0x1FE50]  }
0x146: {  	v21 =	vor.u32 v61, v2;
	v61 =	vld [tilespmem:$0x1FEB0]  }
0x147: {  	v34 =	vld [tilespmem:$0x1FDB0];
	v10 =	vcombine.low v38, v10  }
0x148: {  	v8 =	vld [tilespmem:$0x1FDC0];
	v18 =	vcombine.low v32, v18  }
0x149: {  	v24 =	vor.u32 v5, v2;
	v32 =	vand.u32 $0xF, v10;
	v10 =	vld [tilespmem:$0x1FC30]  }
0x14a: {  	v11 =	vor.u32 v7, v2;
	v37 =	vand.u32 $0xF, v18;
	v18 =	vld [tilespmem:$0x1FDF0]  }
0x14b: {  	v25 =	vor.u32 v61, v2  }
0x14c: {  	v1 =	vld [tilespmem:$0x1FE80];
	v26 =	vor.u32 v33, v2  }
0x14d: {  	v41 =	vld [tilespmem:$0x1FE10];
	[tilespmem:v21+s16+$0x0] =	vst.idx.msk $0xffff, v17;
	v8 =	vcombine.low v34, v8;
	v17 =	vor.u32 v37, v9  }
0x14e: {  	[tilespmem:v24+s16+$0x0] =	vst.idx.msk $0xffff, v19;
	v19 =	vcombine.low v40, v10;
	v10 =	vld [tilespmem:$0x1FE20]  }
0x14f: {  	v7 =	vld [tilespmem:$0x1FEC0];
	[tilespmem:v11+s16+$0x0] =	vst.idx.msk $0xffff, v20;
	v39 =	vcombine.low v39, v18;
	v18 =	vor.u32 v8, v9  }
0x150: {  	v20 =	vor.u32 v32, v9;
	v11 =	vld [tilespmem:$0x1FF00];
	[tilespmem:v25+s16+$0x0] =	vst.idx.msk $0xffff, v13  }
0x151: {  	v13 =	vld [tilespmem:$0x1FF20];
	[tilespmem:v26+s16+$0x0] =	vst.idx.msk $0xffff, v43;
	v21 =	vor.u32 v39, v9;
	v33 =	vand.u32 $0xF, v19;
	v19 =	vcombine.low v27, v63  }
0x152: {  	v17 =	vld.idx.msk [tilespmem:v17+s13+$0x0], $0xffff  }
0x153: {  	v63 =	vld [tilespmem:$0x1FE90];
	v24 =	vor.u32 v33, v9;
	v43 =	vand.u32 $0xF, v19;
	v34 =	vcombine.low v41, v10  }
0x154: {  	v40 =	vcombine.low v44, v12;
	v44 =	vld.idx.msk [tilespmem:v18+s13+$0x0], $0xffff;
	v18 =	vor.u32 v43, v9  }
0x155: {  	v19 =	vld.idx.msk [tilespmem:v20+s13+$0x0], $0xffff;
	v25 =	vor.u32 v34, v9  }
0x156: {  	v20 =	vld.idx.msk [tilespmem:v21+s13+$0x0], $0xffff;
	v21 =	vor.u32 v13, v2;
	v9 =	vor.u32 v40, v9  }
0x157: {  	v5 =	vld [tilespmem:$0x1FC80];
	v26 =	vor.u32 v11, v2  }
0x158: {  	v27 =	vor.u32 v7, v2;
	v24 =	vld.idx.msk [tilespmem:v24+s13+$0x0], $0xffff  }
0x159: {  	v38 =	vor.u32 v63, v2;
	v18 =	vld.idx.msk [tilespmem:v18+s13+$0x0], $0xffff  }
0x15a: {  	v41 =	vor.u32 v1, v2;
	v25 =	vld.idx.msk [tilespmem:v25+s13+$0x0], $0xffff  }
0x15b: {  	v9 =	vld.idx.msk [tilespmem:v9+s13+$0x0], $0xffff;
	[tilespmem:v21+s16+$0x0] =	vst.idx.msk $0xffff, v17  }
0x15c: {  	v15 =	vld [tilespmem:$0x1FC90];
	[tilespmem:v26+s16+$0x0] =	vst.idx.msk $0xffff, v44  }
0x15d: {  	v10 =	vmov v3;
	v3 =	vld [tilespmem:$0x1FCA0];
	[tilespmem:v27+s16+$0x0] =	vst.idx.msk $0xffff, v19  }
0x15e: {  	[tilespmem:v38+s16+$0x0] =	vst.idx.msk $0xffff, v20  }
0x15f: {  	[tilespmem:v41+s16+$0x0] =	vst.idx.msk $0xffff, v24;
	v24 =	vld [tilespmem:$0x1FED0]  }
0x160: {  	s1 =	sadd.s32 $0x10, s31;
	v17 =	vor.u32 v5, v2;
	v21 =	vlaneseq.u32  }
0x161: {  	v44 =	vor.u32 v15, v2;
	v21 =	vor.u32 s1, v21  }
0x162: {  	v2 =	vor.u32 v3, v2;
	v19 =	vshll.u32 v21, $0x5;
	v20 =	vlaneseq.u32  }
0x163: {  	v20 =	vor.u32 v20, v19  }
0x164: {  	v24 =	vor.u32 v24, v19  }
0x165: {  	v38 =	vld [tilespmem:$0x1FEF0];
	[tilespmem:v17+s16+$0x0] =	vst.idx.msk $0xffff, v25  }
0x166: {  	v41 =	vld [tilespmem:$0x1FFE0];
	[tilespmem:v44+s16+$0x0] =	vst.idx.msk $0xffff, v18  }
0x167: {  	v25 =	vld [tilespmem:$0x1FF30];
	[tilespmem:v2+s16+$0x0] =	vst.idx.msk $0xffff, v9  }
0x168: {  	v9 =	vld.idx.msk [tilespmem:v20+s13+$0x0], $0xffff  }
0x169: {  	v20 =	vld.idx.msk [tilespmem:v24+s13+$0x0], $0xffff  }
0x16a: {  	v17 =	vor.u32 v6, v19;
	v24 =	vld [tilespmem:$0x1FF10]  }
0x16b: {  	v6 =	vor.u32 v10, v19;
	v44 =	vld [tilespmem:$0x1FFF0]  }
0x16c: {  	v18 =	vor.u32 v16, v19  }
0x16d: {  	v2 =	vor.u32 v38, v19  }
0x16e: {  	v21 =	vand.u32 $0x78, v21;
	v25 =	vor.u32 v25, v19  }
0x16f: {  	v26 =	vor.u32 v41, v21;
	v17 =	vld.idx.msk [tilespmem:v17+s13+$0x0], $0xffff;
	v24 =	vor.u32 v24, v19  }
0x170: {  	v12 =	vld.idx.msk [tilespmem:v6+s13+$0x0], $0xffff;
	v27 =	vor.u32 v44, v21  }
0x171: {  	v38 =	vor.u32 v0, v21;
	v18 =	vld.idx.msk [tilespmem:v18+s13+$0x0], $0xffff  }
0x172: {  	v0 =	vor.u32 v42, v21;
	v2 =	vld.idx.msk [tilespmem:v2+s13+$0x0], $0xffff  }
0x173: {  	v6 =	vor.u32 v57, v21;
	v25 =	vld.idx.msk [tilespmem:v25+s13+$0x0], $0xffff  }
0x174: {  	v24 =	vld.idx.msk [tilespmem:v24+s13+$0x0], $0xffff;
	[tilespmem:v26+s16+$0x0] =	vst.idx.msk $0xffff, v9;
	v9 =	vor.u32 v62, v21  }
0x175: {  	[tilespmem:v27+s16+$0x0] =	vst.idx.msk $0xffff, v20;
	v20 =	vor.u32 v54, v21  }
0x176: {  	[tilespmem:v38+s16+$0x0] =	vst.idx.msk $0xffff, v17;
	v17 =	vor.u32 v53, v21  }
0x177: {  	v57 =	vor.u32 v55, v19;
	[tilespmem:v0+s16+$0x0] =	vst.idx.msk $0xffff, v12  }
0x178: {  	v62 =	vor.u32 v22, v19;
	v0 =	vld [tilespmem:$0x1FC50];
	[tilespmem:v6+s16+$0x0] =	vst.idx.msk $0xffff, v2  }
0x179: {  	[tilespmem:v9+s16+$0x0] =	vst.idx.msk $0xffff, v18;
	v9 =	vor.u32 v58, v19  }
0x17a: {  	v18 =	vor.u32 v4, v19;
	[tilespmem:v20+s16+$0x0] =	vst.idx.msk $0xffff, v24  }
0x17b: {  	v20 =	vor.u32 v28, v19;
	v28 =	vor.u32 v35, v21;
	v35 =	vld [tilespmem:$0x1FEE0];
	[tilespmem:v17+s16+$0x0] =	vst.idx.msk $0xffff, v25  }
0x17c: {  	v24 =	vor.u32 v51, v19;
	v12 =	vld.idx.msk [tilespmem:v57+s13+$0x0], $0xffff  }
0x17d: {  	v17 =	vor.u32 v0, v19;
	v2 =	vld.idx.msk [tilespmem:v62+s13+$0x0], $0xffff  }
0x17e: {  	v26 =	vor.u32 v56, v21;
	v25 =	vor.u32 v52, v19;
	v9 =	vld.idx.msk [tilespmem:v9+s13+$0x0], $0xffff  }
0x17f: {  	v27 =	vor.u32 v60, v21;
	v18 =	vld.idx.msk [tilespmem:v18+s13+$0x0], $0xffff  }
0x180: {  	v4 =	vor.u32 v30, v21;
	v20 =	vld.idx.msk [tilespmem:v20+s13+$0x0], $0xffff  }
0x181: {  	[tilespmem:$0x1FA40] =	vst v48;
	v6 =	vor.u32 v59, v21;
	v24 =	vld.idx.msk [tilespmem:v24+s13+$0x0], $0xffff  }
0x182: {  	[tilespmem:$0x1FA80] =	vst v47;
	v17 =	vld.idx.msk [tilespmem:v17+s13+$0x0], $0xffff  }
0x183: {  	v30 =	vor.u32 v50, v21;
	v25 =	vld.idx.msk [tilespmem:v25+s13+$0x0], $0xffff;
	[tilespmem:v26+s16+$0x0] =	vst.idx.msk $0xffff, v12  }
0x184: {  	[tilespmem:v27+s16+$0x0] =	vst.idx.msk $0xffff, v2;
	v2 =	vor.u32 v35, v21  }
0x185: {  	v56 =	vld [tilespmem:$0x1FE50];
	[tilespmem:v4+s16+$0x0] =	vst.idx.msk $0xffff, v9;
	v9 =	vor.u32 v45, v21  }
0x186: {  	v54 =	vld [tilespmem:$0x1FF60];
	[tilespmem:v6+s16+$0x0] =	vst.idx.msk $0xffff, v18;
	v18 =	vor.u32 v29, v19  }
0x187: {  	v44 =	vor.u32 v14, v19;
	v50 =	vld [tilespmem:$0x1FE60];
	[tilespmem:v28+s16+$0x0] =	vst.idx.msk $0xffff, v17  }
0x188: {  	v45 =	vor.u32 v49, v19;
	[tilespmem:v30+s16+$0x0] =	vst.idx.msk $0xffff, v20;
	v20 =	vor.u32 v47, v19;
	v47 =	vld [tilespmem:$0x1FEA0]  }
0x189: {  	v57 =	vld [tilespmem:$0x1FE40];
	v17 =	vor.u32 v48, v19;
	[tilespmem:v2+s16+$0x0] =	vst.idx.msk $0xffff, v24  }
0x18a: {  	v48 =	vld [tilespmem:$0x1FE70];
	[tilespmem:v9+s16+$0x0] =	vst.idx.msk $0xffff, v25  }
0x18b: {  	v24 =	vor.u32 v23, v19;
	v18 =	vld.idx.msk [tilespmem:v18+s13+$0x0], $0xffff  }
0x18c: {  	v9 =	vor.u32 v46, v19;
	v12 =	vld.idx.msk [tilespmem:v44+s13+$0x0], $0xffff  }
0x18d: {  	v25 =	vor.u32 v36, v19;
	v2 =	vld.idx.msk [tilespmem:v45+s13+$0x0], $0xffff;
	v26 =	vor.u32 v47, v21  }
0x18e: {  	v27 =	vor.u32 v31, v21;
	v17 =	vld.idx.msk [tilespmem:v17+s13+$0x0], $0xffff  }
0x18f: {  	[tilespmem:$0x1FA60] =	vst v49;
	v49 =	vor.u32 v48, v21;
	v20 =	vld.idx.msk [tilespmem:v20+s13+$0x0], $0xffff  }
0x190: {  	[tilespmem:$0x1FA50] =	vst v14;
	v53 =	vor.u32 v50, v21;
	v24 =	vld.idx.msk [tilespmem:v24+s13+$0x0], $0xffff  }
0x191: {  	[tilespmem:$0x1FA70] =	vst v46;
	v55 =	vor.u32 v54, v21;
	v9 =	vld.idx.msk [tilespmem:v9+s13+$0x0], $0xffff  }
0x192: {  	v25 =	vld.idx.msk [tilespmem:v25+s13+$0x0], $0xffff;
	[tilespmem:v26+s16+$0x0] =	vst.idx.msk $0xffff, v18;
	v18 =	vor.u32 v56, v21  }
0x193: {  	[tilespmem:v27+s16+$0x0] =	vst.idx.msk $0xffff, v17;
	v17 =	vor.u32 v61, v21  }
0x194: {  	v58 =	vor.u32 v57, v21;
	[tilespmem:v49+s16+$0x0] =	vst.idx.msk $0xffff, v12  }
0x195: {  	v59 =	vor.u32 v37, v19;
	[tilespmem:v53+s16+$0x0] =	vst.idx.msk $0xffff, v2  }
0x196: {  	v60 =	vor.u32 v33, v19;
	[tilespmem:v55+s16+$0x0] =	vst.idx.msk $0xffff, v9  }
0x197: {  	v9 =	vor.u32 v8, v19;
	[tilespmem:v18+s16+$0x0] =	vst.idx.msk $0xffff, v20  }
0x198: {  	v18 =	vor.u32 v32, v19;
	[tilespmem:v17+s16+$0x0] =	vst.idx.msk $0xffff, v24  }
0x199: {  	v20 =	vor.u32 v34, v19;
	[tilespmem:v58+s16+$0x0] =	vst.idx.msk $0xffff, v25  }
0x19a: {  	[tilespmem:$0x1FA90] =	vst v23;
	v17 =	vor.u32 v39, v19;
	v2 =	vld.idx.msk [tilespmem:v59+s13+$0x0], $0xffff  }
0x19b: {  	[tilespmem:$0x1FAA0] =	vst v37;
	v24 =	vor.u32 v43, v19;
	v12 =	vld.idx.msk [tilespmem:v60+s13+$0x0], $0xffff  }
0x19c: {  	[tilespmem:$0x1FAB0] =	vst v8;
	v19 =	vor.u32 v40, v19;
	v25 =	vor.u32 v13, v21;
	v9 =	vld.idx.msk [tilespmem:v9+s13+$0x0], $0xffff  }
0x19d: {  	[tilespmem:$0x1FAC0] =	vst v32;
	v26 =	vor.u32 v11, v21;
	v18 =	vld.idx.msk [tilespmem:v18+s13+$0x0], $0xffff  }
0x19e: {  	[tilespmem:$0x1FAD0] =	vst v39;
	v27 =	vor.u32 v7, v21;
	v20 =	vld.idx.msk [tilespmem:v20+s13+$0x0], $0xffff  }
0x19f: {  	[tilespmem:$0x1FAE0] =	vst v33;
	v61 =	vor.u32 v63, v21;
	v17 =	vld.idx.msk [tilespmem:v17+s13+$0x0], $0xffff  }
0x1a0: {  	[tilespmem:$0x1FAF0] =	vst v34;
	v62 =	vor.u32 v1, v21;
	v24 =	vld.idx.msk [tilespmem:v24+s13+$0x0], $0xffff  }
0x1a1: {  	v63 =	vor.u32 v5, v21;
	v19 =	vld.idx.msk [tilespmem:v19+s13+$0x0], $0xffff;
	[tilespmem:v25+s16+$0x0] =	vst.idx.msk $0xffff, v2  }
0x1a2: {  	v42 =	vld [tilespmem:$0x1FFD0];
	[tilespmem:v26+s16+$0x0] =	vst.idx.msk $0xffff, v9;
	v9 =	vor.u32 v15, v21  }
0x1a3: {  	p1 =	sne.s32 s31, $0x60;
	v41 =	vld [tilespmem:$0x1FFF0];
	[tilespmem:v27+s16+$0x0] =	vst.idx.msk $0xffff, v18;
	v18 =	vor.u32 v3, v21  }
.Ltmp0:
0x1a4: {  	v38 =	vld [tilespmem:$0x1FFE0];
	[tilespmem:v61+s16+$0x0] =	vst.idx.msk $0xffff, v17;
	(pc) =	sbr.rel @p1 .LBB2_3-.Ltmp0, $4  }
0x1a5: {  	v25 =	vld [tilespmem:$0x1FF30];
	[tilespmem:v62+s16+$0x0] =	vst.idx.msk $0xffff, v12  }
0x1a6: {  	v17 =	vld [tilespmem:$0x1FED0];
	[tilespmem:v63+s16+$0x0] =	vst.idx.msk $0xffff, v20  }
0x1a7: {  	v20 =	vld [tilespmem:$0x1FEF0];
	[tilespmem:v9+s16+$0x0] =	vst.idx.msk $0xffff, v24  }
0x1a8: {  	s31 =	sadd.s32 $0x20, s31;
	v9 =	vlaneseq.u32;
	v24 =	vld [tilespmem:$0x1FF10];
	[tilespmem:v18+s16+$0x0] =	vst.idx.msk $0xffff, v19  }
0x1a9: {  	p1 =	seq.s32 s29, $0x63  }
0x1aa: {  	s1 =	sshll.u32 @!p1 s29, $0x8  }
0x1ab: {  	s31 =	sand.u32 @!p1 $0x3FFFFF00, s1  }
0x1ac: {  	s0 =	simm.s32 @!p1 $0x80;
	s6 =	simm.s32 @!p1 $0x6400;
	s1 =	sadd.s32 @!p1 $0x100, s31  }
0x1ad: {  	[tilespmem:s6], [sflag:$0x1] =	stream.indirect.gather @!p1 [hbm4b:s4+s0], $0x20, s1, s0, $0xb8;
	[tilespmem:$0xA400] =	vst v63  }
0x1ae: {  	s1 =	sadd.s32 s5, s30  }
0x1af: {  	s6 =	sshll.u32 s1, $0x9;
	s0 =	sshll.u32 s1, $0x7  }
0x1b0: {  	s1 =	sand.u32 $0xFFF0000, s6;
	s0 =	sand.u32 $0x3F00, s0  }
0x1b1: {  	s0 =	sor.u32 s0, s1  }
0x1b2: {  	s1 =	sadd.s32 s2, s0  }
0x1b3: {  	[hbm4b:s1+s3] =	stream.linear.scatter [tilespmem:s16], [sflag:$0x3], $0x400, $0x38;
	[tilespmem:$0xA400] =	vst v63  }
0x1b4: {  	s6 =	sadd.s32 s0, s7  }
0x1b5: {  	[hbm4b:s6+s3] =	stream.linear.scatter [tilespmem:s17], [sflag:$0x3], $0x400, $0x38;
	[tilespmem:$0xA400] =	vst v63  }
0x1b6: {  	s6 =	sadd.s32 s0, s8  }
0x1b7: {  	[hbm4b:s6+s3] =	stream.linear.scatter [tilespmem:s18], [sflag:$0x3], $0x400, $0x38;
	[tilespmem:$0xA400] =	vst v63  }
0x1b8: {  	s0 =	sadd.s32 s0, s9  }
0x1b9: {  	[hbm4b:s0+s3] =	stream.linear.scatter [tilespmem:s19], [sflag:$0x3], $0x400, $0x38;
	[tilespmem:$0xA400] =	vst v63  }
0x1ba: {  	_ =	swait.ge [sflag:s20], $0x1000  }
0x1bb: {  	[sflag:s20] =	ssyncset.done $0x0  }
0x1bc: {  	s0 =	simm.s32 @!p0 $0x4;
	[sflag:s20] =	ssyncadd.s32 $0xFFFFF000  }
0x1bd: {  	_ =	swait.ge @!p0 [sflag:s0], $0x400  }
0x1be: {  	[sflag:s0] =	ssyncset.done @!p0 $0x0  }
0x1bf: {  	[sflag:s0] =	ssyncadd.s32 @!p0 $0xFFFFFC00  }
0x1c0: {  	_ =	swait.ge @!p0 [sflag:s0], $0x400  }
0x1c1: {  	[sflag:s0] =	ssyncset.done @!p0 $0x0  }
0x1c2: {  	[sflag:s0] =	ssyncadd.s32 @!p0 $0xFFFFFC00  }
0x1c3: {  	_ =	swait.ge @!p0 [sflag:s0], $0x400  }
0x1c4: {  	[sflag:s0] =	ssyncset.done @!p0 $0x0  }
0x1c5: {  	[sflag:s0] =	ssyncadd.s32 @!p0 $0xFFFFFC00  }
0x1c6: {  	_ =	swait.ge @!p0 [sflag:s0], $0x400  }
0x1c7: {  	[tilespmem:$0x1FA10] =	vst v51  }
0x1c8: {  	[sflag:s0] =	ssyncset.done @!p0 $0x0;
	[tilespmem:$0x1FA20] =	vst v52  }
0x1c9: {  	s30 =	sor.u32 $0x1, s30;
	s1 =	simm.s32 $0x0;
	[tilespmem:$0x1FA30] =	vst v36;
	[sflag:s0] =	ssyncadd.s32 @!p0 $0xFFFFFC00  }
.LBB2_5:
0x1ca: {  	v17 =	vld [tilespmem:$0x1FED0]  }
0x1cb: {  	v16 =	vld [tilespmem:$0x1FCD0]  }
0x1cc: {  	v20 =	vld [tilespmem:$0x1FEF0]  }
0x1cd: {  	v28 =	vld [tilespmem:$0x1FD00]  }
0x1ce: {  	v11 =	vld [tilespmem:$0x1FF10]  }
0x1cf: {  	v35 =	vld [tilespmem:$0x1FB60]  }
0x1d0: {  	v31 =	vld [tilespmem:$0x1FB70]  }
0x1d1: {  	v6 =	vld [tilespmem:$0x1FB80]  }
0x1d2: {  	v44 =	vmov v43;
	v43 =	vld [tilespmem:$0x1FB90]  }
0x1d3: {  	v10 =	vld [tilespmem:$0x1FBC0]  }
0x1d4: {  	v7 =	vld [tilespmem:$0x1FBD0]  }
0x1d5: {  	v1 =	vld [tilespmem:$0x1FBE0]  }
0x1d6: {  	v22 =	vld [tilespmem:$0x1FDD0]  }
0x1d7: {  	v3 =	vld [tilespmem:$0x1FC40]  }
0x1d8: {  	v4 =	vld [tilespmem:$0x1FE00]  }
0x1d9: {  	v5 =	vld [tilespmem:$0x1FC50]  }
0x1da: {  	v8 =	vld [tilespmem:$0x1FE30]  }
0x1db: {  	v13 =	vld [tilespmem:$0x1FA20]  }
0x1dc: {  	v63 =	vld [tilespmem:$0x1FF80]  }
0x1dd: {  	v62 =	vld [tilespmem:$0x1FFC0]  }
0x1de: {  	v29 =	vld [tilespmem:$0x1FF50]  }
0x1df: {  	v23 =	vld [tilespmem:$0x1FFB0]  }
0x1e0: {  	v56 =	vld [tilespmem:$0x1FF40]  }
0x1e1: {  	v2 =	vor.u32 s1, v9;
	v50 =	vld [tilespmem:$0x1FFA0]  }
0x1e2: {  	v0 =	vlaneseq.u32;
	v60 =	vld [tilespmem:$0x1FEE0];
	v9 =	vshll.u32 v2, $0x5  }
0x1e3: {  	v51 =	vld [tilespmem:$0x1FF90];
	v12 =	vor.u32 v0, v9  }
0x1e4: {  	v14 =	vld [tilespmem:$0x1FBF0];
	v18 =	vor.u32 v42, v9  }
0x1e5: {  	v17 =	vor.u32 v17, v9;
	v24 =	vor.u32 v11, v9;
	v11 =	vld [tilespmem:$0x1FF30]  }
0x1e6: {  	v48 =	vld [tilespmem:$0x1FA40];
	v19 =	vor.u32 v16, v9  }
0x1e7: {  	v49 =	vld [tilespmem:$0x1FA60];
	v20 =	vor.u32 v20, v9  }
0x1e8: {  	v21 =	vor.u32 v28, v9;
	v12 =	vld.idx.msk [tilespmem:v12+s14+$0x0], $0xffff  }
0x1e9: {  	v2 =	vand.u32 $0x68, v2;
	v18 =	vld.idx.msk [tilespmem:v18+s14+$0x0], $0xffff  }
0x1ea: {  	v26 =	vor.u32 v38, v2;
	v17 =	vld.idx.msk [tilespmem:v17+s14+$0x0], $0xffff;
	v25 =	vor.u32 v11, v9  }
0x1eb: {  	v27 =	vor.u32 v41, v2;
	v19 =	vld.idx.msk [tilespmem:v19+s14+$0x0], $0xffff  }
0x1ec: {  	v34 =	vor.u32 v35, v2;
	v20 =	vld.idx.msk [tilespmem:v20+s14+$0x0], $0xffff  }
0x1ed: {  	v36 =	vor.u32 v31, v2;
	v21 =	vld.idx.msk [tilespmem:v21+s14+$0x0], $0xffff  }
0x1ee: {  	v37 =	vor.u32 v6, v2;
	v24 =	vld.idx.msk [tilespmem:v24+s14+$0x0], $0xffff  }
0x1ef: {  	v39 =	vor.u32 v43, v2;
	v25 =	vld.idx.msk [tilespmem:v25+s14+$0x0], $0xffff;
	[tilespmem:v26+s21+$0x0] =	vst.idx.msk $0xffff, v12  }
0x1f0: {  	v53 =	vld [tilespmem:$0x1FA80];
	[tilespmem:v27+s21+$0x0] =	vst.idx.msk $0xffff, v17;
	v17 =	vor.u32 v10, v2  }
0x1f1: {  	v54 =	vld [tilespmem:$0x1FA90];
	[tilespmem:v34+s21+$0x0] =	vst.idx.msk $0xffff, v18;
	v18 =	vor.u32 v7, v2  }
0x1f2: {  	v11 =	vld [tilespmem:$0x1FA10];
	[tilespmem:v36+s21+$0x0] =	vst.idx.msk $0xffff, v19;
	v19 =	vor.u32 v1, v9  }
0x1f3: {  	v55 =	vld [tilespmem:$0x1FA30];
	v42 =	vor.u32 v3, v9;
	[tilespmem:v37+s21+$0x0] =	vst.idx.msk $0xffff, v20  }
0x1f4: {  	v59 =	vld [tilespmem:$0x1FEA0];
	v20 =	vor.u32 v22, v9;
	[tilespmem:v39+s21+$0x0] =	vst.idx.msk $0xffff, v21  }
0x1f5: {  	v61 =	vld [tilespmem:$0x1FE50];
	v21 =	vor.u32 v8, v9;
	[tilespmem:v17+s21+$0x0] =	vst.idx.msk $0xffff, v24  }
0x1f6: {  	v32 =	vld [tilespmem:$0x1FAB0];
	v17 =	vor.u32 v4, v9;
	[tilespmem:v18+s21+$0x0] =	vst.idx.msk $0xffff, v25  }
0x1f7: {  	v24 =	vor.u32 v11, v9;
	v19 =	vld.idx.msk [tilespmem:v19+s14+$0x0], $0xffff  }
0x1f8: {  	v18 =	vor.u32 v5, v9;
	v12 =	vld.idx.msk [tilespmem:v42+s14+$0x0], $0xffff  }
0x1f9: {  	v26 =	vor.u32 v63, v2;
	v25 =	vor.u32 v13, v9;
	v20 =	vld.idx.msk [tilespmem:v20+s14+$0x0], $0xffff  }
0x1fa: {  	v27 =	vor.u32 v62, v2;
	v21 =	vld.idx.msk [tilespmem:v21+s14+$0x0], $0xffff  }
0x1fb: {  	v45 =	vor.u32 v29, v2;
	v17 =	vld.idx.msk [tilespmem:v17+s14+$0x0], $0xffff  }
0x1fc: {  	v46 =	vor.u32 v23, v2;
	v24 =	vld.idx.msk [tilespmem:v24+s14+$0x0], $0xffff  }
0x1fd: {  	v18 =	vld.idx.msk [tilespmem:v18+s14+$0x0], $0xffff  }
0x1fe: {  	v25 =	vld.idx.msk [tilespmem:v25+s14+$0x0], $0xffff;
	[tilespmem:v26+s21+$0x0] =	vst.idx.msk $0xffff, v19  }
0x1ff: {  	v33 =	vld [tilespmem:$0x1FAF0];
	[tilespmem:v27+s21+$0x0] =	vst.idx.msk $0xffff, v20  }
0x200: {  	v15 =	vld [tilespmem:$0x1FC90];
	[tilespmem:v45+s21+$0x0] =	vst.idx.msk $0xffff, v12  }
0x201: {  	v47 =	vor.u32 v56, v2;
	[tilespmem:v46+s21+$0x0] =	vst.idx.msk $0xffff, v17;
	v46 =	vld [tilespmem:$0x1FA70]  }
0x202: {  	v38 =	vld [tilespmem:$0x1FAD0]  }
0x203: {  	v41 =	vld [tilespmem:$0x1FEC0];
	v19 =	vor.u32 v50, v2  }
0x204: {  	v36 =	vld [tilespmem:$0x1FF70];
	v20 =	vor.u32 v60, v2  }
0x205: {  	v39 =	vld [tilespmem:$0x1FAA0];
	v12 =	vor.u32 v51, v2  }
0x206: {  	[tilespmem:v47+s21+$0x0] =	vst.idx.msk $0xffff, v18;
	v47 =	vld [tilespmem:$0x1FA50];
	v52 =	vor.u32 v46, v9  }
0x207: {  	v51 =	vld [tilespmem:$0x1FE70]  }
0x208: {  	v17 =	vor.u32 v14, v9;
	[tilespmem:v19+s21+$0x0] =	vst.idx.msk $0xffff, v21;
	v21 =	vor.u32 v53, v9;
	v53 =	vld [tilespmem:$0x1FE40]  }
0x209: {  	v18 =	vor.u32 v48, v9;
	[tilespmem:v20+s21+$0x0] =	vst.idx.msk $0xffff, v24;
	v24 =	vor.u32 v54, v9;
	v54 =	vld [tilespmem:$0x1FF60]  }
0x20a: {  	[tilespmem:v12+s21+$0x0] =	vst.idx.msk $0xffff, v25;
	v25 =	vor.u32 v55, v9;
	v55 =	vld [tilespmem:$0x1FEB0]  }
0x20b: {  	v19 =	vor.u32 v47, v9;
	v12 =	vld.idx.msk [tilespmem:v52+s14+$0x0], $0xffff  }
0x20c: {  	v20 =	vor.u32 v49, v9;
	v52 =	vld [tilespmem:$0x1FE60]  }
0x20d: {  	v17 =	vld.idx.msk [tilespmem:v17+s14+$0x0], $0xffff  }
0x20e: {  	v26 =	vor.u32 v59, v2;
	v18 =	vld.idx.msk [tilespmem:v18+s14+$0x0], $0xffff  }
0x20f: {  	v27 =	vor.u32 v36, v2;
	v21 =	vld.idx.msk [tilespmem:v21+s14+$0x0], $0xffff  }
0x210: {  	v57 =	vor.u32 v51, v2;
	v19 =	vld.idx.msk [tilespmem:v19+s14+$0x0], $0xffff  }
0x211: {  	v20 =	vld.idx.msk [tilespmem:v20+s14+$0x0], $0xffff;
	v58 =	vor.u32 v52, v2  }
0x212: {  	v24 =	vld.idx.msk [tilespmem:v24+s14+$0x0], $0xffff;
	v14 =	vor.u32 v54, v2  }
0x213: {  	v25 =	vld.idx.msk [tilespmem:v25+s14+$0x0], $0xffff;
	[tilespmem:v26+s21+$0x0] =	vst.idx.msk $0xffff, v17;
	v17 =	vor.u32 v61, v2  }
0x214: {  	v34 =	vld [tilespmem:$0x1FAC0];
	[tilespmem:v27+s21+$0x0] =	vst.idx.msk $0xffff, v18;
	v18 =	vor.u32 v55, v2  }
0x215: {  	v37 =	vld [tilespmem:$0x1FAE0];
	[tilespmem:v57+s21+$0x0] =	vst.idx.msk $0xffff, v19;
	v19 =	vor.u32 v53, v2  }
0x216: {  	v42 =	vld [tilespmem:$0x1FC80];
	[tilespmem:v58+s21+$0x0] =	vst.idx.msk $0xffff, v20;
	v20 =	vor.u32 v39, v9  }
0x217: {  	v30 =	vor.u32 v32, v9;
	v45 =	vld [tilespmem:$0x1FE90];
	[tilespmem:v14+s21+$0x0] =	vst.idx.msk $0xffff, v12  }
0x218: {  	v57 =	vld [tilespmem:$0x1FF00];
	[tilespmem:v17+s21+$0x0] =	vst.idx.msk $0xffff, v21  }
0x219: {  	v58 =	vld [tilespmem:$0x1FF20];
	v17 =	vor.u32 v34, v9;
	[tilespmem:v18+s21+$0x0] =	vst.idx.msk $0xffff, v24  }
0x21a: {  	v14 =	vld [tilespmem:$0x1FCA0];
	v21 =	vor.u32 v33, v9;
	[tilespmem:v19+s21+$0x0] =	vst.idx.msk $0xffff, v25  }
0x21b: {  	v18 =	vor.u32 v38, v9;
	v20 =	vld.idx.msk [tilespmem:v20+s14+$0x0], $0xffff  }
0x21c: {  	v24 =	vor.u32 v44, v9;
	v12 =	vld.idx.msk [tilespmem:v30+s14+$0x0], $0xffff  }
0x21d: {  	v19 =	vor.u32 v37, v9;
	v30 =	vld [tilespmem:$0x1FE80]  }
0x21e: {  	v9 =	vor.u32 v40, v9;
	v25 =	vor.u32 v58, v2;
	v17 =	vld.idx.msk [tilespmem:v17+s14+$0x0], $0xffff  }
0x21f: {  	v26 =	vor.u32 v57, v2;
	v21 =	vld.idx.msk [tilespmem:v21+s14+$0x0], $0xffff  }
0x220: {  	v27 =	vor.u32 v41, v2;
	v18 =	vld.idx.msk [tilespmem:v18+s14+$0x0], $0xffff  }
0x221: {  	v38 =	vor.u32 v45, v2;
	v24 =	vld.idx.msk [tilespmem:v24+s14+$0x0], $0xffff  }
0x222: {  	v19 =	vld.idx.msk [tilespmem:v19+s14+$0x0], $0xffff;
	v41 =	vor.u32 v30, v2  }
0x223: {  	v9 =	vld.idx.msk [tilespmem:v9+s14+$0x0], $0xffff;
	[tilespmem:v25+s21+$0x0] =	vst.idx.msk $0xffff, v20  }
0x224: {  	[tilespmem:v26+s21+$0x0] =	vst.idx.msk $0xffff, v12  }
0x225: {  	[tilespmem:v27+s21+$0x0] =	vst.idx.msk $0xffff, v17  }
0x226: {  	s0 =	sadd.s32 $0x10, s1;
	v20 =	vor.u32 v42, v2;
	v42 =	vld [tilespmem:$0x1FED0];
	[tilespmem:v38+s21+$0x0] =	vst.idx.msk $0xffff, v18  }
0x227: {  	v25 =	vor.u32 s0, v0;
	v12 =	vor.u32 v15, v2;
	[tilespmem:v41+s21+$0x0] =	vst.idx.msk $0xffff, v19;
	v41 =	vld [tilespmem:$0x1FEF0]  }
0x228: {  	v2 =	vor.u32 v14, v2;
	v17 =	vshll.u32 v25, $0x5;
	v38 =	vld [tilespmem:$0x1FFD0]  }
0x229: {  	v18 =	vor.u32 v0, v17;
	_ =	sdelay $0x1  }
0x22a: {  	[tilespmem:v20+s21+$0x0] =	vst.idx.msk $0xffff, v21  }
0x22b: {  	v19 =	vor.u32 v42, v17;
	[tilespmem:v12+s21+$0x0] =	vst.idx.msk $0xffff, v24;
	v42 =	vor.u32 v41, v17  }
0x22c: {  	v20 =	vor.u32 v38, v17;
	[tilespmem:v2+s21+$0x0] =	vst.idx.msk $0xffff, v9;
	v38 =	vld [tilespmem:$0x1FF30]  }
0x22d: {  	v9 =	vld.idx.msk [tilespmem:v18+s14+$0x0], $0xffff  }
0x22e: {  	v18 =	vor.u32 v28, v17;
	v28 =	vld [tilespmem:$0x1FF10]  }
0x22f: {  	v41 =	vld [tilespmem:$0x1FFE0]  }
0x230: {  	v2 =	vld.idx.msk [tilespmem:v42+s14+$0x0], $0xffff  }
0x231: {  	v12 =	vor.u32 v16, v17;
	v42 =	vld [tilespmem:$0x1FFF0];
	_ =	sdelay $0x2  }
0x232: {  	v25 =	vand.u32 $0x78, v25;
	v24 =	vor.u32 v38, v17  }
0x233: {  	v19 =	vld.idx.msk [tilespmem:v19+s14+$0x0], $0xffff;
	v21 =	vor.u32 v28, v17;
	v26 =	vor.u32 v41, v25  }
0x234: {  	v12 =	vld.idx.msk [tilespmem:v12+s14+$0x0], $0xffff;
	v27 =	vor.u32 v42, v25  }
0x235: {  	v20 =	vld.idx.msk [tilespmem:v20+s14+$0x0], $0xffff;
	v28 =	vor.u32 v35, v25  }
0x236: {  	v31 =	vor.u32 v31, v25;
	v18 =	vld.idx.msk [tilespmem:v18+s14+$0x0], $0xffff  }
0x237: {  	v35 =	vor.u32 v6, v25;
	v24 =	vld.idx.msk [tilespmem:v24+s14+$0x0], $0xffff  }
0x238: {  	v21 =	vld.idx.msk [tilespmem:v21+s14+$0x0], $0xffff;
	[tilespmem:v26+s21+$0x0] =	vst.idx.msk $0xffff, v9;
	v9 =	vor.u32 v43, v25  }
0x239: {  	[tilespmem:v27+s21+$0x0] =	vst.idx.msk $0xffff, v19;
	v19 =	vor.u32 v10, v25  }
0x23a: {  	[tilespmem:v28+s21+$0x0] =	vst.idx.msk $0xffff, v20;
	v20 =	vor.u32 v7, v25  }
0x23b: {  	v41 =	vor.u32 v1, v17;
	[tilespmem:v31+s21+$0x0] =	vst.idx.msk $0xffff, v12  }
0x23c: {  	v42 =	vor.u32 v22, v17;
	[tilespmem:v35+s21+$0x0] =	vst.idx.msk $0xffff, v2  }
0x23d: {  	[tilespmem:v9+s21+$0x0] =	vst.idx.msk $0xffff, v18;
	v9 =	vor.u32 v3, v17  }
0x23e: {  	v38 =	vld [tilespmem:$0x1FBF0];
	v18 =	vor.u32 v4, v17;
	[tilespmem:v19+s21+$0x0] =	vst.idx.msk $0xffff, v21  }
0x23f: {  	v35 =	vld [tilespmem:$0x1FF90];
	v19 =	vor.u32 v5, v17;
	[tilespmem:v20+s21+$0x0] =	vst.idx.msk $0xffff, v24  }
0x240: {  	v21 =	vor.u32 v11, v17;
	v12 =	vld.idx.msk [tilespmem:v41+s14+$0x0], $0xffff  }
0x241: {  	v20 =	vor.u32 v8, v17;
	v2 =	vld.idx.msk [tilespmem:v42+s14+$0x0], $0xffff  }
0x242: {  	v26 =	vor.u32 v63, v25;
	v24 =	vor.u32 v13, v17;
	v9 =	vld.idx.msk [tilespmem:v9+s14+$0x0], $0xffff  }
0x243: {  	v27 =	vor.u32 v62, v25;
	v18 =	vld.idx.msk [tilespmem:v18+s14+$0x0], $0xffff  }
0x244: {  	v6 =	vor.u32 v29, v25;
	v19 =	vld.idx.msk [tilespmem:v19+s14+$0x0], $0xffff  }
0x245: {  	v7 =	vor.u32 v23, v25;
	v21 =	vld.idx.msk [tilespmem:v21+s14+$0x0], $0xffff  }
0x246: {  	v28 =	vor.u32 v56, v25;
	v20 =	vld.idx.msk [tilespmem:v20+s14+$0x0], $0xffff  }
0x247: {  	v29 =	vor.u32 v50, v25;
	v24 =	vld.idx.msk [tilespmem:v24+s14+$0x0], $0xffff;
	[tilespmem:v26+s21+$0x0] =	vst.idx.msk $0xffff, v12  }
0x248: {  	v31 =	vor.u32 v60, v25;
	[tilespmem:v27+s21+$0x0] =	vst.idx.msk $0xffff, v2  }
0x249: {  	v41 =	vor.u32 v47, v17;
	v47 =	vld [tilespmem:$0x1FA80];
	[tilespmem:v6+s21+$0x0] =	vst.idx.msk $0xffff, v9;
	v9 =	vor.u32 v35, v25  }
0x24a: {  	[tilespmem:v7+s21+$0x0] =	vst.idx.msk $0xffff, v18;
	v18 =	vor.u32 v38, v17  }
0x24b: {  	v42 =	vor.u32 v49, v17;
	v49 =	vld [tilespmem:$0x1FA30];
	[tilespmem:v28+s21+$0x0] =	vst.idx.msk $0xffff, v19  }
0x24c: {  	v19 =	vor.u32 v48, v17;
	v48 =	vld [tilespmem:$0x1FA90];
	[tilespmem:v29+s21+$0x0] =	vst.idx.msk $0xffff, v20  }
0x24d: {  	[tilespmem:v31+s21+$0x0] =	vst.idx.msk $0xffff, v21  }
0x24e: {  	v20 =	vor.u32 v47, v17;
	[tilespmem:v9+s21+$0x0] =	vst.idx.msk $0xffff, v24  }
0x24f: {  	v9 =	vor.u32 v46, v17;
	v18 =	vld.idx.msk [tilespmem:v18+s14+$0x0], $0xffff  }
0x250: {  	v24 =	vor.u32 v49, v17;
	v12 =	vld.idx.msk [tilespmem:v41+s14+$0x0], $0xffff  }
0x251: {  	v26 =	vor.u32 v59, v25;
	v2 =	vld.idx.msk [tilespmem:v42+s14+$0x0], $0xffff;
	v21 =	vor.u32 v48, v17  }
0x252: {  	v27 =	vor.u32 v36, v25;
	v19 =	vld.idx.msk [tilespmem:v19+s14+$0x0], $0xffff  }
0x253: {  	v50 =	vor.u32 v51, v25;
	v20 =	vld.idx.msk [tilespmem:v20+s14+$0x0], $0xffff  }
0x254: {  	v51 =	vor.u32 v52, v25;
	v9 =	vld.idx.msk [tilespmem:v9+s14+$0x0], $0xffff  }
0x255: {  	v52 =	vor.u32 v54, v25;
	v24 =	vld.idx.msk [tilespmem:v24+s14+$0x0], $0xffff  }
0x256: {  	v21 =	vld.idx.msk [tilespmem:v21+s14+$0x0], $0xffff;
	[tilespmem:v26+s21+$0x0] =	vst.idx.msk $0xffff, v18;
	v18 =	vor.u32 v61, v25  }
0x257: {  	[tilespmem:v27+s21+$0x0] =	vst.idx.msk $0xffff, v19;
	v19 =	vor.u32 v55, v25  }
0x258: {  	v53 =	vor.u32 v53, v25;
	[tilespmem:v50+s21+$0x0] =	vst.idx.msk $0xffff, v12  }
0x259: {  	v54 =	vor.u32 v39, v17;
	v55 =	vld [tilespmem:$0x1FAD0];
	[tilespmem:v51+s21+$0x0] =	vst.idx.msk $0xffff, v2  }
0x25a: {  	v56 =	vor.u32 v37, v17;
	[tilespmem:v52+s21+$0x0] =	vst.idx.msk $0xffff, v9  }
0x25b: {  	v9 =	vor.u32 v32, v17;
	[tilespmem:v18+s21+$0x0] =	vst.idx.msk $0xffff, v20  }
0x25c: {  	v62 =	vld [tilespmem:$0x1FC80];
	v18 =	vor.u32 v34, v17;
	[tilespmem:v19+s21+$0x0] =	vst.idx.msk $0xffff, v21  }
0x25d: {  	v59 =	vld [tilespmem:$0x1FEC0];
	v20 =	vor.u32 v33, v17;
	[tilespmem:v53+s21+$0x0] =	vst.idx.msk $0xffff, v24  }
0x25e: {  	v19 =	vor.u32 v55, v17;
	v2 =	vld.idx.msk [tilespmem:v54+s14+$0x0], $0xffff  }
0x25f: {  	v21 =	vor.u32 v44, v17;
	v12 =	vld.idx.msk [tilespmem:v56+s14+$0x0], $0xffff  }
0x260: {  	v17 =	vor.u32 v40, v17;
	v24 =	vor.u32 v58, v25;
	v9 =	vld.idx.msk [tilespmem:v9+s14+$0x0], $0xffff  }
0x261: {  	v26 =	vor.u32 v57, v25;
	v18 =	vld.idx.msk [tilespmem:v18+s14+$0x0], $0xffff  }
0x262: {  	v27 =	vor.u32 v59, v25;
	v20 =	vld.idx.msk [tilespmem:v20+s14+$0x0], $0xffff  }
0x263: {  	v60 =	vor.u32 v45, v25;
	v19 =	vld.idx.msk [tilespmem:v19+s14+$0x0], $0xffff  }
0x264: {  	v61 =	vor.u32 v30, v25;
	v21 =	vld.idx.msk [tilespmem:v21+s14+$0x0], $0xffff  }
0x265: {  	v63 =	vor.u32 v62, v25;
	v17 =	vld.idx.msk [tilespmem:v17+s14+$0x0], $0xffff;
	[tilespmem:v24+s21+$0x0] =	vst.idx.msk $0xffff, v2  }
0x266: {  	v38 =	vld [tilespmem:$0x1FFE0];
	[tilespmem:v26+s21+$0x0] =	vst.idx.msk $0xffff, v9;
	v9 =	vor.u32 v15, v25  }
0x267: {  	p0 =	sne.s32 s1, $0x60;
	v42 =	vld [tilespmem:$0x1FFD0];
	[tilespmem:v27+s21+$0x0] =	vst.idx.msk $0xffff, v18;
	v18 =	vor.u32 v14, v25  }
.Ltmp1:
0x268: {  	v41 =	vld [tilespmem:$0x1FFF0];
	[tilespmem:v60+s21+$0x0] =	vst.idx.msk $0xffff, v19;
	(pc) =	sbr.rel @p0 .LBB2_5-.Ltmp1, $4  }
0x269: {  	v24 =	vld [tilespmem:$0x1FF10];
	[tilespmem:v61+s21+$0x0] =	vst.idx.msk $0xffff, v12  }
0x26a: {  	v25 =	vld [tilespmem:$0x1FF30];
	[tilespmem:v63+s21+$0x0] =	vst.idx.msk $0xffff, v20  }
0x26b: {  	v20 =	vld [tilespmem:$0x1FEF0];
	[tilespmem:v9+s21+$0x0] =	vst.idx.msk $0xffff, v21  }
0x26c: {  	s1 =	sadd.s32 $0x20, s1;
	v43 =	vmov v44;
	v9 =	vlaneseq.u32;
	[tilespmem:v18+s21+$0x0] =	vst.idx.msk $0xffff, v17;
	v17 =	vld [tilespmem:$0x1FED0]  }
0x26d: {  	s0 =	sadd.s32 @!p1 $0x180, s31;
	s1 =	simm.s32 @!p1 $0x80;
	s6 =	simm.s32 @!p1 $0x7400  }
0x26e: {  	[tilespmem:s6], [sflag:$0x2] =	stream.indirect.gather @!p1 [hbm4b:s4+s1], $0x20, s0, s1, $0xb8;
	[tilespmem:$0xA400] =	vst v63  }
0x26f: {  	s1 =	sadd.s32 s5, s30  }
0x270: {  	s6 =	sshll.u32 s1, $0x9;
	s0 =	sshll.u32 s1, $0x7  }
0x271: {  	s1 =	sand.u32 $0xFFF0000, s6;
	s0 =	sand.u32 $0x3F80, s0  }
0x272: {  	s0 =	sor.u32 s0, s1  }
0x273: {  	s29 =	sadd.s32 $0x1, s29;
	s1 =	sadd.s32 s2, s0  }
0x274: {  	[hbm4b:s1+s3] =	stream.linear.scatter [tilespmem:s21], [sflag:$0x4], $0x400, $0x38;
	[tilespmem:$0xA400] =	vst v63  }
0x275: {  	p0 =	sne.s32 s29, $0x64;
	s30 =	sadd.s32 s0, s7  }
0x276: {  	[hbm4b:s30+s3] =	stream.linear.scatter [tilespmem:s22], [sflag:$0x4], $0x400, $0x38;
	[tilespmem:$0xA400] =	vst v63  }
.Ltmp2:
0x277: {  	_ = 	snop;
	(pc) =	sbr.rel @p0 .LBB2_2-.Ltmp2, $4  }
0x278: {  	s31 =	sadd.s32 s0, s8  }
0x279: {  	[hbm4b:s31+s3] =	stream.linear.scatter [tilespmem:s23], [sflag:$0x4], $0x400, $0x38;
	[tilespmem:$0xA400] =	vst v63  }
0x27a: {  	s0 =	sadd.s32 s0, s9  }
0x27b: {  	[hbm4b:s0+s3] =	stream.linear.scatter [tilespmem:s24], [sflag:$0x4], $0x400, $0x38;
	[tilespmem:$0xA400] =	vst v63  }
0x27c: {  	_ =	swait.ge [sflag:s25], $0x400  }
0x27d: {  	[sflag:s25] =	ssyncset.done $0x0  }
0x27e: {  	[sflag:s25] =	ssyncadd.s32 $0xFFFFFC00  }
0x27f: {  	_ =	swait.ge [sflag:s25], $0x400  }
0x280: {  	[sflag:s25] =	ssyncset.done $0x0  }
0x281: {  	[sflag:s25] =	ssyncadd.s32 $0xFFFFFC00  }
0x282: {  	_ =	swait.ge [sflag:s25], $0x400  }
0x283: {  	[sflag:s25] =	ssyncset.done $0x0  }
0x284: {  	[sflag:s25] =	ssyncadd.s32 $0xFFFFFC00  }
0x285: {  	_ =	swait.ge [sflag:s25], $0x400  }
0x286: {  	[sflag:s25] =	ssyncset.done $0x0  }
0x287: {  	[sflag:s25] =	ssyncadd.s32 $0xFFFFFC00  }
0x288: {  	_ =	swait.ge [sflag:s26], $0x400  }
0x289: {  	[sflag:s26] =	ssyncset.done $0x0  }
0x28a: {  	[sflag:s26] =	ssyncadd.s32 $0xFFFFFC00  }
0x28b: {  	_ =	swait.ge [sflag:s26], $0x400  }
0x28c: {  	[sflag:s26] =	ssyncset.done $0x0  }
0x28d: {  	s28 =	sadd.s32 $0x1, s28;
	[sflag:s26] =	ssyncadd.s32 $0xFFFFFC00  }
0x28e: {  	p0 =	sne.s32 s28, s10;
	_ =	swait.ge [sflag:s26], $0x400  }
.Ltmp3:
0x28f: {  	[sflag:s26] =	ssyncset.done $0x0;
	(pc) =	sbr.rel @p0 .LBB2_1-.Ltmp3, $4  }
0x290: {  	[sflag:s26] =	ssyncadd.s32 $0xFFFFFC00  }
0x291: {  	_ =	swait.ge [sflag:s26], $0x400  }
0x292: {  	[sflag:s26] =	ssyncset.done $0x0  }
0x293: {  	[sflag:s26] =	ssyncadd.s32 $0xFFFFFC00  }
0x294: {  	_ =	sfence.sel $0x180000  }
0x295: {  	[bflag:$0x0] =	sbarrier.arrive $0xFFFF  }
0x296: {  	_ =	strace $0x90000047  }
0x297: {  	s0 =	stileid.u32;
	[bflag:$0x2] =	sbarrier.arrive $0xFFFF  }
0x298: {  	p0 =	sne.s32 s0, $0x0;
	s0 =	rddreg [dreg:$0x2]  }
0x299: {  	s0 =	sadd.s32 @!p0 $0x100000, s0  }
0x29a: {  	[sflag:s0] =	ssyncadd.tile.s32 @!p0 $0x1;
	_ =	shalt  }
.Lfunc_end2:
_tile_overlayer_lowered:
.L_overlay_start_2:
0x29b: {  	(tag) =	ssettag $0x2  }
0x29c: {  	s0 =	rddreg [dreg:$0x0];
	s2 =	stileid.u32  }
0x29d: {  	s1 =	rddreg [dreg:$0x1];
	p0 =	sne.s32 s2, $0x0  }
0x29e: {  	s3 =	rddreg [dreg:$0x2];
	[bflag:$0x3] =	sbarrier.arrive $0xFFFF;
	s2 =	simm.s32 @!p0 $0x1C05  }
0x29f: {  	[timem:s3], [sflag:s2] =	dma.local @!p0 [hbm:s0], s1  }
0x2a0: {  	s0 =	simm.s32 @!p0 $0x5  }
0x2a1: {  	_ =	swait.ge @!p0 [sflag:s0], s1  }
0x2a2: {  	s1 =	ssub.s32 @!p0 $0x0, s1;
	[sflag:s0] =	ssyncset.done @!p0 $0x0  }
0x2a3: {  	[sflag:s0] =	ssyncadd.s32 @!p0 s1  }
0x2a4: {  	[bflag:$0x3] =	sbarrier.arrive $0xFFFF  }
0x2a5: {  	_ =	shalt  }

</sc_bundles>
